<compile_context>
chip_gen: v7x
topology: tpu7x:2x2x1
jax: 0.10.2.dev20260603
libtpu: 0.0.44.dev20260713+nightly
codegen_flags: <defaults>
</compile_context>

<pallas_src>
import functools

import jax
import jax.numpy as jnp
from jax import lax
from jax.experimental import pallas as pl
from jax.experimental.pallas import tpu as pltpu
from jax.experimental.pallas import tpu_sc as plsc

N = 10000
NP = 10240
E = 320000
F = 128
H = 128
OUT = 2

NC = 2
NS = 16
NW = NC * NS
EPW = E // NW
CH = 40
NCH = EPW // CH
NBUF = 5
NOUTER = NCH // NBUF
CHD = 80
NOUTERD = EPW // CHD // NBUF
RPT = NP // NS

_PREC = lax.Precision.DEFAULT



def _prop_body(src_hbm, dst_hbm, s_hbm, z_hbm, out_hbm, *scratch):
    idx_d = scratch[0:NBUF]
    rows = scratch[NBUF:2 * NBUF]
    src_v = scratch[2 * NBUF]
    shared = scratch[2 * NBUF + 1]
    gsem = scratch[2 * NBUF + 2:2 * NBUF + 2 + NBUF]
    isem = scratch[2 * NBUF + 2 + NBUF:2 * NBUF + 2 + 2 * NBUF]

    cid = lax.axis_index("c")
    sid = lax.axis_index("s")
    wid = cid * NS + sid
    base = pl.multiple_of(wid * EPW, EPW)

    pltpu.sync_copy(z_hbm, shared.at[pl.ds(sid * RPT, RPT)])
    pltpu.sync_copy(src_hbm.at[pl.ds(base, EPW)], src_v)
    plsc.subcore_barrier()

    def fire(c0, b):
        pltpu.async_copy(
            dst_hbm.at[pl.ds(base + c0 + b * CH, CH)], idx_d[b], isem[b])
        pltpu.async_copy(
            s_hbm.at[src_v.at[pl.ds(c0 + b * CH, CH)]], rows[b], gsem[b])

    for b in range(NBUF):
        fire(0, b)

    def outer(o, carry):
        c1 = pl.multiple_of((o + 1) * NBUF * CH, NBUF * CH)
        for b in range(NBUF):
            pltpu.make_async_copy(dst_hbm.at[pl.ds(0, CH)], idx_d[b],
                                  isem[b]).wait()
            pltpu.make_async_copy(s_hbm.at[pl.ds(0, CH)], rows[b],
                                  gsem[b]).wait()
            pltpu.sync_copy(rows[b], shared.at[idx_d[b]], add=True)

            @pl.when(o < NOUTER - 1)
            def _():
                fire(c1, b)

        return carry

    lax.fori_loop(0, NOUTER, outer, 0, unroll=False)

    plsc.subcore_barrier()
    off = cid * NP + sid * RPT
    pltpu.sync_copy(shared.at[pl.ds(sid * RPT, RPT)], out_hbm.at[pl.ds(off, RPT)])


@functools.cache
def _sc_mesh():
    return plsc.VectorSubcoreMesh(core_axis_name="c", subcore_axis_name="s",
                                  num_cores=NC, num_subcores=NS)


@functools.cache
def _make_prop():
    return pl.kernel(
        _prop_body,
        out_type=jax.ShapeDtypeStruct((NC * NP, F), jnp.float32),
        mesh=_sc_mesh(),
        scratch_types=(
            [pltpu.VMEM((CH,), jnp.int32) for _ in range(NBUF)]
            + [pltpu.VMEM((CH, F), jnp.float32) for _ in range(NBUF)]
            + [pltpu.VMEM((EPW,), jnp.int32)]
            + [pltpu.VMEM_SHARED((NP, F), jnp.float32)]
            + [pltpu.SemaphoreType.DMA for _ in range(2 * NBUF)]
        ),
    )


def _prop_call(src, dst, s, zeros):
    return _make_prop()(src, dst, s, zeros)


def _deg_body(dst_hbm, ones_hbm, z_hbm, out_hbm, *scratch):
    idx_d = scratch[0:NBUF]
    ones_v = scratch[NBUF]
    shared = scratch[NBUF + 1]
    isem = scratch[NBUF + 2:NBUF + 2 + NBUF]

    cid = lax.axis_index("c")
    sid = lax.axis_index("s")
    wid = cid * NS + sid
    base = pl.multiple_of(wid * EPW, EPW)

    pltpu.sync_copy(z_hbm, shared.at[pl.ds(sid * RPT, RPT)])
    pltpu.sync_copy(ones_hbm, ones_v)
    plsc.subcore_barrier()

    def fire(c0, b):
        pltpu.async_copy(
            dst_hbm.at[pl.ds(base + c0 + b * CHD, CHD)], idx_d[b], isem[b])

    for b in range(NBUF):
        fire(0, b)

    def outer(o, carry):
        c1 = pl.multiple_of((o + 1) * NBUF * CHD, NBUF * CHD)
        for b in range(NBUF):
            pltpu.make_async_copy(dst_hbm.at[pl.ds(0, CHD)], idx_d[b],
                                  isem[b]).wait()
            pltpu.sync_copy(ones_v, shared.at[idx_d[b]], add=True)

            @pl.when(o < NOUTERD - 1)
            def _():
                fire(c1, b)

        return carry

    lax.fori_loop(0, NOUTERD, outer, 0, unroll=False)

    plsc.subcore_barrier()
    off = cid * NP + sid * RPT
    pltpu.sync_copy(shared.at[pl.ds(sid * RPT, RPT)], out_hbm.at[pl.ds(off, RPT)])


@functools.cache
def _make_deg():
    return pl.kernel(
        _deg_body,
        out_type=jax.ShapeDtypeStruct((NC * NP,), jnp.float32),
        mesh=_sc_mesh(),
        scratch_types=(
            [pltpu.VMEM((CHD,), jnp.int32) for _ in range(NBUF)]
            + [pltpu.VMEM((CHD,), jnp.float32)]
            + [pltpu.VMEM_SHARED((NP,), jnp.float32)]
            + [pltpu.SemaphoreType.DMA for _ in range(NBUF)]
        ),
    )


def _deg_call(dst, ones, zeros):
    return _make_deg()(dst, ones, zeros)



def _prep_body(deg0_ref, deg1_ref, ts_ref, x_ref, dinv_ref, tmm_ref, xs_ref):
    deg = deg0_ref[...] + deg1_ref[...]
    dinv1 = jnp.where(deg > 0.0, lax.rsqrt(deg), 0.0)
    dinv = dinv1.reshape(NP, 1)
    dinv_ref[...] = dinv
    ts = ts_ref[...]
    tmm_ref[...] = jnp.concatenate(
        [jnp.min(ts).reshape(1, 1), jnp.max(ts).reshape(1, 1)], axis=1)
    xs_ref[...] = x_ref[...] * dinv


def _prep_call(deg0, deg1, ts_r, x):
    return pl.pallas_call(
        _prep_body,
        out_shape=(
            jax.ShapeDtypeStruct((NP, 1), jnp.float32),
            jax.ShapeDtypeStruct((1, 2), jnp.float32),
            jax.ShapeDtypeStruct((NP, F), jnp.float32),
        ),
    )(deg0, deg1, ts_r, x)


_BLK = 1024
_GRID = NP // _BLK


def _row_spec(r, c):
    return pl.BlockSpec((r, c), lambda i: (i, 0))


def _half_spec(c, half):
    off = half * _GRID
    return pl.BlockSpec((_BLK, c), lambda i, off=off: (i + off, 0))


def _full_spec(r, c):
    return pl.BlockSpec((r, c), lambda i: (0, 0))


def _scale_body(u0_ref, u1_ref, dinv_ref, s_ref):
    d = dinv_ref[...]
    s_ref[...] = (u0_ref[...] + u1_ref[...]) * (d * d)


def _scale_call(up, dinv):
    return pl.pallas_call(
        _scale_body,
        grid=(_GRID,),
        in_specs=[_half_spec(F, 0), _half_spec(F, 1), _row_spec(_BLK, 1)],
        out_specs=_row_spec(_BLK, F),
        out_shape=jax.ShapeDtypeStruct((NP, F), jnp.float32),
    )(up, up, dinv)


def _mm(a, w):
    return jnp.dot(a, w, preferred_element_type=jnp.float32, precision=_PREC)


def _l1_body(x_ref, u1a_ref, u1b_ref, u2a_ref, u2b_ref, u3a_ref, u3b_ref,
             dinv_ref, w1_ref, b1_ref, g_ref, gs_ref):
    d = dinv_ref[...]
    h1 = (u1a_ref[...] + u1b_ref[...]) * d
    h2 = (u2a_ref[...] + u2b_ref[...]) * d
    h3 = (u3a_ref[...] + u3b_ref[...]) * d
    acc = _mm(x_ref[...], w1_ref[0:F, :])
    acc = acc + _mm(h1, w1_ref[F:2 * F, :])
    acc = acc + _mm(h2, w1_ref[2 * F:3 * F, :])
    acc = acc + _mm(h3, w1_ref[3 * F:4 * F, :])
    g = jnp.maximum(acc + b1_ref[...], 0.0)
    g_ref[...] = g
    gs_ref[...] = g * d


def _l1_call(x, u1, u2, u3, dinv, w1, b1):
    return pl.pallas_call(
        _l1_body,
        grid=(_GRID,),
        in_specs=[_row_spec(_BLK, F),
                  _half_spec(F, 0), _half_spec(F, 1),
                  _half_spec(F, 0), _half_spec(F, 1),
                  _half_spec(F, 0), _half_spec(F, 1),
                  _row_spec(_BLK, 1),
                  _full_spec(4 * F, H), _full_spec(1, H)],
        out_specs=(_row_spec(_BLK, H), _row_spec(_BLK, H)),
        out_shape=(jax.ShapeDtypeStruct((NP, H), jnp.float32),
                   jax.ShapeDtypeStruct((NP, H), jnp.float32)),
    )(x, u1, u1, u2, u2, u3, u3, dinv, w1, b1)


def _l2_body(g_ref, v1a_ref, v1b_ref, v2a_ref, v2b_ref, dinv_ref, ts_ref,
             tmm_ref, w2_ref, b2_ref, wt_ref, bt_ref, wf_ref, bf_ref, out_ref):
    d = dinv_ref[...]
    h1 = (v1a_ref[...] + v1b_ref[...]) * d
    h2 = (v2a_ref[...] + v2b_ref[...]) * d
    acc = _mm(g_ref[...], w2_ref[0:H, :])
    acc = acc + _mm(h1, w2_ref[H:2 * H, :])
    acc = acc + _mm(h2, w2_ref[2 * H:3 * H, :])
    z = jnp.maximum(acc + b2_ref[...], 0.0)
    tmin = tmm_ref[0, 0]
    tmax = tmm_ref[0, 1]
    tn = (ts_ref[...] - tmin) / (tmax - tmin + 1e-8)
    te = tn * wt_ref[...] + bt_ref[...]
    out = _mm(z, wf_ref[0:H, :]) + _mm(te, wf_ref[H:2 * H, :]) + bf_ref[...]
    out_ref[...] = out


def _l2_call(g, v1, v2, dinv, ts2, tmm, w2, b2, wt, bt, wf, bf):
    return pl.pallas_call(
        _l2_body,
        grid=(_GRID,),
        in_specs=[_row_spec(_BLK, H),
                  _half_spec(H, 0), _half_spec(H, 1),
                  _half_spec(H, 0), _half_spec(H, 1),
                  _row_spec(_BLK, 1), _row_spec(_BLK, 1), _full_spec(1, 2),
                  _full_spec(3 * H, H), _full_spec(1, H),
                  _full_spec(1, H), _full_spec(1, H),
                  _full_spec(2 * H, OUT), _full_spec(1, OUT)],
        out_specs=_row_spec(_BLK, OUT),
        out_shape=jax.ShapeDtypeStruct((NP, OUT), jnp.float32),
    )(g, v1, v1, v2, v2, dinv, ts2, tmm, w2, b2, wt, bt, wf, bf)



def kernel(x, edge_index, time_steps, W1, b1, W2, b2, Wt, bt, Wf, bf):
    src = edge_index[0]
    dst = edge_index[1]
    ones_d = jnp.ones((CHD,), jnp.float32)
    zeros_d = jnp.zeros((RPT,), jnp.float32)
    zeros128 = jnp.zeros((RPT, F), jnp.float32)

    xp = jnp.pad(x, ((0, NP - N), (0, 0)))
    degp = _deg_call(dst, ones_d, zeros_d)
    ts_r = time_steps.astype(jnp.float32).reshape(625, 16)
    dinv, tmm, xs = _prep_call(degp[:NP], degp[NP:], ts_r, xp)

    u1 = _prop_call(src, dst, xs, zeros128)
    s1 = _scale_call(u1, dinv)
    u2 = _prop_call(src, dst, s1, zeros128)
    s2 = _scale_call(u2, dinv)
    u3 = _prop_call(src, dst, s2, zeros128)

    g, gs = _l1_call(xp, u1, u2, u3, dinv, W1, b1.reshape(1, H))

    v1 = _prop_call(src, dst, gs, zeros128)
    t1 = _scale_call(v1, dinv)
    v2 = _prop_call(src, dst, t1, zeros128)

    ts2 = jnp.pad(time_steps.astype(jnp.float32), (0, NP - N)).reshape(NP, 1)
    out = _l2_call(g, v1, v2, dinv, ts2, tmm, W2, b2.reshape(1, H),
                   Wt, bt.reshape(1, H), Wf, bf.reshape(1, OUT))
    return out[:N]

# --- scband reference (transcript-rebuilt; emitter-appended) ---
"""Pipeline reference for scband-temporal-gcn-50723563765894 (READ-ONLY COPY).

The authoritative reference and input builder live on the scoring server;
editing this copy changes nothing except your own understanding.
"""

import jax, jax.numpy as jnp
import numpy as np

N, E, F_IN, H, K1, K2, OUT = 10000, 320000, 128, 128, 3, 2, 2

def setup_inputs(seed: int = 0) -> dict:
    key = jax.random.key(seed)
    ks = jax.random.split(key, 12)
    x = jax.random.normal(ks[0], (N, F_IN), dtype=jnp.float32)
    edge_index = jax.random.randint(ks[1], (2, E), 0, N, dtype=jnp.int32)
    time_steps = jax.random.uniform(ks[2], (N,), dtype=jnp.float32)
    W1 = jax.random.normal(ks[3], ((K1 + 1) * F_IN, H), dtype=jnp.float32) * 0.05
    b1 = jnp.zeros((H,), dtype=jnp.float32)
    W2 = jax.random.normal(ks[4], ((K2 + 1) * H, H), dtype=jnp.float32) * 0.05
    b2 = jnp.zeros((H,), dtype=jnp.float32)
    Wt = jax.random.normal(ks[5], (1, H), dtype=jnp.float32) * 0.05
    bt = jnp.zeros((H,), dtype=jnp.float32)
    Wf = jax.random.normal(ks[6], (2 * H, OUT), dtype=jnp.float32) * 0.05
    bf = jnp.zeros((OUT,), dtype=jnp.float32)
    return {"x": x, "edge_index": edge_index, "time_steps": time_steps,
            "W1": W1, "b1": b1, "W2": W2, "b2": b2,
            "Wt": Wt, "bt": bt, "Wf": Wf, "bf": bf}


def _tagconv(x, src, dst, norm, W, b, K):
    # TAGConv: concat [x, A_hat x, ..., A_hat^K x] then one linear
    xs = [x]
    h = x
    n = x.shape[0]
    for _ in range(K):
        h = jax.ops.segment_sum(h[src] * norm[:, None], dst, num_segments=n)
        xs.append(h)
    return jnp.concatenate(xs, axis=-1) @ W + b


def reference(x, edge_index, time_steps, W1, b1, W2, b2, Wt, bt, Wf, bf):
    src = edge_index[0]
    dst = edge_index[1]
    n = x.shape[0]
    # gcn_norm without self-loops (PyG TAGConv default)
    deg = jax.ops.segment_sum(jnp.ones(src.shape[0], dtype=x.dtype), dst, num_segments=n)
    dinv = jnp.where(deg > 0, deg ** -0.5, 0.0)
    norm = dinv[src] * dinv[dst]
    h = jax.nn.relu(_tagconv(x, src, dst, norm, W1, b1, K1))
    # dropout is identity in eval mode
    h = jax.nn.relu(_tagconv(h, src, dst, norm, W2, b2, K2))
    ts = time_steps.astype(jnp.float32)
    t_norm = (ts[:, None] - ts.min()) / (ts.max() - ts.min() + 1e-08)
    te = t_norm @ Wt + bt
    h = jnp.concatenate([h, te], axis=-1)
    return h @ Wf + bf

if __name__ == "__main__":
    import jax
    _d = setup_inputs()
    print(jax.jit(kernel)(*tuple(_d.values())))

</pallas_src>

<mosaic_0001>
#map = affine_map<(d0, d1) -> (0)>
#map1 = affine_map<(d0, d1) -> (0, 0)>
module attributes {stable_mosaic.version = 14 : i64} {
  func.func @_prop_body(%arg0: i32, %arg1: i32, %arg2: memref<320000xi32, #tpu.memory_space<hbm>>, %arg3: memref<320000xi32, #tpu.memory_space<hbm>>, %arg4: memref<10240x128xf32, #tpu.memory_space<hbm>>, %arg5: memref<640x128xf32, #tpu.memory_space<hbm>>, %arg6: memref<20480x128xf32, #tpu.memory_space<hbm>>, %arg7: memref<40xi32, #tpu.memory_space<vmem>>, %arg8: memref<40xi32, #tpu.memory_space<vmem>>, %arg9: memref<40xi32, #tpu.memory_space<vmem>>, %arg10: memref<40xi32, #tpu.memory_space<vmem>>, %arg11: memref<40xi32, #tpu.memory_space<vmem>>, %arg12: memref<40x128xf32, #tpu.memory_space<vmem>>, %arg13: memref<40x128xf32, #tpu.memory_space<vmem>>, %arg14: memref<40x128xf32, #tpu.memory_space<vmem>>, %arg15: memref<40x128xf32, #tpu.memory_space<vmem>>, %arg16: memref<40x128xf32, #tpu.memory_space<vmem>>, %arg17: memref<10000xi32, #tpu.memory_space<vmem>>, %arg18: memref<10240x128xf32, #tpu.memory_space<vmem_shared>>, %arg19: memref<!tpu.dma_semaphore, #tpu.memory_space<semaphore_mem>>, %arg20: memref<!tpu.dma_semaphore, #tpu.memory_space<semaphore_mem>>, %arg21: memref<!tpu.dma_semaphore, #tpu.memory_space<semaphore_mem>>, %arg22: memref<!tpu.dma_semaphore, #tpu.memory_space<semaphore_mem>>, %arg23: memref<!tpu.dma_semaphore, #tpu.memory_space<semaphore_mem>>, %arg24: memref<!tpu.dma_semaphore, #tpu.memory_space<semaphore_mem>>, %arg25: memref<!tpu.dma_semaphore, #tpu.memory_space<semaphore_mem>>, %arg26: memref<!tpu.dma_semaphore, #tpu.memory_space<semaphore_mem>>, %arg27: memref<!tpu.dma_semaphore, #tpu.memory_space<semaphore_mem>>, %arg28: memref<!tpu.dma_semaphore, #tpu.memory_space<semaphore_mem>>) attributes {dimension_semantics = [#tpu.dimension_semantics<core_parallel>, #tpu.dimension_semantics<subcore_parallel>], iteration_bounds = array<i64: 2, 16>, scalar_prefetch = 0 : i64, scratch_operands = 22 : i64, tpu.core_type = #tpu.core_type<sc_vector_subcore>, window_params = [{transform_indices = #map}, {transform_indices = #map}, {transform_indices = #map1}, {transform_indices = #map1}, {transform_indices = #map1}]} {
    %mul3A = arith.constant 16 : i32
    %mul3A_0 = arith.muli %arg0, %mul3A : i32
    %add3A = arith.addi %mul3A_0, %arg1 : i32
    %mul3A_1 = arith.constant 10000 : i32
    %mul3A_2 = arith.muli %add3A, %mul3A_1 : i32
    %multiple_of3A = tpu.assume_multiple %mul3A_2, 10000 : i32
    %mul3A_3 = arith.constant 640 : i32
    %mul3A_4 = arith.muli %arg1, %mul3A_3 : i32
    "tpu.region"() ({
      %run_scoped3A = tpu.sem_alloc : memref<!tpu.dma_semaphore, #tpu.memory_space<semaphore_mem>>
      %dma_start3A_72 = arith.constant 0 : i32
      %dma_start3A_73 = tpu.memref_slice %arg18[%mul3A_4, %dma_start3A_72] : memref<10240x128xf32, #tpu.memory_space<vmem_shared>> -> memref<640x128xf32, #tpu.memory_space<vmem_shared>>
      tpu.enqueue_dma source(%arg5 : memref<640x128xf32, #tpu.memory_space<hbm>>) target(%dma_start3A_73 : memref<640x128xf32, #tpu.memory_space<vmem_shared>>) target_semaphore(%run_scoped3A : memref<!tpu.dma_semaphore, #tpu.memory_space<semaphore_mem>>)
      %dma_wait3A = arith.constant 0 : i32
      %dma_wait3A_74 = tpu.memref_slice %arg18[%mul3A_4, %dma_wait3A] : memref<10240x128xf32, #tpu.memory_space<vmem_shared>> -> memref<640x128xf32, #tpu.memory_space<vmem_shared>>
      tpu.wait_dma2 semaphore(%run_scoped3A : memref<!tpu.dma_semaphore, #tpu.memory_space<semaphore_mem>>) src(%arg5 : memref<640x128xf32, #tpu.memory_space<hbm>>) dst(%dma_wait3A_74 : memref<640x128xf32, #tpu.memory_space<vmem_shared>>)
      tpu.yield
    }) : () -> ()
    "tpu.region"() ({
      %run_scoped3A = tpu.sem_alloc : memref<!tpu.dma_semaphore, #tpu.memory_space<semaphore_mem>>
      %dma_start3A_72 = tpu.memref_slice %arg2[%multiple_of3A] : memref<320000xi32, #tpu.memory_space<hbm>> -> memref<10000xi32, #tpu.memory_space<hbm>>
      %dma_start3A_73 = tpu.memref_slice %arg2[%multiple_of3A] : memref<320000xi32, #tpu.memory_space<hbm>> -> memref<10000xi32, #tpu.memory_space<hbm>>
      tpu.enqueue_dma source(%dma_start3A_73 : memref<10000xi32, #tpu.memory_space<hbm>>) target(%arg17 : memref<10000xi32, #tpu.memory_space<vmem>>) target_semaphore(%run_scoped3A : memref<!tpu.dma_semaphore, #tpu.memory_space<semaphore_mem>>)
      %dma_wait3A = tpu.memref_slice %arg2[%multiple_of3A] : memref<320000xi32, #tpu.memory_space<hbm>> -> memref<10000xi32, #tpu.memory_space<hbm>>
      %dma_wait3A_74 = tpu.memref_slice %arg2[%multiple_of3A] : memref<320000xi32, #tpu.memory_space<hbm>> -> memref<10000xi32, #tpu.memory_space<hbm>>
      tpu.wait_dma2 semaphore(%run_scoped3A : memref<!tpu.dma_semaphore, #tpu.memory_space<semaphore_mem>>) src(%dma_wait3A_74 : memref<10000xi32, #tpu.memory_space<hbm>>) dst(%arg17 : memref<10000xi32, #tpu.memory_space<vmem>>)
      tpu.yield
    }) : () -> ()
    %barrier3A = arith.constant 0 : index
    tpu.barrier barrier_id(%barrier3A)
    %add3A_5 = arith.constant 0 : i32
    %add3A_6 = arith.addi %multiple_of3A, %add3A_5 : i32
    %add3A_7 = arith.constant 0 : i32
    %add3A_8 = arith.addi %add3A_6, %add3A_7 : i32
    %dma_start3A = tpu.memref_slice %arg3[%add3A_8] : memref<320000xi32, #tpu.memory_space<hbm>> -> memref<40xi32, #tpu.memory_space<hbm>>
    %dma_start3A_9 = tpu.memref_slice %arg3[%add3A_8] : memref<320000xi32, #tpu.memory_space<hbm>> -> memref<40xi32, #tpu.memory_space<hbm>>
    tpu.enqueue_dma source(%dma_start3A_9 : memref<40xi32, #tpu.memory_space<hbm>>) target(%arg7 : memref<40xi32, #tpu.memory_space<vmem>>) target_semaphore(%arg24 : memref<!tpu.dma_semaphore, #tpu.memory_space<semaphore_mem>>)
    %dma_start3A_10 = arith.constant 0 : i32
    %dma_start3A_11 = tpu.memref_slice %arg17[%dma_start3A_10] : memref<10000xi32, #tpu.memory_space<vmem>> -> memref<40xi32, #tpu.memory_space<vmem>>
    %dma_start3A_12 = arith.constant 0 : i32
    %dma_start3A_13 = arith.constant 0 : i32
    %dma_start3A_14 = tpu.memref_slice %arg4[%dma_start3A_12, %dma_start3A_13] : memref<10240x128xf32, #tpu.memory_space<hbm>> -> memref<10240x128xf32, #tpu.memory_space<hbm>>
    tpu.enqueue_indirect_dma source(%dma_start3A_14 : memref<10240x128xf32, #tpu.memory_space<hbm>>) target(%arg12 : memref<40x128xf32, #tpu.memory_space<vmem>>) offsets(%dma_start3A_11 : memref<40xi32, #tpu.memory_space<vmem>>) semaphore(%arg19 : memref<!tpu.dma_semaphore, #tpu.memory_space<semaphore_mem>>)
    %add3A_15 = arith.constant 0 : i32
    %add3A_16 = arith.addi %multiple_of3A, %add3A_15 : i32
    %add3A_17 = arith.constant 40 : i32
    %add3A_18 = arith.addi %add3A_16, %add3A_17 : i32
    %dma_start3A_19 = tpu.memref_slice %arg3[%add3A_18] : memref<320000xi32, #tpu.memory_space<hbm>> -> memref<40xi32, #tpu.memory_space<hbm>>
    %dma_start3A_20 = tpu.memref_slice %arg3[%add3A_18] : memref<320000xi32, #tpu.memory_space<hbm>> -> memref<40xi32, #tpu.memory_space<hbm>>
    tpu.enqueue_dma source(%dma_start3A_20 : memref<40xi32, #tpu.memory_space<hbm>>) target(%arg8 : memref<40xi32, #tpu.memory_space<vmem>>) target_semaphore(%arg25 : memref<!tpu.dma_semaphore, #tpu.memory_space<semaphore_mem>>)
    %dma_start3A_21 = arith.constant 40 : i32
    %dma_start3A_22 = tpu.memref_slice %arg17[%dma_start3A_21] : memref<10000xi32, #tpu.memory_space<vmem>> -> memref<40xi32, #tpu.memory_space<vmem>>
    %dma_start3A_23 = arith.constant 0 : i32
    %dma_start3A_24 = arith.constant 0 : i32
    %dma_start3A_25 = tpu.memref_slice %arg4[%dma_start3A_23, %dma_start3A_24] : memref<10240x128xf32, #tpu.memory_space<hbm>> -> memref<10240x128xf32, #tpu.memory_space<hbm>>
    tpu.enqueue_indirect_dma source(%dma_start3A_25 : memref<10240x128xf32, #tpu.memory_space<hbm>>) target(%arg13 : memref<40x128xf32, #tpu.memory_space<vmem>>) offsets(%dma_start3A_22 : memref<40xi32, #tpu.memory_space<vmem>>) semaphore(%arg20 : memref<!tpu.dma_semaphore, #tpu.memory_space<semaphore_mem>>)
    %add3A_26 = arith.constant 0 : i32
    %add3A_27 = arith.addi %multiple_of3A, %add3A_26 : i32
    %add3A_28 = arith.constant 80 : i32
    %add3A_29 = arith.addi %add3A_27, %add3A_28 : i32
    %dma_start3A_30 = tpu.memref_slice %arg3[%add3A_29] : memref<320000xi32, #tpu.memory_space<hbm>> -> memref<40xi32, #tpu.memory_space<hbm>>
    %dma_start3A_31 = tpu.memref_slice %arg3[%add3A_29] : memref<320000xi32, #tpu.memory_space<hbm>> -> memref<40xi32, #tpu.memory_space<hbm>>
    tpu.enqueue_dma source(%dma_start3A_31 : memref<40xi32, #tpu.memory_space<hbm>>) target(%arg9 : memref<40xi32, #tpu.memory_space<vmem>>) target_semaphore(%arg26 : memref<!tpu.dma_semaphore, #tpu.memory_space<semaphore_mem>>)
    %dma_start3A_32 = arith.constant 80 : i32
    %dma_start3A_33 = tpu.memref_slice %arg17[%dma_start3A_32] : memref<10000xi32, #tpu.memory_space<vmem>> -> memref<40xi32, #tpu.memory_space<vmem>>
    %dma_start3A_34 = arith.constant 0 : i32
    %dma_start3A_35 = arith.constant 0 : i32
    %dma_start3A_36 = tpu.memref_slice %arg4[%dma_start3A_34, %dma_start3A_35] : memref<10240x128xf32, #tpu.memory_space<hbm>> -> memref<10240x128xf32, #tpu.memory_space<hbm>>
    tpu.enqueue_indirect_dma source(%dma_start3A_36 : memref<10240x128xf32, #tpu.memory_space<hbm>>) target(%arg14 : memref<40x128xf32, #tpu.memory_space<vmem>>) offsets(%dma_start3A_33 : memref<40xi32, #tpu.memory_space<vmem>>) semaphore(%arg21 : memref<!tpu.dma_semaphore, #tpu.memory_space<semaphore_mem>>)
    %add3A_37 = arith.constant 0 : i32
    %add3A_38 = arith.addi %multiple_of3A, %add3A_37 : i32
    %add3A_39 = arith.constant 120 : i32
    %add3A_40 = arith.addi %add3A_38, %add3A_39 : i32
    %dma_start3A_41 = tpu.memref_slice %arg3[%add3A_40] : memref<320000xi32, #tpu.memory_space<hbm>> -> memref<40xi32, #tpu.memory_space<hbm>>
    %dma_start3A_42 = tpu.memref_slice %arg3[%add3A_40] : memref<320000xi32, #tpu.memory_space<hbm>> -> memref<40xi32, #tpu.memory_space<hbm>>
    tpu.enqueue_dma source(%dma_start3A_42 : memref<40xi32, #tpu.memory_space<hbm>>) target(%arg10 : memref<40xi32, #tpu.memory_space<vmem>>) target_semaphore(%arg27 : memref<!tpu.dma_semaphore, #tpu.memory_space<semaphore_mem>>)
    %dma_start3A_43 = arith.constant 120 : i32
    %dma_start3A_44 = tpu.memref_slice %arg17[%dma_start3A_43] : memref<10000xi32, #tpu.memory_space<vmem>> -> memref<40xi32, #tpu.memory_space<vmem>>
    %dma_start3A_45 = arith.constant 0 : i32
    %dma_start3A_46 = arith.constant 0 : i32
    %dma_start3A_47 = tpu.memref_slice %arg4[%dma_start3A_45, %dma_start3A_46] : memref<10240x128xf32, #tpu.memory_space<hbm>> -> memref<10240x128xf32, #tpu.memory_space<hbm>>
    tpu.enqueue_indirect_dma source(%dma_start3A_47 : memref<10240x128xf32, #tpu.memory_space<hbm>>) target(%arg15 : memref<40x128xf32, #tpu.memory_space<vmem>>) offsets(%dma_start3A_44 : memref<40xi32, #tpu.memory_space<vmem>>) semaphore(%arg22 : memref<!tpu.dma_semaphore, #tpu.memory_space<semaphore_mem>>)
    %add3A_48 = arith.constant 0 : i32
    %add3A_49 = arith.addi %multiple_of3A, %add3A_48 : i32
    %add3A_50 = arith.constant 160 : i32
    %add3A_51 = arith.addi %add3A_49, %add3A_50 : i32
    %dma_start3A_52 = tpu.memref_slice %arg3[%add3A_51] : memref<320000xi32, #tpu.memory_space<hbm>> -> memref<40xi32, #tpu.memory_space<hbm>>
    %dma_start3A_53 = tpu.memref_slice %arg3[%add3A_51] : memref<320000xi32, #tpu.memory_space<hbm>> -> memref<40xi32, #tpu.memory_space<hbm>>
    tpu.enqueue_dma source(%dma_start3A_53 : memref<40xi32, #tpu.memory_space<hbm>>) target(%arg11 : memref<40xi32, #tpu.memory_space<vmem>>) target_semaphore(%arg28 : memref<!tpu.dma_semaphore, #tpu.memory_space<semaphore_mem>>)
    %dma_start3A_54 = arith.constant 160 : i32
    %dma_start3A_55 = tpu.memref_slice %arg17[%dma_start3A_54] : memref<10000xi32, #tpu.memory_space<vmem>> -> memref<40xi32, #tpu.memory_space<vmem>>
    %dma_start3A_56 = arith.constant 0 : i32
    %dma_start3A_57 = arith.constant 0 : i32
    %dma_start3A_58 = tpu.memref_slice %arg4[%dma_start3A_56, %dma_start3A_57] : memref<10240x128xf32, #tpu.memory_space<hbm>> -> memref<10240x128xf32, #tpu.memory_space<hbm>>
    tpu.enqueue_indirect_dma source(%dma_start3A_58 : memref<10240x128xf32, #tpu.memory_space<hbm>>) target(%arg16 : memref<40x128xf32, #tpu.memory_space<vmem>>) offsets(%dma_start3A_55 : memref<40xi32, #tpu.memory_space<vmem>>) semaphore(%arg23 : memref<!tpu.dma_semaphore, #tpu.memory_space<semaphore_mem>>)
    %scan3A = arith.constant 0 : i32
    %scan3A_59 = arith.constant 0 : i32
    %scan3A_60 = arith.constant 50 : i32
    %scan3A_61 = arith.addi %scan3A_59, %scan3A_60 : i32
    %scan3A_62 = arith.constant 1 : i32
    scf.for %scan3A_72 = %scan3A_59 to %scan3A_61 step %scan3A_62  : i32 {
      %add3A_73 = arith.constant 1 : i32
      %add3A_74 = arith.addi %scan3A_72, %add3A_73 : i32
      %mul3A_75 = arith.constant 5 : i32
      %mul3A_76 = arith.muli %add3A_74, %mul3A_75 : i32
      %mul3A_77 = arith.constant 40 : i32
      %mul3A_78 = arith.muli %mul3A_76, %mul3A_77 : i32
      %multiple_of3A_79 = tpu.assume_multiple %mul3A_78, 200 : i32
      %dma_wait3A = arith.constant 0 : i32
      %dma_wait3A_80 = tpu.memref_slice %arg3[%dma_wait3A] : memref<320000xi32, #tpu.memory_space<hbm>> -> memref<40xi32, #tpu.memory_space<hbm>>
      %dma_wait3A_81 = arith.constant 0 : i32
      %dma_wait3A_82 = tpu.memref_slice %arg3[%dma_wait3A_81] : memref<320000xi32, #tpu.memory_space<hbm>> -> memref<40xi32, #tpu.memory_space<hbm>>
      tpu.wait_dma2 semaphore(%arg24 : memref<!tpu.dma_semaphore, #tpu.memory_space<semaphore_mem>>) src(%dma_wait3A_82 : memref<40xi32, #tpu.memory_space<hbm>>) dst(%arg7 : memref<40xi32, #tpu.memory_space<vmem>>)
      %dma_wait3A_83 = arith.constant 0 : i32
      %dma_wait3A_84 = arith.constant 0 : i32
      %dma_wait3A_85 = tpu.memref_slice %arg4[%dma_wait3A_83, %dma_wait3A_84] : memref<10240x128xf32, #tpu.memory_space<hbm>> -> memref<40x128xf32, #tpu.memory_space<hbm>>
      %dma_wait3A_86 = arith.constant 0 : i32
      %dma_wait3A_87 = arith.constant 0 : i32
      %dma_wait3A_88 = tpu.memref_slice %arg4[%dma_wait3A_86, %dma_wait3A_87] : memref<10240x128xf32, #tpu.memory_space<hbm>> -> memref<40x128xf32, #tpu.memory_space<hbm>>
      tpu.wait_dma2 semaphore(%arg19 : memref<!tpu.dma_semaphore, #tpu.memory_space<semaphore_mem>>) src(%dma_wait3A_88 : memref<40x128xf32, #tpu.memory_space<hbm>>) dst(%arg12 : memref<40x128xf32, #tpu.memory_space<vmem>>)
      "tpu.region"() ({
        %run_scoped3A = tpu.sem_alloc : memref<!tpu.dma_semaphore, #tpu.memory_space<semaphore_mem>>
        %dma_start3A_151 = arith.constant 0 : i32
        %dma_start3A_152 = arith.constant 0 : i32
        %dma_start3A_153 = tpu.memref_slice %arg18[%dma_start3A_151, %dma_start3A_152] : memref<10240x128xf32, #tpu.memory_space<vmem_shared>> -> memref<10240x128xf32, #tpu.memory_space<vmem_shared>>
        tpu.enqueue_indirect_dma source(%arg12 : memref<40x128xf32, #tpu.memory_space<vmem>>) target(%dma_start3A_153 : memref<10240x128xf32, #tpu.memory_space<vmem_shared>>) offsets(%arg7 : memref<40xi32, #tpu.memory_space<vmem>>) semaphore(%run_scoped3A : memref<!tpu.dma_semaphore, #tpu.memory_space<semaphore_mem>>) {add = true}
        %dma_wait3A_154 = arith.constant 0 : i32
        %dma_wait3A_155 = arith.constant 0 : i32
        %dma_wait3A_156 = tpu.memref_slice %arg18[%dma_wait3A_154, %dma_wait3A_155] : memref<10240x128xf32, #tpu.memory_space<vmem_shared>> -> memref<10240x128xf32, #tpu.memory_space<vmem_shared>>
        tpu.wait_indirect_dma semaphore(%run_scoped3A : memref<!tpu.dma_semaphore, #tpu.memory_space<semaphore_mem>>) src(%arg12 : memref<40x128xf32, #tpu.memory_space<vmem>>) dst(%dma_wait3A_156 : memref<10240x128xf32, #tpu.memory_space<vmem_shared>>)
        tpu.yield
      }) : () -> ()
      %lt3A = arith.constant 49 : i32
      %lt3A_89 = arith.cmpi slt, %scan3A_72, %lt3A : i32
      %convert_element_type3A = arith.extui %lt3A_89 : i1 to i32
      %cond3A = arith.constant 0 : i32
      %cond3A_90 = arith.cmpi ne, %convert_element_type3A, %cond3A : i32
      scf.if %cond3A_90 {
        %add3A_151 = arith.addi %multiple_of3A, %multiple_of3A_79 : i32
        %add3A_152 = arith.constant 0 : i32
        %add3A_153 = arith.addi %add3A_151, %add3A_152 : i32
        %dma_start3A_154 = tpu.memref_slice %arg3[%add3A_153] : memref<320000xi32, #tpu.memory_space<hbm>> -> memref<40xi32, #tpu.memory_space<hbm>>
        %dma_start3A_155 = tpu.memref_slice %arg3[%add3A_153] : memref<320000xi32, #tpu.memory_space<hbm>> -> memref<40xi32, #tpu.memory_space<hbm>>
        tpu.enqueue_dma source(%dma_start3A_155 : memref<40xi32, #tpu.memory_space<hbm>>) target(%arg7 : memref<40xi32, #tpu.memory_space<vmem>>) target_semaphore(%arg24 : memref<!tpu.dma_semaphore, #tpu.memory_space<semaphore_mem>>)
        %add3A_156 = arith.constant 0 : i32
        %add3A_157 = arith.addi %multiple_of3A_79, %add3A_156 : i32
        %dma_start3A_158 = tpu.memref_slice %arg17[%add3A_157] : memref<10000xi32, #tpu.memory_space<vmem>> -> memref<40xi32, #tpu.memory_space<vmem>>
        %dma_start3A_159 = arith.constant 0 : i32
        %dma_start3A_160 = arith.constant 0 : i32
        %dma_start3A_161 = tpu.memref_slice %arg4[%dma_start3A_159, %dma_start3A_160] : memref<10240x128xf32, #tpu.memory_space<hbm>> -> memref<10240x128xf32, #tpu.memory_space<hbm>>
        tpu.enqueue_indirect_dma source(%dma_start3A_161 : memref<10240x128xf32, #tpu.memory_space<hbm>>) target(%arg12 : memref<40x128xf32, #tpu.memory_space<vmem>>) offsets(%dma_start3A_158 : memref<40xi32, #tpu.memory_space<vmem>>) semaphore(%arg19 : memref<!tpu.dma_semaphore, #tpu.memory_space<semaphore_mem>>)
      } else {
      }
      %dma_wait3A_91 = arith.constant 0 : i32
      %dma_wait3A_92 = tpu.memref_slice %arg3[%dma_wait3A_91] : memref<320000xi32, #tpu.memory_space<hbm>> -> memref<40xi32, #tpu.memory_space<hbm>>
      %dma_wait3A_93 = arith.constant 0 : i32
      %dma_wait3A_94 = tpu.memref_slice %arg3[%dma_wait3A_93] : memref<320000xi32, #tpu.memory_space<hbm>> -> memref<40xi32, #tpu.memory_space<hbm>>
      tpu.wait_dma2 semaphore(%arg25 : memref<!tpu.dma_semaphore, #tpu.memory_space<semaphore_mem>>) src(%dma_wait3A_94 : memref<40xi32, #tpu.memory_space<hbm>>) dst(%arg8 : memref<40xi32, #tpu.memory_space<vmem>>)
      %dma_wait3A_95 = arith.constant 0 : i32
      %dma_wait3A_96 = arith.constant 0 : i32
      %dma_wait3A_97 = tpu.memref_slice %arg4[%dma_wait3A_95, %dma_wait3A_96] : memref<10240x128xf32, #tpu.memory_space<hbm>> -> memref<40x128xf32, #tpu.memory_space<hbm>>
      %dma_wait3A_98 = arith.constant 0 : i32
      %dma_wait3A_99 = arith.constant 0 : i32
      %dma_wait3A_100 = tpu.memref_slice %arg4[%dma_wait3A_98, %dma_wait3A_99] : memref<10240x128xf32, #tpu.memory_space<hbm>> -> memref<40x128xf32, #tpu.memory_space<hbm>>
      tpu.wait_dma2 semaphore(%arg20 : memref<!tpu.dma_semaphore, #tpu.memory_space<semaphore_mem>>) src(%dma_wait3A_100 : memref<40x128xf32, #tpu.memory_space<hbm>>) dst(%arg13 : memref<40x128xf32, #tpu.memory_space<vmem>>)
      "tpu.region"() ({
        %run_scoped3A = tpu.sem_alloc : memref<!tpu.dma_semaphore, #tpu.memory_space<semaphore_mem>>
        %dma_start3A_151 = arith.constant 0 : i32
        %dma_start3A_152 = arith.constant 0 : i32
        %dma_start3A_153 = tpu.memref_slice %arg18[%dma_start3A_151, %dma_start3A_152] : memref<10240x128xf32, #tpu.memory_space<vmem_shared>> -> memref<10240x128xf32, #tpu.memory_space<vmem_shared>>
        tpu.enqueue_indirect_dma source(%arg13 : memref<40x128xf32, #tpu.memory_space<vmem>>) target(%dma_start3A_153 : memref<10240x128xf32, #tpu.memory_space<vmem_shared>>) offsets(%arg8 : memref<40xi32, #tpu.memory_space<vmem>>) semaphore(%run_scoped3A : memref<!tpu.dma_semaphore, #tpu.memory_space<semaphore_mem>>) {add = true}
        %dma_wait3A_154 = arith.constant 0 : i32
        %dma_wait3A_155 = arith.constant 0 : i32
        %dma_wait3A_156 = tpu.memref_slice %arg18[%dma_wait3A_154, %dma_wait3A_155] : memref<10240x128xf32, #tpu.memory_space<vmem_shared>> -> memref<10240x128xf32, #tpu.memory_space<vmem_shared>>
        tpu.wait_indirect_dma semaphore(%run_scoped3A : memref<!tpu.dma_semaphore, #tpu.memory_space<semaphore_mem>>) src(%arg13 : memref<40x128xf32, #tpu.memory_space<vmem>>) dst(%dma_wait3A_156 : memref<10240x128xf32, #tpu.memory_space<vmem_shared>>)
        tpu.yield
      }) : () -> ()
      %lt3A_101 = arith.constant 49 : i32
      %lt3A_102 = arith.cmpi slt, %scan3A_72, %lt3A_101 : i32
      %convert_element_type3A_103 = arith.extui %lt3A_102 : i1 to i32
      %cond3A_104 = arith.constant 0 : i32
      %cond3A_105 = arith.cmpi ne, %convert_element_type3A_103, %cond3A_104 : i32
      scf.if %cond3A_105 {
        %add3A_151 = arith.addi %multiple_of3A, %multiple_of3A_79 : i32
        %add3A_152 = arith.constant 40 : i32
        %add3A_153 = arith.addi %add3A_151, %add3A_152 : i32
        %dma_start3A_154 = tpu.memref_slice %arg3[%add3A_153] : memref<320000xi32, #tpu.memory_space<hbm>> -> memref<40xi32, #tpu.memory_space<hbm>>
        %dma_start3A_155 = tpu.memref_slice %arg3[%add3A_153] : memref<320000xi32, #tpu.memory_space<hbm>> -> memref<40xi32, #tpu.memory_space<hbm>>
        tpu.enqueue_dma source(%dma_start3A_155 : memref<40xi32, #tpu.memory_space<hbm>>) target(%arg8 : memref<40xi32, #tpu.memory_space<vmem>>) target_semaphore(%arg25 : memref<!tpu.dma_semaphore, #tpu.memory_space<semaphore_mem>>)
        %add3A_156 = arith.constant 40 : i32
        %add3A_157 = arith.addi %multiple_of3A_79, %add3A_156 : i32
        %dma_start3A_158 = tpu.memref_slice %arg17[%add3A_157] : memref<10000xi32, #tpu.memory_space<vmem>> -> memref<40xi32, #tpu.memory_space<vmem>>
        %dma_start3A_159 = arith.constant 0 : i32
        %dma_start3A_160 = arith.constant 0 : i32
        %dma_start3A_161 = tpu.memref_slice %arg4[%dma_start3A_159, %dma_start3A_160] : memref<10240x128xf32, #tpu.memory_space<hbm>> -> memref<10240x128xf32, #tpu.memory_space<hbm>>
        tpu.enqueue_indirect_dma source(%dma_start3A_161 : memref<10240x128xf32, #tpu.memory_space<hbm>>) target(%arg13 : memref<40x128xf32, #tpu.memory_space<vmem>>) offsets(%dma_start3A_158 : memref<40xi32, #tpu.memory_space<vmem>>) semaphore(%arg20 : memref<!tpu.dma_semaphore, #tpu.memory_space<semaphore_mem>>)
      } else {
      }
      %dma_wait3A_106 = arith.constant 0 : i32
      %dma_wait3A_107 = tpu.memref_slice %arg3[%dma_wait3A_106] : memref<320000xi32, #tpu.memory_space<hbm>> -> memref<40xi32, #tpu.memory_space<hbm>>
      %dma_wait3A_108 = arith.constant 0 : i32
      %dma_wait3A_109 = tpu.memref_slice %arg3[%dma_wait3A_108] : memref<320000xi32, #tpu.memory_space<hbm>> -> memref<40xi32, #tpu.memory_space<hbm>>
      tpu.wait_dma2 semaphore(%arg26 : memref<!tpu.dma_semaphore, #tpu.memory_space<semaphore_mem>>) src(%dma_wait3A_109 : memref<40xi32, #tpu.memory_space<hbm>>) dst(%arg9 : memref<40xi32, #tpu.memory_space<vmem>>)
      %dma_wait3A_110 = arith.constant 0 : i32
      %dma_wait3A_111 = arith.constant 0 : i32
      %dma_wait3A_112 = tpu.memref_slice %arg4[%dma_wait3A_110, %dma_wait3A_111] : memref<10240x128xf32, #tpu.memory_space<hbm>> -> memref<40x128xf32, #tpu.memory_space<hbm>>
      %dma_wait3A_113 = arith.constant 0 : i32
      %dma_wait3A_114 = arith.constant 0 : i32
      %dma_wait3A_115 = tpu.memref_slice %arg4[%dma_wait3A_113, %dma_wait3A_114] : memref<10240x128xf32, #tpu.memory_space<hbm>> -> memref<40x128xf32, #tpu.memory_space<hbm>>
      tpu.wait_dma2 semaphore(%arg21 : memref<!tpu.dma_semaphore, #tpu.memory_space<semaphore_mem>>) src(%dma_wait3A_115 : memref<40x128xf32, #tpu.memory_space<hbm>>) dst(%arg14 : memref<40x128xf32, #tpu.memory_space<vmem>>)
      "tpu.region"() ({
        %run_scoped3A = tpu.sem_alloc : memref<!tpu.dma_semaphore, #tpu.memory_space<semaphore_mem>>
        %dma_start3A_151 = arith.constant 0 : i32
        %dma_start3A_152 = arith.constant 0 : i32
        %dma_start3A_153 = tpu.memref_slice %arg18[%dma_start3A_151, %dma_start3A_152] : memref<10240x128xf32, #tpu.memory_space<vmem_shared>> -> memref<10240x128xf32, #tpu.memory_space<vmem_shared>>
        tpu.enqueue_indirect_dma source(%arg14 : memref<40x128xf32, #tpu.memory_space<vmem>>) target(%dma_start3A_153 : memref<10240x128xf32, #tpu.memory_space<vmem_shared>>) offsets(%arg9 : memref<40xi32, #tpu.memory_space<vmem>>) semaphore(%run_scoped3A : memref<!tpu.dma_semaphore, #tpu.memory_space<semaphore_mem>>) {add = true}
        %dma_wait3A_154 = arith.constant 0 : i32
        %dma_wait3A_155 = arith.constant 0 : i32
        %dma_wait3A_156 = tpu.memref_slice %arg18[%dma_wait3A_154, %dma_wait3A_155] : memref<10240x128xf32, #tpu.memory_space<vmem_shared>> -> memref<10240x128xf32, #tpu.memory_space<vmem_shared>>
        tpu.wait_indirect_dma semaphore(%run_scoped3A : memref<!tpu.dma_semaphore, #tpu.memory_space<semaphore_mem>>) src(%arg14 : memref<40x128xf32, #tpu.memory_space<vmem>>) dst(%dma_wait3A_156 : memref<10240x128xf32, #tpu.memory_space<vmem_shared>>)
        tpu.yield
      }) : () -> ()
      %lt3A_116 = arith.constant 49 : i32
      %lt3A_117 = arith.cmpi slt, %scan3A_72, %lt3A_116 : i32
      %convert_element_type3A_118 = arith.extui %lt3A_117 : i1 to i32
      %cond3A_119 = arith.constant 0 : i32
      %cond3A_120 = arith.cmpi ne, %convert_element_type3A_118, %cond3A_119 : i32
      scf.if %cond3A_120 {
        %add3A_151 = arith.addi %multiple_of3A, %multiple_of3A_79 : i32
        %add3A_152 = arith.constant 80 : i32
        %add3A_153 = arith.addi %add3A_151, %add3A_152 : i32
        %dma_start3A_154 = tpu.memref_slice %arg3[%add3A_153] : memref<320000xi32, #tpu.memory_space<hbm>> -> memref<40xi32, #tpu.memory_space<hbm>>
        %dma_start3A_155 = tpu.memref_slice %arg3[%add3A_153] : memref<320000xi32, #tpu.memory_space<hbm>> -> memref<40xi32, #tpu.memory_space<hbm>>
        tpu.enqueue_dma source(%dma_start3A_155 : memref<40xi32, #tpu.memory_space<hbm>>) target(%arg9 : memref<40xi32, #tpu.memory_space<vmem>>) target_semaphore(%arg26 : memref<!tpu.dma_semaphore, #tpu.memory_space<semaphore_mem>>)
        %add3A_156 = arith.constant 80 : i32
        %add3A_157 = arith.addi %multiple_of3A_79, %add3A_156 : i32
        %dma_start3A_158 = tpu.memref_slice %arg17[%add3A_157] : memref<10000xi32, #tpu.memory_space<vmem>> -> memref<40xi32, #tpu.memory_space<vmem>>
        %dma_start3A_159 = arith.constant 0 : i32
        %dma_start3A_160 = arith.constant 0 : i32
        %dma_start3A_161 = tpu.memref_slice %arg4[%dma_start3A_159, %dma_start3A_160] : memref<10240x128xf32, #tpu.memory_space<hbm>> -> memref<10240x128xf32, #tpu.memory_space<hbm>>
        tpu.enqueue_indirect_dma source(%dma_start3A_161 : memref<10240x128xf32, #tpu.memory_space<hbm>>) target(%arg14 : memref<40x128xf32, #tpu.memory_space<vmem>>) offsets(%dma_start3A_158 : memref<40xi32, #tpu.memory_space<vmem>>) semaphore(%arg21 : memref<!tpu.dma_semaphore, #tpu.memory_space<semaphore_mem>>)
      } else {
      }
      %dma_wait3A_121 = arith.constant 0 : i32
      %dma_wait3A_122 = tpu.memref_slice %arg3[%dma_wait3A_121] : memref<320000xi32, #tpu.memory_space<hbm>> -> memref<40xi32, #tpu.memory_space<hbm>>
      %dma_wait3A_123 = arith.constant 0 : i32
      %dma_wait3A_124 = tpu.memref_slice %arg3[%dma_wait3A_123] : memref<320000xi32, #tpu.memory_space<hbm>> -> memref<40xi32, #tpu.memory_space<hbm>>
      tpu.wait_dma2 semaphore(%arg27 : memref<!tpu.dma_semaphore, #tpu.memory_space<semaphore_mem>>) src(%dma_wait3A_124 : memref<40xi32, #tpu.memory_space<hbm>>) dst(%arg10 : memref<40xi32, #tpu.memory_space<vmem>>)
      %dma_wait3A_125 = arith.constant 0 : i32
      %dma_wait3A_126 = arith.constant 0 : i32
      %dma_wait3A_127 = tpu.memref_slice %arg4[%dma_wait3A_125, %dma_wait3A_126] : memref<10240x128xf32, #tpu.memory_space<hbm>> -> memref<40x128xf32, #tpu.memory_space<hbm>>
      %dma_wait3A_128 = arith.constant 0 : i32
      %dma_wait3A_129 = arith.constant 0 : i32
      %dma_wait3A_130 = tpu.memref_slice %arg4[%dma_wait3A_128, %dma_wait3A_129] : memref<10240x128xf32, #tpu.memory_space<hbm>> -> memref<40x128xf32, #tpu.memory_space<hbm>>
      tpu.wait_dma2 semaphore(%arg22 : memref<!tpu.dma_semaphore, #tpu.memory_space<semaphore_mem>>) src(%dma_wait3A_130 : memref<40x128xf32, #tpu.memory_space<hbm>>) dst(%arg15 : memref<40x128xf32, #tpu.memory_space<vmem>>)
      "tpu.region"() ({
        %run_scoped3A = tpu.sem_alloc : memref<!tpu.dma_semaphore, #tpu.memory_space<semaphore_mem>>
        %dma_start3A_151 = arith.constant 0 : i32
        %dma_start3A_152 = arith.constant 0 : i32
        %dma_start3A_153 = tpu.memref_slice %arg18[%dma_start3A_151, %dma_start3A_152] : memref<10240x128xf32, #tpu.memory_space<vmem_shared>> -> memref<10240x128xf32, #tpu.memory_space<vmem_shared>>
        tpu.enqueue_indirect_dma source(%arg15 : memref<40x128xf32, #tpu.memory_space<vmem>>) target(%dma_start3A_153 : memref<10240x128xf32, #tpu.memory_space<vmem_shared>>) offsets(%arg10 : memref<40xi32, #tpu.memory_space<vmem>>) semaphore(%run_scoped3A : memref<!tpu.dma_semaphore, #tpu.memory_space<semaphore_mem>>) {add = true}
        %dma_wait3A_154 = arith.constant 0 : i32
        %dma_wait3A_155 = arith.constant 0 : i32
        %dma_wait3A_156 = tpu.memref_slice %arg18[%dma_wait3A_154, %dma_wait3A_155] : memref<10240x128xf32, #tpu.memory_space<vmem_shared>> -> memref<10240x128xf32, #tpu.memory_space<vmem_shared>>
        tpu.wait_indirect_dma semaphore(%run_scoped3A : memref<!tpu.dma_semaphore, #tpu.memory_space<semaphore_mem>>) src(%arg15 : memref<40x128xf32, #tpu.memory_space<vmem>>) dst(%dma_wait3A_156 : memref<10240x128xf32, #tpu.memory_space<vmem_shared>>)
        tpu.yield
      }) : () -> ()
      %lt3A_131 = arith.constant 49 : i32
      %lt3A_132 = arith.cmpi slt, %scan3A_72, %lt3A_131 : i32
      %convert_element_type3A_133 = arith.extui %lt3A_132 : i1 to i32
      %cond3A_134 = arith.constant 0 : i32
      %cond3A_135 = arith.cmpi ne, %convert_element_type3A_133, %cond3A_134 : i32
      scf.if %cond3A_135 {
        %add3A_151 = arith.addi %multiple_of3A, %multiple_of3A_79 : i32
        %add3A_152 = arith.constant 120 : i32
        %add3A_153 = arith.addi %add3A_151, %add3A_152 : i32
        %dma_start3A_154 = tpu.memref_slice %arg3[%add3A_153] : memref<320000xi32, #tpu.memory_space<hbm>> -> memref<40xi32, #tpu.memory_space<hbm>>
        %dma_start3A_155 = tpu.memref_slice %arg3[%add3A_153] : memref<320000xi32, #tpu.memory_space<hbm>> -> memref<40xi32, #tpu.memory_space<hbm>>
        tpu.enqueue_dma source(%dma_start3A_155 : memref<40xi32, #tpu.memory_space<hbm>>) target(%arg10 : memref<40xi32, #tpu.memory_space<vmem>>) target_semaphore(%arg27 : memref<!tpu.dma_semaphore, #tpu.memory_space<semaphore_mem>>)
        %add3A_156 = arith.constant 120 : i32
        %add3A_157 = arith.addi %multiple_of3A_79, %add3A_156 : i32
        %dma_start3A_158 = tpu.memref_slice %arg17[%add3A_157] : memref<10000xi32, #tpu.memory_space<vmem>> -> memref<40xi32, #tpu.memory_space<vmem>>
        %dma_start3A_159 = arith.constant 0 : i32
        %dma_start3A_160 = arith.constant 0 : i32
        %dma_start3A_161 = tpu.memref_slice %arg4[%dma_start3A_159, %dma_start3A_160] : memref<10240x128xf32, #tpu.memory_space<hbm>> -> memref<10240x128xf32, #tpu.memory_space<hbm>>
        tpu.enqueue_indirect_dma source(%dma_start3A_161 : memref<10240x128xf32, #tpu.memory_space<hbm>>) target(%arg15 : memref<40x128xf32, #tpu.memory_space<vmem>>) offsets(%dma_start3A_158 : memref<40xi32, #tpu.memory_space<vmem>>) semaphore(%arg22 : memref<!tpu.dma_semaphore, #tpu.memory_space<semaphore_mem>>)
      } else {
      }
      %dma_wait3A_136 = arith.constant 0 : i32
      %dma_wait3A_137 = tpu.memref_slice %arg3[%dma_wait3A_136] : memref<320000xi32, #tpu.memory_space<hbm>> -> memref<40xi32, #tpu.memory_space<hbm>>
      %dma_wait3A_138 = arith.constant 0 : i32
      %dma_wait3A_139 = tpu.memref_slice %arg3[%dma_wait3A_138] : memref<320000xi32, #tpu.memory_space<hbm>> -> memref<40xi32, #tpu.memory_space<hbm>>
      tpu.wait_dma2 semaphore(%arg28 : memref<!tpu.dma_semaphore, #tpu.memory_space<semaphore_mem>>) src(%dma_wait3A_139 : memref<40xi32, #tpu.memory_space<hbm>>) dst(%arg11 : memref<40xi32, #tpu.memory_space<vmem>>)
      %dma_wait3A_140 = arith.constant 0 : i32
      %dma_wait3A_141 = arith.constant 0 : i32
      %dma_wait3A_142 = tpu.memref_slice %arg4[%dma_wait3A_140, %dma_wait3A_141] : memref<10240x128xf32, #tpu.memory_space<hbm>> -> memref<40x128xf32, #tpu.memory_space<hbm>>
      %dma_wait3A_143 = arith.constant 0 : i32
      %dma_wait3A_144 = arith.constant 0 : i32
      %dma_wait3A_145 = tpu.memref_slice %arg4[%dma_wait3A_143, %dma_wait3A_144] : memref<10240x128xf32, #tpu.memory_space<hbm>> -> memref<40x128xf32, #tpu.memory_space<hbm>>
      tpu.wait_dma2 semaphore(%arg23 : memref<!tpu.dma_semaphore, #tpu.memory_space<semaphore_mem>>) src(%dma_wait3A_145 : memref<40x128xf32, #tpu.memory_space<hbm>>) dst(%arg16 : memref<40x128xf32, #tpu.memory_space<vmem>>)
      "tpu.region"() ({
        %run_scoped3A = tpu.sem_alloc : memref<!tpu.dma_semaphore, #tpu.memory_space<semaphore_mem>>
        %dma_start3A_151 = arith.constant 0 : i32
        %dma_start3A_152 = arith.constant 0 : i32
        %dma_start3A_153 = tpu.memref_slice %arg18[%dma_start3A_151, %dma_start3A_152] : memref<10240x128xf32, #tpu.memory_space<vmem_shared>> -> memref<10240x128xf32, #tpu.memory_space<vmem_shared>>
        tpu.enqueue_indirect_dma source(%arg16 : memref<40x128xf32, #tpu.memory_space<vmem>>) target(%dma_start3A_153 : memref<10240x128xf32, #tpu.memory_space<vmem_shared>>) offsets(%arg11 : memref<40xi32, #tpu.memory_space<vmem>>) semaphore(%run_scoped3A : memref<!tpu.dma_semaphore, #tpu.memory_space<semaphore_mem>>) {add = true}
        %dma_wait3A_154 = arith.constant 0 : i32
        %dma_wait3A_155 = arith.constant 0 : i32
        %dma_wait3A_156 = tpu.memref_slice %arg18[%dma_wait3A_154, %dma_wait3A_155] : memref<10240x128xf32, #tpu.memory_space<vmem_shared>> -> memref<10240x128xf32, #tpu.memory_space<vmem_shared>>
        tpu.wait_indirect_dma semaphore(%run_scoped3A : memref<!tpu.dma_semaphore, #tpu.memory_space<semaphore_mem>>) src(%arg16 : memref<40x128xf32, #tpu.memory_space<vmem>>) dst(%dma_wait3A_156 : memref<10240x128xf32, #tpu.memory_space<vmem_shared>>)
        tpu.yield
      }) : () -> ()
      %lt3A_146 = arith.constant 49 : i32
      %lt3A_147 = arith.cmpi slt, %scan3A_72, %lt3A_146 : i32
      %convert_element_type3A_148 = arith.extui %lt3A_147 : i1 to i32
      %cond3A_149 = arith.constant 0 : i32
      %cond3A_150 = arith.cmpi ne, %convert_element_type3A_148, %cond3A_149 : i32
      scf.if %cond3A_150 {
        %add3A_151 = arith.addi %multiple_of3A, %multiple_of3A_79 : i32
        %add3A_152 = arith.constant 160 : i32
        %add3A_153 = arith.addi %add3A_151, %add3A_152 : i32
        %dma_start3A_154 = tpu.memref_slice %arg3[%add3A_153] : memref<320000xi32, #tpu.memory_space<hbm>> -> memref<40xi32, #tpu.memory_space<hbm>>
        %dma_start3A_155 = tpu.memref_slice %arg3[%add3A_153] : memref<320000xi32, #tpu.memory_space<hbm>> -> memref<40xi32, #tpu.memory_space<hbm>>
        tpu.enqueue_dma source(%dma_start3A_155 : memref<40xi32, #tpu.memory_space<hbm>>) target(%arg11 : memref<40xi32, #tpu.memory_space<vmem>>) target_semaphore(%arg28 : memref<!tpu.dma_semaphore, #tpu.memory_space<semaphore_mem>>)
        %add3A_156 = arith.constant 160 : i32
        %add3A_157 = arith.addi %multiple_of3A_79, %add3A_156 : i32
        %dma_start3A_158 = tpu.memref_slice %arg17[%add3A_157] : memref<10000xi32, #tpu.memory_space<vmem>> -> memref<40xi32, #tpu.memory_space<vmem>>
        %dma_start3A_159 = arith.constant 0 : i32
        %dma_start3A_160 = arith.constant 0 : i32
        %dma_start3A_161 = tpu.memref_slice %arg4[%dma_start3A_159, %dma_start3A_160] : memref<10240x128xf32, #tpu.memory_space<hbm>> -> memref<10240x128xf32, #tpu.memory_space<hbm>>
        tpu.enqueue_indirect_dma source(%dma_start3A_161 : memref<10240x128xf32, #tpu.memory_space<hbm>>) target(%arg16 : memref<40x128xf32, #tpu.memory_space<vmem>>) offsets(%dma_start3A_158 : memref<40xi32, #tpu.memory_space<vmem>>) semaphore(%arg23 : memref<!tpu.dma_semaphore, #tpu.memory_space<semaphore_mem>>)
      } else {
      }
    }
    %scan3A_63 = arith.constant 50 : i32
    %barrier3A_64 = arith.constant 0 : index
    tpu.barrier barrier_id(%barrier3A_64)
    %mul3A_65 = arith.constant 10240 : i32
    %mul3A_66 = arith.muli %arg0, %mul3A_65 : i32
    %mul3A_67 = arith.constant 640 : i32
    %mul3A_68 = arith.muli %arg1, %mul3A_67 : i32
    %add3A_69 = arith.addi %mul3A_66, %mul3A_68 : i32
    %mul3A_70 = arith.constant 640 : i32
    %mul3A_71 = arith.muli %arg1, %mul3A_70 : i32
    "tpu.region"() ({
      %run_scoped3A = tpu.sem_alloc : memref<!tpu.dma_semaphore, #tpu.memory_space<semaphore_mem>>
      %dma_start3A_72 = arith.constant 0 : i32
      %dma_start3A_73 = tpu.memref_slice %arg6[%add3A_69, %dma_start3A_72] : memref<20480x128xf32, #tpu.memory_space<hbm>> -> memref<640x128xf32, #tpu.memory_space<hbm>>
      %dma_start3A_74 = arith.constant 0 : i32
      %dma_start3A_75 = tpu.memref_slice %arg18[%mul3A_71, %dma_start3A_74] : memref<10240x128xf32, #tpu.memory_space<vmem_shared>> -> memref<640x128xf32, #tpu.memory_space<vmem_shared>>
      tpu.enqueue_dma source(%dma_start3A_75 : memref<640x128xf32, #tpu.memory_space<vmem_shared>>) target(%dma_start3A_73 : memref<640x128xf32, #tpu.memory_space<hbm>>) target_semaphore(%run_scoped3A : memref<!tpu.dma_semaphore, #tpu.memory_space<semaphore_mem>>)
      %dma_wait3A = arith.constant 0 : i32
      %dma_wait3A_76 = tpu.memref_slice %arg6[%add3A_69, %dma_wait3A] : memref<20480x128xf32, #tpu.memory_space<hbm>> -> memref<640x128xf32, #tpu.memory_space<hbm>>
      %dma_wait3A_77 = arith.constant 0 : i32
      %dma_wait3A_78 = tpu.memref_slice %arg18[%mul3A_71, %dma_wait3A_77] : memref<10240x128xf32, #tpu.memory_space<vmem_shared>> -> memref<640x128xf32, #tpu.memory_space<vmem_shared>>
      tpu.wait_dma2 semaphore(%run_scoped3A : memref<!tpu.dma_semaphore, #tpu.memory_space<semaphore_mem>>) src(%dma_wait3A_78 : memref<640x128xf32, #tpu.memory_space<vmem_shared>>) dst(%dma_wait3A_76 : memref<640x128xf32, #tpu.memory_space<hbm>>)
      tpu.yield
    }) : () -> ()
    return
  }
}

#map = affine_map<(d0, d1) -> (0)>
module attributes {stable_mosaic.version = 14 : i64} {
  func.func @_deg_body(%arg0: i32, %arg1: i32, %arg2: memref<320000xi32, #tpu.memory_space<hbm>>, %arg3: memref<80xf32, #tpu.memory_space<hbm>>, %arg4: memref<640xf32, #tpu.memory_space<hbm>>, %arg5: memref<20480xf32, #tpu.memory_space<hbm>>, %arg6: memref<80xi32, #tpu.memory_space<vmem>>, %arg7: memref<80xi32, #tpu.memory_space<vmem>>, %arg8: memref<80xi32, #tpu.memory_space<vmem>>, %arg9: memref<80xi32, #tpu.memory_space<vmem>>, %arg10: memref<80xi32, #tpu.memory_space<vmem>>, %arg11: memref<80xf32, #tpu.memory_space<vmem>>, %arg12: memref<10240xf32, #tpu.memory_space<vmem_shared>>, %arg13: memref<!tpu.dma_semaphore, #tpu.memory_space<semaphore_mem>>, %arg14: memref<!tpu.dma_semaphore, #tpu.memory_space<semaphore_mem>>, %arg15: memref<!tpu.dma_semaphore, #tpu.memory_space<semaphore_mem>>, %arg16: memref<!tpu.dma_semaphore, #tpu.memory_space<semaphore_mem>>, %arg17: memref<!tpu.dma_semaphore, #tpu.memory_space<semaphore_mem>>) attributes {dimension_semantics = [#tpu.dimension_semantics<core_parallel>, #tpu.dimension_semantics<subcore_parallel>], iteration_bounds = array<i64: 2, 16>, scalar_prefetch = 0 : i64, scratch_operands = 12 : i64, tpu.core_type = #tpu.core_type<sc_vector_subcore>, window_params = [{transform_indices = #map}, {transform_indices = #map}, {transform_indices = #map}, {transform_indices = #map}]} {
    %mul3A = arith.constant 16 : i32
    %mul3A_0 = arith.muli %arg0, %mul3A : i32
    %add3A = arith.addi %mul3A_0, %arg1 : i32
    %mul3A_1 = arith.constant 10000 : i32
    %mul3A_2 = arith.muli %add3A, %mul3A_1 : i32
    %multiple_of3A = tpu.assume_multiple %mul3A_2, 10000 : i32
    %mul3A_3 = arith.constant 640 : i32
    %mul3A_4 = arith.muli %arg1, %mul3A_3 : i32
    "tpu.region"() ({
      %run_scoped3A = tpu.sem_alloc : memref<!tpu.dma_semaphore, #tpu.memory_space<semaphore_mem>>
      %dma_start3A_47 = tpu.memref_slice %arg12[%mul3A_4] : memref<10240xf32, #tpu.memory_space<vmem_shared>> -> memref<640xf32, #tpu.memory_space<vmem_shared>>
      tpu.enqueue_dma source(%arg4 : memref<640xf32, #tpu.memory_space<hbm>>) target(%dma_start3A_47 : memref<640xf32, #tpu.memory_space<vmem_shared>>) target_semaphore(%run_scoped3A : memref<!tpu.dma_semaphore, #tpu.memory_space<semaphore_mem>>)
      %dma_wait3A = tpu.memref_slice %arg12[%mul3A_4] : memref<10240xf32, #tpu.memory_space<vmem_shared>> -> memref<640xf32, #tpu.memory_space<vmem_shared>>
      tpu.wait_dma2 semaphore(%run_scoped3A : memref<!tpu.dma_semaphore, #tpu.memory_space<semaphore_mem>>) src(%arg4 : memref<640xf32, #tpu.memory_space<hbm>>) dst(%dma_wait3A : memref<640xf32, #tpu.memory_space<vmem_shared>>)
      tpu.yield
    }) : () -> ()
    "tpu.region"() ({
      %run_scoped3A = tpu.sem_alloc : memref<!tpu.dma_semaphore, #tpu.memory_space<semaphore_mem>>
      tpu.enqueue_dma source(%arg3 : memref<80xf32, #tpu.memory_space<hbm>>) target(%arg11 : memref<80xf32, #tpu.memory_space<vmem>>) target_semaphore(%run_scoped3A : memref<!tpu.dma_semaphore, #tpu.memory_space<semaphore_mem>>)
      tpu.wait_dma2 semaphore(%run_scoped3A : memref<!tpu.dma_semaphore, #tpu.memory_space<semaphore_mem>>) src(%arg3 : memref<80xf32, #tpu.memory_space<hbm>>) dst(%arg11 : memref<80xf32, #tpu.memory_space<vmem>>)
      tpu.yield
    }) : () -> ()
    %barrier3A = arith.constant 0 : index
    tpu.barrier barrier_id(%barrier3A)
    %add3A_5 = arith.constant 0 : i32
    %add3A_6 = arith.addi %multiple_of3A, %add3A_5 : i32
    %add3A_7 = arith.constant 0 : i32
    %add3A_8 = arith.addi %add3A_6, %add3A_7 : i32
    %dma_start3A = tpu.memref_slice %arg2[%add3A_8] : memref<320000xi32, #tpu.memory_space<hbm>> -> memref<80xi32, #tpu.memory_space<hbm>>
    %dma_start3A_9 = tpu.memref_slice %arg2[%add3A_8] : memref<320000xi32, #tpu.memory_space<hbm>> -> memref<80xi32, #tpu.memory_space<hbm>>
    tpu.enqueue_dma source(%dma_start3A_9 : memref<80xi32, #tpu.memory_space<hbm>>) target(%arg6 : memref<80xi32, #tpu.memory_space<vmem>>) target_semaphore(%arg13 : memref<!tpu.dma_semaphore, #tpu.memory_space<semaphore_mem>>)
    %add3A_10 = arith.constant 0 : i32
    %add3A_11 = arith.addi %multiple_of3A, %add3A_10 : i32
    %add3A_12 = arith.constant 80 : i32
    %add3A_13 = arith.addi %add3A_11, %add3A_12 : i32
    %dma_start3A_14 = tpu.memref_slice %arg2[%add3A_13] : memref<320000xi32, #tpu.memory_space<hbm>> -> memref<80xi32, #tpu.memory_space<hbm>>
    %dma_start3A_15 = tpu.memref_slice %arg2[%add3A_13] : memref<320000xi32, #tpu.memory_space<hbm>> -> memref<80xi32, #tpu.memory_space<hbm>>
    tpu.enqueue_dma source(%dma_start3A_15 : memref<80xi32, #tpu.memory_space<hbm>>) target(%arg7 : memref<80xi32, #tpu.memory_space<vmem>>) target_semaphore(%arg14 : memref<!tpu.dma_semaphore, #tpu.memory_space<semaphore_mem>>)
    %add3A_16 = arith.constant 0 : i32
    %add3A_17 = arith.addi %multiple_of3A, %add3A_16 : i32
    %add3A_18 = arith.constant 160 : i32
    %add3A_19 = arith.addi %add3A_17, %add3A_18 : i32
    %dma_start3A_20 = tpu.memref_slice %arg2[%add3A_19] : memref<320000xi32, #tpu.memory_space<hbm>> -> memref<80xi32, #tpu.memory_space<hbm>>
    %dma_start3A_21 = tpu.memref_slice %arg2[%add3A_19] : memref<320000xi32, #tpu.memory_space<hbm>> -> memref<80xi32, #tpu.memory_space<hbm>>
    tpu.enqueue_dma source(%dma_start3A_21 : memref<80xi32, #tpu.memory_space<hbm>>) target(%arg8 : memref<80xi32, #tpu.memory_space<vmem>>) target_semaphore(%arg15 : memref<!tpu.dma_semaphore, #tpu.memory_space<semaphore_mem>>)
    %add3A_22 = arith.constant 0 : i32
    %add3A_23 = arith.addi %multiple_of3A, %add3A_22 : i32
    %add3A_24 = arith.constant 240 : i32
    %add3A_25 = arith.addi %add3A_23, %add3A_24 : i32
    %dma_start3A_26 = tpu.memref_slice %arg2[%add3A_25] : memref<320000xi32, #tpu.memory_space<hbm>> -> memref<80xi32, #tpu.memory_space<hbm>>
    %dma_start3A_27 = tpu.memref_slice %arg2[%add3A_25] : memref<320000xi32, #tpu.memory_space<hbm>> -> memref<80xi32, #tpu.memory_space<hbm>>
    tpu.enqueue_dma source(%dma_start3A_27 : memref<80xi32, #tpu.memory_space<hbm>>) target(%arg9 : memref<80xi32, #tpu.memory_space<vmem>>) target_semaphore(%arg16 : memref<!tpu.dma_semaphore, #tpu.memory_space<semaphore_mem>>)
    %add3A_28 = arith.constant 0 : i32
    %add3A_29 = arith.addi %multiple_of3A, %add3A_28 : i32
    %add3A_30 = arith.constant 320 : i32
    %add3A_31 = arith.addi %add3A_29, %add3A_30 : i32
    %dma_start3A_32 = tpu.memref_slice %arg2[%add3A_31] : memref<320000xi32, #tpu.memory_space<hbm>> -> memref<80xi32, #tpu.memory_space<hbm>>
    %dma_start3A_33 = tpu.memref_slice %arg2[%add3A_31] : memref<320000xi32, #tpu.memory_space<hbm>> -> memref<80xi32, #tpu.memory_space<hbm>>
    tpu.enqueue_dma source(%dma_start3A_33 : memref<80xi32, #tpu.memory_space<hbm>>) target(%arg10 : memref<80xi32, #tpu.memory_space<vmem>>) target_semaphore(%arg17 : memref<!tpu.dma_semaphore, #tpu.memory_space<semaphore_mem>>)
    %scan3A = arith.constant 0 : i32
    %scan3A_34 = arith.constant 0 : i32
    %scan3A_35 = arith.constant 25 : i32
    %scan3A_36 = arith.addi %scan3A_34, %scan3A_35 : i32
    %scan3A_37 = arith.constant 1 : i32
    scf.for %scan3A_47 = %scan3A_34 to %scan3A_36 step %scan3A_37  : i32 {
      %add3A_48 = arith.constant 1 : i32
      %add3A_49 = arith.addi %scan3A_47, %add3A_48 : i32
      %mul3A_50 = arith.constant 5 : i32
      %mul3A_51 = arith.muli %add3A_49, %mul3A_50 : i32
      %mul3A_52 = arith.constant 80 : i32
      %mul3A_53 = arith.muli %mul3A_51, %mul3A_52 : i32
      %multiple_of3A_54 = tpu.assume_multiple %mul3A_53, 400 : i32
      %dma_wait3A = arith.constant 0 : i32
      %dma_wait3A_55 = tpu.memref_slice %arg2[%dma_wait3A] : memref<320000xi32, #tpu.memory_space<hbm>> -> memref<80xi32, #tpu.memory_space<hbm>>
      %dma_wait3A_56 = arith.constant 0 : i32
      %dma_wait3A_57 = tpu.memref_slice %arg2[%dma_wait3A_56] : memref<320000xi32, #tpu.memory_space<hbm>> -> memref<80xi32, #tpu.memory_space<hbm>>
      tpu.wait_dma2 semaphore(%arg13 : memref<!tpu.dma_semaphore, #tpu.memory_space<semaphore_mem>>) src(%dma_wait3A_57 : memref<80xi32, #tpu.memory_space<hbm>>) dst(%arg6 : memref<80xi32, #tpu.memory_space<vmem>>)
      "tpu.region"() ({
        %run_scoped3A = tpu.sem_alloc : memref<!tpu.dma_semaphore, #tpu.memory_space<semaphore_mem>>
        %dma_start3A_96 = arith.constant 0 : i32
        %dma_start3A_97 = tpu.memref_slice %arg12[%dma_start3A_96] : memref<10240xf32, #tpu.memory_space<vmem_shared>> -> memref<10240xf32, #tpu.memory_space<vmem_shared>>
        tpu.enqueue_indirect_dma source(%arg11 : memref<80xf32, #tpu.memory_space<vmem>>) target(%dma_start3A_97 : memref<10240xf32, #tpu.memory_space<vmem_shared>>) offsets(%arg6 : memref<80xi32, #tpu.memory_space<vmem>>) semaphore(%run_scoped3A : memref<!tpu.dma_semaphore, #tpu.memory_space<semaphore_mem>>) {add = true}
        %dma_wait3A_98 = arith.constant 0 : i32
        %dma_wait3A_99 = tpu.memref_slice %arg12[%dma_wait3A_98] : memref<10240xf32, #tpu.memory_space<vmem_shared>> -> memref<10240xf32, #tpu.memory_space<vmem_shared>>
        tpu.wait_indirect_dma semaphore(%run_scoped3A : memref<!tpu.dma_semaphore, #tpu.memory_space<semaphore_mem>>) src(%arg11 : memref<80xf32, #tpu.memory_space<vmem>>) dst(%dma_wait3A_99 : memref<10240xf32, #tpu.memory_space<vmem_shared>>)
        tpu.yield
      }) : () -> ()
      %lt3A = arith.constant 24 : i32
      %lt3A_58 = arith.cmpi slt, %scan3A_47, %lt3A : i32
      %convert_element_type3A = arith.extui %lt3A_58 : i1 to i32
      %cond3A = arith.constant 0 : i32
      %cond3A_59 = arith.cmpi ne, %convert_element_type3A, %cond3A : i32
      scf.if %cond3A_59 {
        %add3A_96 = arith.addi %multiple_of3A, %multiple_of3A_54 : i32
        %add3A_97 = arith.constant 0 : i32
        %add3A_98 = arith.addi %add3A_96, %add3A_97 : i32
        %dma_start3A_99 = tpu.memref_slice %arg2[%add3A_98] : memref<320000xi32, #tpu.memory_space<hbm>> -> memref<80xi32, #tpu.memory_space<hbm>>
        %dma_start3A_100 = tpu.memref_slice %arg2[%add3A_98] : memref<320000xi32, #tpu.memory_space<hbm>> -> memref<80xi32, #tpu.memory_space<hbm>>
        tpu.enqueue_dma source(%dma_start3A_100 : memref<80xi32, #tpu.memory_space<hbm>>) target(%arg6 : memref<80xi32, #tpu.memory_space<vmem>>) target_semaphore(%arg13 : memref<!tpu.dma_semaphore, #tpu.memory_space<semaphore_mem>>)
      } else {
      }
      %dma_wait3A_60 = arith.constant 0 : i32
      %dma_wait3A_61 = tpu.memref_slice %arg2[%dma_wait3A_60] : memref<320000xi32, #tpu.memory_space<hbm>> -> memref<80xi32, #tpu.memory_space<hbm>>
      %dma_wait3A_62 = arith.constant 0 : i32
      %dma_wait3A_63 = tpu.memref_slice %arg2[%dma_wait3A_62] : memref<320000xi32, #tpu.memory_space<hbm>> -> memref<80xi32, #tpu.memory_space<hbm>>
      tpu.wait_dma2 semaphore(%arg14 : memref<!tpu.dma_semaphore, #tpu.memory_space<semaphore_mem>>) src(%dma_wait3A_63 : memref<80xi32, #tpu.memory_space<hbm>>) dst(%arg7 : memref<80xi32, #tpu.memory_space<vmem>>)
      "tpu.region"() ({
        %run_scoped3A = tpu.sem_alloc : memref<!tpu.dma_semaphore, #tpu.memory_space<semaphore_mem>>
        %dma_start3A_96 = arith.constant 0 : i32
        %dma_start3A_97 = tpu.memref_slice %arg12[%dma_start3A_96] : memref<10240xf32, #tpu.memory_space<vmem_shared>> -> memref<10240xf32, #tpu.memory_space<vmem_shared>>
        tpu.enqueue_indirect_dma source(%arg11 : memref<80xf32, #tpu.memory_space<vmem>>) target(%dma_start3A_97 : memref<10240xf32, #tpu.memory_space<vmem_shared>>) offsets(%arg7 : memref<80xi32, #tpu.memory_space<vmem>>) semaphore(%run_scoped3A : memref<!tpu.dma_semaphore, #tpu.memory_space<semaphore_mem>>) {add = true}
        %dma_wait3A_98 = arith.constant 0 : i32
        %dma_wait3A_99 = tpu.memref_slice %arg12[%dma_wait3A_98] : memref<10240xf32, #tpu.memory_space<vmem_shared>> -> memref<10240xf32, #tpu.memory_space<vmem_shared>>
        tpu.wait_indirect_dma semaphore(%run_scoped3A : memref<!tpu.dma_semaphore, #tpu.memory_space<semaphore_mem>>) src(%arg11 : memref<80xf32, #tpu.memory_space<vmem>>) dst(%dma_wait3A_99 : memref<10240xf32, #tpu.memory_space<vmem_shared>>)
        tpu.yield
      }) : () -> ()
      %lt3A_64 = arith.constant 24 : i32
      %lt3A_65 = arith.cmpi slt, %scan3A_47, %lt3A_64 : i32
      %convert_element_type3A_66 = arith.extui %lt3A_65 : i1 to i32
      %cond3A_67 = arith.constant 0 : i32
      %cond3A_68 = arith.cmpi ne, %convert_element_type3A_66, %cond3A_67 : i32
      scf.if %cond3A_68 {
        %add3A_96 = arith.addi %multiple_of3A, %multiple_of3A_54 : i32
        %add3A_97 = arith.constant 80 : i32
        %add3A_98 = arith.addi %add3A_96, %add3A_97 : i32
        %dma_start3A_99 = tpu.memref_slice %arg2[%add3A_98] : memref<320000xi32, #tpu.memory_space<hbm>> -> memref<80xi32, #tpu.memory_space<hbm>>
        %dma_start3A_100 = tpu.memref_slice %arg2[%add3A_98] : memref<320000xi32, #tpu.memory_space<hbm>> -> memref<80xi32, #tpu.memory_space<hbm>>
        tpu.enqueue_dma source(%dma_start3A_100 : memref<80xi32, #tpu.memory_space<hbm>>) target(%arg7 : memref<80xi32, #tpu.memory_space<vmem>>) target_semaphore(%arg14 : memref<!tpu.dma_semaphore, #tpu.memory_space<semaphore_mem>>)
      } else {
      }
      %dma_wait3A_69 = arith.constant 0 : i32
      %dma_wait3A_70 = tpu.memref_slice %arg2[%dma_wait3A_69] : memref<320000xi32, #tpu.memory_space<hbm>> -> memref<80xi32, #tpu.memory_space<hbm>>
      %dma_wait3A_71 = arith.constant 0 : i32
      %dma_wait3A_72 = tpu.memref_slice %arg2[%dma_wait3A_71] : memref<320000xi32, #tpu.memory_space<hbm>> -> memref<80xi32, #tpu.memory_space<hbm>>
      tpu.wait_dma2 semaphore(%arg15 : memref<!tpu.dma_semaphore, #tpu.memory_space<semaphore_mem>>) src(%dma_wait3A_72 : memref<80xi32, #tpu.memory_space<hbm>>) dst(%arg8 : memref<80xi32, #tpu.memory_space<vmem>>)
      "tpu.region"() ({
        %run_scoped3A = tpu.sem_alloc : memref<!tpu.dma_semaphore, #tpu.memory_space<semaphore_mem>>
        %dma_start3A_96 = arith.constant 0 : i32
        %dma_start3A_97 = tpu.memref_slice %arg12[%dma_start3A_96] : memref<10240xf32, #tpu.memory_space<vmem_shared>> -> memref<10240xf32, #tpu.memory_space<vmem_shared>>
        tpu.enqueue_indirect_dma source(%arg11 : memref<80xf32, #tpu.memory_space<vmem>>) target(%dma_start3A_97 : memref<10240xf32, #tpu.memory_space<vmem_shared>>) offsets(%arg8 : memref<80xi32, #tpu.memory_space<vmem>>) semaphore(%run_scoped3A : memref<!tpu.dma_semaphore, #tpu.memory_space<semaphore_mem>>) {add = true}
        %dma_wait3A_98 = arith.constant 0 : i32
        %dma_wait3A_99 = tpu.memref_slice %arg12[%dma_wait3A_98] : memref<10240xf32, #tpu.memory_space<vmem_shared>> -> memref<10240xf32, #tpu.memory_space<vmem_shared>>
        tpu.wait_indirect_dma semaphore(%run_scoped3A : memref<!tpu.dma_semaphore, #tpu.memory_space<semaphore_mem>>) src(%arg11 : memref<80xf32, #tpu.memory_space<vmem>>) dst(%dma_wait3A_99 : memref<10240xf32, #tpu.memory_space<vmem_shared>>)
        tpu.yield
      }) : () -> ()
      %lt3A_73 = arith.constant 24 : i32
      %lt3A_74 = arith.cmpi slt, %scan3A_47, %lt3A_73 : i32
      %convert_element_type3A_75 = arith.extui %lt3A_74 : i1 to i32
      %cond3A_76 = arith.constant 0 : i32
      %cond3A_77 = arith.cmpi ne, %convert_element_type3A_75, %cond3A_76 : i32
      scf.if %cond3A_77 {
        %add3A_96 = arith.addi %multiple_of3A, %multiple_of3A_54 : i32
        %add3A_97 = arith.constant 160 : i32
        %add3A_98 = arith.addi %add3A_96, %add3A_97 : i32
        %dma_start3A_99 = tpu.memref_slice %arg2[%add3A_98] : memref<320000xi32, #tpu.memory_space<hbm>> -> memref<80xi32, #tpu.memory_space<hbm>>
        %dma_start3A_100 = tpu.memref_slice %arg2[%add3A_98] : memref<320000xi32, #tpu.memory_space<hbm>> -> memref<80xi32, #tpu.memory_space<hbm>>
        tpu.enqueue_dma source(%dma_start3A_100 : memref<80xi32, #tpu.memory_space<hbm>>) target(%arg8 : memref<80xi32, #tpu.memory_space<vmem>>) target_semaphore(%arg15 : memref<!tpu.dma_semaphore, #tpu.memory_space<semaphore_mem>>)
      } else {
      }
      %dma_wait3A_78 = arith.constant 0 : i32
      %dma_wait3A_79 = tpu.memref_slice %arg2[%dma_wait3A_78] : memref<320000xi32, #tpu.memory_space<hbm>> -> memref<80xi32, #tpu.memory_space<hbm>>
      %dma_wait3A_80 = arith.constant 0 : i32
      %dma_wait3A_81 = tpu.memref_slice %arg2[%dma_wait3A_80] : memref<320000xi32, #tpu.memory_space<hbm>> -> memref<80xi32, #tpu.memory_space<hbm>>
      tpu.wait_dma2 semaphore(%arg16 : memref<!tpu.dma_semaphore, #tpu.memory_space<semaphore_mem>>) src(%dma_wait3A_81 : memref<80xi32, #tpu.memory_space<hbm>>) dst(%arg9 : memref<80xi32, #tpu.memory_space<vmem>>)
      "tpu.region"() ({
        %run_scoped3A = tpu.sem_alloc : memref<!tpu.dma_semaphore, #tpu.memory_space<semaphore_mem>>
        %dma_start3A_96 = arith.constant 0 : i32
        %dma_start3A_97 = tpu.memref_slice %arg12[%dma_start3A_96] : memref<10240xf32, #tpu.memory_space<vmem_shared>> -> memref<10240xf32, #tpu.memory_space<vmem_shared>>
        tpu.enqueue_indirect_dma source(%arg11 : memref<80xf32, #tpu.memory_space<vmem>>) target(%dma_start3A_97 : memref<10240xf32, #tpu.memory_space<vmem_shared>>) offsets(%arg9 : memref<80xi32, #tpu.memory_space<vmem>>) semaphore(%run_scoped3A : memref<!tpu.dma_semaphore, #tpu.memory_space<semaphore_mem>>) {add = true}
        %dma_wait3A_98 = arith.constant 0 : i32
        %dma_wait3A_99 = tpu.memref_slice %arg12[%dma_wait3A_98] : memref<10240xf32, #tpu.memory_space<vmem_shared>> -> memref<10240xf32, #tpu.memory_space<vmem_shared>>
        tpu.wait_indirect_dma semaphore(%run_scoped3A : memref<!tpu.dma_semaphore, #tpu.memory_space<semaphore_mem>>) src(%arg11 : memref<80xf32, #tpu.memory_space<vmem>>) dst(%dma_wait3A_99 : memref<10240xf32, #tpu.memory_space<vmem_shared>>)
        tpu.yield
      }) : () -> ()
      %lt3A_82 = arith.constant 24 : i32
      %lt3A_83 = arith.cmpi slt, %scan3A_47, %lt3A_82 : i32
      %convert_element_type3A_84 = arith.extui %lt3A_83 : i1 to i32
      %cond3A_85 = arith.constant 0 : i32
      %cond3A_86 = arith.cmpi ne, %convert_element_type3A_84, %cond3A_85 : i32
      scf.if %cond3A_86 {
        %add3A_96 = arith.addi %multiple_of3A, %multiple_of3A_54 : i32
        %add3A_97 = arith.constant 240 : i32
        %add3A_98 = arith.addi %add3A_96, %add3A_97 : i32
        %dma_start3A_99 = tpu.memref_slice %arg2[%add3A_98] : memref<320000xi32, #tpu.memory_space<hbm>> -> memref<80xi32, #tpu.memory_space<hbm>>
        %dma_start3A_100 = tpu.memref_slice %arg2[%add3A_98] : memref<320000xi32, #tpu.memory_space<hbm>> -> memref<80xi32, #tpu.memory_space<hbm>>
        tpu.enqueue_dma source(%dma_start3A_100 : memref<80xi32, #tpu.memory_space<hbm>>) target(%arg9 : memref<80xi32, #tpu.memory_space<vmem>>) target_semaphore(%arg16 : memref<!tpu.dma_semaphore, #tpu.memory_space<semaphore_mem>>)
      } else {
      }
      %dma_wait3A_87 = arith.constant 0 : i32
      %dma_wait3A_88 = tpu.memref_slice %arg2[%dma_wait3A_87] : memref<320000xi32, #tpu.memory_space<hbm>> -> memref<80xi32, #tpu.memory_space<hbm>>
      %dma_wait3A_89 = arith.constant 0 : i32
      %dma_wait3A_90 = tpu.memref_slice %arg2[%dma_wait3A_89] : memref<320000xi32, #tpu.memory_space<hbm>> -> memref<80xi32, #tpu.memory_space<hbm>>
      tpu.wait_dma2 semaphore(%arg17 : memref<!tpu.dma_semaphore, #tpu.memory_space<semaphore_mem>>) src(%dma_wait3A_90 : memref<80xi32, #tpu.memory_space<hbm>>) dst(%arg10 : memref<80xi32, #tpu.memory_space<vmem>>)
      "tpu.region"() ({
        %run_scoped3A = tpu.sem_alloc : memref<!tpu.dma_semaphore, #tpu.memory_space<semaphore_mem>>
        %dma_start3A_96 = arith.constant 0 : i32
        %dma_start3A_97 = tpu.memref_slice %arg12[%dma_start3A_96] : memref<10240xf32, #tpu.memory_space<vmem_shared>> -> memref<10240xf32, #tpu.memory_space<vmem_shared>>
        tpu.enqueue_indirect_dma source(%arg11 : memref<80xf32, #tpu.memory_space<vmem>>) target(%dma_start3A_97 : memref<10240xf32, #tpu.memory_space<vmem_shared>>) offsets(%arg10 : memref<80xi32, #tpu.memory_space<vmem>>) semaphore(%run_scoped3A : memref<!tpu.dma_semaphore, #tpu.memory_space<semaphore_mem>>) {add = true}
        %dma_wait3A_98 = arith.constant 0 : i32
        %dma_wait3A_99 = tpu.memref_slice %arg12[%dma_wait3A_98] : memref<10240xf32, #tpu.memory_space<vmem_shared>> -> memref<10240xf32, #tpu.memory_space<vmem_shared>>
        tpu.wait_indirect_dma semaphore(%run_scoped3A : memref<!tpu.dma_semaphore, #tpu.memory_space<semaphore_mem>>) src(%arg11 : memref<80xf32, #tpu.memory_space<vmem>>) dst(%dma_wait3A_99 : memref<10240xf32, #tpu.memory_space<vmem_shared>>)
        tpu.yield
      }) : () -> ()
      %lt3A_91 = arith.constant 24 : i32
      %lt3A_92 = arith.cmpi slt, %scan3A_47, %lt3A_91 : i32
      %convert_element_type3A_93 = arith.extui %lt3A_92 : i1 to i32
      %cond3A_94 = arith.constant 0 : i32
      %cond3A_95 = arith.cmpi ne, %convert_element_type3A_93, %cond3A_94 : i32
      scf.if %cond3A_95 {
        %add3A_96 = arith.addi %multiple_of3A, %multiple_of3A_54 : i32
        %add3A_97 = arith.constant 320 : i32
        %add3A_98 = arith.addi %add3A_96, %add3A_97 : i32
        %dma_start3A_99 = tpu.memref_slice %arg2[%add3A_98] : memref<320000xi32, #tpu.memory_space<hbm>> -> memref<80xi32, #tpu.memory_space<hbm>>
        %dma_start3A_100 = tpu.memref_slice %arg2[%add3A_98] : memref<320000xi32, #tpu.memory_space<hbm>> -> memref<80xi32, #tpu.memory_space<hbm>>
        tpu.enqueue_dma source(%dma_start3A_100 : memref<80xi32, #tpu.memory_space<hbm>>) target(%arg10 : memref<80xi32, #tpu.memory_space<vmem>>) target_semaphore(%arg17 : memref<!tpu.dma_semaphore, #tpu.memory_space<semaphore_mem>>)
      } else {
      }
    }
    %scan3A_38 = arith.constant 25 : i32
    %barrier3A_39 = arith.constant 0 : index
    tpu.barrier barrier_id(%barrier3A_39)
    %mul3A_40 = arith.constant 10240 : i32
    %mul3A_41 = arith.muli %arg0, %mul3A_40 : i32
    %mul3A_42 = arith.constant 640 : i32
    %mul3A_43 = arith.muli %arg1, %mul3A_42 : i32
    %add3A_44 = arith.addi %mul3A_41, %mul3A_43 : i32
    %mul3A_45 = arith.constant 640 : i32
    %mul3A_46 = arith.muli %arg1, %mul3A_45 : i32
    "tpu.region"() ({
      %run_scoped3A = tpu.sem_alloc : memref<!tpu.dma_semaphore, #tpu.memory_space<semaphore_mem>>
      %dma_start3A_47 = tpu.memref_slice %arg5[%add3A_44] : memref<20480xf32, #tpu.memory_space<hbm>> -> memref<640xf32, #tpu.memory_space<hbm>>
      %dma_start3A_48 = tpu.memref_slice %arg12[%mul3A_46] : memref<10240xf32, #tpu.memory_space<vmem_shared>> -> memref<640xf32, #tpu.memory_space<vmem_shared>>
      tpu.enqueue_dma source(%dma_start3A_48 : memref<640xf32, #tpu.memory_space<vmem_shared>>) target(%dma_start3A_47 : memref<640xf32, #tpu.memory_space<hbm>>) target_semaphore(%run_scoped3A : memref<!tpu.dma_semaphore, #tpu.memory_space<semaphore_mem>>)
      %dma_wait3A = tpu.memref_slice %arg5[%add3A_44] : memref<20480xf32, #tpu.memory_space<hbm>> -> memref<640xf32, #tpu.memory_space<hbm>>
      %dma_wait3A_49 = tpu.memref_slice %arg12[%mul3A_46] : memref<10240xf32, #tpu.memory_space<vmem_shared>> -> memref<640xf32, #tpu.memory_space<vmem_shared>>
      tpu.wait_dma2 semaphore(%run_scoped3A : memref<!tpu.dma_semaphore, #tpu.memory_space<semaphore_mem>>) src(%dma_wait3A_49 : memref<640xf32, #tpu.memory_space<vmem_shared>>) dst(%dma_wait3A : memref<640xf32, #tpu.memory_space<hbm>>)
      tpu.yield
    }) : () -> ()
    return
  }
}

#map = affine_map<(d0, d1) -> (0)>
#map1 = affine_map<(d0, d1) -> (0, 0)>
module attributes {stable_mosaic.version = 14 : i64} {
  func.func @_prop_body(%arg0: i32, %arg1: i32, %arg2: memref<320000xi32, #tpu.memory_space<hbm>>, %arg3: memref<320000xi32, #tpu.memory_space<hbm>>, %arg4: memref<10240x128xf32, #tpu.memory_space<hbm>>, %arg5: memref<640x128xf32, #tpu.memory_space<hbm>>, %arg6: memref<20480x128xf32, #tpu.memory_space<hbm>>, %arg7: memref<40xi32, #tpu.memory_space<vmem>>, %arg8: memref<40xi32, #tpu.memory_space<vmem>>, %arg9: memref<40xi32, #tpu.memory_space<vmem>>, %arg10: memref<40xi32, #tpu.memory_space<vmem>>, %arg11: memref<40xi32, #tpu.memory_space<vmem>>, %arg12: memref<40x128xf32, #tpu.memory_space<vmem>>, %arg13: memref<40x128xf32, #tpu.memory_space<vmem>>, %arg14: memref<40x128xf32, #tpu.memory_space<vmem>>, %arg15: memref<40x128xf32, #tpu.memory_space<vmem>>, %arg16: memref<40x128xf32, #tpu.memory_space<vmem>>, %arg17: memref<10000xi32, #tpu.memory_space<vmem>>, %arg18: memref<10240x128xf32, #tpu.memory_space<vmem_shared>>, %arg19: memref<!tpu.dma_semaphore, #tpu.memory_space<semaphore_mem>>, %arg20: memref<!tpu.dma_semaphore, #tpu.memory_space<semaphore_mem>>, %arg21: memref<!tpu.dma_semaphore, #tpu.memory_space<semaphore_mem>>, %arg22: memref<!tpu.dma_semaphore, #tpu.memory_space<semaphore_mem>>, %arg23: memref<!tpu.dma_semaphore, #tpu.memory_space<semaphore_mem>>, %arg24: memref<!tpu.dma_semaphore, #tpu.memory_space<semaphore_mem>>, %arg25: memref<!tpu.dma_semaphore, #tpu.memory_space<semaphore_mem>>, %arg26: memref<!tpu.dma_semaphore, #tpu.memory_space<semaphore_mem>>, %arg27: memref<!tpu.dma_semaphore, #tpu.memory_space<semaphore_mem>>, %arg28: memref<!tpu.dma_semaphore, #tpu.memory_space<semaphore_mem>>) attributes {dimension_semantics = [#tpu.dimension_semantics<core_parallel>, #tpu.dimension_semantics<subcore_parallel>], iteration_bounds = array<i64: 2, 16>, scalar_prefetch = 0 : i64, scratch_operands = 22 : i64, tpu.core_type = #tpu.core_type<sc_vector_subcore>, window_params = [{transform_indices = #map}, {transform_indices = #map}, {transform_indices = #map1}, {transform_indices = #map1}, {transform_indices = #map1}]} {
    %mul3A = arith.constant 16 : i32
    %mul3A_0 = arith.muli %arg0, %mul3A : i32
    %add3A = arith.addi %mul3A_0, %arg1 : i32
    %mul3A_1 = arith.constant 10000 : i32
    %mul3A_2 = arith.muli %add3A, %mul3A_1 : i32
    %multiple_of3A = tpu.assume_multiple %mul3A_2, 10000 : i32
    %mul3A_3 = arith.constant 640 : i32
    %mul3A_4 = arith.muli %arg1, %mul3A_3 : i32
    "tpu.region"() ({
      %run_scoped3A = tpu.sem_alloc : memref<!tpu.dma_semaphore, #tpu.memory_space<semaphore_mem>>
      %dma_start3A_72 = arith.constant 0 : i32
      %dma_start3A_73 = tpu.memref_slice %arg18[%mul3A_4, %dma_start3A_72] : memref<10240x128xf32, #tpu.memory_space<vmem_shared>> -> memref<640x128xf32, #tpu.memory_space<vmem_shared>>
      tpu.enqueue_dma source(%arg5 : memref<640x128xf32, #tpu.memory_space<hbm>>) target(%dma_start3A_73 : memref<640x128xf32, #tpu.memory_space<vmem_shared>>) target_semaphore(%run_scoped3A : memref<!tpu.dma_semaphore, #tpu.memory_space<semaphore_mem>>)
      %dma_wait3A = arith.constant 0 : i32
      %dma_wait3A_74 = tpu.memref_slice %arg18[%mul3A_4, %dma_wait3A] : memref<10240x128xf32, #tpu.memory_space<vmem_shared>> -> memref<640x128xf32, #tpu.memory_space<vmem_shared>>
      tpu.wait_dma2 semaphore(%run_scoped3A : memref<!tpu.dma_semaphore, #tpu.memory_space<semaphore_mem>>) src(%arg5 : memref<640x128xf32, #tpu.memory_space<hbm>>) dst(%dma_wait3A_74 : memref<640x128xf32, #tpu.memory_space<vmem_shared>>)
      tpu.yield
    }) : () -> ()
    "tpu.region"() ({
      %run_scoped3A = tpu.sem_alloc : memref<!tpu.dma_semaphore, #tpu.memory_space<semaphore_mem>>
      %dma_start3A_72 = tpu.memref_slice %arg2[%multiple_of3A] : memref<320000xi32, #tpu.memory_space<hbm>> -> memref<10000xi32, #tpu.memory_space<hbm>>
      %dma_start3A_73 = tpu.memref_slice %arg2[%multiple_of3A] : memref<320000xi32, #tpu.memory_space<hbm>> -> memref<10000xi32, #tpu.memory_space<hbm>>
      tpu.enqueue_dma source(%dma_start3A_73 : memref<10000xi32, #tpu.memory_space<hbm>>) target(%arg17 : memref<10000xi32, #tpu.memory_space<vmem>>) target_semaphore(%run_scoped3A : memref<!tpu.dma_semaphore, #tpu.memory_space<semaphore_mem>>)
      %dma_wait3A = tpu.memref_slice %arg2[%multiple_of3A] : memref<320000xi32, #tpu.memory_space<hbm>> -> memref<10000xi32, #tpu.memory_space<hbm>>
      %dma_wait3A_74 = tpu.memref_slice %arg2[%multiple_of3A] : memref<320000xi32, #tpu.memory_space<hbm>> -> memref<10000xi32, #tpu.memory_space<hbm>>
      tpu.wait_dma2 semaphore(%run_scoped3A : memref<!tpu.dma_semaphore, #tpu.memory_space<semaphore_mem>>) src(%dma_wait3A_74 : memref<10000xi32, #tpu.memory_space<hbm>>) dst(%arg17 : memref<10000xi32, #tpu.memory_space<vmem>>)
      tpu.yield
    }) : () -> ()
    %barrier3A = arith.constant 0 : index
    tpu.barrier barrier_id(%barrier3A)
    %add3A_5 = arith.constant 0 : i32
    %add3A_6 = arith.addi %multiple_of3A, %add3A_5 : i32
    %add3A_7 = arith.constant 0 : i32
    %add3A_8 = arith.addi %add3A_6, %add3A_7 : i32
    %dma_start3A = tpu.memref_slice %arg3[%add3A_8] : memref<320000xi32, #tpu.memory_space<hbm>> -> memref<40xi32, #tpu.memory_space<hbm>>
    %dma_start3A_9 = tpu.memref_slice %arg3[%add3A_8] : memref<320000xi32, #tpu.memory_space<hbm>> -> memref<40xi32, #tpu.memory_space<hbm>>
    tpu.enqueue_dma source(%dma_start3A_9 : memref<40xi32, #tpu.memory_space<hbm>>) target(%arg7 : memref<40xi32, #tpu.memory_space<vmem>>) target_semaphore(%arg24 : memref<!tpu.dma_semaphore, #tpu.memory_space<semaphore_mem>>)
    %dma_start3A_10 = arith.constant 0 : i32
    %dma_start3A_11 = tpu.memref_slice %arg17[%dma_start3A_10] : memref<10000xi32, #tpu.memory_space<vmem>> -> memref<40xi32, #tpu.memory_space<vmem>>
    %dma_start3A_12 = arith.constant 0 : i32
    %dma_start3A_13 = arith.constant 0 : i32
    %dma_start3A_14 = tpu.memref_slice %arg4[%dma_start3A_12, %dma_start3A_13] : memref<10240x128xf32, #tpu.memory_space<hbm>> -> memref<10240x128xf32, #tpu.memory_space<hbm>>
    tpu.enqueue_indirect_dma source(%dma_start3A_14 : memref<10240x128xf32, #tpu.memory_space<hbm>>) target(%arg12 : memref<40x128xf32, #tpu.memory_space<vmem>>) offsets(%dma_start3A_11 : memref<40xi32, #tpu.memory_space<vmem>>) semaphore(%arg19 : memref<!tpu.dma_semaphore, #tpu.memory_space<semaphore_mem>>)
    %add3A_15 = arith.constant 0 : i32
    %add3A_16 = arith.addi %multiple_of3A, %add3A_15 : i32
    %add3A_17 = arith.constant 40 : i32
    %add3A_18 = arith.addi %add3A_16, %add3A_17 : i32
    %dma_start3A_19 = tpu.memref_slice %arg3[%add3A_18] : memref<320000xi32, #tpu.memory_space<hbm>> -> memref<40xi32, #tpu.memory_space<hbm>>
    %dma_start3A_20 = tpu.memref_slice %arg3[%add3A_18] : memref<320000xi32, #tpu.memory_space<hbm>> -> memref<40xi32, #tpu.memory_space<hbm>>
    tpu.enqueue_dma source(%dma_start3A_20 : memref<40xi32, #tpu.memory_space<hbm>>) target(%arg8 : memref<40xi32, #tpu.memory_space<vmem>>) target_semaphore(%arg25 : memref<!tpu.dma_semaphore, #tpu.memory_space<semaphore_mem>>)
    %dma_start3A_21 = arith.constant 40 : i32
    %dma_start3A_22 = tpu.memref_slice %arg17[%dma_start3A_21] : memref<10000xi32, #tpu.memory_space<vmem>> -> memref<40xi32, #tpu.memory_space<vmem>>
    %dma_start3A_23 = arith.constant 0 : i32
    %dma_start3A_24 = arith.constant 0 : i32
    %dma_start3A_25 = tpu.memref_slice %arg4[%dma_start3A_23, %dma_start3A_24] : memref<10240x128xf32, #tpu.memory_space<hbm>> -> memref<10240x128xf32, #tpu.memory_space<hbm>>
    tpu.enqueue_indirect_dma source(%dma_start3A_25 : memref<10240x128xf32, #tpu.memory_space<hbm>>) target(%arg13 : memref<40x128xf32, #tpu.memory_space<vmem>>) offsets(%dma_start3A_22 : memref<40xi32, #tpu.memory_space<vmem>>) semaphore(%arg20 : memref<!tpu.dma_semaphore, #tpu.memory_space<semaphore_mem>>)
    %add3A_26 = arith.constant 0 : i32
    %add3A_27 = arith.addi %multiple_of3A, %add3A_26 : i32
    %add3A_28 = arith.constant 80 : i32
    %add3A_29 = arith.addi %add3A_27, %add3A_28 : i32
    %dma_start3A_30 = tpu.memref_slice %arg3[%add3A_29] : memref<320000xi32, #tpu.memory_space<hbm>> -> memref<40xi32, #tpu.memory_space<hbm>>
    %dma_start3A_31 = tpu.memref_slice %arg3[%add3A_29] : memref<320000xi32, #tpu.memory_space<hbm>> -> memref<40xi32, #tpu.memory_space<hbm>>
    tpu.enqueue_dma source(%dma_start3A_31 : memref<40xi32, #tpu.memory_space<hbm>>) target(%arg9 : memref<40xi32, #tpu.memory_space<vmem>>) target_semaphore(%arg26 : memref<!tpu.dma_semaphore, #tpu.memory_space<semaphore_mem>>)
    %dma_start3A_32 = arith.constant 80 : i32
    %dma_start3A_33 = tpu.memref_slice %arg17[%dma_start3A_32] : memref<10000xi32, #tpu.memory_space<vmem>> -> memref<40xi32, #tpu.memory_space<vmem>>
    %dma_start3A_34 = arith.constant 0 : i32
    %dma_start3A_35 = arith.constant 0 : i32
    %dma_start3A_36 = tpu.memref_slice %arg4[%dma_start3A_34, %dma_start3A_35] : memref<10240x128xf32, #tpu.memory_space<hbm>> -> memref<10240x128xf32, #tpu.memory_space<hbm>>
    tpu.enqueue_indirect_dma source(%dma_start3A_36 : memref<10240x128xf32, #tpu.memory_space<hbm>>) target(%arg14 : memref<40x128xf32, #tpu.memory_space<vmem>>) offsets(%dma_start3A_33 : memref<40xi32, #tpu.memory_space<vmem>>) semaphore(%arg21 : memref<!tpu.dma_semaphore, #tpu.memory_space<semaphore_mem>>)
    %add3A_37 = arith.constant 0 : i32
    %add3A_38 = arith.addi %multiple_of3A, %add3A_37 : i32
    %add3A_39 = arith.constant 120 : i32
    %add3A_40 = arith.addi %add3A_38, %add3A_39 : i32
    %dma_start3A_41 = tpu.memref_slice %arg3[%add3A_40] : memref<320000xi32, #tpu.memory_space<hbm>> -> memref<40xi32, #tpu.memory_space<hbm>>
    %dma_start3A_42 = tpu.memref_slice %arg3[%add3A_40] : memref<320000xi32, #tpu.memory_space<hbm>> -> memref<40xi32, #tpu.memory_space<hbm>>
    tpu.enqueue_dma source(%dma_start3A_42 : memref<40xi32, #tpu.memory_space<hbm>>) target(%arg10 : memref<40xi32, #tpu.memory_space<vmem>>) target_semaphore(%arg27 : memref<!tpu.dma_semaphore, #tpu.memory_space<semaphore_mem>>)
    %dma_start3A_43 = arith.constant 120 : i32
    %dma_start3A_44 = tpu.memref_slice %arg17[%dma_start3A_43] : memref<10000xi32, #tpu.memory_space<vmem>> -> memref<40xi32, #tpu.memory_space<vmem>>
    %dma_start3A_45 = arith.constant 0 : i32
    %dma_start3A_46 = arith.constant 0 : i32
    %dma_start3A_47 = tpu.memref_slice %arg4[%dma_start3A_45, %dma_start3A_46] : memref<10240x128xf32, #tpu.memory_space<hbm>> -> memref<10240x128xf32, #tpu.memory_space<hbm>>
    tpu.enqueue_indirect_dma source(%dma_start3A_47 : memref<10240x128xf32, #tpu.memory_space<hbm>>) target(%arg15 : memref<40x128xf32, #tpu.memory_space<vmem>>) offsets(%dma_start3A_44 : memref<40xi32, #tpu.memory_space<vmem>>) semaphore(%arg22 : memref<!tpu.dma_semaphore, #tpu.memory_space<semaphore_mem>>)
    %add3A_48 = arith.constant 0 : i32
    %add3A_49 = arith.addi %multiple_of3A, %add3A_48 : i32
    %add3A_50 = arith.constant 160 : i32
    %add3A_51 = arith.addi %add3A_49, %add3A_50 : i32
    %dma_start3A_52 = tpu.memref_slice %arg3[%add3A_51] : memref<320000xi32, #tpu.memory_space<hbm>> -> memref<40xi32, #tpu.memory_space<hbm>>
    %dma_start3A_53 = tpu.memref_slice %arg3[%add3A_51] : memref<320000xi32, #tpu.memory_space<hbm>> -> memref<40xi32, #tpu.memory_space<hbm>>
    tpu.enqueue_dma source(%dma_start3A_53 : memref<40xi32, #tpu.memory_space<hbm>>) target(%arg11 : memref<40xi32, #tpu.memory_space<vmem>>) target_semaphore(%arg28 : memref<!tpu.dma_semaphore, #tpu.memory_space<semaphore_mem>>)
    %dma_start3A_54 = arith.constant 160 : i32
    %dma_start3A_55 = tpu.memref_slice %arg17[%dma_start3A_54] : memref<10000xi32, #tpu.memory_space<vmem>> -> memref<40xi32, #tpu.memory_space<vmem>>
    %dma_start3A_56 = arith.constant 0 : i32
    %dma_start3A_57 = arith.constant 0 : i32
    %dma_start3A_58 = tpu.memref_slice %arg4[%dma_start3A_56, %dma_start3A_57] : memref<10240x128xf32, #tpu.memory_space<hbm>> -> memref<10240x128xf32, #tpu.memory_space<hbm>>
    tpu.enqueue_indirect_dma source(%dma_start3A_58 : memref<10240x128xf32, #tpu.memory_space<hbm>>) target(%arg16 : memref<40x128xf32, #tpu.memory_space<vmem>>) offsets(%dma_start3A_55 : memref<40xi32, #tpu.memory_space<vmem>>) semaphore(%arg23 : memref<!tpu.dma_semaphore, #tpu.memory_space<semaphore_mem>>)
    %scan3A = arith.constant 0 : i32
    %scan3A_59 = arith.constant 0 : i32
    %scan3A_60 = arith.constant 50 : i32
    %scan3A_61 = arith.addi %scan3A_59, %scan3A_60 : i32
    %scan3A_62 = arith.constant 1 : i32
    scf.for %scan3A_72 = %scan3A_59 to %scan3A_61 step %scan3A_62  : i32 {
      %add3A_73 = arith.constant 1 : i32
      %add3A_74 = arith.addi %scan3A_72, %add3A_73 : i32
      %mul3A_75 = arith.constant 5 : i32
      %mul3A_76 = arith.muli %add3A_74, %mul3A_75 : i32
      %mul3A_77 = arith.constant 40 : i32
      %mul3A_78 = arith.muli %mul3A_76, %mul3A_77 : i32
      %multiple_of3A_79 = tpu.assume_multiple %mul3A_78, 200 : i32
      %dma_wait3A = arith.constant 0 : i32
      %dma_wait3A_80 = tpu.memref_slice %arg3[%dma_wait3A] : memref<320000xi32, #tpu.memory_space<hbm>> -> memref<40xi32, #tpu.memory_space<hbm>>
      %dma_wait3A_81 = arith.constant 0 : i32
      %dma_wait3A_82 = tpu.memref_slice %arg3[%dma_wait3A_81] : memref<320000xi32, #tpu.memory_space<hbm>> -> memref<40xi32, #tpu.memory_space<hbm>>
      tpu.wait_dma2 semaphore(%arg24 : memref<!tpu.dma_semaphore, #tpu.memory_space<semaphore_mem>>) src(%dma_wait3A_82 : memref<40xi32, #tpu.memory_space<hbm>>) dst(%arg7 : memref<40xi32, #tpu.memory_space<vmem>>)
      %dma_wait3A_83 = arith.constant 0 : i32
      %dma_wait3A_84 = arith.constant 0 : i32
      %dma_wait3A_85 = tpu.memref_slice %arg4[%dma_wait3A_83, %dma_wait3A_84] : memref<10240x128xf32, #tpu.memory_space<hbm>> -> memref<40x128xf32, #tpu.memory_space<hbm>>
      %dma_wait3A_86 = arith.constant 0 : i32
      %dma_wait3A_87 = arith.constant 0 : i32
      %dma_wait3A_88 = tpu.memref_slice %arg4[%dma_wait3A_86, %dma_wait3A_87] : memref<10240x128xf32, #tpu.memory_space<hbm>> -> memref<40x128xf32, #tpu.memory_space<hbm>>
      tpu.wait_dma2 semaphore(%arg19 : memref<!tpu.dma_semaphore, #tpu.memory_space<semaphore_mem>>) src(%dma_wait3A_88 : memref<40x128xf32, #tpu.memory_space<hbm>>) dst(%arg12 : memref<40x128xf32, #tpu.memory_space<vmem>>)
      "tpu.region"() ({
        %run_scoped3A = tpu.sem_alloc : memref<!tpu.dma_semaphore, #tpu.memory_space<semaphore_mem>>
        %dma_start3A_151 = arith.constant 0 : i32
        %dma_start3A_152 = arith.constant 0 : i32
        %dma_start3A_153 = tpu.memref_slice %arg18[%dma_start3A_151, %dma_start3A_152] : memref<10240x128xf32, #tpu.memory_space<vmem_shared>> -> memref<10240x128xf32, #tpu.memory_space<vmem_shared>>
        tpu.enqueue_indirect_dma source(%arg12 : memref<40x128xf32, #tpu.memory_space<vmem>>) target(%dma_start3A_153 : memref<10240x128xf32, #tpu.memory_space<vmem_shared>>) offsets(%arg7 : memref<40xi32, #tpu.memory_space<vmem>>) semaphore(%run_scoped3A : memref<!tpu.dma_semaphore, #tpu.memory_space<semaphore_mem>>) {add = true}
        %dma_wait3A_154 = arith.constant 0 : i32
        %dma_wait3A_155 = arith.constant 0 : i32
        %dma_wait3A_156 = tpu.memref_slice %arg18[%dma_wait3A_154, %dma_wait3A_155] : memref<10240x128xf32, #tpu.memory_space<vmem_shared>> -> memref<10240x128xf32, #tpu.memory_space<vmem_shared>>
        tpu.wait_indirect_dma semaphore(%run_scoped3A : memref<!tpu.dma_semaphore, #tpu.memory_space<semaphore_mem>>) src(%arg12 : memref<40x128xf32, #tpu.memory_space<vmem>>) dst(%dma_wait3A_156 : memref<10240x128xf32, #tpu.memory_space<vmem_shared>>)
        tpu.yield
      }) : () -> ()
      %lt3A = arith.constant 49 : i32
      %lt3A_89 = arith.cmpi slt, %scan3A_72, %lt3A : i32
      %convert_element_type3A = arith.extui %lt3A_89 : i1 to i32
      %cond3A = arith.constant 0 : i32
      %cond3A_90 = arith.cmpi ne, %convert_element_type3A, %cond3A : i32
      scf.if %cond3A_90 {
        %add3A_151 = arith.addi %multiple_of3A, %multiple_of3A_79 : i32
        %add3A_152 = arith.constant 0 : i32
        %add3A_153 = arith.addi %add3A_151, %add3A_152 : i32
        %dma_start3A_154 = tpu.memref_slice %arg3[%add3A_153] : memref<320000xi32, #tpu.memory_space<hbm>> -> memref<40xi32, #tpu.memory_space<hbm>>
        %dma_start3A_155 = tpu.memref_slice %arg3[%add3A_153] : memref<320000xi32, #tpu.memory_space<hbm>> -> memref<40xi32, #tpu.memory_space<hbm>>
        tpu.enqueue_dma source(%dma_start3A_155 : memref<40xi32, #tpu.memory_space<hbm>>) target(%arg7 : memref<40xi32, #tpu.memory_space<vmem>>) target_semaphore(%arg24 : memref<!tpu.dma_semaphore, #tpu.memory_space<semaphore_mem>>)
        %add3A_156 = arith.constant 0 : i32
        %add3A_157 = arith.addi %multiple_of3A_79, %add3A_156 : i32
        %dma_start3A_158 = tpu.memref_slice %arg17[%add3A_157] : memref<10000xi32, #tpu.memory_space<vmem>> -> memref<40xi32, #tpu.memory_space<vmem>>
        %dma_start3A_159 = arith.constant 0 : i32
        %dma_start3A_160 = arith.constant 0 : i32
        %dma_start3A_161 = tpu.memref_slice %arg4[%dma_start3A_159, %dma_start3A_160] : memref<10240x128xf32, #tpu.memory_space<hbm>> -> memref<10240x128xf32, #tpu.memory_space<hbm>>
        tpu.enqueue_indirect_dma source(%dma_start3A_161 : memref<10240x128xf32, #tpu.memory_space<hbm>>) target(%arg12 : memref<40x128xf32, #tpu.memory_space<vmem>>) offsets(%dma_start3A_158 : memref<40xi32, #tpu.memory_space<vmem>>) semaphore(%arg19 : memref<!tpu.dma_semaphore, #tpu.memory_space<semaphore_mem>>)
      } else {
      }
      %dma_wait3A_91 = arith.constant 0 : i32
      %dma_wait3A_92 = tpu.memref_slice %arg3[%dma_wait3A_91] : memref<320000xi32, #tpu.memory_space<hbm>> -> memref<40xi32, #tpu.memory_space<hbm>>
      %dma_wait3A_93 = arith.constant 0 : i32
      %dma_wait3A_94 = tpu.memref_slice %arg3[%dma_wait3A_93] : memref<320000xi32, #tpu.memory_space<hbm>> -> memref<40xi32, #tpu.memory_space<hbm>>
      tpu.wait_dma2 semaphore(%arg25 : memref<!tpu.dma_semaphore, #tpu.memory_space<semaphore_mem>>) src(%dma_wait3A_94 : memref<40xi32, #tpu.memory_space<hbm>>) dst(%arg8 : memref<40xi32, #tpu.memory_space<vmem>>)
      %dma_wait3A_95 = arith.constant 0 : i32
      %dma_wait3A_96 = arith.constant 0 : i32
      %dma_wait3A_97 = tpu.memref_slice %arg4[%dma_wait3A_95, %dma_wait3A_96] : memref<10240x128xf32, #tpu.memory_space<hbm>> -> memref<40x128xf32, #tpu.memory_space<hbm>>
      %dma_wait3A_98 = arith.constant 0 : i32
      %dma_wait3A_99 = arith.constant 0 : i32
      %dma_wait3A_100 = tpu.memref_slice %arg4[%dma_wait3A_98, %dma_wait3A_99] : memref<10240x128xf32, #tpu.memory_space<hbm>> -> memref<40x128xf32, #tpu.memory_space<hbm>>
      tpu.wait_dma2 semaphore(%arg20 : memref<!tpu.dma_semaphore, #tpu.memory_space<semaphore_mem>>) src(%dma_wait3A_100 : memref<40x128xf32, #tpu.memory_space<hbm>>) dst(%arg13 : memref<40x128xf32, #tpu.memory_space<vmem>>)
      "tpu.region"() ({
        %run_scoped3A = tpu.sem_alloc : memref<!tpu.dma_semaphore, #tpu.memory_space<semaphore_mem>>
        %dma_start3A_151 = arith.constant 0 : i32
        %dma_start3A_152 = arith.constant 0 : i32
        %dma_start3A_153 = tpu.memref_slice %arg18[%dma_start3A_151, %dma_start3A_152] : memref<10240x128xf32, #tpu.memory_space<vmem_shared>> -> memref<10240x128xf32, #tpu.memory_space<vmem_shared>>
        tpu.enqueue_indirect_dma source(%arg13 : memref<40x128xf32, #tpu.memory_space<vmem>>) target(%dma_start3A_153 : memref<10240x128xf32, #tpu.memory_space<vmem_shared>>) offsets(%arg8 : memref<40xi32, #tpu.memory_space<vmem>>) semaphore(%run_scoped3A : memref<!tpu.dma_semaphore, #tpu.memory_space<semaphore_mem>>) {add = true}
        %dma_wait3A_154 = arith.constant 0 : i32
        %dma_wait3A_155 = arith.constant 0 : i32
        %dma_wait3A_156 = tpu.memref_slice %arg18[%dma_wait3A_154, %dma_wait3A_155] : memref<10240x128xf32, #tpu.memory_space<vmem_shared>> -> memref<10240x128xf32, #tpu.memory_space<vmem_shared>>
        tpu.wait_indirect_dma semaphore(%run_scoped3A : memref<!tpu.dma_semaphore, #tpu.memory_space<semaphore_mem>>) src(%arg13 : memref<40x128xf32, #tpu.memory_space<vmem>>) dst(%dma_wait3A_156 : memref<10240x128xf32, #tpu.memory_space<vmem_shared>>)
        tpu.yield
      }) : () -> ()
      %lt3A_101 = arith.constant 49 : i32
      %lt3A_102 = arith.cmpi slt, %scan3A_72, %lt3A_101 : i32
      %convert_element_type3A_103 = arith.extui %lt3A_102 : i1 to i32
      %cond3A_104 = arith.constant 0 : i32
      %cond3A_105 = arith.cmpi ne, %convert_element_type3A_103, %cond3A_104 : i32
      scf.if %cond3A_105 {
        %add3A_151 = arith.addi %multiple_of3A, %multiple_of3A_79 : i32
        %add3A_152 = arith.constant 40 : i32
        %add3A_153 = arith.addi %add3A_151, %add3A_152 : i32
        %dma_start3A_154 = tpu.memref_slice %arg3[%add3A_153] : memref<320000xi32, #tpu.memory_space<hbm>> -> memref<40xi32, #tpu.memory_space<hbm>>
        %dma_start3A_155 = tpu.memref_slice %arg3[%add3A_153] : memref<320000xi32, #tpu.memory_space<hbm>> -> memref<40xi32, #tpu.memory_space<hbm>>
        tpu.enqueue_dma source(%dma_start3A_155 : memref<40xi32, #tpu.memory_space<hbm>>) target(%arg8 : memref<40xi32, #tpu.memory_space<vmem>>) target_semaphore(%arg25 : memref<!tpu.dma_semaphore, #tpu.memory_space<semaphore_mem>>)
        %add3A_156 = arith.constant 40 : i32
        %add3A_157 = arith.addi %multiple_of3A_79, %add3A_156 : i32
        %dma_start3A_158 = tpu.memref_slice %arg17[%add3A_157] : memref<10000xi32, #tpu.memory_space<vmem>> -> memref<40xi32, #tpu.memory_space<vmem>>
        %dma_start3A_159 = arith.constant 0 : i32
        %dma_start3A_160 = arith.constant 0 : i32
        %dma_start3A_161 = tpu.memref_slice %arg4[%dma_start3A_159, %dma_start3A_160] : memref<10240x128xf32, #tpu.memory_space<hbm>> -> memref<10240x128xf32, #tpu.memory_space<hbm>>
        tpu.enqueue_indirect_dma source(%dma_start3A_161 : memref<10240x128xf32, #tpu.memory_space<hbm>>) target(%arg13 : memref<40x128xf32, #tpu.memory_space<vmem>>) offsets(%dma_start3A_158 : memref<40xi32, #tpu.memory_space<vmem>>) semaphore(%arg20 : memref<!tpu.dma_semaphore, #tpu.memory_space<semaphore_mem>>)
      } else {
      }
      %dma_wait3A_106 = arith.constant 0 : i32
      %dma_wait3A_107 = tpu.memref_slice %arg3[%dma_wait3A_106] : memref<320000xi32, #tpu.memory_space<hbm>> -> memref<40xi32, #tpu.memory_space<hbm>>
      %dma_wait3A_108 = arith.constant 0 : i32
      %dma_wait3A_109 = tpu.memref_slice %arg3[%dma_wait3A_108] : memref<320000xi32, #tpu.memory_space<hbm>> -> memref<40xi32, #tpu.memory_space<hbm>>
      tpu.wait_dma2 semaphore(%arg26 : memref<!tpu.dma_semaphore, #tpu.memory_space<semaphore_mem>>) src(%dma_wait3A_109 : memref<40xi32, #tpu.memory_space<hbm>>) dst(%arg9 : memref<40xi32, #tpu.memory_space<vmem>>)
      %dma_wait3A_110 = arith.constant 0 : i32
      %dma_wait3A_111 = arith.constant 0 : i32
      %dma_wait3A_112 = tpu.memref_slice %arg4[%dma_wait3A_110, %dma_wait3A_111] : memref<10240x128xf32, #tpu.memory_space<hbm>> -> memref<40x128xf32, #tpu.memory_space<hbm>>
      %dma_wait3A_113 = arith.constant 0 : i32
      %dma_wait3A_114 = arith.constant 0 : i32
      %dma_wait3A_115 = tpu.memref_slice %arg4[%dma_wait3A_113, %dma_wait3A_114] : memref<10240x128xf32, #tpu.memory_space<hbm>> -> memref<40x128xf32, #tpu.memory_space<hbm>>
      tpu.wait_dma2 semaphore(%arg21 : memref<!tpu.dma_semaphore, #tpu.memory_space<semaphore_mem>>) src(%dma_wait3A_115 : memref<40x128xf32, #tpu.memory_space<hbm>>) dst(%arg14 : memref<40x128xf32, #tpu.memory_space<vmem>>)
      "tpu.region"() ({
        %run_scoped3A = tpu.sem_alloc : memref<!tpu.dma_semaphore, #tpu.memory_space<semaphore_mem>>
        %dma_start3A_151 = arith.constant 0 : i32
        %dma_start3A_152 = arith.constant 0 : i32
        %dma_start3A_153 = tpu.memref_slice %arg18[%dma_start3A_151, %dma_start3A_152] : memref<10240x128xf32, #tpu.memory_space<vmem_shared>> -> memref<10240x128xf32, #tpu.memory_space<vmem_shared>>
        tpu.enqueue_indirect_dma source(%arg14 : memref<40x128xf32, #tpu.memory_space<vmem>>) target(%dma_start3A_153 : memref<10240x128xf32, #tpu.memory_space<vmem_shared>>) offsets(%arg9 : memref<40xi32, #tpu.memory_space<vmem>>) semaphore(%run_scoped3A : memref<!tpu.dma_semaphore, #tpu.memory_space<semaphore_mem>>) {add = true}
        %dma_wait3A_154 = arith.constant 0 : i32
        %dma_wait3A_155 = arith.constant 0 : i32
        %dma_wait3A_156 = tpu.memref_slice %arg18[%dma_wait3A_154, %dma_wait3A_155] : memref<10240x128xf32, #tpu.memory_space<vmem_shared>> -> memref<10240x128xf32, #tpu.memory_space<vmem_shared>>
        tpu.wait_indirect_dma semaphore(%run_scoped3A : memref<!tpu.dma_semaphore, #tpu.memory_space<semaphore_mem>>) src(%arg14 : memref<40x128xf32, #tpu.memory_space<vmem>>) dst(%dma_wait3A_156 : memref<10240x128xf32, #tpu.memory_space<vmem_shared>>)
        tpu.yield
      }) : () -> ()
      %lt3A_116 = arith.constant 49 : i32
      %lt3A_117 = arith.cmpi slt, %scan3A_72, %lt3A_116 : i32
      %convert_element_type3A_118 = arith.extui %lt3A_117 : i1 to i32
      %cond3A_119 = arith.constant 0 : i32
      %cond3A_120 = arith.cmpi ne, %convert_element_type3A_118, %cond3A_119 : i32
      scf.if %cond3A_120 {
        %add3A_151 = arith.addi %multiple_of3A, %multiple_of3A_79 : i32
        %add3A_152 = arith.constant 80 : i32
        %add3A_153 = arith.addi %add3A_151, %add3A_152 : i32
        %dma_start3A_154 = tpu.memref_slice %arg3[%add3A_153] : memref<320000xi32, #tpu.memory_space<hbm>> -> memref<40xi32, #tpu.memory_space<hbm>>
        %dma_start3A_155 = tpu.memref_slice %arg3[%add3A_153] : memref<320000xi32, #tpu.memory_space<hbm>> -> memref<40xi32, #tpu.memory_space<hbm>>
        tpu.enqueue_dma source(%dma_start3A_155 : memref<40xi32, #tpu.memory_space<hbm>>) target(%arg9 : memref<40xi32, #tpu.memory_space<vmem>>) target_semaphore(%arg26 : memref<!tpu.dma_semaphore, #tpu.memory_space<semaphore_mem>>)
        %add3A_156 = arith.constant 80 : i32
        %add3A_157 = arith.addi %multiple_of3A_79, %add3A_156 : i32
        %dma_start3A_158 = tpu.memref_slice %arg17[%add3A_157] : memref<10000xi32, #tpu.memory_space<vmem>> -> memref<40xi32, #tpu.memory_space<vmem>>
        %dma_start3A_159 = arith.constant 0 : i32
        %dma_start3A_160 = arith.constant 0 : i32
        %dma_start3A_161 = tpu.memref_slice %arg4[%dma_start3A_159, %dma_start3A_160] : memref<10240x128xf32, #tpu.memory_space<hbm>> -> memref<10240x128xf32, #tpu.memory_space<hbm>>
        tpu.enqueue_indirect_dma source(%dma_start3A_161 : memref<10240x128xf32, #tpu.memory_space<hbm>>) target(%arg14 : memref<40x128xf32, #tpu.memory_space<vmem>>) offsets(%dma_start3A_158 : memref<40xi32, #tpu.memory_space<vmem>>) semaphore(%arg21 : memref<!tpu.dma_semaphore, #tpu.memory_space<semaphore_mem>>)
      } else {
      }
      %dma_wait3A_121 = arith.constant 0 : i32
      %dma_wait3A_122 = tpu.memref_slice %arg3[%dma_wait3A_121] : memref<320000xi32, #tpu.memory_space<hbm>> -> memref<40xi32, #tpu.memory_space<hbm>>
      %dma_wait3A_123 = arith.constant 0 : i32
      %dma_wait3A_124 = tpu.memref_slice %arg3[%dma_wait3A_123] : memref<320000xi32, #tpu.memory_space<hbm>> -> memref<40xi32, #tpu.memory_space<hbm>>
      tpu.wait_dma2 semaphore(%arg27 : memref<!tpu.dma_semaphore, #tpu.memory_space<semaphore_mem>>) src(%dma_wait3A_124 : memref<40xi32, #tpu.memory_space<hbm>>) dst(%arg10 : memref<40xi32, #tpu.memory_space<vmem>>)
      %dma_wait3A_125 = arith.constant 0 : i32
      %dma_wait3A_126 = arith.constant 0 : i32
      %dma_wait3A_127 = tpu.memref_slice %arg4[%dma_wait3A_125, %dma_wait3A_126] : memref<10240x128xf32, #tpu.memory_space<hbm>> -> memref<40x128xf32, #tpu.memory_space<hbm>>
      %dma_wait3A_128 = arith.constant 0 : i32
      %dma_wait3A_129 = arith.constant 0 : i32
      %dma_wait3A_130 = tpu.memref_slice %arg4[%dma_wait3A_128, %dma_wait3A_129] : memref<10240x128xf32, #tpu.memory_space<hbm>> -> memref<40x128xf32, #tpu.memory_space<hbm>>
      tpu.wait_dma2 semaphore(%arg22 : memref<!tpu.dma_semaphore, #tpu.memory_space<semaphore_mem>>) src(%dma_wait3A_130 : memref<40x128xf32, #tpu.memory_space<hbm>>) dst(%arg15 : memref<40x128xf32, #tpu.memory_space<vmem>>)
      "tpu.region"() ({
        %run_scoped3A = tpu.sem_alloc : memref<!tpu.dma_semaphore, #tpu.memory_space<semaphore_mem>>
        %dma_start3A_151 = arith.constant 0 : i32
        %dma_start3A_152 = arith.constant 0 : i32
        %dma_start3A_153 = tpu.memref_slice %arg18[%dma_start3A_151, %dma_start3A_152] : memref<10240x128xf32, #tpu.memory_space<vmem_shared>> -> memref<10240x128xf32, #tpu.memory_space<vmem_shared>>
        tpu.enqueue_indirect_dma source(%arg15 : memref<40x128xf32, #tpu.memory_space<vmem>>) target(%dma_start3A_153 : memref<10240x128xf32, #tpu.memory_space<vmem_shared>>) offsets(%arg10 : memref<40xi32, #tpu.memory_space<vmem>>) semaphore(%run_scoped3A : memref<!tpu.dma_semaphore, #tpu.memory_space<semaphore_mem>>) {add = true}
        %dma_wait3A_154 = arith.constant 0 : i32
        %dma_wait3A_155 = arith.constant 0 : i32
        %dma_wait3A_156 = tpu.memref_slice %arg18[%dma_wait3A_154, %dma_wait3A_155] : memref<10240x128xf32, #tpu.memory_space<vmem_shared>> -> memref<10240x128xf32, #tpu.memory_space<vmem_shared>>
        tpu.wait_indirect_dma semaphore(%run_scoped3A : memref<!tpu.dma_semaphore, #tpu.memory_space<semaphore_mem>>) src(%arg15 : memref<40x128xf32, #tpu.memory_space<vmem>>) dst(%dma_wait3A_156 : memref<10240x128xf32, #tpu.memory_space<vmem_shared>>)
        tpu.yield
      }) : () -> ()
      %lt3A_131 = arith.constant 49 : i32
      %lt3A_132 = arith.cmpi slt, %scan3A_72, %lt3A_131 : i32
      %convert_element_type3A_133 = arith.extui %lt3A_132 : i1 to i32
      %cond3A_134 = arith.constant 0 : i32
      %cond3A_135 = arith.cmpi ne, %convert_element_type3A_133, %cond3A_134 : i32
      scf.if %cond3A_135 {
        %add3A_151 = arith.addi %multiple_of3A, %multiple_of3A_79 : i32
        %add3A_152 = arith.constant 120 : i32
        %add3A_153 = arith.addi %add3A_151, %add3A_152 : i32
        %dma_start3A_154 = tpu.memref_slice %arg3[%add3A_153] : memref<320000xi32, #tpu.memory_space<hbm>> -> memref<40xi32, #tpu.memory_space<hbm>>
        %dma_start3A_155 = tpu.memref_slice %arg3[%add3A_153] : memref<320000xi32, #tpu.memory_space<hbm>> -> memref<40xi32, #tpu.memory_space<hbm>>
        tpu.enqueue_dma source(%dma_start3A_155 : memref<40xi32, #tpu.memory_space<hbm>>) target(%arg10 : memref<40xi32, #tpu.memory_space<vmem>>) target_semaphore(%arg27 : memref<!tpu.dma_semaphore, #tpu.memory_space<semaphore_mem>>)
        %add3A_156 = arith.constant 120 : i32
        %add3A_157 = arith.addi %multiple_of3A_79, %add3A_156 : i32
        %dma_start3A_158 = tpu.memref_slice %arg17[%add3A_157] : memref<10000xi32, #tpu.memory_space<vmem>> -> memref<40xi32, #tpu.memory_space<vmem>>
        %dma_start3A_159 = arith.constant 0 : i32
        %dma_start3A_160 = arith.constant 0 : i32
        %dma_start3A_161 = tpu.memref_slice %arg4[%dma_start3A_159, %dma_start3A_160] : memref<10240x128xf32, #tpu.memory_space<hbm>> -> memref<10240x128xf32, #tpu.memory_space<hbm>>
        tpu.enqueue_indirect_dma source(%dma_start3A_161 : memref<10240x128xf32, #tpu.memory_space<hbm>>) target(%arg15 : memref<40x128xf32, #tpu.memory_space<vmem>>) offsets(%dma_start3A_158 : memref<40xi32, #tpu.memory_space<vmem>>) semaphore(%arg22 : memref<!tpu.dma_semaphore, #tpu.memory_space<semaphore_mem>>)
      } else {
      }
      %dma_wait3A_136 = arith.constant 0 : i32
      %dma_wait3A_137 = tpu.memref_slice %arg3[%dma_wait3A_136] : memref<320000xi32, #tpu.memory_space<hbm>> -> memref<40xi32, #tpu.memory_space<hbm>>
      %dma_wait3A_138 = arith.constant 0 : i32
      %dma_wait3A_139 = tpu.memref_slice %arg3[%dma_wait3A_138] : memref<320000xi32, #tpu.memory_space<hbm>> -> memref<40xi32, #tpu.memory_space<hbm>>
      tpu.wait_dma2 semaphore(%arg28 : memref<!tpu.dma_semaphore, #tpu.memory_space<semaphore_mem>>) src(%dma_wait3A_139 : memref<40xi32, #tpu.memory_space<hbm>>) dst(%arg11 : memref<40xi32, #tpu.memory_space<vmem>>)
      %dma_wait3A_140 = arith.constant 0 : i32
      %dma_wait3A_141 = arith.constant 0 : i32
      %dma_wait3A_142 = tpu.memref_slice %arg4[%dma_wait3A_140, %dma_wait3A_141] : memref<10240x128xf32, #tpu.memory_space<hbm>> -> memref<40x128xf32, #tpu.memory_space<hbm>>
      %dma_wait3A_143 = arith.constant 0 : i32
      %dma_wait3A_144 = arith.constant 0 : i32
      %dma_wait3A_145 = tpu.memref_slice %arg4[%dma_wait3A_143, %dma_wait3A_144] : memref<10240x128xf32, #tpu.memory_space<hbm>> -> memref<40x128xf32, #tpu.memory_space<hbm>>
      tpu.wait_dma2 semaphore(%arg23 : memref<!tpu.dma_semaphore, #tpu.memory_space<semaphore_mem>>) src(%dma_wait3A_145 : memref<40x128xf32, #tpu.memory_space<hbm>>) dst(%arg16 : memref<40x128xf32, #tpu.memory_space<vmem>>)
      "tpu.region"() ({
        %run_scoped3A = tpu.sem_alloc : memref<!tpu.dma_semaphore, #tpu.memory_space<semaphore_mem>>
        %dma_start3A_151 = arith.constant 0 : i32
        %dma_start3A_152 = arith.constant 0 : i32
        %dma_start3A_153 = tpu.memref_slice %arg18[%dma_start3A_151, %dma_start3A_152] : memref<10240x128xf32, #tpu.memory_space<vmem_shared>> -> memref<10240x128xf32, #tpu.memory_space<vmem_shared>>
        tpu.enqueue_indirect_dma source(%arg16 : memref<40x128xf32, #tpu.memory_space<vmem>>) target(%dma_start3A_153 : memref<10240x128xf32, #tpu.memory_space<vmem_shared>>) offsets(%arg11 : memref<40xi32, #tpu.memory_space<vmem>>) semaphore(%run_scoped3A : memref<!tpu.dma_semaphore, #tpu.memory_space<semaphore_mem>>) {add = true}
        %dma_wait3A_154 = arith.constant 0 : i32
        %dma_wait3A_155 = arith.constant 0 : i32
        %dma_wait3A_156 = tpu.memref_slice %arg18[%dma_wait3A_154, %dma_wait3A_155] : memref<10240x128xf32, #tpu.memory_space<vmem_shared>> -> memref<10240x128xf32, #tpu.memory_space<vmem_shared>>
        tpu.wait_indirect_dma semaphore(%run_scoped3A : memref<!tpu.dma_semaphore, #tpu.memory_space<semaphore_mem>>) src(%arg16 : memref<40x128xf32, #tpu.memory_space<vmem>>) dst(%dma_wait3A_156 : memref<10240x128xf32, #tpu.memory_space<vmem_shared>>)
        tpu.yield
      }) : () -> ()
      %lt3A_146 = arith.constant 49 : i32
      %lt3A_147 = arith.cmpi slt, %scan3A_72, %lt3A_146 : i32
      %convert_element_type3A_148 = arith.extui %lt3A_147 : i1 to i32
      %cond3A_149 = arith.constant 0 : i32
      %cond3A_150 = arith.cmpi ne, %convert_element_type3A_148, %cond3A_149 : i32
      scf.if %cond3A_150 {
        %add3A_151 = arith.addi %multiple_of3A, %multiple_of3A_79 : i32
        %add3A_152 = arith.constant 160 : i32
        %add3A_153 = arith.addi %add3A_151, %add3A_152 : i32
        %dma_start3A_154 = tpu.memref_slice %arg3[%add3A_153] : memref<320000xi32, #tpu.memory_space<hbm>> -> memref<40xi32, #tpu.memory_space<hbm>>
        %dma_start3A_155 = tpu.memref_slice %arg3[%add3A_153] : memref<320000xi32, #tpu.memory_space<hbm>> -> memref<40xi32, #tpu.memory_space<hbm>>
        tpu.enqueue_dma source(%dma_start3A_155 : memref<40xi32, #tpu.memory_space<hbm>>) target(%arg11 : memref<40xi32, #tpu.memory_space<vmem>>) target_semaphore(%arg28 : memref<!tpu.dma_semaphore, #tpu.memory_space<semaphore_mem>>)
        %add3A_156 = arith.constant 160 : i32
        %add3A_157 = arith.addi %multiple_of3A_79, %add3A_156 : i32
        %dma_start3A_158 = tpu.memref_slice %arg17[%add3A_157] : memref<10000xi32, #tpu.memory_space<vmem>> -> memref<40xi32, #tpu.memory_space<vmem>>
        %dma_start3A_159 = arith.constant 0 : i32
        %dma_start3A_160 = arith.constant 0 : i32
        %dma_start3A_161 = tpu.memref_slice %arg4[%dma_start3A_159, %dma_start3A_160] : memref<10240x128xf32, #tpu.memory_space<hbm>> -> memref<10240x128xf32, #tpu.memory_space<hbm>>
        tpu.enqueue_indirect_dma source(%dma_start3A_161 : memref<10240x128xf32, #tpu.memory_space<hbm>>) target(%arg16 : memref<40x128xf32, #tpu.memory_space<vmem>>) offsets(%dma_start3A_158 : memref<40xi32, #tpu.memory_space<vmem>>) semaphore(%arg23 : memref<!tpu.dma_semaphore, #tpu.memory_space<semaphore_mem>>)
      } else {
      }
    }
    %scan3A_63 = arith.constant 50 : i32
    %barrier3A_64 = arith.constant 0 : index
    tpu.barrier barrier_id(%barrier3A_64)
    %mul3A_65 = arith.constant 10240 : i32
    %mul3A_66 = arith.muli %arg0, %mul3A_65 : i32
    %mul3A_67 = arith.constant 640 : i32
    %mul3A_68 = arith.muli %arg1, %mul3A_67 : i32
    %add3A_69 = arith.addi %mul3A_66, %mul3A_68 : i32
    %mul3A_70 = arith.constant 640 : i32
    %mul3A_71 = arith.muli %arg1, %mul3A_70 : i32
    "tpu.region"() ({
      %run_scoped3A = tpu.sem_alloc : memref<!tpu.dma_semaphore, #tpu.memory_space<semaphore_mem>>
      %dma_start3A_72 = arith.constant 0 : i32
      %dma_start3A_73 = tpu.memref_slice %arg6[%add3A_69, %dma_start3A_72] : memref<20480x128xf32, #tpu.memory_space<hbm>> -> memref<640x128xf32, #tpu.memory_space<hbm>>
      %dma_start3A_74 = arith.constant 0 : i32
      %dma_start3A_75 = tpu.memref_slice %arg18[%mul3A_71, %dma_start3A_74] : memref<10240x128xf32, #tpu.memory_space<vmem_shared>> -> memref<640x128xf32, #tpu.memory_space<vmem_shared>>
      tpu.enqueue_dma source(%dma_start3A_75 : memref<640x128xf32, #tpu.memory_space<vmem_shared>>) target(%dma_start3A_73 : memref<640x128xf32, #tpu.memory_space<hbm>>) target_semaphore(%run_scoped3A : memref<!tpu.dma_semaphore, #tpu.memory_space<semaphore_mem>>)
      %dma_wait3A = arith.constant 0 : i32
      %dma_wait3A_76 = tpu.memref_slice %arg6[%add3A_69, %dma_wait3A] : memref<20480x128xf32, #tpu.memory_space<hbm>> -> memref<640x128xf32, #tpu.memory_space<hbm>>
      %dma_wait3A_77 = arith.constant 0 : i32
      %dma_wait3A_78 = tpu.memref_slice %arg18[%mul3A_71, %dma_wait3A_77] : memref<10240x128xf32, #tpu.memory_space<vmem_shared>> -> memref<640x128xf32, #tpu.memory_space<vmem_shared>>
      tpu.wait_dma2 semaphore(%run_scoped3A : memref<!tpu.dma_semaphore, #tpu.memory_space<semaphore_mem>>) src(%dma_wait3A_78 : memref<640x128xf32, #tpu.memory_space<vmem_shared>>) dst(%dma_wait3A_76 : memref<640x128xf32, #tpu.memory_space<hbm>>)
      tpu.yield
    }) : () -> ()
    return
  }
}

#map = affine_map<(d0, d1) -> (0)>
#map1 = affine_map<(d0, d1) -> (0, 0)>
module attributes {stable_mosaic.version = 14 : i64} {
  func.func @_prop_body(%arg0: i32, %arg1: i32, %arg2: memref<320000xi32, #tpu.memory_space<hbm>>, %arg3: memref<320000xi32, #tpu.memory_space<hbm>>, %arg4: memref<10240x128xf32, #tpu.memory_space<hbm>>, %arg5: memref<640x128xf32, #tpu.memory_space<hbm>>, %arg6: memref<20480x128xf32, #tpu.memory_space<hbm>>, %arg7: memref<40xi32, #tpu.memory_space<vmem>>, %arg8: memref<40xi32, #tpu.memory_space<vmem>>, %arg9: memref<40xi32, #tpu.memory_space<vmem>>, %arg10: memref<40xi32, #tpu.memory_space<vmem>>, %arg11: memref<40xi32, #tpu.memory_space<vmem>>, %arg12: memref<40x128xf32, #tpu.memory_space<vmem>>, %arg13: memref<40x128xf32, #tpu.memory_space<vmem>>, %arg14: memref<40x128xf32, #tpu.memory_space<vmem>>, %arg15: memref<40x128xf32, #tpu.memory_space<vmem>>, %arg16: memref<40x128xf32, #tpu.memory_space<vmem>>, %arg17: memref<10000xi32, #tpu.memory_space<vmem>>, %arg18: memref<10240x128xf32, #tpu.memory_space<vmem_shared>>, %arg19: memref<!tpu.dma_semaphore, #tpu.memory_space<semaphore_mem>>, %arg20: memref<!tpu.dma_semaphore, #tpu.memory_space<semaphore_mem>>, %arg21: memref<!tpu.dma_semaphore, #tpu.memory_space<semaphore_mem>>, %arg22: memref<!tpu.dma_semaphore, #tpu.memory_space<semaphore_mem>>, %arg23: memref<!tpu.dma_semaphore, #tpu.memory_space<semaphore_mem>>, %arg24: memref<!tpu.dma_semaphore, #tpu.memory_space<semaphore_mem>>, %arg25: memref<!tpu.dma_semaphore, #tpu.memory_space<semaphore_mem>>, %arg26: memref<!tpu.dma_semaphore, #tpu.memory_space<semaphore_mem>>, %arg27: memref<!tpu.dma_semaphore, #tpu.memory_space<semaphore_mem>>, %arg28: memref<!tpu.dma_semaphore, #tpu.memory_space<semaphore_mem>>) attributes {dimension_semantics = [#tpu.dimension_semantics<core_parallel>, #tpu.dimension_semantics<subcore_parallel>], iteration_bounds = array<i64: 2, 16>, scalar_prefetch = 0 : i64, scratch_operands = 22 : i64, tpu.core_type = #tpu.core_type<sc_vector_subcore>, window_params = [{transform_indices = #map}, {transform_indices = #map}, {transform_indices = #map1}, {transform_indices = #map1}, {transform_indices = #map1}]} {
    %mul3A = arith.constant 16 : i32
    %mul3A_0 = arith.muli %arg0, %mul3A : i32
    %add3A = arith.addi %mul3A_0, %arg1 : i32
    %mul3A_1 = arith.constant 10000 : i32
    %mul3A_2 = arith.muli %add3A, %mul3A_1 : i32
    %multiple_of3A = tpu.assume_multiple %mul3A_2, 10000 : i32
    %mul3A_3 = arith.constant 640 : i32
    %mul3A_4 = arith.muli %arg1, %mul3A_3 : i32
    "tpu.region"() ({
      %run_scoped3A = tpu.sem_alloc : memref<!tpu.dma_semaphore, #tpu.memory_space<semaphore_mem>>
      %dma_start3A_72 = arith.constant 0 : i32
      %dma_start3A_73 = tpu.memref_slice %arg18[%mul3A_4, %dma_start3A_72] : memref<10240x128xf32, #tpu.memory_space<vmem_shared>> -> memref<640x128xf32, #tpu.memory_space<vmem_shared>>
      tpu.enqueue_dma source(%arg5 : memref<640x128xf32, #tpu.memory_space<hbm>>) target(%dma_start3A_73 : memref<640x128xf32, #tpu.memory_space<vmem_shared>>) target_semaphore(%run_scoped3A : memref<!tpu.dma_semaphore, #tpu.memory_space<semaphore_mem>>)
      %dma_wait3A = arith.constant 0 : i32
      %dma_wait3A_74 = tpu.memref_slice %arg18[%mul3A_4, %dma_wait3A] : memref<10240x128xf32, #tpu.memory_space<vmem_shared>> -> memref<640x128xf32, #tpu.memory_space<vmem_shared>>
      tpu.wait_dma2 semaphore(%run_scoped3A : memref<!tpu.dma_semaphore, #tpu.memory_space<semaphore_mem>>) src(%arg5 : memref<640x128xf32, #tpu.memory_space<hbm>>) dst(%dma_wait3A_74 : memref<640x128xf32, #tpu.memory_space<vmem_shared>>)
      tpu.yield
    }) : () -> ()
    "tpu.region"() ({
      %run_scoped3A = tpu.sem_alloc : memref<!tpu.dma_semaphore, #tpu.memory_space<semaphore_mem>>
      %dma_start3A_72 = tpu.memref_slice %arg2[%multiple_of3A] : memref<320000xi32, #tpu.memory_space<hbm>> -> memref<10000xi32, #tpu.memory_space<hbm>>
      %dma_start3A_73 = tpu.memref_slice %arg2[%multiple_of3A] : memref<320000xi32, #tpu.memory_space<hbm>> -> memref<10000xi32, #tpu.memory_space<hbm>>
      tpu.enqueue_dma source(%dma_start3A_73 : memref<10000xi32, #tpu.memory_space<hbm>>) target(%arg17 : memref<10000xi32, #tpu.memory_space<vmem>>) target_semaphore(%run_scoped3A : memref<!tpu.dma_semaphore, #tpu.memory_space<semaphore_mem>>)
      %dma_wait3A = tpu.memref_slice %arg2[%multiple_of3A] : memref<320000xi32, #tpu.memory_space<hbm>> -> memref<10000xi32, #tpu.memory_space<hbm>>
      %dma_wait3A_74 = tpu.memref_slice %arg2[%multiple_of3A] : memref<320000xi32, #tpu.memory_space<hbm>> -> memref<10000xi32, #tpu.memory_space<hbm>>
      tpu.wait_dma2 semaphore(%run_scoped3A : memref<!tpu.dma_semaphore, #tpu.memory_space<semaphore_mem>>) src(%dma_wait3A_74 : memref<10000xi32, #tpu.memory_space<hbm>>) dst(%arg17 : memref<10000xi32, #tpu.memory_space<vmem>>)
      tpu.yield
    }) : () -> ()
    %barrier3A = arith.constant 0 : index
    tpu.barrier barrier_id(%barrier3A)
    %add3A_5 = arith.constant 0 : i32
    %add3A_6 = arith.addi %multiple_of3A, %add3A_5 : i32
    %add3A_7 = arith.constant 0 : i32
    %add3A_8 = arith.addi %add3A_6, %add3A_7 : i32
    %dma_start3A = tpu.memref_slice %arg3[%add3A_8] : memref<320000xi32, #tpu.memory_space<hbm>> -> memref<40xi32, #tpu.memory_space<hbm>>
    %dma_start3A_9 = tpu.memref_slice %arg3[%add3A_8] : memref<320000xi32, #tpu.memory_space<hbm>> -> memref<40xi32, #tpu.memory_space<hbm>>
    tpu.enqueue_dma source(%dma_start3A_9 : memref<40xi32, #tpu.memory_space<hbm>>) target(%arg7 : memref<40xi32, #tpu.memory_space<vmem>>) target_semaphore(%arg24 : memref<!tpu.dma_semaphore, #tpu.memory_space<semaphore_mem>>)
    %dma_start3A_10 = arith.constant 0 : i32
    %dma_start3A_11 = tpu.memref_slice %arg17[%dma_start3A_10] : memref<10000xi32, #tpu.memory_space<vmem>> -> memref<40xi32, #tpu.memory_space<vmem>>
    %dma_start3A_12 = arith.constant 0 : i32
    %dma_start3A_13 = arith.constant 0 : i32
    %dma_start3A_14 = tpu.memref_slice %arg4[%dma_start3A_12, %dma_start3A_13] : memref<10240x128xf32, #tpu.memory_space<hbm>> -> memref<10240x128xf32, #tpu.memory_space<hbm>>
    tpu.enqueue_indirect_dma source(%dma_start3A_14 : memref<10240x128xf32, #tpu.memory_space<hbm>>) target(%arg12 : memref<40x128xf32, #tpu.memory_space<vmem>>) offsets(%dma_start3A_11 : memref<40xi32, #tpu.memory_space<vmem>>) semaphore(%arg19 : memref<!tpu.dma_semaphore, #tpu.memory_space<semaphore_mem>>)
    %add3A_15 = arith.constant 0 : i32
    %add3A_16 = arith.addi %multiple_of3A, %add3A_15 : i32
    %add3A_17 = arith.constant 40 : i32
    %add3A_18 = arith.addi %add3A_16, %add3A_17 : i32
    %dma_start3A_19 = tpu.memref_slice %arg3[%add3A_18] : memref<320000xi32, #tpu.memory_space<hbm>> -> memref<40xi32, #tpu.memory_space<hbm>>
    %dma_start3A_20 = tpu.memref_slice %arg3[%add3A_18] : memref<320000xi32, #tpu.memory_space<hbm>> -> memref<40xi32, #tpu.memory_space<hbm>>
    tpu.enqueue_dma source(%dma_start3A_20 : memref<40xi32, #tpu.memory_space<hbm>>) target(%arg8 : memref<40xi32, #tpu.memory_space<vmem>>) target_semaphore(%arg25 : memref<!tpu.dma_semaphore, #tpu.memory_space<semaphore_mem>>)
    %dma_start3A_21 = arith.constant 40 : i32
    %dma_start3A_22 = tpu.memref_slice %arg17[%dma_start3A_21] : memref<10000xi32, #tpu.memory_space<vmem>> -> memref<40xi32, #tpu.memory_space<vmem>>
    %dma_start3A_23 = arith.constant 0 : i32
    %dma_start3A_24 = arith.constant 0 : i32
    %dma_start3A_25 = tpu.memref_slice %arg4[%dma_start3A_23, %dma_start3A_24] : memref<10240x128xf32, #tpu.memory_space<hbm>> -> memref<10240x128xf32, #tpu.memory_space<hbm>>
    tpu.enqueue_indirect_dma source(%dma_start3A_25 : memref<10240x128xf32, #tpu.memory_space<hbm>>) target(%arg13 : memref<40x128xf32, #tpu.memory_space<vmem>>) offsets(%dma_start3A_22 : memref<40xi32, #tpu.memory_space<vmem>>) semaphore(%arg20 : memref<!tpu.dma_semaphore, #tpu.memory_space<semaphore_mem>>)
    %add3A_26 = arith.constant 0 : i32
    %add3A_27 = arith.addi %multiple_of3A, %add3A_26 : i32
    %add3A_28 = arith.constant 80 : i32
    %add3A_29 = arith.addi %add3A_27, %add3A_28 : i32
    %dma_start3A_30 = tpu.memref_slice %arg3[%add3A_29] : memref<320000xi32, #tpu.memory_space<hbm>> -> memref<40xi32, #tpu.memory_space<hbm>>
    %dma_start3A_31 = tpu.memref_slice %arg3[%add3A_29] : memref<320000xi32, #tpu.memory_space<hbm>> -> memref<40xi32, #tpu.memory_space<hbm>>
    tpu.enqueue_dma source(%dma_start3A_31 : memref<40xi32, #tpu.memory_space<hbm>>) target(%arg9 : memref<40xi32, #tpu.memory_space<vmem>>) target_semaphore(%arg26 : memref<!tpu.dma_semaphore, #tpu.memory_space<semaphore_mem>>)
    %dma_start3A_32 = arith.constant 80 : i32
    %dma_start3A_33 = tpu.memref_slice %arg17[%dma_start3A_32] : memref<10000xi32, #tpu.memory_space<vmem>> -> memref<40xi32, #tpu.memory_space<vmem>>
    %dma_start3A_34 = arith.constant 0 : i32
    %dma_start3A_35 = arith.constant 0 : i32
    %dma_start3A_36 = tpu.memref_slice %arg4[%dma_start3A_34, %dma_start3A_35] : memref<10240x128xf32, #tpu.memory_space<hbm>> -> memref<10240x128xf32, #tpu.memory_space<hbm>>
    tpu.enqueue_indirect_dma source(%dma_start3A_36 : memref<10240x128xf32, #tpu.memory_space<hbm>>) target(%arg14 : memref<40x128xf32, #tpu.memory_space<vmem>>) offsets(%dma_start3A_33 : memref<40xi32, #tpu.memory_space<vmem>>) semaphore(%arg21 : memref<!tpu.dma_semaphore, #tpu.memory_space<semaphore_mem>>)
    %add3A_37 = arith.constant 0 : i32
    %add3A_38 = arith.addi %multiple_of3A, %add3A_37 : i32
    %add3A_39 = arith.constant 120 : i32
    %add3A_40 = arith.addi %add3A_38, %add3A_39 : i32
    %dma_start3A_41 = tpu.memref_slice %arg3[%add3A_40] : memref<320000xi32, #tpu.memory_space<hbm>> -> memref<40xi32, #tpu.memory_space<hbm>>
    %dma_start3A_42 = tpu.memref_slice %arg3[%add3A_40] : memref<320000xi32, #tpu.memory_space<hbm>> -> memref<40xi32, #tpu.memory_space<hbm>>
    tpu.enqueue_dma source(%dma_start3A_42 : memref<40xi32, #tpu.memory_space<hbm>>) target(%arg10 : memref<40xi32, #tpu.memory_space<vmem>>) target_semaphore(%arg27 : memref<!tpu.dma_semaphore, #tpu.memory_space<semaphore_mem>>)
    %dma_start3A_43 = arith.constant 120 : i32
    %dma_start3A_44 = tpu.memref_slice %arg17[%dma_start3A_43] : memref<10000xi32, #tpu.memory_space<vmem>> -> memref<40xi32, #tpu.memory_space<vmem>>
    %dma_start3A_45 = arith.constant 0 : i32
    %dma_start3A_46 = arith.constant 0 : i32
    %dma_start3A_47 = tpu.memref_slice %arg4[%dma_start3A_45, %dma_start3A_46] : memref<10240x128xf32, #tpu.memory_space<hbm>> -> memref<10240x128xf32, #tpu.memory_space<hbm>>
    tpu.enqueue_indirect_dma source(%dma_start3A_47 : memref<10240x128xf32, #tpu.memory_space<hbm>>) target(%arg15 : memref<40x128xf32, #tpu.memory_space<vmem>>) offsets(%dma_start3A_44 : memref<40xi32, #tpu.memory_space<vmem>>) semaphore(%arg22 : memref<!tpu.dma_semaphore, #tpu.memory_space<semaphore_mem>>)
    %add3A_48 = arith.constant 0 : i32
    %add3A_49 = arith.addi %multiple_of3A, %add3A_48 : i32
    %add3A_50 = arith.constant 160 : i32
    %add3A_51 = arith.addi %add3A_49, %add3A_50 : i32
    %dma_start3A_52 = tpu.memref_slice %arg3[%add3A_51] : memref<320000xi32, #tpu.memory_space<hbm>> -> memref<40xi32, #tpu.memory_space<hbm>>
    %dma_start3A_53 = tpu.memref_slice %arg3[%add3A_51] : memref<320000xi32, #tpu.memory_space<hbm>> -> memref<40xi32, #tpu.memory_space<hbm>>
    tpu.enqueue_dma source(%dma_start3A_53 : memref<40xi32, #tpu.memory_space<hbm>>) target(%arg11 : memref<40xi32, #tpu.memory_space<vmem>>) target_semaphore(%arg28 : memref<!tpu.dma_semaphore, #tpu.memory_space<semaphore_mem>>)
    %dma_start3A_54 = arith.constant 160 : i32
    %dma_start3A_55 = tpu.memref_slice %arg17[%dma_start3A_54] : memref<10000xi32, #tpu.memory_space<vmem>> -> memref<40xi32, #tpu.memory_space<vmem>>
    %dma_start3A_56 = arith.constant 0 : i32
    %dma_start3A_57 = arith.constant 0 : i32
    %dma_start3A_58 = tpu.memref_slice %arg4[%dma_start3A_56, %dma_start3A_57] : memref<10240x128xf32, #tpu.memory_space<hbm>> -> memref<10240x128xf32, #tpu.memory_space<hbm>>
    tpu.enqueue_indirect_dma source(%dma_start3A_58 : memref<10240x128xf32, #tpu.memory_space<hbm>>) target(%arg16 : memref<40x128xf32, #tpu.memory_space<vmem>>) offsets(%dma_start3A_55 : memref<40xi32, #tpu.memory_space<vmem>>) semaphore(%arg23 : memref<!tpu.dma_semaphore, #tpu.memory_space<semaphore_mem>>)
    %scan3A = arith.constant 0 : i32
    %scan3A_59 = arith.constant 0 : i32
    %scan3A_60 = arith.constant 50 : i32
    %scan3A_61 = arith.addi %scan3A_59, %scan3A_60 : i32
    %scan3A_62 = arith.constant 1 : i32
    scf.for %scan3A_72 = %scan3A_59 to %scan3A_61 step %scan3A_62  : i32 {
      %add3A_73 = arith.constant 1 : i32
      %add3A_74 = arith.addi %scan3A_72, %add3A_73 : i32
      %mul3A_75 = arith.constant 5 : i32
      %mul3A_76 = arith.muli %add3A_74, %mul3A_75 : i32
      %mul3A_77 = arith.constant 40 : i32
      %mul3A_78 = arith.muli %mul3A_76, %mul3A_77 : i32
      %multiple_of3A_79 = tpu.assume_multiple %mul3A_78, 200 : i32
      %dma_wait3A = arith.constant 0 : i32
      %dma_wait3A_80 = tpu.memref_slice %arg3[%dma_wait3A] : memref<320000xi32, #tpu.memory_space<hbm>> -> memref<40xi32, #tpu.memory_space<hbm>>
      %dma_wait3A_81 = arith.constant 0 : i32
      %dma_wait3A_82 = tpu.memref_slice %arg3[%dma_wait3A_81] : memref<320000xi32, #tpu.memory_space<hbm>> -> memref<40xi32, #tpu.memory_space<hbm>>
      tpu.wait_dma2 semaphore(%arg24 : memref<!tpu.dma_semaphore, #tpu.memory_space<semaphore_mem>>) src(%dma_wait3A_82 : memref<40xi32, #tpu.memory_space<hbm>>) dst(%arg7 : memref<40xi32, #tpu.memory_space<vmem>>)
      %dma_wait3A_83 = arith.constant 0 : i32
      %dma_wait3A_84 = arith.constant 0 : i32
      %dma_wait3A_85 = tpu.memref_slice %arg4[%dma_wait3A_83, %dma_wait3A_84] : memref<10240x128xf32, #tpu.memory_space<hbm>> -> memref<40x128xf32, #tpu.memory_space<hbm>>
      %dma_wait3A_86 = arith.constant 0 : i32
      %dma_wait3A_87 = arith.constant 0 : i32
      %dma_wait3A_88 = tpu.memref_slice %arg4[%dma_wait3A_86, %dma_wait3A_87] : memref<10240x128xf32, #tpu.memory_space<hbm>> -> memref<40x128xf32, #tpu.memory_space<hbm>>
      tpu.wait_dma2 semaphore(%arg19 : memref<!tpu.dma_semaphore, #tpu.memory_space<semaphore_mem>>) src(%dma_wait3A_88 : memref<40x128xf32, #tpu.memory_space<hbm>>) dst(%arg12 : memref<40x128xf32, #tpu.memory_space<vmem>>)
      "tpu.region"() ({
        %run_scoped3A = tpu.sem_alloc : memref<!tpu.dma_semaphore, #tpu.memory_space<semaphore_mem>>
        %dma_start3A_151 = arith.constant 0 : i32
        %dma_start3A_152 = arith.constant 0 : i32
        %dma_start3A_153 = tpu.memref_slice %arg18[%dma_start3A_151, %dma_start3A_152] : memref<10240x128xf32, #tpu.memory_space<vmem_shared>> -> memref<10240x128xf32, #tpu.memory_space<vmem_shared>>
        tpu.enqueue_indirect_dma source(%arg12 : memref<40x128xf32, #tpu.memory_space<vmem>>) target(%dma_start3A_153 : memref<10240x128xf32, #tpu.memory_space<vmem_shared>>) offsets(%arg7 : memref<40xi32, #tpu.memory_space<vmem>>) semaphore(%run_scoped3A : memref<!tpu.dma_semaphore, #tpu.memory_space<semaphore_mem>>) {add = true}
        %dma_wait3A_154 = arith.constant 0 : i32
        %dma_wait3A_155 = arith.constant 0 : i32
        %dma_wait3A_156 = tpu.memref_slice %arg18[%dma_wait3A_154, %dma_wait3A_155] : memref<10240x128xf32, #tpu.memory_space<vmem_shared>> -> memref<10240x128xf32, #tpu.memory_space<vmem_shared>>
        tpu.wait_indirect_dma semaphore(%run_scoped3A : memref<!tpu.dma_semaphore, #tpu.memory_space<semaphore_mem>>) src(%arg12 : memref<40x128xf32, #tpu.memory_space<vmem>>) dst(%dma_wait3A_156 : memref<10240x128xf32, #tpu.memory_space<vmem_shared>>)
        tpu.yield
      }) : () -> ()
      %lt3A = arith.constant 49 : i32
      %lt3A_89 = arith.cmpi slt, %scan3A_72, %lt3A : i32
      %convert_element_type3A = arith.extui %lt3A_89 : i1 to i32
      %cond3A = arith.constant 0 : i32
      %cond3A_90 = arith.cmpi ne, %convert_element_type3A, %cond3A : i32
      scf.if %cond3A_90 {
        %add3A_151 = arith.addi %multiple_of3A, %multiple_of3A_79 : i32
        %add3A_152 = arith.constant 0 : i32
        %add3A_153 = arith.addi %add3A_151, %add3A_152 : i32
        %dma_start3A_154 = tpu.memref_slice %arg3[%add3A_153] : memref<320000xi32, #tpu.memory_space<hbm>> -> memref<40xi32, #tpu.memory_space<hbm>>
        %dma_start3A_155 = tpu.memref_slice %arg3[%add3A_153] : memref<320000xi32, #tpu.memory_space<hbm>> -> memref<40xi32, #tpu.memory_space<hbm>>
        tpu.enqueue_dma source(%dma_start3A_155 : memref<40xi32, #tpu.memory_space<hbm>>) target(%arg7 : memref<40xi32, #tpu.memory_space<vmem>>) target_semaphore(%arg24 : memref<!tpu.dma_semaphore, #tpu.memory_space<semaphore_mem>>)
        %add3A_156 = arith.constant 0 : i32
        %add3A_157 = arith.addi %multiple_of3A_79, %add3A_156 : i32
        %dma_start3A_158 = tpu.memref_slice %arg17[%add3A_157] : memref<10000xi32, #tpu.memory_space<vmem>> -> memref<40xi32, #tpu.memory_space<vmem>>
        %dma_start3A_159 = arith.constant 0 : i32
        %dma_start3A_160 = arith.constant 0 : i32
        %dma_start3A_161 = tpu.memref_slice %arg4[%dma_start3A_159, %dma_start3A_160] : memref<10240x128xf32, #tpu.memory_space<hbm>> -> memref<10240x128xf32, #tpu.memory_space<hbm>>
        tpu.enqueue_indirect_dma source(%dma_start3A_161 : memref<10240x128xf32, #tpu.memory_space<hbm>>) target(%arg12 : memref<40x128xf32, #tpu.memory_space<vmem>>) offsets(%dma_start3A_158 : memref<40xi32, #tpu.memory_space<vmem>>) semaphore(%arg19 : memref<!tpu.dma_semaphore, #tpu.memory_space<semaphore_mem>>)
      } else {
      }
      %dma_wait3A_91 = arith.constant 0 : i32
      %dma_wait3A_92 = tpu.memref_slice %arg3[%dma_wait3A_91] : memref<320000xi32, #tpu.memory_space<hbm>> -> memref<40xi32, #tpu.memory_space<hbm>>
      %dma_wait3A_93 = arith.constant 0 : i32
      %dma_wait3A_94 = tpu.memref_slice %arg3[%dma_wait3A_93] : memref<320000xi32, #tpu.memory_space<hbm>> -> memref<40xi32, #tpu.memory_space<hbm>>
      tpu.wait_dma2 semaphore(%arg25 : memref<!tpu.dma_semaphore, #tpu.memory_space<semaphore_mem>>) src(%dma_wait3A_94 : memref<40xi32, #tpu.memory_space<hbm>>) dst(%arg8 : memref<40xi32, #tpu.memory_space<vmem>>)
      %dma_wait3A_95 = arith.constant 0 : i32
      %dma_wait3A_96 = arith.constant 0 : i32
      %dma_wait3A_97 = tpu.memref_slice %arg4[%dma_wait3A_95, %dma_wait3A_96] : memref<10240x128xf32, #tpu.memory_space<hbm>> -> memref<40x128xf32, #tpu.memory_space<hbm>>
      %dma_wait3A_98 = arith.constant 0 : i32
      %dma_wait3A_99 = arith.constant 0 : i32
      %dma_wait3A_100 = tpu.memref_slice %arg4[%dma_wait3A_98, %dma_wait3A_99] : memref<10240x128xf32, #tpu.memory_space<hbm>> -> memref<40x128xf32, #tpu.memory_space<hbm>>
      tpu.wait_dma2 semaphore(%arg20 : memref<!tpu.dma_semaphore, #tpu.memory_space<semaphore_mem>>) src(%dma_wait3A_100 : memref<40x128xf32, #tpu.memory_space<hbm>>) dst(%arg13 : memref<40x128xf32, #tpu.memory_space<vmem>>)
      "tpu.region"() ({
        %run_scoped3A = tpu.sem_alloc : memref<!tpu.dma_semaphore, #tpu.memory_space<semaphore_mem>>
        %dma_start3A_151 = arith.constant 0 : i32
        %dma_start3A_152 = arith.constant 0 : i32
        %dma_start3A_153 = tpu.memref_slice %arg18[%dma_start3A_151, %dma_start3A_152] : memref<10240x128xf32, #tpu.memory_space<vmem_shared>> -> memref<10240x128xf32, #tpu.memory_space<vmem_shared>>
        tpu.enqueue_indirect_dma source(%arg13 : memref<40x128xf32, #tpu.memory_space<vmem>>) target(%dma_start3A_153 : memref<10240x128xf32, #tpu.memory_space<vmem_shared>>) offsets(%arg8 : memref<40xi32, #tpu.memory_space<vmem>>) semaphore(%run_scoped3A : memref<!tpu.dma_semaphore, #tpu.memory_space<semaphore_mem>>) {add = true}
        %dma_wait3A_154 = arith.constant 0 : i32
        %dma_wait3A_155 = arith.constant 0 : i32
        %dma_wait3A_156 = tpu.memref_slice %arg18[%dma_wait3A_154, %dma_wait3A_155] : memref<10240x128xf32, #tpu.memory_space<vmem_shared>> -> memref<10240x128xf32, #tpu.memory_space<vmem_shared>>
        tpu.wait_indirect_dma semaphore(%run_scoped3A : memref<!tpu.dma_semaphore, #tpu.memory_space<semaphore_mem>>) src(%arg13 : memref<40x128xf32, #tpu.memory_space<vmem>>) dst(%dma_wait3A_156 : memref<10240x128xf32, #tpu.memory_space<vmem_shared>>)
        tpu.yield
      }) : () -> ()
      %lt3A_101 = arith.constant 49 : i32
      %lt3A_102 = arith.cmpi slt, %scan3A_72, %lt3A_101 : i32
      %convert_element_type3A_103 = arith.extui %lt3A_102 : i1 to i32
      %cond3A_104 = arith.constant 0 : i32
      %cond3A_105 = arith.cmpi ne, %convert_element_type3A_103, %cond3A_104 : i32
      scf.if %cond3A_105 {
        %add3A_151 = arith.addi %multiple_of3A, %multiple_of3A_79 : i32
        %add3A_152 = arith.constant 40 : i32
        %add3A_153 = arith.addi %add3A_151, %add3A_152 : i32
        %dma_start3A_154 = tpu.memref_slice %arg3[%add3A_153] : memref<320000xi32, #tpu.memory_space<hbm>> -> memref<40xi32, #tpu.memory_space<hbm>>
        %dma_start3A_155 = tpu.memref_slice %arg3[%add3A_153] : memref<320000xi32, #tpu.memory_space<hbm>> -> memref<40xi32, #tpu.memory_space<hbm>>
        tpu.enqueue_dma source(%dma_start3A_155 : memref<40xi32, #tpu.memory_space<hbm>>) target(%arg8 : memref<40xi32, #tpu.memory_space<vmem>>) target_semaphore(%arg25 : memref<!tpu.dma_semaphore, #tpu.memory_space<semaphore_mem>>)
        %add3A_156 = arith.constant 40 : i32
        %add3A_157 = arith.addi %multiple_of3A_79, %add3A_156 : i32
        %dma_start3A_158 = tpu.memref_slice %arg17[%add3A_157] : memref<10000xi32, #tpu.memory_space<vmem>> -> memref<40xi32, #tpu.memory_space<vmem>>
        %dma_start3A_159 = arith.constant 0 : i32
        %dma_start3A_160 = arith.constant 0 : i32
        %dma_start3A_161 = tpu.memref_slice %arg4[%dma_start3A_159, %dma_start3A_160] : memref<10240x128xf32, #tpu.memory_space<hbm>> -> memref<10240x128xf32, #tpu.memory_space<hbm>>
        tpu.enqueue_indirect_dma source(%dma_start3A_161 : memref<10240x128xf32, #tpu.memory_space<hbm>>) target(%arg13 : memref<40x128xf32, #tpu.memory_space<vmem>>) offsets(%dma_start3A_158 : memref<40xi32, #tpu.memory_space<vmem>>) semaphore(%arg20 : memref<!tpu.dma_semaphore, #tpu.memory_space<semaphore_mem>>)
      } else {
      }
      %dma_wait3A_106 = arith.constant 0 : i32
      %dma_wait3A_107 = tpu.memref_slice %arg3[%dma_wait3A_106] : memref<320000xi32, #tpu.memory_space<hbm>> -> memref<40xi32, #tpu.memory_space<hbm>>
      %dma_wait3A_108 = arith.constant 0 : i32
      %dma_wait3A_109 = tpu.memref_slice %arg3[%dma_wait3A_108] : memref<320000xi32, #tpu.memory_space<hbm>> -> memref<40xi32, #tpu.memory_space<hbm>>
      tpu.wait_dma2 semaphore(%arg26 : memref<!tpu.dma_semaphore, #tpu.memory_space<semaphore_mem>>) src(%dma_wait3A_109 : memref<40xi32, #tpu.memory_space<hbm>>) dst(%arg9 : memref<40xi32, #tpu.memory_space<vmem>>)
      %dma_wait3A_110 = arith.constant 0 : i32
      %dma_wait3A_111 = arith.constant 0 : i32
      %dma_wait3A_112 = tpu.memref_slice %arg4[%dma_wait3A_110, %dma_wait3A_111] : memref<10240x128xf32, #tpu.memory_space<hbm>> -> memref<40x128xf32, #tpu.memory_space<hbm>>
      %dma_wait3A_113 = arith.constant 0 : i32
      %dma_wait3A_114 = arith.constant 0 : i32
      %dma_wait3A_115 = tpu.memref_slice %arg4[%dma_wait3A_113, %dma_wait3A_114] : memref<10240x128xf32, #tpu.memory_space<hbm>> -> memref<40x128xf32, #tpu.memory_space<hbm>>
      tpu.wait_dma2 semaphore(%arg21 : memref<!tpu.dma_semaphore, #tpu.memory_space<semaphore_mem>>) src(%dma_wait3A_115 : memref<40x128xf32, #tpu.memory_space<hbm>>) dst(%arg14 : memref<40x128xf32, #tpu.memory_space<vmem>>)
      "tpu.region"() ({
        %run_scoped3A = tpu.sem_alloc : memref<!tpu.dma_semaphore, #tpu.memory_space<semaphore_mem>>
        %dma_start3A_151 = arith.constant 0 : i32
        %dma_start3A_152 = arith.constant 0 : i32
        %dma_start3A_153 = tpu.memref_slice %arg18[%dma_start3A_151, %dma_start3A_152] : memref<10240x128xf32, #tpu.memory_space<vmem_shared>> -> memref<10240x128xf32, #tpu.memory_space<vmem_shared>>
        tpu.enqueue_indirect_dma source(%arg14 : memref<40x128xf32, #tpu.memory_space<vmem>>) target(%dma_start3A_153 : memref<10240x128xf32, #tpu.memory_space<vmem_shared>>) offsets(%arg9 : memref<40xi32, #tpu.memory_space<vmem>>) semaphore(%run_scoped3A : memref<!tpu.dma_semaphore, #tpu.memory_space<semaphore_mem>>) {add = true}
        %dma_wait3A_154 = arith.constant 0 : i32
        %dma_wait3A_155 = arith.constant 0 : i32
        %dma_wait3A_156 = tpu.memref_slice %arg18[%dma_wait3A_154, %dma_wait3A_155] : memref<10240x128xf32, #tpu.memory_space<vmem_shared>> -> memref<10240x128xf32, #tpu.memory_space<vmem_shared>>
        tpu.wait_indirect_dma semaphore(%run_scoped3A : memref<!tpu.dma_semaphore, #tpu.memory_space<semaphore_mem>>) src(%arg14 : memref<40x128xf32, #tpu.memory_space<vmem>>) dst(%dma_wait3A_156 : memref<10240x128xf32, #tpu.memory_space<vmem_shared>>)
        tpu.yield
      }) : () -> ()
      %lt3A_116 = arith.constant 49 : i32
      %lt3A_117 = arith.cmpi slt, %scan3A_72, %lt3A_116 : i32
      %convert_element_type3A_118 = arith.extui %lt3A_117 : i1 to i32
      %cond3A_119 = arith.constant 0 : i32
      %cond3A_120 = arith.cmpi ne, %convert_element_type3A_118, %cond3A_119 : i32
      scf.if %cond3A_120 {
        %add3A_151 = arith.addi %multiple_of3A, %multiple_of3A_79 : i32
        %add3A_152 = arith.constant 80 : i32
        %add3A_153 = arith.addi %add3A_151, %add3A_152 : i32
        %dma_start3A_154 = tpu.memref_slice %arg3[%add3A_153] : memref<320000xi32, #tpu.memory_space<hbm>> -> memref<40xi32, #tpu.memory_space<hbm>>
        %dma_start3A_155 = tpu.memref_slice %arg3[%add3A_153] : memref<320000xi32, #tpu.memory_space<hbm>> -> memref<40xi32, #tpu.memory_space<hbm>>
        tpu.enqueue_dma source(%dma_start3A_155 : memref<40xi32, #tpu.memory_space<hbm>>) target(%arg9 : memref<40xi32, #tpu.memory_space<vmem>>) target_semaphore(%arg26 : memref<!tpu.dma_semaphore, #tpu.memory_space<semaphore_mem>>)
        %add3A_156 = arith.constant 80 : i32
        %add3A_157 = arith.addi %multiple_of3A_79, %add3A_156 : i32
        %dma_start3A_158 = tpu.memref_slice %arg17[%add3A_157] : memref<10000xi32, #tpu.memory_space<vmem>> -> memref<40xi32, #tpu.memory_space<vmem>>
        %dma_start3A_159 = arith.constant 0 : i32
        %dma_start3A_160 = arith.constant 0 : i32
        %dma_start3A_161 = tpu.memref_slice %arg4[%dma_start3A_159, %dma_start3A_160] : memref<10240x128xf32, #tpu.memory_space<hbm>> -> memref<10240x128xf32, #tpu.memory_space<hbm>>
        tpu.enqueue_indirect_dma source(%dma_start3A_161 : memref<10240x128xf32, #tpu.memory_space<hbm>>) target(%arg14 : memref<40x128xf32, #tpu.memory_space<vmem>>) offsets(%dma_start3A_158 : memref<40xi32, #tpu.memory_space<vmem>>) semaphore(%arg21 : memref<!tpu.dma_semaphore, #tpu.memory_space<semaphore_mem>>)
      } else {
      }
      %dma_wait3A_121 = arith.constant 0 : i32
      %dma_wait3A_122 = tpu.memref_slice %arg3[%dma_wait3A_121] : memref<320000xi32, #tpu.memory_space<hbm>> -> memref<40xi32, #tpu.memory_space<hbm>>
      %dma_wait3A_123 = arith.constant 0 : i32
      %dma_wait3A_124 = tpu.memref_slice %arg3[%dma_wait3A_123] : memref<320000xi32, #tpu.memory_space<hbm>> -> memref<40xi32, #tpu.memory_space<hbm>>
      tpu.wait_dma2 semaphore(%arg27 : memref<!tpu.dma_semaphore, #tpu.memory_space<semaphore_mem>>) src(%dma_wait3A_124 : memref<40xi32, #tpu.memory_space<hbm>>) dst(%arg10 : memref<40xi32, #tpu.memory_space<vmem>>)
      %dma_wait3A_125 = arith.constant 0 : i32
      %dma_wait3A_126 = arith.constant 0 : i32
      %dma_wait3A_127 = tpu.memref_slice %arg4[%dma_wait3A_125, %dma_wait3A_126] : memref<10240x128xf32, #tpu.memory_space<hbm>> -> memref<40x128xf32, #tpu.memory_space<hbm>>
      %dma_wait3A_128 = arith.constant 0 : i32
      %dma_wait3A_129 = arith.constant 0 : i32
      %dma_wait3A_130 = tpu.memref_slice %arg4[%dma_wait3A_128, %dma_wait3A_129] : memref<10240x128xf32, #tpu.memory_space<hbm>> -> memref<40x128xf32, #tpu.memory_space<hbm>>
      tpu.wait_dma2 semaphore(%arg22 : memref<!tpu.dma_semaphore, #tpu.memory_space<semaphore_mem>>) src(%dma_wait3A_130 : memref<40x128xf32, #tpu.memory_space<hbm>>) dst(%arg15 : memref<40x128xf32, #tpu.memory_space<vmem>>)
      "tpu.region"() ({
        %run_scoped3A = tpu.sem_alloc : memref<!tpu.dma_semaphore, #tpu.memory_space<semaphore_mem>>
        %dma_start3A_151 = arith.constant 0 : i32
        %dma_start3A_152 = arith.constant 0 : i32
        %dma_start3A_153 = tpu.memref_slice %arg18[%dma_start3A_151, %dma_start3A_152] : memref<10240x128xf32, #tpu.memory_space<vmem_shared>> -> memref<10240x128xf32, #tpu.memory_space<vmem_shared>>
        tpu.enqueue_indirect_dma source(%arg15 : memref<40x128xf32, #tpu.memory_space<vmem>>) target(%dma_start3A_153 : memref<10240x128xf32, #tpu.memory_space<vmem_shared>>) offsets(%arg10 : memref<40xi32, #tpu.memory_space<vmem>>) semaphore(%run_scoped3A : memref<!tpu.dma_semaphore, #tpu.memory_space<semaphore_mem>>) {add = true}
        %dma_wait3A_154 = arith.constant 0 : i32
        %dma_wait3A_155 = arith.constant 0 : i32
        %dma_wait3A_156 = tpu.memref_slice %arg18[%dma_wait3A_154, %dma_wait3A_155] : memref<10240x128xf32, #tpu.memory_space<vmem_shared>> -> memref<10240x128xf32, #tpu.memory_space<vmem_shared>>
        tpu.wait_indirect_dma semaphore(%run_scoped3A : memref<!tpu.dma_semaphore, #tpu.memory_space<semaphore_mem>>) src(%arg15 : memref<40x128xf32, #tpu.memory_space<vmem>>) dst(%dma_wait3A_156 : memref<10240x128xf32, #tpu.memory_space<vmem_shared>>)
        tpu.yield
      }) : () -> ()
      %lt3A_131 = arith.constant 49 : i32
      %lt3A_132 = arith.cmpi slt, %scan3A_72, %lt3A_131 : i32
      %convert_element_type3A_133 = arith.extui %lt3A_132 : i1 to i32
      %cond3A_134 = arith.constant 0 : i32
      %cond3A_135 = arith.cmpi ne, %convert_element_type3A_133, %cond3A_134 : i32
      scf.if %cond3A_135 {
        %add3A_151 = arith.addi %multiple_of3A, %multiple_of3A_79 : i32
        %add3A_152 = arith.constant 120 : i32
        %add3A_153 = arith.addi %add3A_151, %add3A_152 : i32
        %dma_start3A_154 = tpu.memref_slice %arg3[%add3A_153] : memref<320000xi32, #tpu.memory_space<hbm>> -> memref<40xi32, #tpu.memory_space<hbm>>
        %dma_start3A_155 = tpu.memref_slice %arg3[%add3A_153] : memref<320000xi32, #tpu.memory_space<hbm>> -> memref<40xi32, #tpu.memory_space<hbm>>
        tpu.enqueue_dma source(%dma_start3A_155 : memref<40xi32, #tpu.memory_space<hbm>>) target(%arg10 : memref<40xi32, #tpu.memory_space<vmem>>) target_semaphore(%arg27 : memref<!tpu.dma_semaphore, #tpu.memory_space<semaphore_mem>>)
        %add3A_156 = arith.constant 120 : i32
        %add3A_157 = arith.addi %multiple_of3A_79, %add3A_156 : i32
        %dma_start3A_158 = tpu.memref_slice %arg17[%add3A_157] : memref<10000xi32, #tpu.memory_space<vmem>> -> memref<40xi32, #tpu.memory_space<vmem>>
        %dma_start3A_159 = arith.constant 0 : i32
        %dma_start3A_160 = arith.constant 0 : i32
        %dma_start3A_161 = tpu.memref_slice %arg4[%dma_start3A_159, %dma_start3A_160] : memref<10240x128xf32, #tpu.memory_space<hbm>> -> memref<10240x128xf32, #tpu.memory_space<hbm>>
        tpu.enqueue_indirect_dma source(%dma_start3A_161 : memref<10240x128xf32, #tpu.memory_space<hbm>>) target(%arg15 : memref<40x128xf32, #tpu.memory_space<vmem>>) offsets(%dma_start3A_158 : memref<40xi32, #tpu.memory_space<vmem>>) semaphore(%arg22 : memref<!tpu.dma_semaphore, #tpu.memory_space<semaphore_mem>>)
      } else {
      }
      %dma_wait3A_136 = arith.constant 0 : i32
      %dma_wait3A_137 = tpu.memref_slice %arg3[%dma_wait3A_136] : memref<320000xi32, #tpu.memory_space<hbm>> -> memref<40xi32, #tpu.memory_space<hbm>>
      %dma_wait3A_138 = arith.constant 0 : i32
      %dma_wait3A_139 = tpu.memref_slice %arg3[%dma_wait3A_138] : memref<320000xi32, #tpu.memory_space<hbm>> -> memref<40xi32, #tpu.memory_space<hbm>>
      tpu.wait_dma2 semaphore(%arg28 : memref<!tpu.dma_semaphore, #tpu.memory_space<semaphore_mem>>) src(%dma_wait3A_139 : memref<40xi32, #tpu.memory_space<hbm>>) dst(%arg11 : memref<40xi32, #tpu.memory_space<vmem>>)
      %dma_wait3A_140 = arith.constant 0 : i32
      %dma_wait3A_141 = arith.constant 0 : i32
      %dma_wait3A_142 = tpu.memref_slice %arg4[%dma_wait3A_140, %dma_wait3A_141] : memref<10240x128xf32, #tpu.memory_space<hbm>> -> memref<40x128xf32, #tpu.memory_space<hbm>>
      %dma_wait3A_143 = arith.constant 0 : i32
      %dma_wait3A_144 = arith.constant 0 : i32
      %dma_wait3A_145 = tpu.memref_slice %arg4[%dma_wait3A_143, %dma_wait3A_144] : memref<10240x128xf32, #tpu.memory_space<hbm>> -> memref<40x128xf32, #tpu.memory_space<hbm>>
      tpu.wait_dma2 semaphore(%arg23 : memref<!tpu.dma_semaphore, #tpu.memory_space<semaphore_mem>>) src(%dma_wait3A_145 : memref<40x128xf32, #tpu.memory_space<hbm>>) dst(%arg16 : memref<40x128xf32, #tpu.memory_space<vmem>>)
      "tpu.region"() ({
        %run_scoped3A = tpu.sem_alloc : memref<!tpu.dma_semaphore, #tpu.memory_space<semaphore_mem>>
        %dma_start3A_151 = arith.constant 0 : i32
        %dma_start3A_152 = arith.constant 0 : i32
        %dma_start3A_153 = tpu.memref_slice %arg18[%dma_start3A_151, %dma_start3A_152] : memref<10240x128xf32, #tpu.memory_space<vmem_shared>> -> memref<10240x128xf32, #tpu.memory_space<vmem_shared>>
        tpu.enqueue_indirect_dma source(%arg16 : memref<40x128xf32, #tpu.memory_space<vmem>>) target(%dma_start3A_153 : memref<10240x128xf32, #tpu.memory_space<vmem_shared>>) offsets(%arg11 : memref<40xi32, #tpu.memory_space<vmem>>) semaphore(%run_scoped3A : memref<!tpu.dma_semaphore, #tpu.memory_space<semaphore_mem>>) {add = true}
        %dma_wait3A_154 = arith.constant 0 : i32
        %dma_wait3A_155 = arith.constant 0 : i32
        %dma_wait3A_156 = tpu.memref_slice %arg18[%dma_wait3A_154, %dma_wait3A_155] : memref<10240x128xf32, #tpu.memory_space<vmem_shared>> -> memref<10240x128xf32, #tpu.memory_space<vmem_shared>>
        tpu.wait_indirect_dma semaphore(%run_scoped3A : memref<!tpu.dma_semaphore, #tpu.memory_space<semaphore_mem>>) src(%arg16 : memref<40x128xf32, #tpu.memory_space<vmem>>) dst(%dma_wait3A_156 : memref<10240x128xf32, #tpu.memory_space<vmem_shared>>)
        tpu.yield
      }) : () -> ()
      %lt3A_146 = arith.constant 49 : i32
      %lt3A_147 = arith.cmpi slt, %scan3A_72, %lt3A_146 : i32
      %convert_element_type3A_148 = arith.extui %lt3A_147 : i1 to i32
      %cond3A_149 = arith.constant 0 : i32
      %cond3A_150 = arith.cmpi ne, %convert_element_type3A_148, %cond3A_149 : i32
      scf.if %cond3A_150 {
        %add3A_151 = arith.addi %multiple_of3A, %multiple_of3A_79 : i32
        %add3A_152 = arith.constant 160 : i32
        %add3A_153 = arith.addi %add3A_151, %add3A_152 : i32
        %dma_start3A_154 = tpu.memref_slice %arg3[%add3A_153] : memref<320000xi32, #tpu.memory_space<hbm>> -> memref<40xi32, #tpu.memory_space<hbm>>
        %dma_start3A_155 = tpu.memref_slice %arg3[%add3A_153] : memref<320000xi32, #tpu.memory_space<hbm>> -> memref<40xi32, #tpu.memory_space<hbm>>
        tpu.enqueue_dma source(%dma_start3A_155 : memref<40xi32, #tpu.memory_space<hbm>>) target(%arg11 : memref<40xi32, #tpu.memory_space<vmem>>) target_semaphore(%arg28 : memref<!tpu.dma_semaphore, #tpu.memory_space<semaphore_mem>>)
        %add3A_156 = arith.constant 160 : i32
        %add3A_157 = arith.addi %multiple_of3A_79, %add3A_156 : i32
        %dma_start3A_158 = tpu.memref_slice %arg17[%add3A_157] : memref<10000xi32, #tpu.memory_space<vmem>> -> memref<40xi32, #tpu.memory_space<vmem>>
        %dma_start3A_159 = arith.constant 0 : i32
        %dma_start3A_160 = arith.constant 0 : i32
        %dma_start3A_161 = tpu.memref_slice %arg4[%dma_start3A_159, %dma_start3A_160] : memref<10240x128xf32, #tpu.memory_space<hbm>> -> memref<10240x128xf32, #tpu.memory_space<hbm>>
        tpu.enqueue_indirect_dma source(%dma_start3A_161 : memref<10240x128xf32, #tpu.memory_space<hbm>>) target(%arg16 : memref<40x128xf32, #tpu.memory_space<vmem>>) offsets(%dma_start3A_158 : memref<40xi32, #tpu.memory_space<vmem>>) semaphore(%arg23 : memref<!tpu.dma_semaphore, #tpu.memory_space<semaphore_mem>>)
      } else {
      }
    }
    %scan3A_63 = arith.constant 50 : i32
    %barrier3A_64 = arith.constant 0 : index
    tpu.barrier barrier_id(%barrier3A_64)
    %mul3A_65 = arith.constant 10240 : i32
    %mul3A_66 = arith.muli %arg0, %mul3A_65 : i32
    %mul3A_67 = arith.constant 640 : i32
    %mul3A_68 = arith.muli %arg1, %mul3A_67 : i32
    %add3A_69 = arith.addi %mul3A_66, %mul3A_68 : i32
    %mul3A_70 = arith.constant 640 : i32
    %mul3A_71 = arith.muli %arg1, %mul3A_70 : i32
    "tpu.region"() ({
      %run_scoped3A = tpu.sem_alloc : memref<!tpu.dma_semaphore, #tpu.memory_space<semaphore_mem>>
      %dma_start3A_72 = arith.constant 0 : i32
      %dma_start3A_73 = tpu.memref_slice %arg6[%add3A_69, %dma_start3A_72] : memref<20480x128xf32, #tpu.memory_space<hbm>> -> memref<640x128xf32, #tpu.memory_space<hbm>>
      %dma_start3A_74 = arith.constant 0 : i32
      %dma_start3A_75 = tpu.memref_slice %arg18[%mul3A_71, %dma_start3A_74] : memref<10240x128xf32, #tpu.memory_space<vmem_shared>> -> memref<640x128xf32, #tpu.memory_space<vmem_shared>>
      tpu.enqueue_dma source(%dma_start3A_75 : memref<640x128xf32, #tpu.memory_space<vmem_shared>>) target(%dma_start3A_73 : memref<640x128xf32, #tpu.memory_space<hbm>>) target_semaphore(%run_scoped3A : memref<!tpu.dma_semaphore, #tpu.memory_space<semaphore_mem>>)
      %dma_wait3A = arith.constant 0 : i32
      %dma_wait3A_76 = tpu.memref_slice %arg6[%add3A_69, %dma_wait3A] : memref<20480x128xf32, #tpu.memory_space<hbm>> -> memref<640x128xf32, #tpu.memory_space<hbm>>
      %dma_wait3A_77 = arith.constant 0 : i32
      %dma_wait3A_78 = tpu.memref_slice %arg18[%mul3A_71, %dma_wait3A_77] : memref<10240x128xf32, #tpu.memory_space<vmem_shared>> -> memref<640x128xf32, #tpu.memory_space<vmem_shared>>
      tpu.wait_dma2 semaphore(%run_scoped3A : memref<!tpu.dma_semaphore, #tpu.memory_space<semaphore_mem>>) src(%dma_wait3A_78 : memref<640x128xf32, #tpu.memory_space<vmem_shared>>) dst(%dma_wait3A_76 : memref<640x128xf32, #tpu.memory_space<hbm>>)
      tpu.yield
    }) : () -> ()
    return
  }
}

#map = affine_map<(d0, d1) -> (0)>
#map1 = affine_map<(d0, d1) -> (0, 0)>
module attributes {stable_mosaic.version = 14 : i64} {
  func.func @_prop_body(%arg0: i32, %arg1: i32, %arg2: memref<320000xi32, #tpu.memory_space<hbm>>, %arg3: memref<320000xi32, #tpu.memory_space<hbm>>, %arg4: memref<10240x128xf32, #tpu.memory_space<hbm>>, %arg5: memref<640x128xf32, #tpu.memory_space<hbm>>, %arg6: memref<20480x128xf32, #tpu.memory_space<hbm>>, %arg7: memref<40xi32, #tpu.memory_space<vmem>>, %arg8: memref<40xi32, #tpu.memory_space<vmem>>, %arg9: memref<40xi32, #tpu.memory_space<vmem>>, %arg10: memref<40xi32, #tpu.memory_space<vmem>>, %arg11: memref<40xi32, #tpu.memory_space<vmem>>, %arg12: memref<40x128xf32, #tpu.memory_space<vmem>>, %arg13: memref<40x128xf32, #tpu.memory_space<vmem>>, %arg14: memref<40x128xf32, #tpu.memory_space<vmem>>, %arg15: memref<40x128xf32, #tpu.memory_space<vmem>>, %arg16: memref<40x128xf32, #tpu.memory_space<vmem>>, %arg17: memref<10000xi32, #tpu.memory_space<vmem>>, %arg18: memref<10240x128xf32, #tpu.memory_space<vmem_shared>>, %arg19: memref<!tpu.dma_semaphore, #tpu.memory_space<semaphore_mem>>, %arg20: memref<!tpu.dma_semaphore, #tpu.memory_space<semaphore_mem>>, %arg21: memref<!tpu.dma_semaphore, #tpu.memory_space<semaphore_mem>>, %arg22: memref<!tpu.dma_semaphore, #tpu.memory_space<semaphore_mem>>, %arg23: memref<!tpu.dma_semaphore, #tpu.memory_space<semaphore_mem>>, %arg24: memref<!tpu.dma_semaphore, #tpu.memory_space<semaphore_mem>>, %arg25: memref<!tpu.dma_semaphore, #tpu.memory_space<semaphore_mem>>, %arg26: memref<!tpu.dma_semaphore, #tpu.memory_space<semaphore_mem>>, %arg27: memref<!tpu.dma_semaphore, #tpu.memory_space<semaphore_mem>>, %arg28: memref<!tpu.dma_semaphore, #tpu.memory_space<semaphore_mem>>) attributes {dimension_semantics = [#tpu.dimension_semantics<core_parallel>, #tpu.dimension_semantics<subcore_parallel>], iteration_bounds = array<i64: 2, 16>, scalar_prefetch = 0 : i64, scratch_operands = 22 : i64, tpu.core_type = #tpu.core_type<sc_vector_subcore>, window_params = [{transform_indices = #map}, {transform_indices = #map}, {transform_indices = #map1}, {transform_indices = #map1}, {transform_indices = #map1}]} {
    %mul3A = arith.constant 16 : i32
    %mul3A_0 = arith.muli %arg0, %mul3A : i32
    %add3A = arith.addi %mul3A_0, %arg1 : i32
    %mul3A_1 = arith.constant 10000 : i32
    %mul3A_2 = arith.muli %add3A, %mul3A_1 : i32
    %multiple_of3A = tpu.assume_multiple %mul3A_2, 10000 : i32
    %mul3A_3 = arith.constant 640 : i32
    %mul3A_4 = arith.muli %arg1, %mul3A_3 : i32
    "tpu.region"() ({
      %run_scoped3A = tpu.sem_alloc : memref<!tpu.dma_semaphore, #tpu.memory_space<semaphore_mem>>
      %dma_start3A_72 = arith.constant 0 : i32
      %dma_start3A_73 = tpu.memref_slice %arg18[%mul3A_4, %dma_start3A_72] : memref<10240x128xf32, #tpu.memory_space<vmem_shared>> -> memref<640x128xf32, #tpu.memory_space<vmem_shared>>
      tpu.enqueue_dma source(%arg5 : memref<640x128xf32, #tpu.memory_space<hbm>>) target(%dma_start3A_73 : memref<640x128xf32, #tpu.memory_space<vmem_shared>>) target_semaphore(%run_scoped3A : memref<!tpu.dma_semaphore, #tpu.memory_space<semaphore_mem>>)
      %dma_wait3A = arith.constant 0 : i32
      %dma_wait3A_74 = tpu.memref_slice %arg18[%mul3A_4, %dma_wait3A] : memref<10240x128xf32, #tpu.memory_space<vmem_shared>> -> memref<640x128xf32, #tpu.memory_space<vmem_shared>>
      tpu.wait_dma2 semaphore(%run_scoped3A : memref<!tpu.dma_semaphore, #tpu.memory_space<semaphore_mem>>) src(%arg5 : memref<640x128xf32, #tpu.memory_space<hbm>>) dst(%dma_wait3A_74 : memref<640x128xf32, #tpu.memory_space<vmem_shared>>)
      tpu.yield
    }) : () -> ()
    "tpu.region"() ({
      %run_scoped3A = tpu.sem_alloc : memref<!tpu.dma_semaphore, #tpu.memory_space<semaphore_mem>>
      %dma_start3A_72 = tpu.memref_slice %arg2[%multiple_of3A] : memref<320000xi32, #tpu.memory_space<hbm>> -> memref<10000xi32, #tpu.memory_space<hbm>>
      %dma_start3A_73 = tpu.memref_slice %arg2[%multiple_of3A] : memref<320000xi32, #tpu.memory_space<hbm>> -> memref<10000xi32, #tpu.memory_space<hbm>>
      tpu.enqueue_dma source(%dma_start3A_73 : memref<10000xi32, #tpu.memory_space<hbm>>) target(%arg17 : memref<10000xi32, #tpu.memory_space<vmem>>) target_semaphore(%run_scoped3A : memref<!tpu.dma_semaphore, #tpu.memory_space<semaphore_mem>>)
      %dma_wait3A = tpu.memref_slice %arg2[%multiple_of3A] : memref<320000xi32, #tpu.memory_space<hbm>> -> memref<10000xi32, #tpu.memory_space<hbm>>
      %dma_wait3A_74 = tpu.memref_slice %arg2[%multiple_of3A] : memref<320000xi32, #tpu.memory_space<hbm>> -> memref<10000xi32, #tpu.memory_space<hbm>>
      tpu.wait_dma2 semaphore(%run_scoped3A : memref<!tpu.dma_semaphore, #tpu.memory_space<semaphore_mem>>) src(%dma_wait3A_74 : memref<10000xi32, #tpu.memory_space<hbm>>) dst(%arg17 : memref<10000xi32, #tpu.memory_space<vmem>>)
      tpu.yield
    }) : () -> ()
    %barrier3A = arith.constant 0 : index
    tpu.barrier barrier_id(%barrier3A)
    %add3A_5 = arith.constant 0 : i32
    %add3A_6 = arith.addi %multiple_of3A, %add3A_5 : i32
    %add3A_7 = arith.constant 0 : i32
    %add3A_8 = arith.addi %add3A_6, %add3A_7 : i32
    %dma_start3A = tpu.memref_slice %arg3[%add3A_8] : memref<320000xi32, #tpu.memory_space<hbm>> -> memref<40xi32, #tpu.memory_space<hbm>>
    %dma_start3A_9 = tpu.memref_slice %arg3[%add3A_8] : memref<320000xi32, #tpu.memory_space<hbm>> -> memref<40xi32, #tpu.memory_space<hbm>>
    tpu.enqueue_dma source(%dma_start3A_9 : memref<40xi32, #tpu.memory_space<hbm>>) target(%arg7 : memref<40xi32, #tpu.memory_space<vmem>>) target_semaphore(%arg24 : memref<!tpu.dma_semaphore, #tpu.memory_space<semaphore_mem>>)
    %dma_start3A_10 = arith.constant 0 : i32
    %dma_start3A_11 = tpu.memref_slice %arg17[%dma_start3A_10] : memref<10000xi32, #tpu.memory_space<vmem>> -> memref<40xi32, #tpu.memory_space<vmem>>
    %dma_start3A_12 = arith.constant 0 : i32
    %dma_start3A_13 = arith.constant 0 : i32
    %dma_start3A_14 = tpu.memref_slice %arg4[%dma_start3A_12, %dma_start3A_13] : memref<10240x128xf32, #tpu.memory_space<hbm>> -> memref<10240x128xf32, #tpu.memory_space<hbm>>
    tpu.enqueue_indirect_dma source(%dma_start3A_14 : memref<10240x128xf32, #tpu.memory_space<hbm>>) target(%arg12 : memref<40x128xf32, #tpu.memory_space<vmem>>) offsets(%dma_start3A_11 : memref<40xi32, #tpu.memory_space<vmem>>) semaphore(%arg19 : memref<!tpu.dma_semaphore, #tpu.memory_space<semaphore_mem>>)
    %add3A_15 = arith.constant 0 : i32
    %add3A_16 = arith.addi %multiple_of3A, %add3A_15 : i32
    %add3A_17 = arith.constant 40 : i32
    %add3A_18 = arith.addi %add3A_16, %add3A_17 : i32
    %dma_start3A_19 = tpu.memref_slice %arg3[%add3A_18] : memref<320000xi32, #tpu.memory_space<hbm>> -> memref<40xi32, #tpu.memory_space<hbm>>
    %dma_start3A_20 = tpu.memref_slice %arg3[%add3A_18] : memref<320000xi32, #tpu.memory_space<hbm>> -> memref<40xi32, #tpu.memory_space<hbm>>
    tpu.enqueue_dma source(%dma_start3A_20 : memref<40xi32, #tpu.memory_space<hbm>>) target(%arg8 : memref<40xi32, #tpu.memory_space<vmem>>) target_semaphore(%arg25 : memref<!tpu.dma_semaphore, #tpu.memory_space<semaphore_mem>>)
    %dma_start3A_21 = arith.constant 40 : i32
    %dma_start3A_22 = tpu.memref_slice %arg17[%dma_start3A_21] : memref<10000xi32, #tpu.memory_space<vmem>> -> memref<40xi32, #tpu.memory_space<vmem>>
    %dma_start3A_23 = arith.constant 0 : i32
    %dma_start3A_24 = arith.constant 0 : i32
    %dma_start3A_25 = tpu.memref_slice %arg4[%dma_start3A_23, %dma_start3A_24] : memref<10240x128xf32, #tpu.memory_space<hbm>> -> memref<10240x128xf32, #tpu.memory_space<hbm>>
    tpu.enqueue_indirect_dma source(%dma_start3A_25 : memref<10240x128xf32, #tpu.memory_space<hbm>>) target(%arg13 : memref<40x128xf32, #tpu.memory_space<vmem>>) offsets(%dma_start3A_22 : memref<40xi32, #tpu.memory_space<vmem>>) semaphore(%arg20 : memref<!tpu.dma_semaphore, #tpu.memory_space<semaphore_mem>>)
    %add3A_26 = arith.constant 0 : i32
    %add3A_27 = arith.addi %multiple_of3A, %add3A_26 : i32
    %add3A_28 = arith.constant 80 : i32
    %add3A_29 = arith.addi %add3A_27, %add3A_28 : i32
    %dma_start3A_30 = tpu.memref_slice %arg3[%add3A_29] : memref<320000xi32, #tpu.memory_space<hbm>> -> memref<40xi32, #tpu.memory_space<hbm>>
    %dma_start3A_31 = tpu.memref_slice %arg3[%add3A_29] : memref<320000xi32, #tpu.memory_space<hbm>> -> memref<40xi32, #tpu.memory_space<hbm>>
    tpu.enqueue_dma source(%dma_start3A_31 : memref<40xi32, #tpu.memory_space<hbm>>) target(%arg9 : memref<40xi32, #tpu.memory_space<vmem>>) target_semaphore(%arg26 : memref<!tpu.dma_semaphore, #tpu.memory_space<semaphore_mem>>)
    %dma_start3A_32 = arith.constant 80 : i32
    %dma_start3A_33 = tpu.memref_slice %arg17[%dma_start3A_32] : memref<10000xi32, #tpu.memory_space<vmem>> -> memref<40xi32, #tpu.memory_space<vmem>>
    %dma_start3A_34 = arith.constant 0 : i32
    %dma_start3A_35 = arith.constant 0 : i32
    %dma_start3A_36 = tpu.memref_slice %arg4[%dma_start3A_34, %dma_start3A_35] : memref<10240x128xf32, #tpu.memory_space<hbm>> -> memref<10240x128xf32, #tpu.memory_space<hbm>>
    tpu.enqueue_indirect_dma source(%dma_start3A_36 : memref<10240x128xf32, #tpu.memory_space<hbm>>) target(%arg14 : memref<40x128xf32, #tpu.memory_space<vmem>>) offsets(%dma_start3A_33 : memref<40xi32, #tpu.memory_space<vmem>>) semaphore(%arg21 : memref<!tpu.dma_semaphore, #tpu.memory_space<semaphore_mem>>)
    %add3A_37 = arith.constant 0 : i32
    %add3A_38 = arith.addi %multiple_of3A, %add3A_37 : i32
    %add3A_39 = arith.constant 120 : i32
    %add3A_40 = arith.addi %add3A_38, %add3A_39 : i32
    %dma_start3A_41 = tpu.memref_slice %arg3[%add3A_40] : memref<320000xi32, #tpu.memory_space<hbm>> -> memref<40xi32, #tpu.memory_space<hbm>>
    %dma_start3A_42 = tpu.memref_slice %arg3[%add3A_40] : memref<320000xi32, #tpu.memory_space<hbm>> -> memref<40xi32, #tpu.memory_space<hbm>>
    tpu.enqueue_dma source(%dma_start3A_42 : memref<40xi32, #tpu.memory_space<hbm>>) target(%arg10 : memref<40xi32, #tpu.memory_space<vmem>>) target_semaphore(%arg27 : memref<!tpu.dma_semaphore, #tpu.memory_space<semaphore_mem>>)
    %dma_start3A_43 = arith.constant 120 : i32
    %dma_start3A_44 = tpu.memref_slice %arg17[%dma_start3A_43] : memref<10000xi32, #tpu.memory_space<vmem>> -> memref<40xi32, #tpu.memory_space<vmem>>
    %dma_start3A_45 = arith.constant 0 : i32
    %dma_start3A_46 = arith.constant 0 : i32
    %dma_start3A_47 = tpu.memref_slice %arg4[%dma_start3A_45, %dma_start3A_46] : memref<10240x128xf32, #tpu.memory_space<hbm>> -> memref<10240x128xf32, #tpu.memory_space<hbm>>
    tpu.enqueue_indirect_dma source(%dma_start3A_47 : memref<10240x128xf32, #tpu.memory_space<hbm>>) target(%arg15 : memref<40x128xf32, #tpu.memory_space<vmem>>) offsets(%dma_start3A_44 : memref<40xi32, #tpu.memory_space<vmem>>) semaphore(%arg22 : memref<!tpu.dma_semaphore, #tpu.memory_space<semaphore_mem>>)
    %add3A_48 = arith.constant 0 : i32
    %add3A_49 = arith.addi %multiple_of3A, %add3A_48 : i32
    %add3A_50 = arith.constant 160 : i32
    %add3A_51 = arith.addi %add3A_49, %add3A_50 : i32
    %dma_start3A_52 = tpu.memref_slice %arg3[%add3A_51] : memref<320000xi32, #tpu.memory_space<hbm>> -> memref<40xi32, #tpu.memory_space<hbm>>
    %dma_start3A_53 = tpu.memref_slice %arg3[%add3A_51] : memref<320000xi32, #tpu.memory_space<hbm>> -> memref<40xi32, #tpu.memory_space<hbm>>
    tpu.enqueue_dma source(%dma_start3A_53 : memref<40xi32, #tpu.memory_space<hbm>>) target(%arg11 : memref<40xi32, #tpu.memory_space<vmem>>) target_semaphore(%arg28 : memref<!tpu.dma_semaphore, #tpu.memory_space<semaphore_mem>>)
    %dma_start3A_54 = arith.constant 160 : i32
    %dma_start3A_55 = tpu.memref_slice %arg17[%dma_start3A_54] : memref<10000xi32, #tpu.memory_space<vmem>> -> memref<40xi32, #tpu.memory_space<vmem>>
    %dma_start3A_56 = arith.constant 0 : i32
    %dma_start3A_57 = arith.constant 0 : i32
    %dma_start3A_58 = tpu.memref_slice %arg4[%dma_start3A_56, %dma_start3A_57] : memref<10240x128xf32, #tpu.memory_space<hbm>> -> memref<10240x128xf32, #tpu.memory_space<hbm>>
    tpu.enqueue_indirect_dma source(%dma_start3A_58 : memref<10240x128xf32, #tpu.memory_space<hbm>>) target(%arg16 : memref<40x128xf32, #tpu.memory_space<vmem>>) offsets(%dma_start3A_55 : memref<40xi32, #tpu.memory_space<vmem>>) semaphore(%arg23 : memref<!tpu.dma_semaphore, #tpu.memory_space<semaphore_mem>>)
    %scan3A = arith.constant 0 : i32
    %scan3A_59 = arith.constant 0 : i32
    %scan3A_60 = arith.constant 50 : i32
    %scan3A_61 = arith.addi %scan3A_59, %scan3A_60 : i32
    %scan3A_62 = arith.constant 1 : i32
    scf.for %scan3A_72 = %scan3A_59 to %scan3A_61 step %scan3A_62  : i32 {
      %add3A_73 = arith.constant 1 : i32
      %add3A_74 = arith.addi %scan3A_72, %add3A_73 : i32
      %mul3A_75 = arith.constant 5 : i32
      %mul3A_76 = arith.muli %add3A_74, %mul3A_75 : i32
      %mul3A_77 = arith.constant 40 : i32
      %mul3A_78 = arith.muli %mul3A_76, %mul3A_77 : i32
      %multiple_of3A_79 = tpu.assume_multiple %mul3A_78, 200 : i32
      %dma_wait3A = arith.constant 0 : i32
      %dma_wait3A_80 = tpu.memref_slice %arg3[%dma_wait3A] : memref<320000xi32, #tpu.memory_space<hbm>> -> memref<40xi32, #tpu.memory_space<hbm>>
      %dma_wait3A_81 = arith.constant 0 : i32
      %dma_wait3A_82 = tpu.memref_slice %arg3[%dma_wait3A_81] : memref<320000xi32, #tpu.memory_space<hbm>> -> memref<40xi32, #tpu.memory_space<hbm>>
      tpu.wait_dma2 semaphore(%arg24 : memref<!tpu.dma_semaphore, #tpu.memory_space<semaphore_mem>>) src(%dma_wait3A_82 : memref<40xi32, #tpu.memory_space<hbm>>) dst(%arg7 : memref<40xi32, #tpu.memory_space<vmem>>)
      %dma_wait3A_83 = arith.constant 0 : i32
      %dma_wait3A_84 = arith.constant 0 : i32
      %dma_wait3A_85 = tpu.memref_slice %arg4[%dma_wait3A_83, %dma_wait3A_84] : memref<10240x128xf32, #tpu.memory_space<hbm>> -> memref<40x128xf32, #tpu.memory_space<hbm>>
      %dma_wait3A_86 = arith.constant 0 : i32
      %dma_wait3A_87 = arith.constant 0 : i32
      %dma_wait3A_88 = tpu.memref_slice %arg4[%dma_wait3A_86, %dma_wait3A_87] : memref<10240x128xf32, #tpu.memory_space<hbm>> -> memref<40x128xf32, #tpu.memory_space<hbm>>
      tpu.wait_dma2 semaphore(%arg19 : memref<!tpu.dma_semaphore, #tpu.memory_space<semaphore_mem>>) src(%dma_wait3A_88 : memref<40x128xf32, #tpu.memory_space<hbm>>) dst(%arg12 : memref<40x128xf32, #tpu.memory_space<vmem>>)
      "tpu.region"() ({
        %run_scoped3A = tpu.sem_alloc : memref<!tpu.dma_semaphore, #tpu.memory_space<semaphore_mem>>
        %dma_start3A_151 = arith.constant 0 : i32
        %dma_start3A_152 = arith.constant 0 : i32
        %dma_start3A_153 = tpu.memref_slice %arg18[%dma_start3A_151, %dma_start3A_152] : memref<10240x128xf32, #tpu.memory_space<vmem_shared>> -> memref<10240x128xf32, #tpu.memory_space<vmem_shared>>
        tpu.enqueue_indirect_dma source(%arg12 : memref<40x128xf32, #tpu.memory_space<vmem>>) target(%dma_start3A_153 : memref<10240x128xf32, #tpu.memory_space<vmem_shared>>) offsets(%arg7 : memref<40xi32, #tpu.memory_space<vmem>>) semaphore(%run_scoped3A : memref<!tpu.dma_semaphore, #tpu.memory_space<semaphore_mem>>) {add = true}
        %dma_wait3A_154 = arith.constant 0 : i32
        %dma_wait3A_155 = arith.constant 0 : i32
        %dma_wait3A_156 = tpu.memref_slice %arg18[%dma_wait3A_154, %dma_wait3A_155] : memref<10240x128xf32, #tpu.memory_space<vmem_shared>> -> memref<10240x128xf32, #tpu.memory_space<vmem_shared>>
        tpu.wait_indirect_dma semaphore(%run_scoped3A : memref<!tpu.dma_semaphore, #tpu.memory_space<semaphore_mem>>) src(%arg12 : memref<40x128xf32, #tpu.memory_space<vmem>>) dst(%dma_wait3A_156 : memref<10240x128xf32, #tpu.memory_space<vmem_shared>>)
        tpu.yield
      }) : () -> ()
      %lt3A = arith.constant 49 : i32
      %lt3A_89 = arith.cmpi slt, %scan3A_72, %lt3A : i32
      %convert_element_type3A = arith.extui %lt3A_89 : i1 to i32
      %cond3A = arith.constant 0 : i32
      %cond3A_90 = arith.cmpi ne, %convert_element_type3A, %cond3A : i32
      scf.if %cond3A_90 {
        %add3A_151 = arith.addi %multiple_of3A, %multiple_of3A_79 : i32
        %add3A_152 = arith.constant 0 : i32
        %add3A_153 = arith.addi %add3A_151, %add3A_152 : i32
        %dma_start3A_154 = tpu.memref_slice %arg3[%add3A_153] : memref<320000xi32, #tpu.memory_space<hbm>> -> memref<40xi32, #tpu.memory_space<hbm>>
        %dma_start3A_155 = tpu.memref_slice %arg3[%add3A_153] : memref<320000xi32, #tpu.memory_space<hbm>> -> memref<40xi32, #tpu.memory_space<hbm>>
        tpu.enqueue_dma source(%dma_start3A_155 : memref<40xi32, #tpu.memory_space<hbm>>) target(%arg7 : memref<40xi32, #tpu.memory_space<vmem>>) target_semaphore(%arg24 : memref<!tpu.dma_semaphore, #tpu.memory_space<semaphore_mem>>)
        %add3A_156 = arith.constant 0 : i32
        %add3A_157 = arith.addi %multiple_of3A_79, %add3A_156 : i32
        %dma_start3A_158 = tpu.memref_slice %arg17[%add3A_157] : memref<10000xi32, #tpu.memory_space<vmem>> -> memref<40xi32, #tpu.memory_space<vmem>>
        %dma_start3A_159 = arith.constant 0 : i32
        %dma_start3A_160 = arith.constant 0 : i32
        %dma_start3A_161 = tpu.memref_slice %arg4[%dma_start3A_159, %dma_start3A_160] : memref<10240x128xf32, #tpu.memory_space<hbm>> -> memref<10240x128xf32, #tpu.memory_space<hbm>>
        tpu.enqueue_indirect_dma source(%dma_start3A_161 : memref<10240x128xf32, #tpu.memory_space<hbm>>) target(%arg12 : memref<40x128xf32, #tpu.memory_space<vmem>>) offsets(%dma_start3A_158 : memref<40xi32, #tpu.memory_space<vmem>>) semaphore(%arg19 : memref<!tpu.dma_semaphore, #tpu.memory_space<semaphore_mem>>)
      } else {
      }
      %dma_wait3A_91 = arith.constant 0 : i32
      %dma_wait3A_92 = tpu.memref_slice %arg3[%dma_wait3A_91] : memref<320000xi32, #tpu.memory_space<hbm>> -> memref<40xi32, #tpu.memory_space<hbm>>
      %dma_wait3A_93 = arith.constant 0 : i32
      %dma_wait3A_94 = tpu.memref_slice %arg3[%dma_wait3A_93] : memref<320000xi32, #tpu.memory_space<hbm>> -> memref<40xi32, #tpu.memory_space<hbm>>
      tpu.wait_dma2 semaphore(%arg25 : memref<!tpu.dma_semaphore, #tpu.memory_space<semaphore_mem>>) src(%dma_wait3A_94 : memref<40xi32, #tpu.memory_space<hbm>>) dst(%arg8 : memref<40xi32, #tpu.memory_space<vmem>>)
      %dma_wait3A_95 = arith.constant 0 : i32
      %dma_wait3A_96 = arith.constant 0 : i32
      %dma_wait3A_97 = tpu.memref_slice %arg4[%dma_wait3A_95, %dma_wait3A_96] : memref<10240x128xf32, #tpu.memory_space<hbm>> -> memref<40x128xf32, #tpu.memory_space<hbm>>
      %dma_wait3A_98 = arith.constant 0 : i32
      %dma_wait3A_99 = arith.constant 0 : i32
      %dma_wait3A_100 = tpu.memref_slice %arg4[%dma_wait3A_98, %dma_wait3A_99] : memref<10240x128xf32, #tpu.memory_space<hbm>> -> memref<40x128xf32, #tpu.memory_space<hbm>>
      tpu.wait_dma2 semaphore(%arg20 : memref<!tpu.dma_semaphore, #tpu.memory_space<semaphore_mem>>) src(%dma_wait3A_100 : memref<40x128xf32, #tpu.memory_space<hbm>>) dst(%arg13 : memref<40x128xf32, #tpu.memory_space<vmem>>)
      "tpu.region"() ({
        %run_scoped3A = tpu.sem_alloc : memref<!tpu.dma_semaphore, #tpu.memory_space<semaphore_mem>>
        %dma_start3A_151 = arith.constant 0 : i32
        %dma_start3A_152 = arith.constant 0 : i32
        %dma_start3A_153 = tpu.memref_slice %arg18[%dma_start3A_151, %dma_start3A_152] : memref<10240x128xf32, #tpu.memory_space<vmem_shared>> -> memref<10240x128xf32, #tpu.memory_space<vmem_shared>>
        tpu.enqueue_indirect_dma source(%arg13 : memref<40x128xf32, #tpu.memory_space<vmem>>) target(%dma_start3A_153 : memref<10240x128xf32, #tpu.memory_space<vmem_shared>>) offsets(%arg8 : memref<40xi32, #tpu.memory_space<vmem>>) semaphore(%run_scoped3A : memref<!tpu.dma_semaphore, #tpu.memory_space<semaphore_mem>>) {add = true}
        %dma_wait3A_154 = arith.constant 0 : i32
        %dma_wait3A_155 = arith.constant 0 : i32
        %dma_wait3A_156 = tpu.memref_slice %arg18[%dma_wait3A_154, %dma_wait3A_155] : memref<10240x128xf32, #tpu.memory_space<vmem_shared>> -> memref<10240x128xf32, #tpu.memory_space<vmem_shared>>
        tpu.wait_indirect_dma semaphore(%run_scoped3A : memref<!tpu.dma_semaphore, #tpu.memory_space<semaphore_mem>>) src(%arg13 : memref<40x128xf32, #tpu.memory_space<vmem>>) dst(%dma_wait3A_156 : memref<10240x128xf32, #tpu.memory_space<vmem_shared>>)
        tpu.yield
      }) : () -> ()
      %lt3A_101 = arith.constant 49 : i32
      %lt3A_102 = arith.cmpi slt, %scan3A_72, %lt3A_101 : i32
      %convert_element_type3A_103 = arith.extui %lt3A_102 : i1 to i32
      %cond3A_104 = arith.constant 0 : i32
      %cond3A_105 = arith.cmpi ne, %convert_element_type3A_103, %cond3A_104 : i32
      scf.if %cond3A_105 {
        %add3A_151 = arith.addi %multiple_of3A, %multiple_of3A_79 : i32
        %add3A_152 = arith.constant 40 : i32
        %add3A_153 = arith.addi %add3A_151, %add3A_152 : i32
        %dma_start3A_154 = tpu.memref_slice %arg3[%add3A_153] : memref<320000xi32, #tpu.memory_space<hbm>> -> memref<40xi32, #tpu.memory_space<hbm>>
        %dma_start3A_155 = tpu.memref_slice %arg3[%add3A_153] : memref<320000xi32, #tpu.memory_space<hbm>> -> memref<40xi32, #tpu.memory_space<hbm>>
        tpu.enqueue_dma source(%dma_start3A_155 : memref<40xi32, #tpu.memory_space<hbm>>) target(%arg8 : memref<40xi32, #tpu.memory_space<vmem>>) target_semaphore(%arg25 : memref<!tpu.dma_semaphore, #tpu.memory_space<semaphore_mem>>)
        %add3A_156 = arith.constant 40 : i32
        %add3A_157 = arith.addi %multiple_of3A_79, %add3A_156 : i32
        %dma_start3A_158 = tpu.memref_slice %arg17[%add3A_157] : memref<10000xi32, #tpu.memory_space<vmem>> -> memref<40xi32, #tpu.memory_space<vmem>>
        %dma_start3A_159 = arith.constant 0 : i32
        %dma_start3A_160 = arith.constant 0 : i32
        %dma_start3A_161 = tpu.memref_slice %arg4[%dma_start3A_159, %dma_start3A_160] : memref<10240x128xf32, #tpu.memory_space<hbm>> -> memref<10240x128xf32, #tpu.memory_space<hbm>>
        tpu.enqueue_indirect_dma source(%dma_start3A_161 : memref<10240x128xf32, #tpu.memory_space<hbm>>) target(%arg13 : memref<40x128xf32, #tpu.memory_space<vmem>>) offsets(%dma_start3A_158 : memref<40xi32, #tpu.memory_space<vmem>>) semaphore(%arg20 : memref<!tpu.dma_semaphore, #tpu.memory_space<semaphore_mem>>)
      } else {
      }
      %dma_wait3A_106 = arith.constant 0 : i32
      %dma_wait3A_107 = tpu.memref_slice %arg3[%dma_wait3A_106] : memref<320000xi32, #tpu.memory_space<hbm>> -> memref<40xi32, #tpu.memory_space<hbm>>
      %dma_wait3A_108 = arith.constant 0 : i32
      %dma_wait3A_109 = tpu.memref_slice %arg3[%dma_wait3A_108] : memref<320000xi32, #tpu.memory_space<hbm>> -> memref<40xi32, #tpu.memory_space<hbm>>
      tpu.wait_dma2 semaphore(%arg26 : memref<!tpu.dma_semaphore, #tpu.memory_space<semaphore_mem>>) src(%dma_wait3A_109 : memref<40xi32, #tpu.memory_space<hbm>>) dst(%arg9 : memref<40xi32, #tpu.memory_space<vmem>>)
      %dma_wait3A_110 = arith.constant 0 : i32
      %dma_wait3A_111 = arith.constant 0 : i32
      %dma_wait3A_112 = tpu.memref_slice %arg4[%dma_wait3A_110, %dma_wait3A_111] : memref<10240x128xf32, #tpu.memory_space<hbm>> -> memref<40x128xf32, #tpu.memory_space<hbm>>
      %dma_wait3A_113 = arith.constant 0 : i32
      %dma_wait3A_114 = arith.constant 0 : i32
      %dma_wait3A_115 = tpu.memref_slice %arg4[%dma_wait3A_113, %dma_wait3A_114] : memref<10240x128xf32, #tpu.memory_space<hbm>> -> memref<40x128xf32, #tpu.memory_space<hbm>>
      tpu.wait_dma2 semaphore(%arg21 : memref<!tpu.dma_semaphore, #tpu.memory_space<semaphore_mem>>) src(%dma_wait3A_115 : memref<40x128xf32, #tpu.memory_space<hbm>>) dst(%arg14 : memref<40x128xf32, #tpu.memory_space<vmem>>)
      "tpu.region"() ({
        %run_scoped3A = tpu.sem_alloc : memref<!tpu.dma_semaphore, #tpu.memory_space<semaphore_mem>>
        %dma_start3A_151 = arith.constant 0 : i32
        %dma_start3A_152 = arith.constant 0 : i32
        %dma_start3A_153 = tpu.memref_slice %arg18[%dma_start3A_151, %dma_start3A_152] : memref<10240x128xf32, #tpu.memory_space<vmem_shared>> -> memref<10240x128xf32, #tpu.memory_space<vmem_shared>>
        tpu.enqueue_indirect_dma source(%arg14 : memref<40x128xf32, #tpu.memory_space<vmem>>) target(%dma_start3A_153 : memref<10240x128xf32, #tpu.memory_space<vmem_shared>>) offsets(%arg9 : memref<40xi32, #tpu.memory_space<vmem>>) semaphore(%run_scoped3A : memref<!tpu.dma_semaphore, #tpu.memory_space<semaphore_mem>>) {add = true}
        %dma_wait3A_154 = arith.constant 0 : i32
        %dma_wait3A_155 = arith.constant 0 : i32
        %dma_wait3A_156 = tpu.memref_slice %arg18[%dma_wait3A_154, %dma_wait3A_155] : memref<10240x128xf32, #tpu.memory_space<vmem_shared>> -> memref<10240x128xf32, #tpu.memory_space<vmem_shared>>
        tpu.wait_indirect_dma semaphore(%run_scoped3A : memref<!tpu.dma_semaphore, #tpu.memory_space<semaphore_mem>>) src(%arg14 : memref<40x128xf32, #tpu.memory_space<vmem>>) dst(%dma_wait3A_156 : memref<10240x128xf32, #tpu.memory_space<vmem_shared>>)
        tpu.yield
      }) : () -> ()
      %lt3A_116 = arith.constant 49 : i32
      %lt3A_117 = arith.cmpi slt, %scan3A_72, %lt3A_116 : i32
      %convert_element_type3A_118 = arith.extui %lt3A_117 : i1 to i32
      %cond3A_119 = arith.constant 0 : i32
      %cond3A_120 = arith.cmpi ne, %convert_element_type3A_118, %cond3A_119 : i32
      scf.if %cond3A_120 {
        %add3A_151 = arith.addi %multiple_of3A, %multiple_of3A_79 : i32
        %add3A_152 = arith.constant 80 : i32
        %add3A_153 = arith.addi %add3A_151, %add3A_152 : i32
        %dma_start3A_154 = tpu.memref_slice %arg3[%add3A_153] : memref<320000xi32, #tpu.memory_space<hbm>> -> memref<40xi32, #tpu.memory_space<hbm>>
        %dma_start3A_155 = tpu.memref_slice %arg3[%add3A_153] : memref<320000xi32, #tpu.memory_space<hbm>> -> memref<40xi32, #tpu.memory_space<hbm>>
        tpu.enqueue_dma source(%dma_start3A_155 : memref<40xi32, #tpu.memory_space<hbm>>) target(%arg9 : memref<40xi32, #tpu.memory_space<vmem>>) target_semaphore(%arg26 : memref<!tpu.dma_semaphore, #tpu.memory_space<semaphore_mem>>)
        %add3A_156 = arith.constant 80 : i32
        %add3A_157 = arith.addi %multiple_of3A_79, %add3A_156 : i32
        %dma_start3A_158 = tpu.memref_slice %arg17[%add3A_157] : memref<10000xi32, #tpu.memory_space<vmem>> -> memref<40xi32, #tpu.memory_space<vmem>>
        %dma_start3A_159 = arith.constant 0 : i32
        %dma_start3A_160 = arith.constant 0 : i32
        %dma_start3A_161 = tpu.memref_slice %arg4[%dma_start3A_159, %dma_start3A_160] : memref<10240x128xf32, #tpu.memory_space<hbm>> -> memref<10240x128xf32, #tpu.memory_space<hbm>>
        tpu.enqueue_indirect_dma source(%dma_start3A_161 : memref<10240x128xf32, #tpu.memory_space<hbm>>) target(%arg14 : memref<40x128xf32, #tpu.memory_space<vmem>>) offsets(%dma_start3A_158 : memref<40xi32, #tpu.memory_space<vmem>>) semaphore(%arg21 : memref<!tpu.dma_semaphore, #tpu.memory_space<semaphore_mem>>)
      } else {
      }
      %dma_wait3A_121 = arith.constant 0 : i32
      %dma_wait3A_122 = tpu.memref_slice %arg3[%dma_wait3A_121] : memref<320000xi32, #tpu.memory_space<hbm>> -> memref<40xi32, #tpu.memory_space<hbm>>
      %dma_wait3A_123 = arith.constant 0 : i32
      %dma_wait3A_124 = tpu.memref_slice %arg3[%dma_wait3A_123] : memref<320000xi32, #tpu.memory_space<hbm>> -> memref<40xi32, #tpu.memory_space<hbm>>
      tpu.wait_dma2 semaphore(%arg27 : memref<!tpu.dma_semaphore, #tpu.memory_space<semaphore_mem>>) src(%dma_wait3A_124 : memref<40xi32, #tpu.memory_space<hbm>>) dst(%arg10 : memref<40xi32, #tpu.memory_space<vmem>>)
      %dma_wait3A_125 = arith.constant 0 : i32
      %dma_wait3A_126 = arith.constant 0 : i32
      %dma_wait3A_127 = tpu.memref_slice %arg4[%dma_wait3A_125, %dma_wait3A_126] : memref<10240x128xf32, #tpu.memory_space<hbm>> -> memref<40x128xf32, #tpu.memory_space<hbm>>
      %dma_wait3A_128 = arith.constant 0 : i32
      %dma_wait3A_129 = arith.constant 0 : i32
      %dma_wait3A_130 = tpu.memref_slice %arg4[%dma_wait3A_128, %dma_wait3A_129] : memref<10240x128xf32, #tpu.memory_space<hbm>> -> memref<40x128xf32, #tpu.memory_space<hbm>>
      tpu.wait_dma2 semaphore(%arg22 : memref<!tpu.dma_semaphore, #tpu.memory_space<semaphore_mem>>) src(%dma_wait3A_130 : memref<40x128xf32, #tpu.memory_space<hbm>>) dst(%arg15 : memref<40x128xf32, #tpu.memory_space<vmem>>)
      "tpu.region"() ({
        %run_scoped3A = tpu.sem_alloc : memref<!tpu.dma_semaphore, #tpu.memory_space<semaphore_mem>>
        %dma_start3A_151 = arith.constant 0 : i32
        %dma_start3A_152 = arith.constant 0 : i32
        %dma_start3A_153 = tpu.memref_slice %arg18[%dma_start3A_151, %dma_start3A_152] : memref<10240x128xf32, #tpu.memory_space<vmem_shared>> -> memref<10240x128xf32, #tpu.memory_space<vmem_shared>>
        tpu.enqueue_indirect_dma source(%arg15 : memref<40x128xf32, #tpu.memory_space<vmem>>) target(%dma_start3A_153 : memref<10240x128xf32, #tpu.memory_space<vmem_shared>>) offsets(%arg10 : memref<40xi32, #tpu.memory_space<vmem>>) semaphore(%run_scoped3A : memref<!tpu.dma_semaphore, #tpu.memory_space<semaphore_mem>>) {add = true}
        %dma_wait3A_154 = arith.constant 0 : i32
        %dma_wait3A_155 = arith.constant 0 : i32
        %dma_wait3A_156 = tpu.memref_slice %arg18[%dma_wait3A_154, %dma_wait3A_155] : memref<10240x128xf32, #tpu.memory_space<vmem_shared>> -> memref<10240x128xf32, #tpu.memory_space<vmem_shared>>
        tpu.wait_indirect_dma semaphore(%run_scoped3A : memref<!tpu.dma_semaphore, #tpu.memory_space<semaphore_mem>>) src(%arg15 : memref<40x128xf32, #tpu.memory_space<vmem>>) dst(%dma_wait3A_156 : memref<10240x128xf32, #tpu.memory_space<vmem_shared>>)
        tpu.yield
      }) : () -> ()
      %lt3A_131 = arith.constant 49 : i32
      %lt3A_132 = arith.cmpi slt, %scan3A_72, %lt3A_131 : i32
      %convert_element_type3A_133 = arith.extui %lt3A_132 : i1 to i32
      %cond3A_134 = arith.constant 0 : i32
      %cond3A_135 = arith.cmpi ne, %convert_element_type3A_133, %cond3A_134 : i32
      scf.if %cond3A_135 {
        %add3A_151 = arith.addi %multiple_of3A, %multiple_of3A_79 : i32
        %add3A_152 = arith.constant 120 : i32
        %add3A_153 = arith.addi %add3A_151, %add3A_152 : i32
        %dma_start3A_154 = tpu.memref_slice %arg3[%add3A_153] : memref<320000xi32, #tpu.memory_space<hbm>> -> memref<40xi32, #tpu.memory_space<hbm>>
        %dma_start3A_155 = tpu.memref_slice %arg3[%add3A_153] : memref<320000xi32, #tpu.memory_space<hbm>> -> memref<40xi32, #tpu.memory_space<hbm>>
        tpu.enqueue_dma source(%dma_start3A_155 : memref<40xi32, #tpu.memory_space<hbm>>) target(%arg10 : memref<40xi32, #tpu.memory_space<vmem>>) target_semaphore(%arg27 : memref<!tpu.dma_semaphore, #tpu.memory_space<semaphore_mem>>)
        %add3A_156 = arith.constant 120 : i32
        %add3A_157 = arith.addi %multiple_of3A_79, %add3A_156 : i32
        %dma_start3A_158 = tpu.memref_slice %arg17[%add3A_157] : memref<10000xi32, #tpu.memory_space<vmem>> -> memref<40xi32, #tpu.memory_space<vmem>>
        %dma_start3A_159 = arith.constant 0 : i32
        %dma_start3A_160 = arith.constant 0 : i32
        %dma_start3A_161 = tpu.memref_slice %arg4[%dma_start3A_159, %dma_start3A_160] : memref<10240x128xf32, #tpu.memory_space<hbm>> -> memref<10240x128xf32, #tpu.memory_space<hbm>>
        tpu.enqueue_indirect_dma source(%dma_start3A_161 : memref<10240x128xf32, #tpu.memory_space<hbm>>) target(%arg15 : memref<40x128xf32, #tpu.memory_space<vmem>>) offsets(%dma_start3A_158 : memref<40xi32, #tpu.memory_space<vmem>>) semaphore(%arg22 : memref<!tpu.dma_semaphore, #tpu.memory_space<semaphore_mem>>)
      } else {
      }
      %dma_wait3A_136 = arith.constant 0 : i32
      %dma_wait3A_137 = tpu.memref_slice %arg3[%dma_wait3A_136] : memref<320000xi32, #tpu.memory_space<hbm>> -> memref<40xi32, #tpu.memory_space<hbm>>
      %dma_wait3A_138 = arith.constant 0 : i32
      %dma_wait3A_139 = tpu.memref_slice %arg3[%dma_wait3A_138] : memref<320000xi32, #tpu.memory_space<hbm>> -> memref<40xi32, #tpu.memory_space<hbm>>
      tpu.wait_dma2 semaphore(%arg28 : memref<!tpu.dma_semaphore, #tpu.memory_space<semaphore_mem>>) src(%dma_wait3A_139 : memref<40xi32, #tpu.memory_space<hbm>>) dst(%arg11 : memref<40xi32, #tpu.memory_space<vmem>>)
      %dma_wait3A_140 = arith.constant 0 : i32
      %dma_wait3A_141 = arith.constant 0 : i32
      %dma_wait3A_142 = tpu.memref_slice %arg4[%dma_wait3A_140, %dma_wait3A_141] : memref<10240x128xf32, #tpu.memory_space<hbm>> -> memref<40x128xf32, #tpu.memory_space<hbm>>
      %dma_wait3A_143 = arith.constant 0 : i32
      %dma_wait3A_144 = arith.constant 0 : i32
      %dma_wait3A_145 = tpu.memref_slice %arg4[%dma_wait3A_143, %dma_wait3A_144] : memref<10240x128xf32, #tpu.memory_space<hbm>> -> memref<40x128xf32, #tpu.memory_space<hbm>>
      tpu.wait_dma2 semaphore(%arg23 : memref<!tpu.dma_semaphore, #tpu.memory_space<semaphore_mem>>) src(%dma_wait3A_145 : memref<40x128xf32, #tpu.memory_space<hbm>>) dst(%arg16 : memref<40x128xf32, #tpu.memory_space<vmem>>)
      "tpu.region"() ({
        %run_scoped3A = tpu.sem_alloc : memref<!tpu.dma_semaphore, #tpu.memory_space<semaphore_mem>>
        %dma_start3A_151 = arith.constant 0 : i32
        %dma_start3A_152 = arith.constant 0 : i32
        %dma_start3A_153 = tpu.memref_slice %arg18[%dma_start3A_151, %dma_start3A_152] : memref<10240x128xf32, #tpu.memory_space<vmem_shared>> -> memref<10240x128xf32, #tpu.memory_space<vmem_shared>>
        tpu.enqueue_indirect_dma source(%arg16 : memref<40x128xf32, #tpu.memory_space<vmem>>) target(%dma_start3A_153 : memref<10240x128xf32, #tpu.memory_space<vmem_shared>>) offsets(%arg11 : memref<40xi32, #tpu.memory_space<vmem>>) semaphore(%run_scoped3A : memref<!tpu.dma_semaphore, #tpu.memory_space<semaphore_mem>>) {add = true}
        %dma_wait3A_154 = arith.constant 0 : i32
        %dma_wait3A_155 = arith.constant 0 : i32
        %dma_wait3A_156 = tpu.memref_slice %arg18[%dma_wait3A_154, %dma_wait3A_155] : memref<10240x128xf32, #tpu.memory_space<vmem_shared>> -> memref<10240x128xf32, #tpu.memory_space<vmem_shared>>
        tpu.wait_indirect_dma semaphore(%run_scoped3A : memref<!tpu.dma_semaphore, #tpu.memory_space<semaphore_mem>>) src(%arg16 : memref<40x128xf32, #tpu.memory_space<vmem>>) dst(%dma_wait3A_156 : memref<10240x128xf32, #tpu.memory_space<vmem_shared>>)
        tpu.yield
      }) : () -> ()
      %lt3A_146 = arith.constant 49 : i32
      %lt3A_147 = arith.cmpi slt, %scan3A_72, %lt3A_146 : i32
      %convert_element_type3A_148 = arith.extui %lt3A_147 : i1 to i32
      %cond3A_149 = arith.constant 0 : i32
      %cond3A_150 = arith.cmpi ne, %convert_element_type3A_148, %cond3A_149 : i32
      scf.if %cond3A_150 {
        %add3A_151 = arith.addi %multiple_of3A, %multiple_of3A_79 : i32
        %add3A_152 = arith.constant 160 : i32
        %add3A_153 = arith.addi %add3A_151, %add3A_152 : i32
        %dma_start3A_154 = tpu.memref_slice %arg3[%add3A_153] : memref<320000xi32, #tpu.memory_space<hbm>> -> memref<40xi32, #tpu.memory_space<hbm>>
        %dma_start3A_155 = tpu.memref_slice %arg3[%add3A_153] : memref<320000xi32, #tpu.memory_space<hbm>> -> memref<40xi32, #tpu.memory_space<hbm>>
        tpu.enqueue_dma source(%dma_start3A_155 : memref<40xi32, #tpu.memory_space<hbm>>) target(%arg11 : memref<40xi32, #tpu.memory_space<vmem>>) target_semaphore(%arg28 : memref<!tpu.dma_semaphore, #tpu.memory_space<semaphore_mem>>)
        %add3A_156 = arith.constant 160 : i32
        %add3A_157 = arith.addi %multiple_of3A_79, %add3A_156 : i32
        %dma_start3A_158 = tpu.memref_slice %arg17[%add3A_157] : memref<10000xi32, #tpu.memory_space<vmem>> -> memref<40xi32, #tpu.memory_space<vmem>>
        %dma_start3A_159 = arith.constant 0 : i32
        %dma_start3A_160 = arith.constant 0 : i32
        %dma_start3A_161 = tpu.memref_slice %arg4[%dma_start3A_159, %dma_start3A_160] : memref<10240x128xf32, #tpu.memory_space<hbm>> -> memref<10240x128xf32, #tpu.memory_space<hbm>>
        tpu.enqueue_indirect_dma source(%dma_start3A_161 : memref<10240x128xf32, #tpu.memory_space<hbm>>) target(%arg16 : memref<40x128xf32, #tpu.memory_space<vmem>>) offsets(%dma_start3A_158 : memref<40xi32, #tpu.memory_space<vmem>>) semaphore(%arg23 : memref<!tpu.dma_semaphore, #tpu.memory_space<semaphore_mem>>)
      } else {
      }
    }
    %scan3A_63 = arith.constant 50 : i32
    %barrier3A_64 = arith.constant 0 : index
    tpu.barrier barrier_id(%barrier3A_64)
    %mul3A_65 = arith.constant 10240 : i32
    %mul3A_66 = arith.muli %arg0, %mul3A_65 : i32
    %mul3A_67 = arith.constant 640 : i32
    %mul3A_68 = arith.muli %arg1, %mul3A_67 : i32
    %add3A_69 = arith.addi %mul3A_66, %mul3A_68 : i32
    %mul3A_70 = arith.constant 640 : i32
    %mul3A_71 = arith.muli %arg1, %mul3A_70 : i32
    "tpu.region"() ({
      %run_scoped3A = tpu.sem_alloc : memref<!tpu.dma_semaphore, #tpu.memory_space<semaphore_mem>>
      %dma_start3A_72 = arith.constant 0 : i32
      %dma_start3A_73 = tpu.memref_slice %arg6[%add3A_69, %dma_start3A_72] : memref<20480x128xf32, #tpu.memory_space<hbm>> -> memref<640x128xf32, #tpu.memory_space<hbm>>
      %dma_start3A_74 = arith.constant 0 : i32
      %dma_start3A_75 = tpu.memref_slice %arg18[%mul3A_71, %dma_start3A_74] : memref<10240x128xf32, #tpu.memory_space<vmem_shared>> -> memref<640x128xf32, #tpu.memory_space<vmem_shared>>
      tpu.enqueue_dma source(%dma_start3A_75 : memref<640x128xf32, #tpu.memory_space<vmem_shared>>) target(%dma_start3A_73 : memref<640x128xf32, #tpu.memory_space<hbm>>) target_semaphore(%run_scoped3A : memref<!tpu.dma_semaphore, #tpu.memory_space<semaphore_mem>>)
      %dma_wait3A = arith.constant 0 : i32
      %dma_wait3A_76 = tpu.memref_slice %arg6[%add3A_69, %dma_wait3A] : memref<20480x128xf32, #tpu.memory_space<hbm>> -> memref<640x128xf32, #tpu.memory_space<hbm>>
      %dma_wait3A_77 = arith.constant 0 : i32
      %dma_wait3A_78 = tpu.memref_slice %arg18[%mul3A_71, %dma_wait3A_77] : memref<10240x128xf32, #tpu.memory_space<vmem_shared>> -> memref<640x128xf32, #tpu.memory_space<vmem_shared>>
      tpu.wait_dma2 semaphore(%run_scoped3A : memref<!tpu.dma_semaphore, #tpu.memory_space<semaphore_mem>>) src(%dma_wait3A_78 : memref<640x128xf32, #tpu.memory_space<vmem_shared>>) dst(%dma_wait3A_76 : memref<640x128xf32, #tpu.memory_space<hbm>>)
      tpu.yield
    }) : () -> ()
    return
  }
}

#map = affine_map<(d0, d1) -> (0)>
#map1 = affine_map<(d0, d1) -> (0, 0)>
module attributes {stable_mosaic.version = 14 : i64} {
  func.func @_prop_body(%arg0: i32, %arg1: i32, %arg2: memref<320000xi32, #tpu.memory_space<hbm>>, %arg3: memref<320000xi32, #tpu.memory_space<hbm>>, %arg4: memref<10240x128xf32, #tpu.memory_space<hbm>>, %arg5: memref<640x128xf32, #tpu.memory_space<hbm>>, %arg6: memref<20480x128xf32, #tpu.memory_space<hbm>>, %arg7: memref<40xi32, #tpu.memory_space<vmem>>, %arg8: memref<40xi32, #tpu.memory_space<vmem>>, %arg9: memref<40xi32, #tpu.memory_space<vmem>>, %arg10: memref<40xi32, #tpu.memory_space<vmem>>, %arg11: memref<40xi32, #tpu.memory_space<vmem>>, %arg12: memref<40x128xf32, #tpu.memory_space<vmem>>, %arg13: memref<40x128xf32, #tpu.memory_space<vmem>>, %arg14: memref<40x128xf32, #tpu.memory_space<vmem>>, %arg15: memref<40x128xf32, #tpu.memory_space<vmem>>, %arg16: memref<40x128xf32, #tpu.memory_space<vmem>>, %arg17: memref<10000xi32, #tpu.memory_space<vmem>>, %arg18: memref<10240x128xf32, #tpu.memory_space<vmem_shared>>, %arg19: memref<!tpu.dma_semaphore, #tpu.memory_space<semaphore_mem>>, %arg20: memref<!tpu.dma_semaphore, #tpu.memory_space<semaphore_mem>>, %arg21: memref<!tpu.dma_semaphore, #tpu.memory_space<semaphore_mem>>, %arg22: memref<!tpu.dma_semaphore, #tpu.memory_space<semaphore_mem>>, %arg23: memref<!tpu.dma_semaphore, #tpu.memory_space<semaphore_mem>>, %arg24: memref<!tpu.dma_semaphore, #tpu.memory_space<semaphore_mem>>, %arg25: memref<!tpu.dma_semaphore, #tpu.memory_space<semaphore_mem>>, %arg26: memref<!tpu.dma_semaphore, #tpu.memory_space<semaphore_mem>>, %arg27: memref<!tpu.dma_semaphore, #tpu.memory_space<semaphore_mem>>, %arg28: memref<!tpu.dma_semaphore, #tpu.memory_space<semaphore_mem>>) attributes {dimension_semantics = [#tpu.dimension_semantics<core_parallel>, #tpu.dimension_semantics<subcore_parallel>], iteration_bounds = array<i64: 2, 16>, scalar_prefetch = 0 : i64, scratch_operands = 22 : i64, tpu.core_type = #tpu.core_type<sc_vector_subcore>, window_params = [{transform_indices = #map}, {transform_indices = #map}, {transform_indices = #map1}, {transform_indices = #map1}, {transform_indices = #map1}]} {
    %mul3A = arith.constant 16 : i32
    %mul3A_0 = arith.muli %arg0, %mul3A : i32
    %add3A = arith.addi %mul3A_0, %arg1 : i32
    %mul3A_1 = arith.constant 10000 : i32
    %mul3A_2 = arith.muli %add3A, %mul3A_1 : i32
    %multiple_of3A = tpu.assume_multiple %mul3A_2, 10000 : i32
    %mul3A_3 = arith.constant 640 : i32
    %mul3A_4 = arith.muli %arg1, %mul3A_3 : i32
    "tpu.region"() ({
      %run_scoped3A = tpu.sem_alloc : memref<!tpu.dma_semaphore, #tpu.memory_space<semaphore_mem>>
      %dma_start3A_72 = arith.constant 0 : i32
      %dma_start3A_73 = tpu.memref_slice %arg18[%mul3A_4, %dma_start3A_72] : memref<10240x128xf32, #tpu.memory_space<vmem_shared>> -> memref<640x128xf32, #tpu.memory_space<vmem_shared>>
      tpu.enqueue_dma source(%arg5 : memref<640x128xf32, #tpu.memory_space<hbm>>) target(%dma_start3A_73 : memref<640x128xf32, #tpu.memory_space<vmem_shared>>) target_semaphore(%run_scoped3A : memref<!tpu.dma_semaphore, #tpu.memory_space<semaphore_mem>>)
      %dma_wait3A = arith.constant 0 : i32
      %dma_wait3A_74 = tpu.memref_slice %arg18[%mul3A_4, %dma_wait3A] : memref<10240x128xf32, #tpu.memory_space<vmem_shared>> -> memref<640x128xf32, #tpu.memory_space<vmem_shared>>
      tpu.wait_dma2 semaphore(%run_scoped3A : memref<!tpu.dma_semaphore, #tpu.memory_space<semaphore_mem>>) src(%arg5 : memref<640x128xf32, #tpu.memory_space<hbm>>) dst(%dma_wait3A_74 : memref<640x128xf32, #tpu.memory_space<vmem_shared>>)
      tpu.yield
    }) : () -> ()
    "tpu.region"() ({
      %run_scoped3A = tpu.sem_alloc : memref<!tpu.dma_semaphore, #tpu.memory_space<semaphore_mem>>
      %dma_start3A_72 = tpu.memref_slice %arg2[%multiple_of3A] : memref<320000xi32, #tpu.memory_space<hbm>> -> memref<10000xi32, #tpu.memory_space<hbm>>
      %dma_start3A_73 = tpu.memref_slice %arg2[%multiple_of3A] : memref<320000xi32, #tpu.memory_space<hbm>> -> memref<10000xi32, #tpu.memory_space<hbm>>
      tpu.enqueue_dma source(%dma_start3A_73 : memref<10000xi32, #tpu.memory_space<hbm>>) target(%arg17 : memref<10000xi32, #tpu.memory_space<vmem>>) target_semaphore(%run_scoped3A : memref<!tpu.dma_semaphore, #tpu.memory_space<semaphore_mem>>)
      %dma_wait3A = tpu.memref_slice %arg2[%multiple_of3A] : memref<320000xi32, #tpu.memory_space<hbm>> -> memref<10000xi32, #tpu.memory_space<hbm>>
      %dma_wait3A_74 = tpu.memref_slice %arg2[%multiple_of3A] : memref<320000xi32, #tpu.memory_space<hbm>> -> memref<10000xi32, #tpu.memory_space<hbm>>
      tpu.wait_dma2 semaphore(%run_scoped3A : memref<!tpu.dma_semaphore, #tpu.memory_space<semaphore_mem>>) src(%dma_wait3A_74 : memref<10000xi32, #tpu.memory_space<hbm>>) dst(%arg17 : memref<10000xi32, #tpu.memory_space<vmem>>)
      tpu.yield
    }) : () -> ()
    %barrier3A = arith.constant 0 : index
    tpu.barrier barrier_id(%barrier3A)
    %add3A_5 = arith.constant 0 : i32
    %add3A_6 = arith.addi %multiple_of3A, %add3A_5 : i32
    %add3A_7 = arith.constant 0 : i32
    %add3A_8 = arith.addi %add3A_6, %add3A_7 : i32
    %dma_start3A = tpu.memref_slice %arg3[%add3A_8] : memref<320000xi32, #tpu.memory_space<hbm>> -> memref<40xi32, #tpu.memory_space<hbm>>
    %dma_start3A_9 = tpu.memref_slice %arg3[%add3A_8] : memref<320000xi32, #tpu.memory_space<hbm>> -> memref<40xi32, #tpu.memory_space<hbm>>
    tpu.enqueue_dma source(%dma_start3A_9 : memref<40xi32, #tpu.memory_space<hbm>>) target(%arg7 : memref<40xi32, #tpu.memory_space<vmem>>) target_semaphore(%arg24 : memref<!tpu.dma_semaphore, #tpu.memory_space<semaphore_mem>>)
    %dma_start3A_10 = arith.constant 0 : i32
    %dma_start3A_11 = tpu.memref_slice %arg17[%dma_start3A_10] : memref<10000xi32, #tpu.memory_space<vmem>> -> memref<40xi32, #tpu.memory_space<vmem>>
    %dma_start3A_12 = arith.constant 0 : i32
    %dma_start3A_13 = arith.constant 0 : i32
    %dma_start3A_14 = tpu.memref_slice %arg4[%dma_start3A_12, %dma_start3A_13] : memref<10240x128xf32, #tpu.memory_space<hbm>> -> memref<10240x128xf32, #tpu.memory_space<hbm>>
    tpu.enqueue_indirect_dma source(%dma_start3A_14 : memref<10240x128xf32, #tpu.memory_space<hbm>>) target(%arg12 : memref<40x128xf32, #tpu.memory_space<vmem>>) offsets(%dma_start3A_11 : memref<40xi32, #tpu.memory_space<vmem>>) semaphore(%arg19 : memref<!tpu.dma_semaphore, #tpu.memory_space<semaphore_mem>>)
    %add3A_15 = arith.constant 0 : i32
    %add3A_16 = arith.addi %multiple_of3A, %add3A_15 : i32
    %add3A_17 = arith.constant 40 : i32
    %add3A_18 = arith.addi %add3A_16, %add3A_17 : i32
    %dma_start3A_19 = tpu.memref_slice %arg3[%add3A_18] : memref<320000xi32, #tpu.memory_space<hbm>> -> memref<40xi32, #tpu.memory_space<hbm>>
    %dma_start3A_20 = tpu.memref_slice %arg3[%add3A_18] : memref<320000xi32, #tpu.memory_space<hbm>> -> memref<40xi32, #tpu.memory_space<hbm>>
    tpu.enqueue_dma source(%dma_start3A_20 : memref<40xi32, #tpu.memory_space<hbm>>) target(%arg8 : memref<40xi32, #tpu.memory_space<vmem>>) target_semaphore(%arg25 : memref<!tpu.dma_semaphore, #tpu.memory_space<semaphore_mem>>)
    %dma_start3A_21 = arith.constant 40 : i32
    %dma_start3A_22 = tpu.memref_slice %arg17[%dma_start3A_21] : memref<10000xi32, #tpu.memory_space<vmem>> -> memref<40xi32, #tpu.memory_space<vmem>>
    %dma_start3A_23 = arith.constant 0 : i32
    %dma_start3A_24 = arith.constant 0 : i32
    %dma_start3A_25 = tpu.memref_slice %arg4[%dma_start3A_23, %dma_start3A_24] : memref<10240x128xf32, #tpu.memory_space<hbm>> -> memref<10240x128xf32, #tpu.memory_space<hbm>>
    tpu.enqueue_indirect_dma source(%dma_start3A_25 : memref<10240x128xf32, #tpu.memory_space<hbm>>) target(%arg13 : memref<40x128xf32, #tpu.memory_space<vmem>>) offsets(%dma_start3A_22 : memref<40xi32, #tpu.memory_space<vmem>>) semaphore(%arg20 : memref<!tpu.dma_semaphore, #tpu.memory_space<semaphore_mem>>)
    %add3A_26 = arith.constant 0 : i32
    %add3A_27 = arith.addi %multiple_of3A, %add3A_26 : i32
    %add3A_28 = arith.constant 80 : i32
    %add3A_29 = arith.addi %add3A_27, %add3A_28 : i32
    %dma_start3A_30 = tpu.memref_slice %arg3[%add3A_29] : memref<320000xi32, #tpu.memory_space<hbm>> -> memref<40xi32, #tpu.memory_space<hbm>>
    %dma_start3A_31 = tpu.memref_slice %arg3[%add3A_29] : memref<320000xi32, #tpu.memory_space<hbm>> -> memref<40xi32, #tpu.memory_space<hbm>>
    tpu.enqueue_dma source(%dma_start3A_31 : memref<40xi32, #tpu.memory_space<hbm>>) target(%arg9 : memref<40xi32, #tpu.memory_space<vmem>>) target_semaphore(%arg26 : memref<!tpu.dma_semaphore, #tpu.memory_space<semaphore_mem>>)
    %dma_start3A_32 = arith.constant 80 : i32
    %dma_start3A_33 = tpu.memref_slice %arg17[%dma_start3A_32] : memref<10000xi32, #tpu.memory_space<vmem>> -> memref<40xi32, #tpu.memory_space<vmem>>
    %dma_start3A_34 = arith.constant 0 : i32
    %dma_start3A_35 = arith.constant 0 : i32
    %dma_start3A_36 = tpu.memref_slice %arg4[%dma_start3A_34, %dma_start3A_35] : memref<10240x128xf32, #tpu.memory_space<hbm>> -> memref<10240x128xf32, #tpu.memory_space<hbm>>
    tpu.enqueue_indirect_dma source(%dma_start3A_36 : memref<10240x128xf32, #tpu.memory_space<hbm>>) target(%arg14 : memref<40x128xf32, #tpu.memory_space<vmem>>) offsets(%dma_start3A_33 : memref<40xi32, #tpu.memory_space<vmem>>) semaphore(%arg21 : memref<!tpu.dma_semaphore, #tpu.memory_space<semaphore_mem>>)
    %add3A_37 = arith.constant 0 : i32
    %add3A_38 = arith.addi %multiple_of3A, %add3A_37 : i32
    %add3A_39 = arith.constant 120 : i32
    %add3A_40 = arith.addi %add3A_38, %add3A_39 : i32
    %dma_start3A_41 = tpu.memref_slice %arg3[%add3A_40] : memref<320000xi32, #tpu.memory_space<hbm>> -> memref<40xi32, #tpu.memory_space<hbm>>
    %dma_start3A_42 = tpu.memref_slice %arg3[%add3A_40] : memref<320000xi32, #tpu.memory_space<hbm>> -> memref<40xi32, #tpu.memory_space<hbm>>
    tpu.enqueue_dma source(%dma_start3A_42 : memref<40xi32, #tpu.memory_space<hbm>>) target(%arg10 : memref<40xi32, #tpu.memory_space<vmem>>) target_semaphore(%arg27 : memref<!tpu.dma_semaphore, #tpu.memory_space<semaphore_mem>>)
    %dma_start3A_43 = arith.constant 120 : i32
    %dma_start3A_44 = tpu.memref_slice %arg17[%dma_start3A_43] : memref<10000xi32, #tpu.memory_space<vmem>> -> memref<40xi32, #tpu.memory_space<vmem>>
    %dma_start3A_45 = arith.constant 0 : i32
    %dma_start3A_46 = arith.constant 0 : i32
    %dma_start3A_47 = tpu.memref_slice %arg4[%dma_start3A_45, %dma_start3A_46] : memref<10240x128xf32, #tpu.memory_space<hbm>> -> memref<10240x128xf32, #tpu.memory_space<hbm>>
    tpu.enqueue_indirect_dma source(%dma_start3A_47 : memref<10240x128xf32, #tpu.memory_space<hbm>>) target(%arg15 : memref<40x128xf32, #tpu.memory_space<vmem>>) offsets(%dma_start3A_44 : memref<40xi32, #tpu.memory_space<vmem>>) semaphore(%arg22 : memref<!tpu.dma_semaphore, #tpu.memory_space<semaphore_mem>>)
    %add3A_48 = arith.constant 0 : i32
    %add3A_49 = arith.addi %multiple_of3A, %add3A_48 : i32
    %add3A_50 = arith.constant 160 : i32
    %add3A_51 = arith.addi %add3A_49, %add3A_50 : i32
    %dma_start3A_52 = tpu.memref_slice %arg3[%add3A_51] : memref<320000xi32, #tpu.memory_space<hbm>> -> memref<40xi32, #tpu.memory_space<hbm>>
    %dma_start3A_53 = tpu.memref_slice %arg3[%add3A_51] : memref<320000xi32, #tpu.memory_space<hbm>> -> memref<40xi32, #tpu.memory_space<hbm>>
    tpu.enqueue_dma source(%dma_start3A_53 : memref<40xi32, #tpu.memory_space<hbm>>) target(%arg11 : memref<40xi32, #tpu.memory_space<vmem>>) target_semaphore(%arg28 : memref<!tpu.dma_semaphore, #tpu.memory_space<semaphore_mem>>)
    %dma_start3A_54 = arith.constant 160 : i32
    %dma_start3A_55 = tpu.memref_slice %arg17[%dma_start3A_54] : memref<10000xi32, #tpu.memory_space<vmem>> -> memref<40xi32, #tpu.memory_space<vmem>>
    %dma_start3A_56 = arith.constant 0 : i32
    %dma_start3A_57 = arith.constant 0 : i32
    %dma_start3A_58 = tpu.memref_slice %arg4[%dma_start3A_56, %dma_start3A_57] : memref<10240x128xf32, #tpu.memory_space<hbm>> -> memref<10240x128xf32, #tpu.memory_space<hbm>>
    tpu.enqueue_indirect_dma source(%dma_start3A_58 : memref<10240x128xf32, #tpu.memory_space<hbm>>) target(%arg16 : memref<40x128xf32, #tpu.memory_space<vmem>>) offsets(%dma_start3A_55 : memref<40xi32, #tpu.memory_space<vmem>>) semaphore(%arg23 : memref<!tpu.dma_semaphore, #tpu.memory_space<semaphore_mem>>)
    %scan3A = arith.constant 0 : i32
    %scan3A_59 = arith.constant 0 : i32
    %scan3A_60 = arith.constant 50 : i32
    %scan3A_61 = arith.addi %scan3A_59, %scan3A_60 : i32
    %scan3A_62 = arith.constant 1 : i32
    scf.for %scan3A_72 = %scan3A_59 to %scan3A_61 step %scan3A_62  : i32 {
      %add3A_73 = arith.constant 1 : i32
      %add3A_74 = arith.addi %scan3A_72, %add3A_73 : i32
      %mul3A_75 = arith.constant 5 : i32
      %mul3A_76 = arith.muli %add3A_74, %mul3A_75 : i32
      %mul3A_77 = arith.constant 40 : i32
      %mul3A_78 = arith.muli %mul3A_76, %mul3A_77 : i32
      %multiple_of3A_79 = tpu.assume_multiple %mul3A_78, 200 : i32
      %dma_wait3A = arith.constant 0 : i32
      %dma_wait3A_80 = tpu.memref_slice %arg3[%dma_wait3A] : memref<320000xi32, #tpu.memory_space<hbm>> -> memref<40xi32, #tpu.memory_space<hbm>>
      %dma_wait3A_81 = arith.constant 0 : i32
      %dma_wait3A_82 = tpu.memref_slice %arg3[%dma_wait3A_81] : memref<320000xi32, #tpu.memory_space<hbm>> -> memref<40xi32, #tpu.memory_space<hbm>>
      tpu.wait_dma2 semaphore(%arg24 : memref<!tpu.dma_semaphore, #tpu.memory_space<semaphore_mem>>) src(%dma_wait3A_82 : memref<40xi32, #tpu.memory_space<hbm>>) dst(%arg7 : memref<40xi32, #tpu.memory_space<vmem>>)
      %dma_wait3A_83 = arith.constant 0 : i32
      %dma_wait3A_84 = arith.constant 0 : i32
      %dma_wait3A_85 = tpu.memref_slice %arg4[%dma_wait3A_83, %dma_wait3A_84] : memref<10240x128xf32, #tpu.memory_space<hbm>> -> memref<40x128xf32, #tpu.memory_space<hbm>>
      %dma_wait3A_86 = arith.constant 0 : i32
      %dma_wait3A_87 = arith.constant 0 : i32
      %dma_wait3A_88 = tpu.memref_slice %arg4[%dma_wait3A_86, %dma_wait3A_87] : memref<10240x128xf32, #tpu.memory_space<hbm>> -> memref<40x128xf32, #tpu.memory_space<hbm>>
      tpu.wait_dma2 semaphore(%arg19 : memref<!tpu.dma_semaphore, #tpu.memory_space<semaphore_mem>>) src(%dma_wait3A_88 : memref<40x128xf32, #tpu.memory_space<hbm>>) dst(%arg12 : memref<40x128xf32, #tpu.memory_space<vmem>>)
      "tpu.region"() ({
        %run_scoped3A = tpu.sem_alloc : memref<!tpu.dma_semaphore, #tpu.memory_space<semaphore_mem>>
        %dma_start3A_151 = arith.constant 0 : i32
        %dma_start3A_152 = arith.constant 0 : i32
        %dma_start3A_153 = tpu.memref_slice %arg18[%dma_start3A_151, %dma_start3A_152] : memref<10240x128xf32, #tpu.memory_space<vmem_shared>> -> memref<10240x128xf32, #tpu.memory_space<vmem_shared>>
        tpu.enqueue_indirect_dma source(%arg12 : memref<40x128xf32, #tpu.memory_space<vmem>>) target(%dma_start3A_153 : memref<10240x128xf32, #tpu.memory_space<vmem_shared>>) offsets(%arg7 : memref<40xi32, #tpu.memory_space<vmem>>) semaphore(%run_scoped3A : memref<!tpu.dma_semaphore, #tpu.memory_space<semaphore_mem>>) {add = true}
        %dma_wait3A_154 = arith.constant 0 : i32
        %dma_wait3A_155 = arith.constant 0 : i32
        %dma_wait3A_156 = tpu.memref_slice %arg18[%dma_wait3A_154, %dma_wait3A_155] : memref<10240x128xf32, #tpu.memory_space<vmem_shared>> -> memref<10240x128xf32, #tpu.memory_space<vmem_shared>>
        tpu.wait_indirect_dma semaphore(%run_scoped3A : memref<!tpu.dma_semaphore, #tpu.memory_space<semaphore_mem>>) src(%arg12 : memref<40x128xf32, #tpu.memory_space<vmem>>) dst(%dma_wait3A_156 : memref<10240x128xf32, #tpu.memory_space<vmem_shared>>)
        tpu.yield
      }) : () -> ()
      %lt3A = arith.constant 49 : i32
      %lt3A_89 = arith.cmpi slt, %scan3A_72, %lt3A : i32
      %convert_element_type3A = arith.extui %lt3A_89 : i1 to i32
      %cond3A = arith.constant 0 : i32
      %cond3A_90 = arith.cmpi ne, %convert_element_type3A, %cond3A : i32
      scf.if %cond3A_90 {
        %add3A_151 = arith.addi %multiple_of3A, %multiple_of3A_79 : i32
        %add3A_152 = arith.constant 0 : i32
        %add3A_153 = arith.addi %add3A_151, %add3A_152 : i32
        %dma_start3A_154 = tpu.memref_slice %arg3[%add3A_153] : memref<320000xi32, #tpu.memory_space<hbm>> -> memref<40xi32, #tpu.memory_space<hbm>>
        %dma_start3A_155 = tpu.memref_slice %arg3[%add3A_153] : memref<320000xi32, #tpu.memory_space<hbm>> -> memref<40xi32, #tpu.memory_space<hbm>>
        tpu.enqueue_dma source(%dma_start3A_155 : memref<40xi32, #tpu.memory_space<hbm>>) target(%arg7 : memref<40xi32, #tpu.memory_space<vmem>>) target_semaphore(%arg24 : memref<!tpu.dma_semaphore, #tpu.memory_space<semaphore_mem>>)
        %add3A_156 = arith.constant 0 : i32
        %add3A_157 = arith.addi %multiple_of3A_79, %add3A_156 : i32
        %dma_start3A_158 = tpu.memref_slice %arg17[%add3A_157] : memref<10000xi32, #tpu.memory_space<vmem>> -> memref<40xi32, #tpu.memory_space<vmem>>
        %dma_start3A_159 = arith.constant 0 : i32
        %dma_start3A_160 = arith.constant 0 : i32
        %dma_start3A_161 = tpu.memref_slice %arg4[%dma_start3A_159, %dma_start3A_160] : memref<10240x128xf32, #tpu.memory_space<hbm>> -> memref<10240x128xf32, #tpu.memory_space<hbm>>
        tpu.enqueue_indirect_dma source(%dma_start3A_161 : memref<10240x128xf32, #tpu.memory_space<hbm>>) target(%arg12 : memref<40x128xf32, #tpu.memory_space<vmem>>) offsets(%dma_start3A_158 : memref<40xi32, #tpu.memory_space<vmem>>) semaphore(%arg19 : memref<!tpu.dma_semaphore, #tpu.memory_space<semaphore_mem>>)
      } else {
      }
      %dma_wait3A_91 = arith.constant 0 : i32
      %dma_wait3A_92 = tpu.memref_slice %arg3[%dma_wait3A_91] : memref<320000xi32, #tpu.memory_space<hbm>> -> memref<40xi32, #tpu.memory_space<hbm>>
      %dma_wait3A_93 = arith.constant 0 : i32
      %dma_wait3A_94 = tpu.memref_slice %arg3[%dma_wait3A_93] : memref<320000xi32, #tpu.memory_space<hbm>> -> memref<40xi32, #tpu.memory_space<hbm>>
      tpu.wait_dma2 semaphore(%arg25 : memref<!tpu.dma_semaphore, #tpu.memory_space<semaphore_mem>>) src(%dma_wait3A_94 : memref<40xi32, #tpu.memory_space<hbm>>) dst(%arg8 : memref<40xi32, #tpu.memory_space<vmem>>)
      %dma_wait3A_95 = arith.constant 0 : i32
      %dma_wait3A_96 = arith.constant 0 : i32
      %dma_wait3A_97 = tpu.memref_slice %arg4[%dma_wait3A_95, %dma_wait3A_96] : memref<10240x128xf32, #tpu.memory_space<hbm>> -> memref<40x128xf32, #tpu.memory_space<hbm>>
      %dma_wait3A_98 = arith.constant 0 : i32
      %dma_wait3A_99 = arith.constant 0 : i32
      %dma_wait3A_100 = tpu.memref_slice %arg4[%dma_wait3A_98, %dma_wait3A_99] : memref<10240x128xf32, #tpu.memory_space<hbm>> -> memref<40x128xf32, #tpu.memory_space<hbm>>
      tpu.wait_dma2 semaphore(%arg20 : memref<!tpu.dma_semaphore, #tpu.memory_space<semaphore_mem>>) src(%dma_wait3A_100 : memref<40x128xf32, #tpu.memory_space<hbm>>) dst(%arg13 : memref<40x128xf32, #tpu.memory_space<vmem>>)
      "tpu.region"() ({
        %run_scoped3A = tpu.sem_alloc : memref<!tpu.dma_semaphore, #tpu.memory_space<semaphore_mem>>
        %dma_start3A_151 = arith.constant 0 : i32
        %dma_start3A_152 = arith.constant 0 : i32
        %dma_start3A_153 = tpu.memref_slice %arg18[%dma_start3A_151, %dma_start3A_152] : memref<10240x128xf32, #tpu.memory_space<vmem_shared>> -> memref<10240x128xf32, #tpu.memory_space<vmem_shared>>
        tpu.enqueue_indirect_dma source(%arg13 : memref<40x128xf32, #tpu.memory_space<vmem>>) target(%dma_start3A_153 : memref<10240x128xf32, #tpu.memory_space<vmem_shared>>) offsets(%arg8 : memref<40xi32, #tpu.memory_space<vmem>>) semaphore(%run_scoped3A : memref<!tpu.dma_semaphore, #tpu.memory_space<semaphore_mem>>) {add = true}
        %dma_wait3A_154 = arith.constant 0 : i32
        %dma_wait3A_155 = arith.constant 0 : i32
        %dma_wait3A_156 = tpu.memref_slice %arg18[%dma_wait3A_154, %dma_wait3A_155] : memref<10240x128xf32, #tpu.memory_space<vmem_shared>> -> memref<10240x128xf32, #tpu.memory_space<vmem_shared>>
        tpu.wait_indirect_dma semaphore(%run_scoped3A : memref<!tpu.dma_semaphore, #tpu.memory_space<semaphore_mem>>) src(%arg13 : memref<40x128xf32, #tpu.memory_space<vmem>>) dst(%dma_wait3A_156 : memref<10240x128xf32, #tpu.memory_space<vmem_shared>>)
        tpu.yield
      }) : () -> ()
      %lt3A_101 = arith.constant 49 : i32
      %lt3A_102 = arith.cmpi slt, %scan3A_72, %lt3A_101 : i32
      %convert_element_type3A_103 = arith.extui %lt3A_102 : i1 to i32
      %cond3A_104 = arith.constant 0 : i32
      %cond3A_105 = arith.cmpi ne, %convert_element_type3A_103, %cond3A_104 : i32
      scf.if %cond3A_105 {
        %add3A_151 = arith.addi %multiple_of3A, %multiple_of3A_79 : i32
        %add3A_152 = arith.constant 40 : i32
        %add3A_153 = arith.addi %add3A_151, %add3A_152 : i32
        %dma_start3A_154 = tpu.memref_slice %arg3[%add3A_153] : memref<320000xi32, #tpu.memory_space<hbm>> -> memref<40xi32, #tpu.memory_space<hbm>>
        %dma_start3A_155 = tpu.memref_slice %arg3[%add3A_153] : memref<320000xi32, #tpu.memory_space<hbm>> -> memref<40xi32, #tpu.memory_space<hbm>>
        tpu.enqueue_dma source(%dma_start3A_155 : memref<40xi32, #tpu.memory_space<hbm>>) target(%arg8 : memref<40xi32, #tpu.memory_space<vmem>>) target_semaphore(%arg25 : memref<!tpu.dma_semaphore, #tpu.memory_space<semaphore_mem>>)
        %add3A_156 = arith.constant 40 : i32
        %add3A_157 = arith.addi %multiple_of3A_79, %add3A_156 : i32
        %dma_start3A_158 = tpu.memref_slice %arg17[%add3A_157] : memref<10000xi32, #tpu.memory_space<vmem>> -> memref<40xi32, #tpu.memory_space<vmem>>
        %dma_start3A_159 = arith.constant 0 : i32
        %dma_start3A_160 = arith.constant 0 : i32
        %dma_start3A_161 = tpu.memref_slice %arg4[%dma_start3A_159, %dma_start3A_160] : memref<10240x128xf32, #tpu.memory_space<hbm>> -> memref<10240x128xf32, #tpu.memory_space<hbm>>
        tpu.enqueue_indirect_dma source(%dma_start3A_161 : memref<10240x128xf32, #tpu.memory_space<hbm>>) target(%arg13 : memref<40x128xf32, #tpu.memory_space<vmem>>) offsets(%dma_start3A_158 : memref<40xi32, #tpu.memory_space<vmem>>) semaphore(%arg20 : memref<!tpu.dma_semaphore, #tpu.memory_space<semaphore_mem>>)
      } else {
      }
      %dma_wait3A_106 = arith.constant 0 : i32
      %dma_wait3A_107 = tpu.memref_slice %arg3[%dma_wait3A_106] : memref<320000xi32, #tpu.memory_space<hbm>> -> memref<40xi32, #tpu.memory_space<hbm>>
      %dma_wait3A_108 = arith.constant 0 : i32
      %dma_wait3A_109 = tpu.memref_slice %arg3[%dma_wait3A_108] : memref<320000xi32, #tpu.memory_space<hbm>> -> memref<40xi32, #tpu.memory_space<hbm>>
      tpu.wait_dma2 semaphore(%arg26 : memref<!tpu.dma_semaphore, #tpu.memory_space<semaphore_mem>>) src(%dma_wait3A_109 : memref<40xi32, #tpu.memory_space<hbm>>) dst(%arg9 : memref<40xi32, #tpu.memory_space<vmem>>)
      %dma_wait3A_110 = arith.constant 0 : i32
      %dma_wait3A_111 = arith.constant 0 : i32
      %dma_wait3A_112 = tpu.memref_slice %arg4[%dma_wait3A_110, %dma_wait3A_111] : memref<10240x128xf32, #tpu.memory_space<hbm>> -> memref<40x128xf32, #tpu.memory_space<hbm>>
      %dma_wait3A_113 = arith.constant 0 : i32
      %dma_wait3A_114 = arith.constant 0 : i32
      %dma_wait3A_115 = tpu.memref_slice %arg4[%dma_wait3A_113, %dma_wait3A_114] : memref<10240x128xf32, #tpu.memory_space<hbm>> -> memref<40x128xf32, #tpu.memory_space<hbm>>
      tpu.wait_dma2 semaphore(%arg21 : memref<!tpu.dma_semaphore, #tpu.memory_space<semaphore_mem>>) src(%dma_wait3A_115 : memref<40x128xf32, #tpu.memory_space<hbm>>) dst(%arg14 : memref<40x128xf32, #tpu.memory_space<vmem>>)
      "tpu.region"() ({
        %run_scoped3A = tpu.sem_alloc : memref<!tpu.dma_semaphore, #tpu.memory_space<semaphore_mem>>
        %dma_start3A_151 = arith.constant 0 : i32
        %dma_start3A_152 = arith.constant 0 : i32
        %dma_start3A_153 = tpu.memref_slice %arg18[%dma_start3A_151, %dma_start3A_152] : memref<10240x128xf32, #tpu.memory_space<vmem_shared>> -> memref<10240x128xf32, #tpu.memory_space<vmem_shared>>
        tpu.enqueue_indirect_dma source(%arg14 : memref<40x128xf32, #tpu.memory_space<vmem>>) target(%dma_start3A_153 : memref<10240x128xf32, #tpu.memory_space<vmem_shared>>) offsets(%arg9 : memref<40xi32, #tpu.memory_space<vmem>>) semaphore(%run_scoped3A : memref<!tpu.dma_semaphore, #tpu.memory_space<semaphore_mem>>) {add = true}
        %dma_wait3A_154 = arith.constant 0 : i32
        %dma_wait3A_155 = arith.constant 0 : i32
        %dma_wait3A_156 = tpu.memref_slice %arg18[%dma_wait3A_154, %dma_wait3A_155] : memref<10240x128xf32, #tpu.memory_space<vmem_shared>> -> memref<10240x128xf32, #tpu.memory_space<vmem_shared>>
        tpu.wait_indirect_dma semaphore(%run_scoped3A : memref<!tpu.dma_semaphore, #tpu.memory_space<semaphore_mem>>) src(%arg14 : memref<40x128xf32, #tpu.memory_space<vmem>>) dst(%dma_wait3A_156 : memref<10240x128xf32, #tpu.memory_space<vmem_shared>>)
        tpu.yield
      }) : () -> ()
      %lt3A_116 = arith.constant 49 : i32
      %lt3A_117 = arith.cmpi slt, %scan3A_72, %lt3A_116 : i32
      %convert_element_type3A_118 = arith.extui %lt3A_117 : i1 to i32
      %cond3A_119 = arith.constant 0 : i32
      %cond3A_120 = arith.cmpi ne, %convert_element_type3A_118, %cond3A_119 : i32
      scf.if %cond3A_120 {
        %add3A_151 = arith.addi %multiple_of3A, %multiple_of3A_79 : i32
        %add3A_152 = arith.constant 80 : i32
        %add3A_153 = arith.addi %add3A_151, %add3A_152 : i32
        %dma_start3A_154 = tpu.memref_slice %arg3[%add3A_153] : memref<320000xi32, #tpu.memory_space<hbm>> -> memref<40xi32, #tpu.memory_space<hbm>>
        %dma_start3A_155 = tpu.memref_slice %arg3[%add3A_153] : memref<320000xi32, #tpu.memory_space<hbm>> -> memref<40xi32, #tpu.memory_space<hbm>>
        tpu.enqueue_dma source(%dma_start3A_155 : memref<40xi32, #tpu.memory_space<hbm>>) target(%arg9 : memref<40xi32, #tpu.memory_space<vmem>>) target_semaphore(%arg26 : memref<!tpu.dma_semaphore, #tpu.memory_space<semaphore_mem>>)
        %add3A_156 = arith.constant 80 : i32
        %add3A_157 = arith.addi %multiple_of3A_79, %add3A_156 : i32
        %dma_start3A_158 = tpu.memref_slice %arg17[%add3A_157] : memref<10000xi32, #tpu.memory_space<vmem>> -> memref<40xi32, #tpu.memory_space<vmem>>
        %dma_start3A_159 = arith.constant 0 : i32
        %dma_start3A_160 = arith.constant 0 : i32
        %dma_start3A_161 = tpu.memref_slice %arg4[%dma_start3A_159, %dma_start3A_160] : memref<10240x128xf32, #tpu.memory_space<hbm>> -> memref<10240x128xf32, #tpu.memory_space<hbm>>
        tpu.enqueue_indirect_dma source(%dma_start3A_161 : memref<10240x128xf32, #tpu.memory_space<hbm>>) target(%arg14 : memref<40x128xf32, #tpu.memory_space<vmem>>) offsets(%dma_start3A_158 : memref<40xi32, #tpu.memory_space<vmem>>) semaphore(%arg21 : memref<!tpu.dma_semaphore, #tpu.memory_space<semaphore_mem>>)
      } else {
      }
      %dma_wait3A_121 = arith.constant 0 : i32
      %dma_wait3A_122 = tpu.memref_slice %arg3[%dma_wait3A_121] : memref<320000xi32, #tpu.memory_space<hbm>> -> memref<40xi32, #tpu.memory_space<hbm>>
      %dma_wait3A_123 = arith.constant 0 : i32
      %dma_wait3A_124 = tpu.memref_slice %arg3[%dma_wait3A_123] : memref<320000xi32, #tpu.memory_space<hbm>> -> memref<40xi32, #tpu.memory_space<hbm>>
      tpu.wait_dma2 semaphore(%arg27 : memref<!tpu.dma_semaphore, #tpu.memory_space<semaphore_mem>>) src(%dma_wait3A_124 : memref<40xi32, #tpu.memory_space<hbm>>) dst(%arg10 : memref<40xi32, #tpu.memory_space<vmem>>)
      %dma_wait3A_125 = arith.constant 0 : i32
      %dma_wait3A_126 = arith.constant 0 : i32
      %dma_wait3A_127 = tpu.memref_slice %arg4[%dma_wait3A_125, %dma_wait3A_126] : memref<10240x128xf32, #tpu.memory_space<hbm>> -> memref<40x128xf32, #tpu.memory_space<hbm>>
      %dma_wait3A_128 = arith.constant 0 : i32
      %dma_wait3A_129 = arith.constant 0 : i32
      %dma_wait3A_130 = tpu.memref_slice %arg4[%dma_wait3A_128, %dma_wait3A_129] : memref<10240x128xf32, #tpu.memory_space<hbm>> -> memref<40x128xf32, #tpu.memory_space<hbm>>
      tpu.wait_dma2 semaphore(%arg22 : memref<!tpu.dma_semaphore, #tpu.memory_space<semaphore_mem>>) src(%dma_wait3A_130 : memref<40x128xf32, #tpu.memory_space<hbm>>) dst(%arg15 : memref<40x128xf32, #tpu.memory_space<vmem>>)
      "tpu.region"() ({
        %run_scoped3A = tpu.sem_alloc : memref<!tpu.dma_semaphore, #tpu.memory_space<semaphore_mem>>
        %dma_start3A_151 = arith.constant 0 : i32
        %dma_start3A_152 = arith.constant 0 : i32
        %dma_start3A_153 = tpu.memref_slice %arg18[%dma_start3A_151, %dma_start3A_152] : memref<10240x128xf32, #tpu.memory_space<vmem_shared>> -> memref<10240x128xf32, #tpu.memory_space<vmem_shared>>
        tpu.enqueue_indirect_dma source(%arg15 : memref<40x128xf32, #tpu.memory_space<vmem>>) target(%dma_start3A_153 : memref<10240x128xf32, #tpu.memory_space<vmem_shared>>) offsets(%arg10 : memref<40xi32, #tpu.memory_space<vmem>>) semaphore(%run_scoped3A : memref<!tpu.dma_semaphore, #tpu.memory_space<semaphore_mem>>) {add = true}
        %dma_wait3A_154 = arith.constant 0 : i32
        %dma_wait3A_155 = arith.constant 0 : i32
        %dma_wait3A_156 = tpu.memref_slice %arg18[%dma_wait3A_154, %dma_wait3A_155] : memref<10240x128xf32, #tpu.memory_space<vmem_shared>> -> memref<10240x128xf32, #tpu.memory_space<vmem_shared>>
        tpu.wait_indirect_dma semaphore(%run_scoped3A : memref<!tpu.dma_semaphore, #tpu.memory_space<semaphore_mem>>) src(%arg15 : memref<40x128xf32, #tpu.memory_space<vmem>>) dst(%dma_wait3A_156 : memref<10240x128xf32, #tpu.memory_space<vmem_shared>>)
        tpu.yield
      }) : () -> ()
      %lt3A_131 = arith.constant 49 : i32
      %lt3A_132 = arith.cmpi slt, %scan3A_72, %lt3A_131 : i32
      %convert_element_type3A_133 = arith.extui %lt3A_132 : i1 to i32
      %cond3A_134 = arith.constant 0 : i32
      %cond3A_135 = arith.cmpi ne, %convert_element_type3A_133, %cond3A_134 : i32
      scf.if %cond3A_135 {
        %add3A_151 = arith.addi %multiple_of3A, %multiple_of3A_79 : i32
        %add3A_152 = arith.constant 120 : i32
        %add3A_153 = arith.addi %add3A_151, %add3A_152 : i32
        %dma_start3A_154 = tpu.memref_slice %arg3[%add3A_153] : memref<320000xi32, #tpu.memory_space<hbm>> -> memref<40xi32, #tpu.memory_space<hbm>>
        %dma_start3A_155 = tpu.memref_slice %arg3[%add3A_153] : memref<320000xi32, #tpu.memory_space<hbm>> -> memref<40xi32, #tpu.memory_space<hbm>>
        tpu.enqueue_dma source(%dma_start3A_155 : memref<40xi32, #tpu.memory_space<hbm>>) target(%arg10 : memref<40xi32, #tpu.memory_space<vmem>>) target_semaphore(%arg27 : memref<!tpu.dma_semaphore, #tpu.memory_space<semaphore_mem>>)
        %add3A_156 = arith.constant 120 : i32
        %add3A_157 = arith.addi %multiple_of3A_79, %add3A_156 : i32
        %dma_start3A_158 = tpu.memref_slice %arg17[%add3A_157] : memref<10000xi32, #tpu.memory_space<vmem>> -> memref<40xi32, #tpu.memory_space<vmem>>
        %dma_start3A_159 = arith.constant 0 : i32
        %dma_start3A_160 = arith.constant 0 : i32
        %dma_start3A_161 = tpu.memref_slice %arg4[%dma_start3A_159, %dma_start3A_160] : memref<10240x128xf32, #tpu.memory_space<hbm>> -> memref<10240x128xf32, #tpu.memory_space<hbm>>
        tpu.enqueue_indirect_dma source(%dma_start3A_161 : memref<10240x128xf32, #tpu.memory_space<hbm>>) target(%arg15 : memref<40x128xf32, #tpu.memory_space<vmem>>) offsets(%dma_start3A_158 : memref<40xi32, #tpu.memory_space<vmem>>) semaphore(%arg22 : memref<!tpu.dma_semaphore, #tpu.memory_space<semaphore_mem>>)
      } else {
      }
      %dma_wait3A_136 = arith.constant 0 : i32
      %dma_wait3A_137 = tpu.memref_slice %arg3[%dma_wait3A_136] : memref<320000xi32, #tpu.memory_space<hbm>> -> memref<40xi32, #tpu.memory_space<hbm>>
      %dma_wait3A_138 = arith.constant 0 : i32
      %dma_wait3A_139 = tpu.memref_slice %arg3[%dma_wait3A_138] : memref<320000xi32, #tpu.memory_space<hbm>> -> memref<40xi32, #tpu.memory_space<hbm>>
      tpu.wait_dma2 semaphore(%arg28 : memref<!tpu.dma_semaphore, #tpu.memory_space<semaphore_mem>>) src(%dma_wait3A_139 : memref<40xi32, #tpu.memory_space<hbm>>) dst(%arg11 : memref<40xi32, #tpu.memory_space<vmem>>)
      %dma_wait3A_140 = arith.constant 0 : i32
      %dma_wait3A_141 = arith.constant 0 : i32
      %dma_wait3A_142 = tpu.memref_slice %arg4[%dma_wait3A_140, %dma_wait3A_141] : memref<10240x128xf32, #tpu.memory_space<hbm>> -> memref<40x128xf32, #tpu.memory_space<hbm>>
      %dma_wait3A_143 = arith.constant 0 : i32
      %dma_wait3A_144 = arith.constant 0 : i32
      %dma_wait3A_145 = tpu.memref_slice %arg4[%dma_wait3A_143, %dma_wait3A_144] : memref<10240x128xf32, #tpu.memory_space<hbm>> -> memref<40x128xf32, #tpu.memory_space<hbm>>
      tpu.wait_dma2 semaphore(%arg23 : memref<!tpu.dma_semaphore, #tpu.memory_space<semaphore_mem>>) src(%dma_wait3A_145 : memref<40x128xf32, #tpu.memory_space<hbm>>) dst(%arg16 : memref<40x128xf32, #tpu.memory_space<vmem>>)
      "tpu.region"() ({
        %run_scoped3A = tpu.sem_alloc : memref<!tpu.dma_semaphore, #tpu.memory_space<semaphore_mem>>
        %dma_start3A_151 = arith.constant 0 : i32
        %dma_start3A_152 = arith.constant 0 : i32
        %dma_start3A_153 = tpu.memref_slice %arg18[%dma_start3A_151, %dma_start3A_152] : memref<10240x128xf32, #tpu.memory_space<vmem_shared>> -> memref<10240x128xf32, #tpu.memory_space<vmem_shared>>
        tpu.enqueue_indirect_dma source(%arg16 : memref<40x128xf32, #tpu.memory_space<vmem>>) target(%dma_start3A_153 : memref<10240x128xf32, #tpu.memory_space<vmem_shared>>) offsets(%arg11 : memref<40xi32, #tpu.memory_space<vmem>>) semaphore(%run_scoped3A : memref<!tpu.dma_semaphore, #tpu.memory_space<semaphore_mem>>) {add = true}
        %dma_wait3A_154 = arith.constant 0 : i32
        %dma_wait3A_155 = arith.constant 0 : i32
        %dma_wait3A_156 = tpu.memref_slice %arg18[%dma_wait3A_154, %dma_wait3A_155] : memref<10240x128xf32, #tpu.memory_space<vmem_shared>> -> memref<10240x128xf32, #tpu.memory_space<vmem_shared>>
        tpu.wait_indirect_dma semaphore(%run_scoped3A : memref<!tpu.dma_semaphore, #tpu.memory_space<semaphore_mem>>) src(%arg16 : memref<40x128xf32, #tpu.memory_space<vmem>>) dst(%dma_wait3A_156 : memref<10240x128xf32, #tpu.memory_space<vmem_shared>>)
        tpu.yield
      }) : () -> ()
      %lt3A_146 = arith.constant 49 : i32
      %lt3A_147 = arith.cmpi slt, %scan3A_72, %lt3A_146 : i32
      %convert_element_type3A_148 = arith.extui %lt3A_147 : i1 to i32
      %cond3A_149 = arith.constant 0 : i32
      %cond3A_150 = arith.cmpi ne, %convert_element_type3A_148, %cond3A_149 : i32
      scf.if %cond3A_150 {
        %add3A_151 = arith.addi %multiple_of3A, %multiple_of3A_79 : i32
        %add3A_152 = arith.constant 160 : i32
        %add3A_153 = arith.addi %add3A_151, %add3A_152 : i32
        %dma_start3A_154 = tpu.memref_slice %arg3[%add3A_153] : memref<320000xi32, #tpu.memory_space<hbm>> -> memref<40xi32, #tpu.memory_space<hbm>>
        %dma_start3A_155 = tpu.memref_slice %arg3[%add3A_153] : memref<320000xi32, #tpu.memory_space<hbm>> -> memref<40xi32, #tpu.memory_space<hbm>>
        tpu.enqueue_dma source(%dma_start3A_155 : memref<40xi32, #tpu.memory_space<hbm>>) target(%arg11 : memref<40xi32, #tpu.memory_space<vmem>>) target_semaphore(%arg28 : memref<!tpu.dma_semaphore, #tpu.memory_space<semaphore_mem>>)
        %add3A_156 = arith.constant 160 : i32
        %add3A_157 = arith.addi %multiple_of3A_79, %add3A_156 : i32
        %dma_start3A_158 = tpu.memref_slice %arg17[%add3A_157] : memref<10000xi32, #tpu.memory_space<vmem>> -> memref<40xi32, #tpu.memory_space<vmem>>
        %dma_start3A_159 = arith.constant 0 : i32
        %dma_start3A_160 = arith.constant 0 : i32
        %dma_start3A_161 = tpu.memref_slice %arg4[%dma_start3A_159, %dma_start3A_160] : memref<10240x128xf32, #tpu.memory_space<hbm>> -> memref<10240x128xf32, #tpu.memory_space<hbm>>
        tpu.enqueue_indirect_dma source(%dma_start3A_161 : memref<10240x128xf32, #tpu.memory_space<hbm>>) target(%arg16 : memref<40x128xf32, #tpu.memory_space<vmem>>) offsets(%dma_start3A_158 : memref<40xi32, #tpu.memory_space<vmem>>) semaphore(%arg23 : memref<!tpu.dma_semaphore, #tpu.memory_space<semaphore_mem>>)
      } else {
      }
    }
    %scan3A_63 = arith.constant 50 : i32
    %barrier3A_64 = arith.constant 0 : index
    tpu.barrier barrier_id(%barrier3A_64)
    %mul3A_65 = arith.constant 10240 : i32
    %mul3A_66 = arith.muli %arg0, %mul3A_65 : i32
    %mul3A_67 = arith.constant 640 : i32
    %mul3A_68 = arith.muli %arg1, %mul3A_67 : i32
    %add3A_69 = arith.addi %mul3A_66, %mul3A_68 : i32
    %mul3A_70 = arith.constant 640 : i32
    %mul3A_71 = arith.muli %arg1, %mul3A_70 : i32
    "tpu.region"() ({
      %run_scoped3A = tpu.sem_alloc : memref<!tpu.dma_semaphore, #tpu.memory_space<semaphore_mem>>
      %dma_start3A_72 = arith.constant 0 : i32
      %dma_start3A_73 = tpu.memref_slice %arg6[%add3A_69, %dma_start3A_72] : memref<20480x128xf32, #tpu.memory_space<hbm>> -> memref<640x128xf32, #tpu.memory_space<hbm>>
      %dma_start3A_74 = arith.constant 0 : i32
      %dma_start3A_75 = tpu.memref_slice %arg18[%mul3A_71, %dma_start3A_74] : memref<10240x128xf32, #tpu.memory_space<vmem_shared>> -> memref<640x128xf32, #tpu.memory_space<vmem_shared>>
      tpu.enqueue_dma source(%dma_start3A_75 : memref<640x128xf32, #tpu.memory_space<vmem_shared>>) target(%dma_start3A_73 : memref<640x128xf32, #tpu.memory_space<hbm>>) target_semaphore(%run_scoped3A : memref<!tpu.dma_semaphore, #tpu.memory_space<semaphore_mem>>)
      %dma_wait3A = arith.constant 0 : i32
      %dma_wait3A_76 = tpu.memref_slice %arg6[%add3A_69, %dma_wait3A] : memref<20480x128xf32, #tpu.memory_space<hbm>> -> memref<640x128xf32, #tpu.memory_space<hbm>>
      %dma_wait3A_77 = arith.constant 0 : i32
      %dma_wait3A_78 = tpu.memref_slice %arg18[%mul3A_71, %dma_wait3A_77] : memref<10240x128xf32, #tpu.memory_space<vmem_shared>> -> memref<640x128xf32, #tpu.memory_space<vmem_shared>>
      tpu.wait_dma2 semaphore(%run_scoped3A : memref<!tpu.dma_semaphore, #tpu.memory_space<semaphore_mem>>) src(%dma_wait3A_78 : memref<640x128xf32, #tpu.memory_space<vmem_shared>>) dst(%dma_wait3A_76 : memref<640x128xf32, #tpu.memory_space<hbm>>)
      tpu.yield
    }) : () -> ()
    return
  }
}

module attributes {stable_mosaic.version = 14 : i64} {
  func.func @_prep_body(%arg0: memref<10240xf32, #tpu.memory_space<vmem>>, %arg1: memref<10240xf32, #tpu.memory_space<vmem>>, %arg2: memref<625x16xf32, #tpu.memory_space<vmem>>, %arg3: memref<10240x128xf32, #tpu.memory_space<vmem>>, %arg4: memref<10240x1xf32, #tpu.memory_space<vmem>>, %arg5: memref<1x2xf32, #tpu.memory_space<vmem>>, %arg6: memref<10240x128xf32, #tpu.memory_space<vmem>>) attributes {dimension_semantics = [], scalar_prefetch = 0 : i64, scratch_operands = 0 : i64, tpu.core_type = #tpu.core_type<tc>} {
    %get3A = arith.constant 0 : index
    %get3A_0 = vector.load %arg0[%get3A] : memref<10240xf32, #tpu.memory_space<vmem>>, vector<10240xf32>
    %get3A_1 = arith.constant 0 : index
    %get3A_2 = vector.load %arg1[%get3A_1] : memref<10240xf32, #tpu.memory_space<vmem>>, vector<10240xf32>
    %add3A = arith.addf %get3A_0, %get3A_2 : vector<10240xf32>
    %gt3A = arith.constant 0.000000e+00 : f32
    %gt3A_3 = vector.broadcast %gt3A : f32 to vector<10240xf32>
    %gt3A_4 = arith.cmpf ogt, %add3A, %gt3A_3 : vector<10240xf32>
    %rsqrt3A = math.rsqrt %add3A : vector<10240xf32>
    %jit3A = arith.constant 0.000000e+00 : f32
    %broadcast_in_dim3A = vector.broadcast %jit3A : f32 to vector<10240xf32>
    %select_n3A = arith.select %gt3A_4, %rsqrt3A, %broadcast_in_dim3A : vector<10240xi1>, vector<10240xf32>
    %reshape3A = vector.shape_cast %select_n3A : vector<10240xf32> to vector<10240x1xf32>
    %swap3A = arith.constant 0 : index
    %swap3A_5 = arith.constant 0 : index
    %swap3A_6 = vector.load %arg4[%swap3A, %swap3A_5] : memref<10240x1xf32, #tpu.memory_space<vmem>>, vector<10240x1xf32>
    tpu.vector_store %arg4[%swap3A, %swap3A_5], %reshape3A {strides = array<i32>} : memref<10240x1xf32, #tpu.memory_space<vmem>>, vector<10240x1xf32>,
    %get3A_7 = arith.constant 0 : index
    %get3A_8 = arith.constant 0 : index
    %get3A_9 = vector.load %arg2[%get3A_7, %get3A_8] : memref<625x16xf32, #tpu.memory_space<vmem>>, vector<625x16xf32>
    %reduce_min3A = vector.shape_cast %get3A_9 : vector<625x16xf32> to vector<1x625x16xf32>
    %reduce_min3A_10 = arith.constant dense<0x7F800000> : vector<1xf32>
    %reduce_min3A_11 = vector.multi_reduction <minimumf>, %reduce_min3A, %reduce_min3A_10 [1, 2] : vector<1x625x16xf32> to vector<1xf32>
    %reduce_min3A_12 = vector.shape_cast %reduce_min3A_11 : vector<1xf32> to vector<1x1x1xf32>
    %reduce_min3A_13 = vector.extract %reduce_min3A_12[0, 0, 0] : f32 from vector<1x1x1xf32>
    %reshape3A_14 = vector.broadcast %reduce_min3A_13 : f32 to vector<1x1xf32>
    %reduce_max3A = vector.shape_cast %get3A_9 : vector<625x16xf32> to vector<1x625x16xf32>
    %reduce_max3A_15 = arith.constant dense<0xFF800000> : vector<1xf32>
    %reduce_max3A_16 = vector.multi_reduction <maximumf>, %reduce_max3A, %reduce_max3A_15 [1, 2] : vector<1x625x16xf32> to vector<1xf32>
    %reduce_max3A_17 = vector.shape_cast %reduce_max3A_16 : vector<1xf32> to vector<1x1x1xf32>
    %reduce_max3A_18 = vector.extract %reduce_max3A_17[0, 0, 0] : f32 from vector<1x1x1xf32>
    %reshape3A_19 = vector.broadcast %reduce_max3A_18 : f32 to vector<1x1xf32>
    %concatenate3A = tpu.concatenate %reshape3A_14, %reshape3A_19 in 1 : vector<1x1xf32>, vector<1x1xf32> -> vector<1x2xf32>
    %swap3A_20 = arith.constant 0 : index
    %swap3A_21 = arith.constant 0 : index
    %swap3A_22 = vector.load %arg5[%swap3A_20, %swap3A_21] : memref<1x2xf32, #tpu.memory_space<vmem>>, vector<1x2xf32>
    tpu.vector_store %arg5[%swap3A_20, %swap3A_21], %concatenate3A {strides = array<i32>} : memref<1x2xf32, #tpu.memory_space<vmem>>, vector<1x2xf32>,
    %get3A_23 = arith.constant 0 : index
    %get3A_24 = arith.constant 0 : index
    %get3A_25 = vector.load %arg3[%get3A_23, %get3A_24] : memref<10240x128xf32, #tpu.memory_space<vmem>>, vector<10240x128xf32>
    %mul3A = vector.broadcast %reshape3A : vector<10240x1xf32> to vector<10240x128xf32>
    %mul3A_26 = arith.mulf %get3A_25, %mul3A : vector<10240x128xf32>
    %swap3A_27 = arith.constant 0 : index
    %swap3A_28 = arith.constant 0 : index
    %swap3A_29 = vector.load %arg6[%swap3A_27, %swap3A_28] : memref<10240x128xf32, #tpu.memory_space<vmem>>, vector<10240x128xf32>
    tpu.vector_store %arg6[%swap3A_27, %swap3A_28], %mul3A_26 {strides = array<i32>} : memref<10240x128xf32, #tpu.memory_space<vmem>>, vector<10240x128xf32>,
    return
  }
}

module attributes {stable_mosaic.version = 14 : i64} {
  func.func @_scale_body(%arg0: i32, %arg1: memref<1024x128xf32, #tpu.memory_space<vmem>>, %arg2: memref<1024x128xf32, #tpu.memory_space<vmem>>, %arg3: memref<1024x1xf32, #tpu.memory_space<vmem>>, %arg4: memref<1024x128xf32, #tpu.memory_space<vmem>>) attributes {dimension_semantics = [#tpu.dimension_semantics<arbitrary>], iteration_bounds = array<i64: 10>, scalar_prefetch = 0 : i64, scratch_operands = 0 : i64, tpu.core_type = #tpu.core_type<tc>, window_params = [{transform_indices = @transform_0, window_bounds = array<i64: 1024, 128>}, {transform_indices = @transform_1, window_bounds = array<i64: 1024, 128>}, {transform_indices = @transform_2, window_bounds = array<i64: 1024, 1>}, {transform_indices = @transform_3, window_bounds = array<i64: 1024, 128>}]} {
    %get3A = arith.constant 0 : index
    %get3A_0 = arith.constant 0 : index
    %get3A_1 = vector.load %arg3[%get3A, %get3A_0] : memref<1024x1xf32, #tpu.memory_space<vmem>>, vector<1024x1xf32>
    %get3A_2 = arith.constant 0 : index
    %get3A_3 = arith.constant 0 : index
    %get3A_4 = vector.load %arg1[%get3A_2, %get3A_3] : memref<1024x128xf32, #tpu.memory_space<vmem>>, vector<1024x128xf32>
    %get3A_5 = arith.constant 0 : index
    %get3A_6 = arith.constant 0 : index
    %get3A_7 = vector.load %arg2[%get3A_5, %get3A_6] : memref<1024x128xf32, #tpu.memory_space<vmem>>, vector<1024x128xf32>
    %add3A = arith.addf %get3A_4, %get3A_7 : vector<1024x128xf32>
    %mul3A = arith.mulf %get3A_1, %get3A_1 : vector<1024x1xf32>
    %mul3A_8 = vector.broadcast %mul3A : vector<1024x1xf32> to vector<1024x128xf32>
    %mul3A_9 = arith.mulf %add3A, %mul3A_8 : vector<1024x128xf32>
    %swap3A = arith.constant 0 : index
    %swap3A_10 = arith.constant 0 : index
    %swap3A_11 = vector.load %arg4[%swap3A, %swap3A_10] : memref<1024x128xf32, #tpu.memory_space<vmem>>, vector<1024x128xf32>
    tpu.vector_store %arg4[%swap3A, %swap3A_10], %mul3A_9 {strides = array<i32>} : memref<1024x128xf32, #tpu.memory_space<vmem>>, vector<1024x128xf32>,
    return
  }
  func.func @transform_0(%arg0: i32) -> (i32, i32) {
    %add3A = arith.constant 0 : i32
    %add3A_0 = arith.addi %arg0, %add3A : i32
    %c0_i32 = arith.constant 0 : i32
    %c0_i32_1 = arith.constant 0 : i32
    return %add3A_0, %c0_i32 : i32, i32
  }
  func.func @transform_1(%arg0: i32) -> (i32, i32) {
    %add3A = arith.constant 10 : i32
    %add3A_0 = arith.addi %arg0, %add3A : i32
    %c0_i32 = arith.constant 0 : i32
    %c0_i32_1 = arith.constant 0 : i32
    return %add3A_0, %c0_i32 : i32, i32
  }
  func.func @transform_2(%arg0: i32) -> (i32, i32) {
    %c0_i32 = arith.constant 0 : i32
    %c0_i32_0 = arith.constant 0 : i32
    return %arg0, %c0_i32 : i32, i32
  }
  func.func @transform_3(%arg0: i32) -> (i32, i32) {
    %c0_i32 = arith.constant 0 : i32
    %c0_i32_0 = arith.constant 0 : i32
    return %arg0, %c0_i32 : i32, i32
  }
}

module attributes {stable_mosaic.version = 14 : i64} {
  func.func @_l1_body(%arg0: i32, %arg1: memref<1024x128xf32, #tpu.memory_space<vmem>>, %arg2: memref<1024x128xf32, #tpu.memory_space<vmem>>, %arg3: memref<1024x128xf32, #tpu.memory_space<vmem>>, %arg4: memref<1024x128xf32, #tpu.memory_space<vmem>>, %arg5: memref<1024x128xf32, #tpu.memory_space<vmem>>, %arg6: memref<1024x128xf32, #tpu.memory_space<vmem>>, %arg7: memref<1024x128xf32, #tpu.memory_space<vmem>>, %arg8: memref<1024x1xf32, #tpu.memory_space<vmem>>, %arg9: memref<512x128xf32, #tpu.memory_space<vmem>>, %arg10: memref<1x128xf32, #tpu.memory_space<vmem>>, %arg11: memref<1024x128xf32, #tpu.memory_space<vmem>>, %arg12: memref<1024x128xf32, #tpu.memory_space<vmem>>) attributes {dimension_semantics = [#tpu.dimension_semantics<arbitrary>], iteration_bounds = array<i64: 10>, scalar_prefetch = 0 : i64, scratch_operands = 0 : i64, tpu.core_type = #tpu.core_type<tc>, window_params = [{transform_indices = @transform_0, window_bounds = array<i64: 1024, 128>}, {transform_indices = @transform_1, window_bounds = array<i64: 1024, 128>}, {transform_indices = @transform_2, window_bounds = array<i64: 1024, 128>}, {transform_indices = @transform_3, window_bounds = array<i64: 1024, 128>}, {transform_indices = @transform_4, window_bounds = array<i64: 1024, 128>}, {transform_indices = @transform_5, window_bounds = array<i64: 1024, 128>}, {transform_indices = @transform_6, window_bounds = array<i64: 1024, 128>}, {transform_indices = @transform_7, window_bounds = array<i64: 1024, 1>}, {pipeline_mode = #tpu.pipeline_mode<synchronous>, transform_indices = @transform_8, window_bounds = array<i64: 512, 128>}, {pipeline_mode = #tpu.pipeline_mode<synchronous>, transform_indices = @transform_9, window_bounds = array<i64: 1, 128>}, {transform_indices = @transform_10, window_bounds = array<i64: 1024, 128>}, {transform_indices = @transform_11, window_bounds = array<i64: 1024, 128>}]} {
    %get3A = arith.constant 0 : index
    %get3A_0 = arith.constant 0 : index
    %get3A_1 = vector.load %arg8[%get3A, %get3A_0] : memref<1024x1xf32, #tpu.memory_space<vmem>>, vector<1024x1xf32>
    %get3A_2 = arith.constant 0 : index
    %get3A_3 = arith.constant 0 : index
    %get3A_4 = vector.load %arg2[%get3A_2, %get3A_3] : memref<1024x128xf32, #tpu.memory_space<vmem>>, vector<1024x128xf32>
    %get3A_5 = arith.constant 0 : index
    %get3A_6 = arith.constant 0 : index
    %get3A_7 = vector.load %arg3[%get3A_5, %get3A_6] : memref<1024x128xf32, #tpu.memory_space<vmem>>, vector<1024x128xf32>
    %add3A = arith.addf %get3A_4, %get3A_7 : vector<1024x128xf32>
    %mul3A = vector.broadcast %get3A_1 : vector<1024x1xf32> to vector<1024x128xf32>
    %mul3A_8 = arith.mulf %add3A, %mul3A : vector<1024x128xf32>
    %get3A_9 = arith.constant 0 : index
    %get3A_10 = arith.constant 0 : index
    %get3A_11 = vector.load %arg4[%get3A_9, %get3A_10] : memref<1024x128xf32, #tpu.memory_space<vmem>>, vector<1024x128xf32>
    %get3A_12 = arith.constant 0 : index
    %get3A_13 = arith.constant 0 : index
    %get3A_14 = vector.load %arg5[%get3A_12, %get3A_13] : memref<1024x128xf32, #tpu.memory_space<vmem>>, vector<1024x128xf32>
    %add3A_15 = arith.addf %get3A_11, %get3A_14 : vector<1024x128xf32>
    %mul3A_16 = vector.broadcast %get3A_1 : vector<1024x1xf32> to vector<1024x128xf32>
    %mul3A_17 = arith.mulf %add3A_15, %mul3A_16 : vector<1024x128xf32>
    %get3A_18 = arith.constant 0 : index
    %get3A_19 = arith.constant 0 : index
    %get3A_20 = vector.load %arg6[%get3A_18, %get3A_19] : memref<1024x128xf32, #tpu.memory_space<vmem>>, vector<1024x128xf32>
    %get3A_21 = arith.constant 0 : index
    %get3A_22 = arith.constant 0 : index
    %get3A_23 = vector.load %arg7[%get3A_21, %get3A_22] : memref<1024x128xf32, #tpu.memory_space<vmem>>, vector<1024x128xf32>
    %add3A_24 = arith.addf %get3A_20, %get3A_23 : vector<1024x128xf32>
    %mul3A_25 = vector.broadcast %get3A_1 : vector<1024x1xf32> to vector<1024x128xf32>
    %mul3A_26 = arith.mulf %add3A_24, %mul3A_25 : vector<1024x128xf32>
    %get3A_27 = arith.constant 0 : index
    %get3A_28 = arith.constant 0 : index
    %get3A_29 = vector.load %arg1[%get3A_27, %get3A_28] : memref<1024x128xf32, #tpu.memory_space<vmem>>, vector<1024x128xf32>
    %get3A_30 = arith.constant 0 : index
    %get3A_31 = arith.constant 0 : index
    %get3A_32 = vector.load %arg9[%get3A_30, %get3A_31] : memref<512x128xf32, #tpu.memory_space<vmem>>, vector<128x128xf32>
    %dot_general3A = arith.constant dense<0.000000e+00> : vector<1024x128xf32>
    %dot_general3A_33 = tpu.matmul %get3A_29, %get3A_32, %dot_general3A {dimension_numbers = #tpu.dot_dimension_numbers<[1], [0], [0], [1], [0, 0, 1, 1], [], []>, transpose_lhs_hint = false} : vector<1024x128xf32>, vector<128x128xf32>, vector<1024x128xf32> -> vector<1024x128xf32>
    %get3A_34 = arith.constant 128 : index
    %get3A_35 = arith.constant 0 : index
    %get3A_36 = vector.load %arg9[%get3A_34, %get3A_35] : memref<512x128xf32, #tpu.memory_space<vmem>>, vector<128x128xf32>
    %dot_general3A_37 = arith.constant dense<0.000000e+00> : vector<1024x128xf32>
    %dot_general3A_38 = tpu.matmul %mul3A_8, %get3A_36, %dot_general3A_37 {dimension_numbers = #tpu.dot_dimension_numbers<[1], [0], [0], [1], [0, 0, 1, 1], [], []>, transpose_lhs_hint = false} : vector<1024x128xf32>, vector<128x128xf32>, vector<1024x128xf32> -> vector<1024x128xf32>
    %add3A_39 = arith.addf %dot_general3A_33, %dot_general3A_38 : vector<1024x128xf32>
    %get3A_40 = arith.constant 256 : index
    %get3A_41 = arith.constant 0 : index
    %get3A_42 = vector.load %arg9[%get3A_40, %get3A_41] : memref<512x128xf32, #tpu.memory_space<vmem>>, vector<128x128xf32>
    %dot_general3A_43 = arith.constant dense<0.000000e+00> : vector<1024x128xf32>
    %dot_general3A_44 = tpu.matmul %mul3A_17, %get3A_42, %dot_general3A_43 {dimension_numbers = #tpu.dot_dimension_numbers<[1], [0], [0], [1], [0, 0, 1, 1], [], []>, transpose_lhs_hint = false} : vector<1024x128xf32>, vector<128x128xf32>, vector<1024x128xf32> -> vector<1024x128xf32>
    %add3A_45 = arith.addf %add3A_39, %dot_general3A_44 : vector<1024x128xf32>
    %get3A_46 = arith.constant 384 : index
    %get3A_47 = arith.constant 0 : index
    %get3A_48 = vector.load %arg9[%get3A_46, %get3A_47] : memref<512x128xf32, #tpu.memory_space<vmem>>, vector<128x128xf32>
    %dot_general3A_49 = arith.constant dense<0.000000e+00> : vector<1024x128xf32>
    %dot_general3A_50 = tpu.matmul %mul3A_26, %get3A_48, %dot_general3A_49 {dimension_numbers = #tpu.dot_dimension_numbers<[1], [0], [0], [1], [0, 0, 1, 1], [], []>, transpose_lhs_hint = false} : vector<1024x128xf32>, vector<128x128xf32>, vector<1024x128xf32> -> vector<1024x128xf32>
    %add3A_51 = arith.addf %add3A_45, %dot_general3A_50 : vector<1024x128xf32>
    %get3A_52 = arith.constant 0 : index
    %get3A_53 = arith.constant 0 : index
    %get3A_54 = vector.load %arg10[%get3A_52, %get3A_53] : memref<1x128xf32, #tpu.memory_space<vmem>>, vector<1x128xf32>
    %add3A_55 = vector.broadcast %get3A_54 : vector<1x128xf32> to vector<1024x128xf32>
    %add3A_56 = arith.addf %add3A_51, %add3A_55 : vector<1024x128xf32>
    %max3A = arith.constant 0.000000e+00 : f32
    %max3A_57 = vector.broadcast %max3A : f32 to vector<1024x128xf32>
    %max3A_58 = arith.maximumf %add3A_56, %max3A_57 : vector<1024x128xf32>
    %swap3A = arith.constant 0 : index
    %swap3A_59 = arith.constant 0 : index
    %swap3A_60 = vector.load %arg11[%swap3A, %swap3A_59] : memref<1024x128xf32, #tpu.memory_space<vmem>>, vector<1024x128xf32>
    tpu.vector_store %arg11[%swap3A, %swap3A_59], %max3A_58 {strides = array<i32>} : memref<1024x128xf32, #tpu.memory_space<vmem>>, vector<1024x128xf32>,
    %mul3A_61 = vector.broadcast %get3A_1 : vector<1024x1xf32> to vector<1024x128xf32>
    %mul3A_62 = arith.mulf %max3A_58, %mul3A_61 : vector<1024x128xf32>
    %swap3A_63 = arith.constant 0 : index
    %swap3A_64 = arith.constant 0 : index
    %swap3A_65 = vector.load %arg12[%swap3A_63, %swap3A_64] : memref<1024x128xf32, #tpu.memory_space<vmem>>, vector<1024x128xf32>
    tpu.vector_store %arg12[%swap3A_63, %swap3A_64], %mul3A_62 {strides = array<i32>} : memref<1024x128xf32, #tpu.memory_space<vmem>>, vector<1024x128xf32>,
    return
  }
  func.func @transform_0(%arg0: i32) -> (i32, i32) {
    %c0_i32 = arith.constant 0 : i32
    %c0_i32_0 = arith.constant 0 : i32
    return %arg0, %c0_i32 : i32, i32
  }
  func.func @transform_1(%arg0: i32) -> (i32, i32) {
    %add3A = arith.constant 0 : i32
    %add3A_0 = arith.addi %arg0, %add3A : i32
    %c0_i32 = arith.constant 0 : i32
    %c0_i32_1 = arith.constant 0 : i32
    return %add3A_0, %c0_i32 : i32, i32
  }
  func.func @transform_2(%arg0: i32) -> (i32, i32) {
    %add3A = arith.constant 10 : i32
    %add3A_0 = arith.addi %arg0, %add3A : i32
    %c0_i32 = arith.constant 0 : i32
    %c0_i32_1 = arith.constant 0 : i32
    return %add3A_0, %c0_i32 : i32, i32
  }
  func.func @transform_3(%arg0: i32) -> (i32, i32) {
    %add3A = arith.constant 0 : i32
    %add3A_0 = arith.addi %arg0, %add3A : i32
    %c0_i32 = arith.constant 0 : i32
    %c0_i32_1 = arith.constant 0 : i32
    return %add3A_0, %c0_i32 : i32, i32
  }
  func.func @transform_4(%arg0: i32) -> (i32, i32) {
    %add3A = arith.constant 10 : i32
    %add3A_0 = arith.addi %arg0, %add3A : i32
    %c0_i32 = arith.constant 0 : i32
    %c0_i32_1 = arith.constant 0 : i32
    return %add3A_0, %c0_i32 : i32, i32
  }
  func.func @transform_5(%arg0: i32) -> (i32, i32) {
    %add3A = arith.constant 0 : i32
    %add3A_0 = arith.addi %arg0, %add3A : i32
    %c0_i32 = arith.constant 0 : i32
    %c0_i32_1 = arith.constant 0 : i32
    return %add3A_0, %c0_i32 : i32, i32
  }
  func.func @transform_6(%arg0: i32) -> (i32, i32) {
    %add3A = arith.constant 10 : i32
    %add3A_0 = arith.addi %arg0, %add3A : i32
    %c0_i32 = arith.constant 0 : i32
    %c0_i32_1 = arith.constant 0 : i32
    return %add3A_0, %c0_i32 : i32, i32
  }
  func.func @transform_7(%arg0: i32) -> (i32, i32) {
    %c0_i32 = arith.constant 0 : i32
    %c0_i32_0 = arith.constant 0 : i32
    return %arg0, %c0_i32 : i32, i32
  }
  func.func @transform_8(%arg0: i32) -> (i32, i32) {
    %c0_i32 = arith.constant 0 : i32
    %c0_i32_0 = arith.constant 0 : i32
    %c0_i32_1 = arith.constant 0 : i32
    return %c0_i32, %c0_i32_0 : i32, i32
  }
  func.func @transform_9(%arg0: i32) -> (i32, i32) {
    %c0_i32 = arith.constant 0 : i32
    %c0_i32_0 = arith.constant 0 : i32
    %c0_i32_1 = arith.constant 0 : i32
    return %c0_i32, %c0_i32_0 : i32, i32
  }
  func.func @transform_10(%arg0: i32) -> (i32, i32) {
    %c0_i32 = arith.constant 0 : i32
    %c0_i32_0 = arith.constant 0 : i32
    return %arg0, %c0_i32 : i32, i32
  }
  func.func @transform_11(%arg0: i32) -> (i32, i32) {
    %c0_i32 = arith.constant 0 : i32
    %c0_i32_0 = arith.constant 0 : i32
    return %arg0, %c0_i32 : i32, i32
  }
}

module attributes {stable_mosaic.version = 14 : i64} {
  func.func @_l2_body(%arg0: i32, %arg1: memref<1024x128xf32, #tpu.memory_space<vmem>>, %arg2: memref<1024x128xf32, #tpu.memory_space<vmem>>, %arg3: memref<1024x128xf32, #tpu.memory_space<vmem>>, %arg4: memref<1024x128xf32, #tpu.memory_space<vmem>>, %arg5: memref<1024x128xf32, #tpu.memory_space<vmem>>, %arg6: memref<1024x1xf32, #tpu.memory_space<vmem>>, %arg7: memref<1024x1xf32, #tpu.memory_space<vmem>>, %arg8: memref<1x2xf32, #tpu.memory_space<vmem>>, %arg9: memref<384x128xf32, #tpu.memory_space<vmem>>, %arg10: memref<1x128xf32, #tpu.memory_space<vmem>>, %arg11: memref<1x128xf32, #tpu.memory_space<vmem>>, %arg12: memref<1x128xf32, #tpu.memory_space<vmem>>, %arg13: memref<256x2xf32, #tpu.memory_space<vmem>>, %arg14: memref<1x2xf32, #tpu.memory_space<vmem>>, %arg15: memref<1024x2xf32, #tpu.memory_space<vmem>>) attributes {dimension_semantics = [#tpu.dimension_semantics<arbitrary>], iteration_bounds = array<i64: 10>, scalar_prefetch = 0 : i64, scratch_operands = 0 : i64, tpu.core_type = #tpu.core_type<tc>, window_params = [{transform_indices = @transform_0, window_bounds = array<i64: 1024, 128>}, {transform_indices = @transform_1, window_bounds = array<i64: 1024, 128>}, {transform_indices = @transform_2, window_bounds = array<i64: 1024, 128>}, {transform_indices = @transform_3, window_bounds = array<i64: 1024, 128>}, {transform_indices = @transform_4, window_bounds = array<i64: 1024, 128>}, {transform_indices = @transform_5, window_bounds = array<i64: 1024, 1>}, {transform_indices = @transform_6, window_bounds = array<i64: 1024, 1>}, {pipeline_mode = #tpu.pipeline_mode<synchronous>, transform_indices = @transform_7, window_bounds = array<i64: 1, 2>}, {pipeline_mode = #tpu.pipeline_mode<synchronous>, transform_indices = @transform_8, window_bounds = array<i64: 384, 128>}, {pipeline_mode = #tpu.pipeline_mode<synchronous>, transform_indices = @transform_9, window_bounds = array<i64: 1, 128>}, {pipeline_mode = #tpu.pipeline_mode<synchronous>, transform_indices = @transform_10, window_bounds = array<i64: 1, 128>}, {pipeline_mode = #tpu.pipeline_mode<synchronous>, transform_indices = @transform_11, window_bounds = array<i64: 1, 128>}, {pipeline_mode = #tpu.pipeline_mode<synchronous>, transform_indices = @transform_12, window_bounds = array<i64: 256, 2>}, {pipeline_mode = #tpu.pipeline_mode<synchronous>, transform_indices = @transform_13, window_bounds = array<i64: 1, 2>}, {transform_indices = @transform_14, window_bounds = array<i64: 1024, 2>}]} {
    %get3A = arith.constant 0 : index
    %get3A_0 = arith.constant 0 : index
    %get3A_1 = vector.load %arg6[%get3A, %get3A_0] : memref<1024x1xf32, #tpu.memory_space<vmem>>, vector<1024x1xf32>
    %get3A_2 = arith.constant 0 : index
    %get3A_3 = arith.constant 0 : index
    %get3A_4 = vector.load %arg2[%get3A_2, %get3A_3] : memref<1024x128xf32, #tpu.memory_space<vmem>>, vector<1024x128xf32>
    %get3A_5 = arith.constant 0 : index
    %get3A_6 = arith.constant 0 : index
    %get3A_7 = vector.load %arg3[%get3A_5, %get3A_6] : memref<1024x128xf32, #tpu.memory_space<vmem>>, vector<1024x128xf32>
    %add3A = arith.addf %get3A_4, %get3A_7 : vector<1024x128xf32>
    %mul3A = vector.broadcast %get3A_1 : vector<1024x1xf32> to vector<1024x128xf32>
    %mul3A_8 = arith.mulf %add3A, %mul3A : vector<1024x128xf32>
    %get3A_9 = arith.constant 0 : index
    %get3A_10 = arith.constant 0 : index
    %get3A_11 = vector.load %arg4[%get3A_9, %get3A_10] : memref<1024x128xf32, #tpu.memory_space<vmem>>, vector<1024x128xf32>
    %get3A_12 = arith.constant 0 : index
    %get3A_13 = arith.constant 0 : index
    %get3A_14 = vector.load %arg5[%get3A_12, %get3A_13] : memref<1024x128xf32, #tpu.memory_space<vmem>>, vector<1024x128xf32>
    %add3A_15 = arith.addf %get3A_11, %get3A_14 : vector<1024x128xf32>
    %mul3A_16 = vector.broadcast %get3A_1 : vector<1024x1xf32> to vector<1024x128xf32>
    %mul3A_17 = arith.mulf %add3A_15, %mul3A_16 : vector<1024x128xf32>
    %get3A_18 = arith.constant 0 : index
    %get3A_19 = arith.constant 0 : index
    %get3A_20 = vector.load %arg1[%get3A_18, %get3A_19] : memref<1024x128xf32, #tpu.memory_space<vmem>>, vector<1024x128xf32>
    %get3A_21 = arith.constant 0 : index
    %get3A_22 = arith.constant 0 : index
    %get3A_23 = vector.load %arg9[%get3A_21, %get3A_22] : memref<384x128xf32, #tpu.memory_space<vmem>>, vector<128x128xf32>
    %dot_general3A = arith.constant dense<0.000000e+00> : vector<1024x128xf32>
    %dot_general3A_24 = tpu.matmul %get3A_20, %get3A_23, %dot_general3A {dimension_numbers = #tpu.dot_dimension_numbers<[1], [0], [0], [1], [0, 0, 1, 1], [], []>, transpose_lhs_hint = false} : vector<1024x128xf32>, vector<128x128xf32>, vector<1024x128xf32> -> vector<1024x128xf32>
    %get3A_25 = arith.constant 128 : index
    %get3A_26 = arith.constant 0 : index
    %get3A_27 = vector.load %arg9[%get3A_25, %get3A_26] : memref<384x128xf32, #tpu.memory_space<vmem>>, vector<128x128xf32>
    %dot_general3A_28 = arith.constant dense<0.000000e+00> : vector<1024x128xf32>
    %dot_general3A_29 = tpu.matmul %mul3A_8, %get3A_27, %dot_general3A_28 {dimension_numbers = #tpu.dot_dimension_numbers<[1], [0], [0], [1], [0, 0, 1, 1], [], []>, transpose_lhs_hint = false} : vector<1024x128xf32>, vector<128x128xf32>, vector<1024x128xf32> -> vector<1024x128xf32>
    %add3A_30 = arith.addf %dot_general3A_24, %dot_general3A_29 : vector<1024x128xf32>
    %get3A_31 = arith.constant 256 : index
    %get3A_32 = arith.constant 0 : index
    %get3A_33 = vector.load %arg9[%get3A_31, %get3A_32] : memref<384x128xf32, #tpu.memory_space<vmem>>, vector<128x128xf32>
    %dot_general3A_34 = arith.constant dense<0.000000e+00> : vector<1024x128xf32>
    %dot_general3A_35 = tpu.matmul %mul3A_17, %get3A_33, %dot_general3A_34 {dimension_numbers = #tpu.dot_dimension_numbers<[1], [0], [0], [1], [0, 0, 1, 1], [], []>, transpose_lhs_hint = false} : vector<1024x128xf32>, vector<128x128xf32>, vector<1024x128xf32> -> vector<1024x128xf32>
    %add3A_36 = arith.addf %add3A_30, %dot_general3A_35 : vector<1024x128xf32>
    %get3A_37 = arith.constant 0 : index
    %get3A_38 = arith.constant 0 : index
    %get3A_39 = vector.load %arg10[%get3A_37, %get3A_38] : memref<1x128xf32, #tpu.memory_space<vmem>>, vector<1x128xf32>
    %add3A_40 = vector.broadcast %get3A_39 : vector<1x128xf32> to vector<1024x128xf32>
    %add3A_41 = arith.addf %add3A_36, %add3A_40 : vector<1024x128xf32>
    %max3A = arith.constant 0.000000e+00 : f32
    %max3A_42 = vector.broadcast %max3A : f32 to vector<1024x128xf32>
    %max3A_43 = arith.maximumf %add3A_41, %max3A_42 : vector<1024x128xf32>
    %get3A_44 = arith.constant 0 : index
    %get3A_45 = arith.constant 0 : index
    %get3A_46 = vector.load %arg8[%get3A_44, %get3A_45] : memref<1x2xf32, #tpu.memory_space<vmem>>, vector<1x1xf32>
    %get3A_47 = vector.extract %get3A_46[0, 0] : f32 from vector<1x1xf32>
    %get3A_48 = arith.constant 0 : index
    %get3A_49 = arith.constant 1 : index
    %get3A_50 = vector.load %arg8[%get3A_48, %get3A_49] : memref<1x2xf32, #tpu.memory_space<vmem>>, vector<1x1xf32>
    %get3A_51 = vector.extract %get3A_50[0, 0] : f32 from vector<1x1xf32>
    %get3A_52 = arith.constant 0 : index
    %get3A_53 = arith.constant 0 : index
    %get3A_54 = vector.load %arg7[%get3A_52, %get3A_53] : memref<1024x1xf32, #tpu.memory_space<vmem>>, vector<1024x1xf32>
    %sub3A = vector.broadcast %get3A_47 : f32 to vector<1024x1xf32>
    %sub3A_55 = arith.subf %get3A_54, %sub3A : vector<1024x1xf32>
    %sub3A_56 = arith.subf %get3A_51, %get3A_47 : f32
    %add3A_57 = arith.constant 9.99999993E-9 : f32
    %add3A_58 = arith.addf %sub3A_56, %add3A_57 : f32
    %div3A = vector.broadcast %add3A_58 : f32 to vector<1024x1xf32>
    %div3A_59 = arith.divf %sub3A_55, %div3A : vector<1024x1xf32>
    %get3A_60 = arith.constant 0 : index
    %get3A_61 = arith.constant 0 : index
    %get3A_62 = vector.load %arg11[%get3A_60, %get3A_61] : memref<1x128xf32, #tpu.memory_space<vmem>>, vector<1x128xf32>
    %mul3A_63 = vector.broadcast %div3A_59 : vector<1024x1xf32> to vector<1024x128xf32>
    %mul3A_64 = vector.broadcast %get3A_62 : vector<1x128xf32> to vector<1024x128xf32>
    %mul3A_65 = arith.mulf %mul3A_63, %mul3A_64 : vector<1024x128xf32>
    %get3A_66 = arith.constant 0 : index
    %get3A_67 = arith.constant 0 : index
    %get3A_68 = vector.load %arg12[%get3A_66, %get3A_67] : memref<1x128xf32, #tpu.memory_space<vmem>>, vector<1x128xf32>
    %add3A_69 = vector.broadcast %get3A_68 : vector<1x128xf32> to vector<1024x128xf32>
    %add3A_70 = arith.addf %mul3A_65, %add3A_69 : vector<1024x128xf32>
    %get3A_71 = arith.constant 0 : index
    %get3A_72 = arith.constant 0 : index
    %get3A_73 = vector.load %arg13[%get3A_71, %get3A_72] : memref<256x2xf32, #tpu.memory_space<vmem>>, vector<128x2xf32>
    %dot_general3A_74 = arith.constant dense<0.000000e+00> : vector<1024x2xf32>
    %dot_general3A_75 = tpu.matmul %max3A_43, %get3A_73, %dot_general3A_74 {dimension_numbers = #tpu.dot_dimension_numbers<[1], [0], [0], [1], [0, 0, 1, 1], [], []>, transpose_lhs_hint = false} : vector<1024x128xf32>, vector<128x2xf32>, vector<1024x2xf32> -> vector<1024x2xf32>
    %get3A_76 = arith.constant 128 : index
    %get3A_77 = arith.constant 0 : index
    %get3A_78 = vector.load %arg13[%get3A_76, %get3A_77] : memref<256x2xf32, #tpu.memory_space<vmem>>, vector<128x2xf32>
    %dot_general3A_79 = arith.constant dense<0.000000e+00> : vector<1024x2xf32>
    %dot_general3A_80 = tpu.matmul %add3A_70, %get3A_78, %dot_general3A_79 {dimension_numbers = #tpu.dot_dimension_numbers<[1], [0], [0], [1], [0, 0, 1, 1], [], []>, transpose_lhs_hint = false} : vector<1024x128xf32>, vector<128x2xf32>, vector<1024x2xf32> -> vector<1024x2xf32>
    %add3A_81 = arith.addf %dot_general3A_75, %dot_general3A_80 : vector<1024x2xf32>
    %get3A_82 = arith.constant 0 : index
    %get3A_83 = arith.constant 0 : index
    %get3A_84 = vector.load %arg14[%get3A_82, %get3A_83] : memref<1x2xf32, #tpu.memory_space<vmem>>, vector<1x2xf32>
    %add3A_85 = vector.broadcast %get3A_84 : vector<1x2xf32> to vector<1024x2xf32>
    %add3A_86 = arith.addf %add3A_81, %add3A_85 : vector<1024x2xf32>
    %swap3A = arith.constant 0 : index
    %swap3A_87 = arith.constant 0 : index
    %swap3A_88 = vector.load %arg15[%swap3A, %swap3A_87] : memref<1024x2xf32, #tpu.memory_space<vmem>>, vector<1024x2xf32>
    tpu.vector_store %arg15[%swap3A, %swap3A_87], %add3A_86 {strides = array<i32>} : memref<1024x2xf32, #tpu.memory_space<vmem>>, vector<1024x2xf32>,
    return
  }
  func.func @transform_0(%arg0: i32) -> (i32, i32) {
    %c0_i32 = arith.constant 0 : i32
    %c0_i32_0 = arith.constant 0 : i32
    return %arg0, %c0_i32 : i32, i32
  }
  func.func @transform_1(%arg0: i32) -> (i32, i32) {
    %add3A = arith.constant 0 : i32
    %add3A_0 = arith.addi %arg0, %add3A : i32
    %c0_i32 = arith.constant 0 : i32
    %c0_i32_1 = arith.constant 0 : i32
    return %add3A_0, %c0_i32 : i32, i32
  }
  func.func @transform_2(%arg0: i32) -> (i32, i32) {
    %add3A = arith.constant 10 : i32
    %add3A_0 = arith.addi %arg0, %add3A : i32
    %c0_i32 = arith.constant 0 : i32
    %c0_i32_1 = arith.constant 0 : i32
    return %add3A_0, %c0_i32 : i32, i32
  }
  func.func @transform_3(%arg0: i32) -> (i32, i32) {
    %add3A = arith.constant 0 : i32
    %add3A_0 = arith.addi %arg0, %add3A : i32
    %c0_i32 = arith.constant 0 : i32
    %c0_i32_1 = arith.constant 0 : i32
    return %add3A_0, %c0_i32 : i32, i32
  }
  func.func @transform_4(%arg0: i32) -> (i32, i32) {
    %add3A = arith.constant 10 : i32
    %add3A_0 = arith.addi %arg0, %add3A : i32
    %c0_i32 = arith.constant 0 : i32
    %c0_i32_1 = arith.constant 0 : i32
    return %add3A_0, %c0_i32 : i32, i32
  }
  func.func @transform_5(%arg0: i32) -> (i32, i32) {
    %c0_i32 = arith.constant 0 : i32
    %c0_i32_0 = arith.constant 0 : i32
    return %arg0, %c0_i32 : i32, i32
  }
  func.func @transform_6(%arg0: i32) -> (i32, i32) {
    %c0_i32 = arith.constant 0 : i32
    %c0_i32_0 = arith.constant 0 : i32
    return %arg0, %c0_i32 : i32, i32
  }
  func.func @transform_7(%arg0: i32) -> (i32, i32) {
    %c0_i32 = arith.constant 0 : i32
    %c0_i32_0 = arith.constant 0 : i32
    %c0_i32_1 = arith.constant 0 : i32
    return %c0_i32, %c0_i32_0 : i32, i32
  }
  func.func @transform_8(%arg0: i32) -> (i32, i32) {
    %c0_i32 = arith.constant 0 : i32
    %c0_i32_0 = arith.constant 0 : i32
    %c0_i32_1 = arith.constant 0 : i32
    return %c0_i32, %c0_i32_0 : i32, i32
  }
  func.func @transform_9(%arg0: i32) -> (i32, i32) {
    %c0_i32 = arith.constant 0 : i32
    %c0_i32_0 = arith.constant 0 : i32
    %c0_i32_1 = arith.constant 0 : i32
    return %c0_i32, %c0_i32_0 : i32, i32
  }
  func.func @transform_10(%arg0: i32) -> (i32, i32) {
    %c0_i32 = arith.constant 0 : i32
    %c0_i32_0 = arith.constant 0 : i32
    %c0_i32_1 = arith.constant 0 : i32
    return %c0_i32, %c0_i32_0 : i32, i32
  }
  func.func @transform_11(%arg0: i32) -> (i32, i32) {
    %c0_i32 = arith.constant 0 : i32
    %c0_i32_0 = arith.constant 0 : i32
    %c0_i32_1 = arith.constant 0 : i32
    return %c0_i32, %c0_i32_0 : i32, i32
  }
  func.func @transform_12(%arg0: i32) -> (i32, i32) {
    %c0_i32 = arith.constant 0 : i32
    %c0_i32_0 = arith.constant 0 : i32
    %c0_i32_1 = arith.constant 0 : i32
    return %c0_i32, %c0_i32_0 : i32, i32
  }
  func.func @transform_13(%arg0: i32) -> (i32, i32) {
    %c0_i32 = arith.constant 0 : i32
    %c0_i32_0 = arith.constant 0 : i32
    %c0_i32_1 = arith.constant 0 : i32
    return %c0_i32, %c0_i32_0 : i32, i32
  }
  func.func @transform_14(%arg0: i32) -> (i32, i32) {
    %c0_i32 = arith.constant 0 : i32
    %c0_i32_0 = arith.constant 0 : i32
    return %arg0, %c0_i32 : i32, i32
  }
}

</mosaic_0001>

<sc_bundles>
// kernel: kernel.14.cloned.1.call-start
scs
__scs_entry_jumppad:
0x0: {  	(pc) =	sbr.rel $0x88, $3  }
0x1: {  	(tag) =	ssettag $0x0;
	lr =	simm.s32 $0x1  }
0x2: {  	[smem:$0x3F96] =	sst lr;
	_ =	strace $0xD0000000  }
0x3: {  	_ = 	snop  }
0x4: {  	_ = 	snop  }
0x5: {  	_ = 	snop  }
0x6: {  	_ = 	snop  }
0x7: {  	_ = 	snop  }
__scs_overlays_trampoline_lowered:
0x8: {  	[smem:$0x3FA5] =	sst s0  }
0x9: {  	[smem:$0x3FA6] =	sst s1  }
0xa: {  	[smem:$0x3FA7] =	sst s2  }
0xb: {  	[smem:$0x3FA8] =	sst s3  }
0xc: {  	[smem:$0x3FA9] =	sst s4  }
0xd: {  	[smem:$0x3FAA] =	sst s5  }
0xe: {  	[smem:$0x3FAB] =	sst s6  }
0xf: {  	[smem:$0x3FAC] =	sst s7  }
0x10: {  	[smem:$0x3FAD] =	sst s8  }
0x11: {  	[smem:$0x3FAE] =	sst s9;
	s0 =	simm.s32 @!p0 $0x0  }
0x12: {  	s1 =	sld [smem:$0x3F94];
	s0 =	simm.s32 @p0 $0x1  }
0x13: {  	[smem:$0x3FAF] =	sst s0;
	s0 =	simm.s32 @!p1 $0x0  }
0x14: {  	s2 =	sld [smem:$0x3F93];
	s0 =	simm.s32 @p1 $0x1  }
0x15: {  	[smem:$0x3FB0] =	sst s0;
	s0 =	simm.s32 @!p2 $0x0  }
0x16: {  	s3 =	sld [smem:$0x3FDB];
	s0 =	simm.s32 @p2 $0x1  }
0x17: {  	s4 =	simm.s32 $0x1BF5;
	[smem:$0x3FB2] =	sst s0  }
0x18: {  	s0 =	sld [smem:$0x3F95];
	_ =	swait.ge [sflag:s4], $0x0  }
0x19: {  	s7 =	sld [smem:$0x3F96]  }
0x1a: {  	s8 =	sadd.s32 $0xFFFFE003, lr  }
0x1b: {  	s9 =	sadd.s32 $0xFFFFFEF7, lr;
	s5 =	simm.s32 $0xFFFFFFFF;
	p2 =	slt.u32 s8, $0xFFFFF086  }
0x1c: {  	p1 =	slt.u32 s9, $0xF7A;
	s5 =	simm.s32 @!p2 $0x0  }
0x1d: {  	s5 =	simm.s32 @p1 $0x1;
	p0 =	seq.s32 s7, s2  }
0x1e: {  	s7 =	smul.u32 @!p0 $0xF7A, s2;
	p2 =	seq.s32 @!p0 s5, $0x0  }
0x1f: {  	s9 =	smul.u32 $0xF7A, s1;
	s8 =	simm.s32 @!p0 $0x1BF5;
	p2 =	por !p2, p0  }
0x20: {  	[sflag:s8] =	ssyncset.s32 @!p0 $0xFFFFF086;
	s6 =	sadd.s32 @!p0 s3, s7;
	s7 =	simm.s32 @!p0 $0x108  }
0x21: {  	s3 =	sadd.s32 s3, s9;
	s6 =	sadd.s32 @!p0 $0x88, s6;
	s7 =	simm.s32 @p2 $0x1082  }
0x22: {  	[simem:s7], [sflag:s8] =	dma.local @!p0 [hbm:s6], $0xF7A  }
0x23: {  	s9 =	sor.u32 $0xD0000000, s2;
	s6 =	simm.s32 $0x108;
	_ =	swait.ge @!p0 [sflag:s8], $0x0  }
0x24: {  	s3 =	sadd.s32 $0x88, s3;
	s6 =	simm.s32 @!p1 $0x1082;
	[sflag:s4] =	ssyncset.s32 $0xFFFFF086  }
0x25: {  	[simem:s6], [sflag:s4] =	dma.local [hbm:s3], $0xF7A  }
0x26: {  	[smem:$0x3F96] =	sst s1;
	(tag) =	ssettag s2;
	_ =	strace s9  }
0x27: {  	s1 =	sld [smem:$0x3FA6]  }
0x28: {  	s2 =	sld [smem:$0x3FA7]  }
0x29: {  	s4 =	sld [smem:$0x3FA9]  }
0x2a: {  	p0 =	seq.s32 s5, $0x0;
	s5 =	sld [smem:$0x3FAA]  }
0x2b: {  	s6 =	sld [smem:$0x3FAB]  }
0x2c: {  	s7 =	sld [smem:$0x3FAC]  }
0x2d: {  	s3 =	simm.s32 $0x108;
	s8 =	sld [smem:$0x3FAD]  }
0x2e: {  	s3 =	simm.s32 @!p0 $0x1082;
	s9 =	sld [smem:$0x3FAE]  }
0x2f: {  	lr =	sadd.s32 s0, s3;
	s0 =	sld [smem:$0x3FA5]  }
0x30: {  	s3 =	sld [smem:$0x3FA8]  }
0x31: {  	[smem:$0x3FB1] =	sst s10  }
0x32: {  	s10 =	sld [smem:$0x3FAF];
	_ =	sdelay $0x3  }
0x33: {  	p0 =	seq.s32 s10, $0x1;
	s10 =	sld [smem:$0x3FB1];
	_ =	sdelay $0x3  }
0x34: {  	[smem:$0x3FB1] =	sst s10  }
0x35: {  	s10 =	sld [smem:$0x3FB0];
	_ =	sdelay $0x3  }
0x36: {  	p1 =	seq.s32 s10, $0x1;
	s10 =	sld [smem:$0x3FB1];
	_ =	sdelay $0x3  }
0x37: {  	[smem:$0x3FB1] =	sst s10  }
0x38: {  	s10 =	sld [smem:$0x3FB2]  }
0x39: {  	_ = 	snop;
	(pc) =	sbr.ind lr, $3  }
0x3a: {  	_ = 	snop  }
0x3b: {  	_ = 	snop  }
0x3c: {  	p2 =	seq.s32 s10, $0x1;
	s10 =	sld [smem:$0x3FB1]  }
0x3d: {  	_ =	shalt  }
0x3e: {  	_ =	shalt  }
0x3f: {  	_ =	shalt  }
0x40: {  	_ =	shalt  }
0x41: {  	_ =	shalt  }
0x42: {  	_ =	shalt  }
0x43: {  	_ =	shalt  }
0x44: {  	_ =	shalt  }
0x45: {  	_ =	shalt  }
0x46: {  	_ =	shalt  }
0x47: {  	_ =	shalt  }
0x48: {  	_ =	shalt  }
0x49: {  	_ =	shalt  }
0x4a: {  	_ =	shalt  }
0x4b: {  	_ =	shalt  }
0x4c: {  	_ =	shalt  }
0x4d: {  	_ =	shalt  }
0x4e: {  	_ =	shalt  }
0x4f: {  	_ =	shalt  }
0x50: {  	_ =	shalt  }
0x51: {  	_ =	shalt  }
0x52: {  	_ =	shalt  }
0x53: {  	_ =	shalt  }
0x54: {  	_ =	shalt  }
0x55: {  	_ =	shalt  }
0x56: {  	_ =	shalt  }
0x57: {  	_ =	shalt  }
0x58: {  	_ =	shalt  }
0x59: {  	_ =	shalt  }
0x5a: {  	_ =	shalt  }
0x5b: {  	_ =	shalt  }
0x5c: {  	_ =	shalt  }
0x5d: {  	_ =	shalt  }
0x5e: {  	_ =	shalt  }
0x5f: {  	_ =	shalt  }
0x60: {  	_ =	shalt  }
0x61: {  	_ =	shalt  }
0x62: {  	_ =	shalt  }
0x63: {  	_ =	shalt  }
0x64: {  	_ =	shalt  }
0x65: {  	_ =	shalt  }
0x66: {  	_ =	shalt  }
0x67: {  	_ =	shalt  }
0x68: {  	_ =	shalt  }
0x69: {  	_ =	shalt  }
0x6a: {  	_ =	shalt  }
0x6b: {  	_ =	shalt  }
0x6c: {  	_ =	shalt  }
0x6d: {  	_ =	shalt  }
0x6e: {  	_ =	shalt  }
0x6f: {  	_ =	shalt  }
0x70: {  	_ =	shalt  }
0x71: {  	_ =	shalt  }
0x72: {  	_ =	shalt  }
0x73: {  	_ =	shalt  }
0x74: {  	_ =	shalt  }
0x75: {  	_ =	shalt  }
0x76: {  	_ =	shalt  }
0x77: {  	_ =	shalt  }
0x78: {  	_ =	shalt  }
0x79: {  	_ =	shalt  }
0x7a: {  	_ =	shalt  }
0x7b: {  	_ =	shalt  }
0x7c: {  	_ =	shalt  }
0x7d: {  	_ =	shalt  }
0x7e: {  	_ =	shalt  }
0x7f: {  	_ =	shalt  }
0x80: {  	_ =	shalt  }
0x81: {  	_ =	shalt  }
0x82: {  	_ =	shalt  }
0x83: {  	_ =	shalt  }
0x84: {  	_ =	shalt  }
0x85: {  	_ =	shalt  }
0x86: {  	_ =	shalt  }
0x87: {  	_ =	shalt  }
.Lfunc_end0:
.L_simem_size_0:
called_computation_lowered:
.L_overlay_start_0:
0x88: {  	s2 =	sld [smem:$0x3FD9]  }
0x89: {  	s3 =	sld [smem:$0x3FFE];
	_ =	sdelay $0x1  }
0x8a: {  	s1 =	srdreg.scid  }
0x8b: {  	s0 =	sand.u32 $0x1, s1  }
0x8c: {  	s17 =	sshll.u32 s0, $0xA;
	s2 =	sadd.s32 s3, s2  }
0x8d: {  	s2 =	sadd.s32 s2, s17  }
0x8e: {  	[smem:$0x3FBD] =	sst s2  }
0x8f: {  	_ = 	snop  }
0x90: {  	s2 =	sld [smem:$0x3FD0];
	(tm) =	ssettm $0x1  }
0x91: {  	s18 =	sld [smem:$0x3FFB];
	_ =	sdelay $0x3  }
0x92: {  	_ =	strace s18  }
0x93: {  	s3 =	sld [smem:$0x3FFC];
	_ =	sdelay $0x3  }
0x94: {  	_ =	strace s3  }
0x95: {  	s3 =	sld [smem:$0x3FFD];
	_ =	sdelay $0x3  }
0x96: {  	_ =	strace s3  }
0x97: {  	_ =	strace $0x8FFFFFFF  }
0x98: {  	s19 =	sld [smem:$0x3FDB];
	_ =	sdelay $0x1  }
0x99: {  	s4 =	simm.s32 $_scs_section_size  }
0x9a: {  	s5 =	simm.s32 $_size__tile_overlayer_lowered;
	s6 =	simm.s32 $_tile_overlayer_lowered  }
0x9b: {  	s22 =	simm.s32 $0x1BFF;
	s21 =	sshll.u32 s6, $0x1;
	s3 =	sadd.s32 s4, s19  }
0x9c: {  	s7 =	simm.s32 $0x0;
	s20 =	sshll.u32 s5, $0x1;
	s5 =	sadd.s32 s21, s3  }
0x9d: {  	[timem:s7], [sflag:s22] =	dma.local [hbm:s5], s20  }
0x9e: {  	_ =	swait.ge [sflag:s22], s20  }
0x9f: {  	s4 =	ssub.s32 $0x0, s20;
	[sflag:s22] =	ssyncset.done $0x0  }
0xa0: {  	[sflag:s22] =	ssyncadd.s32 s4;
	_ =	sdelay $0x1  }
0xa1: {  	s23 =	simm.s32 $0x1B8B  }
0xa2: {  	_ =	swait.ge [sflag:s23], $0x1  }
0xa3: {  	[sflag:s23] =	ssyncset.done $0x0  }
0xa4: {  	s25 =	simm.s32 $0x1B8E;
	s24 =	sld [smem:$0x3FFE];
	[sflag:s23] =	ssyncadd.s32 $0xFFFFFFFF  }
0xa5: {  	s26 =	simm.s32 $execute0_lowered;
	[smem:$0x3FD2] =	sst s25  }
0xa6: {  	s5 =	sshll.u32 s26, $0x1;
	_ =	strace $0x80000046;
	[dreg:$0x1] =	wrdreg $0xFFFFFFFF  }
0xa7: {  	s28 =	simm.s32 $_size_execute0_lowered;
	s3 =	sadd.s32 s3, s5;
	[dreg:$0x0] =	wrdreg $0x0  }
0xa8: {  	s5 =	sshll.u32 s28, $0x1;
	[dreg:$0x2] =	wrdreg s3  }
0xa9: {  	[dreg:$0x3] =	wrdreg s5  }
0xaa: {  	[dreg:$0x4] =	wrdreg $0xC0  }
0xab: {  	_ =	task [dreg:s7], $0x5FFFF  }
0xac: {  	[dreg:$0x1] =	wrdreg $0xFFFFFFFF  }
0xad: {  	[dreg:$0x0] =	wrdreg $0x60  }
0xae: {  	[dreg:$0x2] =	wrdreg s24  }
0xaf: {  	[dreg:$0x3] =	wrdreg s2  }
0xb0: {  	[dreg:$0x4] =	wrdreg $0x3000  }
0xb1: {  	[dreg:$0x5] =	wrdreg $0x9  }
0xb2: {  	_ =	task.clear_ibuf [dreg:s7], $0x6FFFF;
	_ =	strace $0x90000046  }
0xb3: {  	s29 =	simm.s32 $0x9;
	_ =	strace $0x80000048  }
0xb4: {  	_ =	swait.ge [sflag:s29], $0x1  }
0xb5: {  	[sflag:s29] =	ssyncadd.s32 $0xFFFFFFFF  }
0xb6: {  	_ =	strace $0x90000048  }
0xb7: {  	_ =	sfence  }
0xb8: {  	s30 =	sld [smem:$0x0];
	_ =	sdelay $0x2  }
0xb9: {  	s31 =	sshll.u32 s1, $0xD;
	s1 =	sshrl.u32 s1, $0x2  }
0xba: {  	s3 =	sand.u32 $0x4000, s31;
	s1 =	sadd.s32 s1, s30  }
0xbb: {  	s0 =	sor.u32 s3, s0;
	s1 =	sshll.u32 s1, $0x11  }
0xbc: {  	s0 =	sor.u32 s1, s0  }
0xbd: {  	s0 =	sadd.s32 $0x8F2B, s0  }
0xbe: {  	[sflag:s0] =	ssyncadd.remote.s32 $0x1  }
0xbf: {  	_ =	sfence.sel $0xFFFF  }
0xc0: {  	[dreg:$0x0] =	wrdreg $0xFFFFFFFF;
	(pc) =	sbr.abs _section_cstart, $3  }
0xc1: {  	[dreg:$0x1] =	wrdreg $0xFFFFFFFF  }
0xc2: {  	_ =	task.clear_ibuf [dreg:s7], $0x2FFFF;
	_ =	strace $0x9FFFFFFF  }
0xc3: {  	(tm) =	ssettm $0x7FFFFFFF  }
tec
execute0_lowered:
.L_overlay_start_1:
0x0: {  	(tag) =	ssettag $0x1  }
0x1: {  	s0 =	rddreg [dreg:$0x0]  }
0x2: {  	s3 =	rddreg [dreg:$0x2]  }
0x3: {  	s1 =	srdreg.scid;
	s6 =	stileid.u32;
	s4 =	simm.s32 $0x0  }
0x4: {  	s28 =	simm.s32 $0x1;
	s29 =	simm.s32 $0x50;
	s30 =	simm.s32 $0x3  }
0x5: {  	s31 =	simm.s32 $0x5;
	s1 =	sand.u32 $0x1, s1;
	s2 =	smul.u32 $0x280, s6  }
0x6: {  	[smem:$0x7FF] =	sst s4;
	s5 =	sadd.s32 $0x4000, s0;
	s10 =	smul.u32 $0x2710, s6  }
0x7: {  	s9 =	sadd.s32 $0x17C00, s0;
	s18 =	sshll.u32 s6, $0x6;
	s7 =	smul.u32 $0x2800, s1  }
0x8: {  	_ =	strace $0x80000047;
	s8 =	sshll.u32 s1, $0x4;
	[dreg:$0x4] =	wrdreg s9  }
0x9: {  	s15 =	ssub.s32 $0x2, s1;
	s1 =	smul.u32 $0x27100, s1;
	s8 =	sor.u32 s6, s8  }
0xa: {  	s16 =	sshrl.u32 s15, $0x1;
	s7 =	sadd.s32 s2, s7;
	s8 =	smul.u32 $0x2710, s8  }
0xb: {  	s14 =	ssub.s32 s15, s16;
	s2 =	sadd.s32 s2, s3;
	s1 =	sadd.s32 s10, s1  }
0xc: {  	s7 =	sshrl.u32 s7, $0x3;
	s15 =	sadd.s32 $0x2D0, s1;
	s24 =	smax.u32 s14, $0x1  }
0xd: {  	s25 =	sadd.s32 $0x280, s1;
	s0 =	sadd.s32 s7, s0;
	s17 =	sshrl.u32 s8, $0x3  }
0xe: {  	s8 =	sor.u32 $0x1C06, s18;
	s23 =	sshrl.u32 s15, $0x3;
	[dreg:$0xa] =	wrdreg s24  }
0xf: {  	s18 =	sadd.s32 $0x1E0, s1;
	s24 =	simm.s32 $0x100;
	s7 =	sadd.s32 s5, s17  }
0x10: {  	s0 =	sadd.s32 $0x17E00, s0;
	s15 =	sadd.s32 s23, s5;
	s17 =	sadd.s32 $0x230, s1  }
0x11: {  	s18 =	sshrl.u32 s18, $0x3;
	s19 =	sadd.s32 $0xA, s7;
	[dreg:$0x9] =	wrdreg s0  }
0x12: {  	s1 =	sadd.s32 $0x190, s1;
	s20 =	sadd.s32 $0x14, s7;
	[dreg:$0x5] =	wrdreg s19  }
0x13: {  	s21 =	sadd.s32 $0x1E, s7;
	s22 =	sadd.s32 $0x28, s7;
	[dreg:$0x6] =	wrdreg s20  }
0x14: {  	s0 =	sshrl.u32 s25, $0x3;
	s26 =	sshrl.u32 s17, $0x3;
	[dreg:$0x7] =	wrdreg s21  }
0x15: {  	s18 =	sadd.s32 s18, s5;
	[dreg:$0x8] =	wrdreg s22;
	s16 =	sadd.s32 s0, s5  }
0x16: {  	s17 =	sadd.s32 s26, s5;
	s20 =	sshrl.u32 s2, $0x3;
	s21 =	simm.s32 $0x6  }
0x17: {  	s22 =	simm.s32 $0x280;
	s26 =	simm.s32 $0x200;
	s0 =	simm.s32 $0x0  }
.LBB2_1:
0x18: {  	s2 =	rddreg [dreg:$0x1]  }
0x19: {  	[spmem:s20], [sflag:s8] =	dma.local [hbm:s2], $0x50  }
0x1a: {  	_ =	swait.ge [sflag:s21], $0x50  }
0x1b: {  	[sflag:s21] =	ssyncset.done $0x0  }
0x1c: {  	s12 =	rddreg [dreg:$0x4];
	[sflag:s21] =	ssyncadd.s32 $0xFFFFFFB0  }
0x1d: {  	[tilespmem:s22], [sflag:$0x6] =	stream.linear.gather [hbm4b:s12+s4], $0x80, $0x38;
	[tilespmem:$0x580] =	vst v63  }
0x1e: {  	_ =	swait.ge [sflag:s21], $0x80  }
0x1f: {  	[sflag:s21] =	ssyncset.done $0x0  }
0x20: {  	[sflag:s21] =	ssyncadd.s32 $0xFFFFFF80  }
0x21: {  	[bflag:$0x0] =	sbarrier.arrive $0xFFFF  }
0x22: {  	[tilespmem:s4], [sflag:$0x1] =	stream.linear.gather [hbm4b:s7+s4], $0x50, $0x38;
	[tilespmem:$0x580] =	vst v63  }
0x23: {  	s6 =	simm.s32 $0x80;
	s13 =	rddreg [dreg:$0x5]  }
0x24: {  	[tilespmem:s6], [sflag:$0x2] =	stream.linear.gather [hbm4b:s13+s4], $0x50, $0x38;
	[tilespmem:$0x580] =	vst v63  }
0x25: {  	s14 =	rddreg [dreg:$0x6]  }
0x26: {  	[tilespmem:s24], [sflag:$0x3] =	stream.linear.gather [hbm4b:s14+s4], $0x50, $0x38;
	[tilespmem:$0x580] =	vst v63  }
0x27: {  	s23 =	simm.s32 $0x180;
	s19 =	rddreg [dreg:$0x7]  }
0x28: {  	[tilespmem:s23], [sflag:$0x4] =	stream.linear.gather [hbm4b:s19+s4], $0x50, $0x38;
	[tilespmem:$0x580] =	vst v63  }
0x29: {  	s2 =	simm.s32 $0x0;
	s25 =	rddreg [dreg:$0x8];
	s19 =	smov.u32 s1  }
0x2a: {  	[tilespmem:s26], [sflag:$0x5] =	stream.linear.gather [hbm4b:s25+s4], $0x50, $0x38;
	[tilespmem:$0x580] =	vst v63  }
.LBB2_2:
0x2b: {  	_ =	swait.ge [sflag:s28], $0x50  }
0x2c: {  	[sflag:s28] =	ssyncset.done $0x0  }
0x2d: {  	[sflag:s28] =	ssyncadd.s32 $0xFFFFFFB0  }
0x2e: {  	[spmem:s3] =	stream.indirect.scatter.add.f32 [tilespmem:s22], [sflag:$0x6], $0x1, s4, s29, $0xb8;
	[tilespmem:$0x580] =	vst v63  }
0x2f: {  	_ =	swait.ge [sflag:s21], $0x50  }
0x30: {  	p0 =	seq.s32 s2, $0x4B0;
	[sflag:s21] =	ssyncset.done $0x0  }
0x31: {  	s23 =	simm.s32 @p0 $0x2;
	[sflag:s21] =	ssyncadd.s32 $0xFFFFFFB0  }
0x32: {  	_ =	swait.ge @p0 [sflag:s23], $0x50  }
0x33: {  	s25 =	simm.s32 @p0 $0x80;
	[sflag:s23] =	ssyncset.done @p0 $0x0  }
0x34: {  	s6 =	simm.s32 @p0 $0x280;
	[sflag:s23] =	ssyncadd.s32 @p0 $0xFFFFFFB0;
	s23 =	simm.s32 @p0 $0x50  }
0x35: {  	[spmem:s3] =	stream.indirect.scatter.add.f32 @p0 [tilespmem:s6], [sflag:$0x6], $0x1, s25, s23, $0xb8;
	[tilespmem:$0x580] =	vst v63  }
0x36: {  	s25 =	simm.s32 @p0 $0x6  }
0x37: {  	_ =	swait.ge @p0 [sflag:s25], $0x50  }
0x38: {  	s9 =	sshrl.u32 @!p0 s19, $0x3;
	[sflag:s25] =	ssyncset.done @p0 $0x0  }
0x39: {  	s10 =	simm.s32 @!p0 $0x0;
	s9 =	sadd.s32 @!p0 s5, s9;
	[sflag:s25] =	ssyncadd.s32 @p0 $0xFFFFFFB0  }
0x3a: {  	[tilespmem:s10], [sflag:$0x1] =	stream.linear.gather @!p0 [hbm4b:s9+s10], $0x50, $0x38;
	[tilespmem:$0x580] =	vst v63  }
0x3b: {  	s9 =	simm.s32 @!p0 $0x2  }
0x3c: {  	_ =	swait.ge @!p0 [sflag:s9], $0x50  }
0x3d: {  	s11 =	simm.s32 @!p0 $0x80;
	s12 =	simm.s32 @!p0 $0x280;
	[sflag:s9] =	ssyncset.done @!p0 $0x0  }
0x3e: {  	s13 =	simm.s32 @!p0 $0x6;
	[sflag:s9] =	ssyncadd.s32 @!p0 $0xFFFFFFB0;
	s9 =	simm.s32 @!p0 $0x50  }
0x3f: {  	[spmem:s3] =	stream.indirect.scatter.add.f32 @!p0 [tilespmem:s12], [sflag:$0x6], $0x1, s11, s9, $0xb8;
	[tilespmem:$0x580] =	vst v63  }
0x40: {  	_ =	swait.ge @!p0 [sflag:s13], $0x50  }
0x41: {  	[sflag:s13] =	ssyncset.done @!p0 $0x0  }
0x42: {  	s14 =	sadd.s32 @!p0 s2, s18;
	[sflag:s13] =	ssyncadd.s32 @!p0 $0xFFFFFFB0  }
0x43: {  	[tilespmem:s11], [sflag:$0x2] =	stream.linear.gather @!p0 [hbm4b:s14+s10], $0x50, $0x38;
	[tilespmem:$0x580] =	vst v63  }
0x44: {  	_ =	swait.ge [sflag:s30], $0x50  }
0x45: {  	[sflag:s30] =	ssyncset.done $0x0  }
0x46: {  	[sflag:s30] =	ssyncadd.s32 $0xFFFFFFB0  }
0x47: {  	[spmem:s3] =	stream.indirect.scatter.add.f32 [tilespmem:s22], [sflag:$0x6], $0x1, s24, s29, $0xb8;
	[tilespmem:$0x580] =	vst v63  }
0x48: {  	_ =	swait.ge [sflag:s21], $0x50  }
0x49: {  	[sflag:s21] =	ssyncset.done $0x0  }
0x4a: {  	s11 =	simm.s32 @p0 $0x4;
	[sflag:s21] =	ssyncadd.s32 $0xFFFFFFB0  }
0x4b: {  	_ =	swait.ge @p0 [sflag:s11], $0x50  }
0x4c: {  	[sflag:s11] =	ssyncset.done @p0 $0x0  }
0x4d: {  	[sflag:s11] =	ssyncadd.s32 @p0 $0xFFFFFFB0;
	s11 =	simm.s32 @p0 $0x180  }
0x4e: {  	[spmem:s3] =	stream.indirect.scatter.add.f32 @p0 [tilespmem:s6], [sflag:$0x6], $0x1, s11, s23, $0xb8;
	[tilespmem:$0x580] =	vst v63  }
0x4f: {  	_ =	swait.ge @p0 [sflag:s25], $0x50  }
0x50: {  	[sflag:s25] =	ssyncset.done @p0 $0x0  }
0x51: {  	s6 =	sadd.s32 @!p0 s2, s17;
	s11 =	simm.s32 @!p0 $0x100;
	[sflag:s25] =	ssyncadd.s32 @p0 $0xFFFFFFB0  }
0x52: {  	[tilespmem:s11], [sflag:$0x3] =	stream.linear.gather @!p0 [hbm4b:s6+s10], $0x50, $0x38;
	[tilespmem:$0x580] =	vst v63  }
0x53: {  	s6 =	simm.s32 @!p0 $0x4  }
0x54: {  	_ =	swait.ge @!p0 [sflag:s6], $0x50  }
0x55: {  	[sflag:s6] =	ssyncset.done @!p0 $0x0  }
0x56: {  	[sflag:s6] =	ssyncadd.s32 @!p0 $0xFFFFFFB0;
	s6 =	simm.s32 @!p0 $0x180  }
0x57: {  	[spmem:s3] =	stream.indirect.scatter.add.f32 @!p0 [tilespmem:s12], [sflag:$0x6], $0x1, s6, s9, $0xb8;
	[tilespmem:$0x580] =	vst v63  }
0x58: {  	_ =	swait.ge @!p0 [sflag:s13], $0x50  }
0x59: {  	[sflag:s13] =	ssyncset.done @!p0 $0x0  }
0x5a: {  	s9 =	sadd.s32 @!p0 s2, s16;
	[sflag:s13] =	ssyncadd.s32 @!p0 $0xFFFFFFB0  }
0x5b: {  	[tilespmem:s6], [sflag:$0x4] =	stream.linear.gather @!p0 [hbm4b:s9+s10], $0x50, $0x38;
	[tilespmem:$0x580] =	vst v63  }
0x5c: {  	s6 =	sadd.s32 @!p0 s2, s15;
	s2 =	sadd.s32 @!p0 $0x32, s2;
	_ =	swait.ge [sflag:s31], $0x50  }
0x5d: {  	p1 =	sne.s32 @!p0 s2, $0x4E2;
	[sflag:s31] =	ssyncset.done $0x0  }
0x5e: {  	p1 =	por p0, !p1;
	[sflag:s31] =	ssyncadd.s32 $0xFFFFFFB0  }
0x5f: {  	[spmem:s3] =	stream.indirect.scatter.add.f32 [tilespmem:s22], [sflag:$0x6], $0x1, s26, s29, $0xb8;
	[tilespmem:$0x580] =	vst v63  }
.Ltmp0:
0x60: {  	_ = 	snop;
	(pc) =	sbr.rel @!p1 .LBB2_2-.Ltmp0, $4  }
0x61: {  	_ =	swait.ge [sflag:s21], $0x50  }
0x62: {  	[sflag:s21] =	ssyncset.done $0x0  }
0x63: {  	s19 =	sadd.s32 @!p0 $0x190, s19;
	s9 =	simm.s32 @!p0 $0x200;
	[sflag:s21] =	ssyncadd.s32 $0xFFFFFFB0  }
0x64: {  	[tilespmem:s9], [sflag:$0x5] =	stream.linear.gather @!p0 [hbm4b:s6+s10], $0x50, $0x38;
	[tilespmem:$0x580] =	vst v63  }
0x65: {  	[bflag:$0x0] =	sbarrier.arrive $0xFFFF  }
0x66: {  	s2 =	rddreg [dreg:$0x9]  }
0x67: {  	[hbm:s2], [sflag:s8] =	dma.local [spmem:s20], $0x50  }
0x68: {  	_ =	swait.ge [sflag:s21], $0x50  }
0x69: {  	s0 =	sadd.s32 $0x1, s0;
	s25 =	rddreg [dreg:$0xa]  }
0x6a: {  	p0 =	sne.s32 s0, s25  }
.Ltmp1:
0x6b: {  	_ = 	snop;
	(pc) =	sbr.rel @p0 .LBB2_1-.Ltmp1, $3  }
0x6c: {  	_ =	sdelay $0x1  }
0x6d: {  	[sflag:s21] =	ssyncset.done $0x0  }
0x6e: {  	[sflag:s21] =	ssyncadd.s32 $0xFFFFFFB0  }
0x6f: {  	_ =	sfence.sel $0x180000  }
0x70: {  	[bflag:$0x0] =	sbarrier.arrive $0xFFFF  }
0x71: {  	_ =	strace $0x90000047  }
0x72: {  	s0 =	stileid.u32;
	[bflag:$0x2] =	sbarrier.arrive $0xFFFF  }
0x73: {  	p0 =	sne.s32 s0, $0x0;
	s0 =	rddreg [dreg:$0x3]  }
0x74: {  	s0 =	sadd.s32 @!p0 $0x100000, s0  }
0x75: {  	[sflag:s0] =	ssyncadd.tile.s32 @!p0 $0x1;
	_ =	shalt  }
.Lfunc_end2:
_tile_overlayer_lowered:
.L_overlay_start_2:
0x76: {  	(tag) =	ssettag $0x2  }
0x77: {  	s0 =	rddreg [dreg:$0x0];
	s2 =	stileid.u32  }
0x78: {  	s1 =	rddreg [dreg:$0x1];
	p0 =	sne.s32 s2, $0x0  }
0x79: {  	s3 =	rddreg [dreg:$0x2];
	[bflag:$0x3] =	sbarrier.arrive $0xFFFF;
	s2 =	simm.s32 @!p0 $0x1C06  }
0x7a: {  	[timem:s3], [sflag:s2] =	dma.local @!p0 [hbm:s0], s1  }
0x7b: {  	s0 =	simm.s32 @!p0 $0x6  }
0x7c: {  	_ =	swait.ge @!p0 [sflag:s0], s1  }
0x7d: {  	s1 =	ssub.s32 @!p0 $0x0, s1;
	[sflag:s0] =	ssyncset.done @!p0 $0x0  }
0x7e: {  	[sflag:s0] =	ssyncadd.s32 @!p0 s1  }
0x7f: {  	[bflag:$0x3] =	sbarrier.arrive $0xFFFF  }
0x80: {  	_ =	shalt  }

// kernel: kernel.17.cloned.1.call-start
scs
__scs_entry_jumppad:
0x0: {  	(pc) =	sbr.rel $0x88, $3  }
0x1: {  	(tag) =	ssettag $0x0;
	lr =	simm.s32 $0x1  }
0x2: {  	[smem:$0x3F96] =	sst lr;
	_ =	strace $0xD0000000  }
0x3: {  	_ = 	snop  }
0x4: {  	_ = 	snop  }
0x5: {  	_ = 	snop  }
0x6: {  	_ = 	snop  }
0x7: {  	_ = 	snop  }
__scs_overlays_trampoline_lowered:
0x8: {  	[smem:$0x3FA5] =	sst s0  }
0x9: {  	[smem:$0x3FA6] =	sst s1  }
0xa: {  	[smem:$0x3FA7] =	sst s2  }
0xb: {  	[smem:$0x3FA8] =	sst s3  }
0xc: {  	[smem:$0x3FA9] =	sst s4  }
0xd: {  	[smem:$0x3FAA] =	sst s5  }
0xe: {  	[smem:$0x3FAB] =	sst s6  }
0xf: {  	[smem:$0x3FAC] =	sst s7  }
0x10: {  	[smem:$0x3FAD] =	sst s8  }
0x11: {  	[smem:$0x3FAE] =	sst s9;
	s0 =	simm.s32 @!p0 $0x0  }
0x12: {  	s1 =	sld [smem:$0x3F94];
	s0 =	simm.s32 @p0 $0x1  }
0x13: {  	[smem:$0x3FAF] =	sst s0;
	s0 =	simm.s32 @!p1 $0x0  }
0x14: {  	s2 =	sld [smem:$0x3F93];
	s0 =	simm.s32 @p1 $0x1  }
0x15: {  	[smem:$0x3FB0] =	sst s0;
	s0 =	simm.s32 @!p2 $0x0  }
0x16: {  	s3 =	sld [smem:$0x3FDB];
	s0 =	simm.s32 @p2 $0x1  }
0x17: {  	s4 =	simm.s32 $0x1BF5;
	[smem:$0x3FB2] =	sst s0  }
0x18: {  	s0 =	sld [smem:$0x3F95];
	_ =	swait.ge [sflag:s4], $0x0  }
0x19: {  	s7 =	sld [smem:$0x3F96]  }
0x1a: {  	s8 =	sadd.s32 $0xFFFFE003, lr  }
0x1b: {  	s9 =	sadd.s32 $0xFFFFFEF7, lr;
	s5 =	simm.s32 $0xFFFFFFFF;
	p2 =	slt.u32 s8, $0xFFFFF086  }
0x1c: {  	p1 =	slt.u32 s9, $0xF7A;
	s5 =	simm.s32 @!p2 $0x0  }
0x1d: {  	s5 =	simm.s32 @p1 $0x1;
	p0 =	seq.s32 s7, s2  }
0x1e: {  	s7 =	smul.u32 @!p0 $0xF7A, s2;
	p2 =	seq.s32 @!p0 s5, $0x0  }
0x1f: {  	s9 =	smul.u32 $0xF7A, s1;
	s8 =	simm.s32 @!p0 $0x1BF5;
	p2 =	por !p2, p0  }
0x20: {  	[sflag:s8] =	ssyncset.s32 @!p0 $0xFFFFF086;
	s6 =	sadd.s32 @!p0 s3, s7;
	s7 =	simm.s32 @!p0 $0x108  }
0x21: {  	s3 =	sadd.s32 s3, s9;
	s6 =	sadd.s32 @!p0 $0x88, s6;
	s7 =	simm.s32 @p2 $0x1082  }
0x22: {  	[simem:s7], [sflag:s8] =	dma.local @!p0 [hbm:s6], $0xF7A  }
0x23: {  	s9 =	sor.u32 $0xD0000000, s2;
	s6 =	simm.s32 $0x108;
	_ =	swait.ge @!p0 [sflag:s8], $0x0  }
0x24: {  	s3 =	sadd.s32 $0x88, s3;
	s6 =	simm.s32 @!p1 $0x1082;
	[sflag:s4] =	ssyncset.s32 $0xFFFFF086  }
0x25: {  	[simem:s6], [sflag:s4] =	dma.local [hbm:s3], $0xF7A  }
0x26: {  	[smem:$0x3F96] =	sst s1;
	(tag) =	ssettag s2;
	_ =	strace s9  }
0x27: {  	s1 =	sld [smem:$0x3FA6]  }
0x28: {  	s2 =	sld [smem:$0x3FA7]  }
0x29: {  	s4 =	sld [smem:$0x3FA9]  }
0x2a: {  	p0 =	seq.s32 s5, $0x0;
	s5 =	sld [smem:$0x3FAA]  }
0x2b: {  	s6 =	sld [smem:$0x3FAB]  }
0x2c: {  	s7 =	sld [smem:$0x3FAC]  }
0x2d: {  	s3 =	simm.s32 $0x108;
	s8 =	sld [smem:$0x3FAD]  }
0x2e: {  	s3 =	simm.s32 @!p0 $0x1082;
	s9 =	sld [smem:$0x3FAE]  }
0x2f: {  	lr =	sadd.s32 s0, s3;
	s0 =	sld [smem:$0x3FA5]  }
0x30: {  	s3 =	sld [smem:$0x3FA8]  }
0x31: {  	[smem:$0x3FB1] =	sst s10  }
0x32: {  	s10 =	sld [smem:$0x3FAF];
	_ =	sdelay $0x3  }
0x33: {  	p0 =	seq.s32 s10, $0x1;
	s10 =	sld [smem:$0x3FB1];
	_ =	sdelay $0x3  }
0x34: {  	[smem:$0x3FB1] =	sst s10  }
0x35: {  	s10 =	sld [smem:$0x3FB0];
	_ =	sdelay $0x3  }
0x36: {  	p1 =	seq.s32 s10, $0x1;
	s10 =	sld [smem:$0x3FB1];
	_ =	sdelay $0x3  }
0x37: {  	[smem:$0x3FB1] =	sst s10  }
0x38: {  	s10 =	sld [smem:$0x3FB2]  }
0x39: {  	_ = 	snop;
	(pc) =	sbr.ind lr, $3  }
0x3a: {  	_ = 	snop  }
0x3b: {  	_ = 	snop  }
0x3c: {  	p2 =	seq.s32 s10, $0x1;
	s10 =	sld [smem:$0x3FB1]  }
0x3d: {  	_ =	shalt  }
0x3e: {  	_ =	shalt  }
0x3f: {  	_ =	shalt  }
0x40: {  	_ =	shalt  }
0x41: {  	_ =	shalt  }
0x42: {  	_ =	shalt  }
0x43: {  	_ =	shalt  }
0x44: {  	_ =	shalt  }
0x45: {  	_ =	shalt  }
0x46: {  	_ =	shalt  }
0x47: {  	_ =	shalt  }
0x48: {  	_ =	shalt  }
0x49: {  	_ =	shalt  }
0x4a: {  	_ =	shalt  }
0x4b: {  	_ =	shalt  }
0x4c: {  	_ =	shalt  }
0x4d: {  	_ =	shalt  }
0x4e: {  	_ =	shalt  }
0x4f: {  	_ =	shalt  }
0x50: {  	_ =	shalt  }
0x51: {  	_ =	shalt  }
0x52: {  	_ =	shalt  }
0x53: {  	_ =	shalt  }
0x54: {  	_ =	shalt  }
0x55: {  	_ =	shalt  }
0x56: {  	_ =	shalt  }
0x57: {  	_ =	shalt  }
0x58: {  	_ =	shalt  }
0x59: {  	_ =	shalt  }
0x5a: {  	_ =	shalt  }
0x5b: {  	_ =	shalt  }
0x5c: {  	_ =	shalt  }
0x5d: {  	_ =	shalt  }
0x5e: {  	_ =	shalt  }
0x5f: {  	_ =	shalt  }
0x60: {  	_ =	shalt  }
0x61: {  	_ =	shalt  }
0x62: {  	_ =	shalt  }
0x63: {  	_ =	shalt  }
0x64: {  	_ =	shalt  }
0x65: {  	_ =	shalt  }
0x66: {  	_ =	shalt  }
0x67: {  	_ =	shalt  }
0x68: {  	_ =	shalt  }
0x69: {  	_ =	shalt  }
0x6a: {  	_ =	shalt  }
0x6b: {  	_ =	shalt  }
0x6c: {  	_ =	shalt  }
0x6d: {  	_ =	shalt  }
0x6e: {  	_ =	shalt  }
0x6f: {  	_ =	shalt  }
0x70: {  	_ =	shalt  }
0x71: {  	_ =	shalt  }
0x72: {  	_ =	shalt  }
0x73: {  	_ =	shalt  }
0x74: {  	_ =	shalt  }
0x75: {  	_ =	shalt  }
0x76: {  	_ =	shalt  }
0x77: {  	_ =	shalt  }
0x78: {  	_ =	shalt  }
0x79: {  	_ =	shalt  }
0x7a: {  	_ =	shalt  }
0x7b: {  	_ =	shalt  }
0x7c: {  	_ =	shalt  }
0x7d: {  	_ =	shalt  }
0x7e: {  	_ =	shalt  }
0x7f: {  	_ =	shalt  }
0x80: {  	_ =	shalt  }
0x81: {  	_ =	shalt  }
0x82: {  	_ =	shalt  }
0x83: {  	_ =	shalt  }
0x84: {  	_ =	shalt  }
0x85: {  	_ =	shalt  }
0x86: {  	_ =	shalt  }
0x87: {  	_ =	shalt  }
.Lfunc_end0:
.L_simem_size_0:
called_computation.1_lowered:
.L_overlay_start_0:
0x88: {  	s2 =	sld [smem:$0x3FD9]  }
0x89: {  	s3 =	sld [smem:$0x3FFE];
	_ =	sdelay $0x1  }
0x8a: {  	s1 =	srdreg.scid  }
0x8b: {  	s0 =	sand.u32 $0x1, s1  }
0x8c: {  	s16 =	sshll.u32 s0, $0xA;
	s2 =	sadd.s32 s3, s2  }
0x8d: {  	s2 =	sadd.s32 s2, s16  }
0x8e: {  	[smem:$0x3FBD] =	sst s2  }
0x8f: {  	_ = 	snop  }
0x90: {  	(tm) =	ssettm $0x1  }
0x91: {  	s17 =	sld [smem:$0x3FFB];
	_ =	sdelay $0x3  }
0x92: {  	_ =	strace s17  }
0x93: {  	s2 =	sld [smem:$0x3FFC];
	_ =	sdelay $0x3  }
0x94: {  	_ =	strace s2  }
0x95: {  	s2 =	sld [smem:$0x3FFD];
	_ =	sdelay $0x3  }
0x96: {  	_ =	strace s2  }
0x97: {  	_ =	strace $0x8FFFFFFF  }
0x98: {  	s18 =	sld [smem:$0x3FDB];
	_ =	sdelay $0x1  }
0x99: {  	s19 =	simm.s32 $_scs_section_size  }
0x9a: {  	s4 =	simm.s32 $_size__tile_overlayer_lowered;
	s5 =	simm.s32 $_tile_overlayer_lowered  }
0x9b: {  	s22 =	simm.s32 $0x1BFF;
	s21 =	sshll.u32 s5, $0x1;
	s2 =	sadd.s32 s19, s18  }
0x9c: {  	s6 =	simm.s32 $0x0;
	s20 =	sshll.u32 s4, $0x1;
	s4 =	sadd.s32 s21, s2  }
0x9d: {  	[timem:s6], [sflag:s22] =	dma.local [hbm:s4], s20  }
0x9e: {  	_ =	swait.ge [sflag:s22], s20  }
0x9f: {  	s3 =	ssub.s32 $0x0, s20;
	[sflag:s22] =	ssyncset.done $0x0  }
0xa0: {  	[sflag:s22] =	ssyncadd.s32 s3;
	_ =	sdelay $0x1  }
0xa1: {  	s23 =	simm.s32 $0x1B8B  }
0xa2: {  	_ =	swait.ge [sflag:s23], $0x1  }
0xa3: {  	[sflag:s23] =	ssyncset.done $0x0  }
0xa4: {  	s25 =	simm.s32 $0x1B8E;
	s24 =	sld [smem:$0x3FFE];
	[sflag:s23] =	ssyncadd.s32 $0xFFFFFFFF  }
0xa5: {  	s26 =	simm.s32 $execute0_lowered;
	[smem:$0x3FD2] =	sst s25  }
0xa6: {  	s4 =	sshll.u32 s26, $0x1;
	_ =	strace $0x80000049;
	[dreg:$0x1] =	wrdreg $0xFFFFFFFF  }
0xa7: {  	s28 =	simm.s32 $_size_execute0_lowered;
	s2 =	sadd.s32 s2, s4;
	[dreg:$0x0] =	wrdreg $0x0  }
0xa8: {  	s4 =	sshll.u32 s28, $0x1;
	[dreg:$0x2] =	wrdreg s2  }
0xa9: {  	[dreg:$0x3] =	wrdreg s4  }
0xaa: {  	[dreg:$0x4] =	wrdreg $0xC0  }
0xab: {  	_ =	task [dreg:s6], $0x5FFFF  }
0xac: {  	[dreg:$0x1] =	wrdreg $0xFFFFFFFF  }
0xad: {  	[dreg:$0x0] =	wrdreg $0x60  }
0xae: {  	[dreg:$0x2] =	wrdreg s24  }
0xaf: {  	[dreg:$0x3] =	wrdreg $0x8E000  }
0xb0: {  	[dreg:$0x4] =	wrdreg $0x9  }
0xb1: {  	_ =	task.clear_ibuf [dreg:s6], $0x5FFFF;
	_ =	strace $0x90000049  }
0xb2: {  	s29 =	simm.s32 $0x9;
	_ =	strace $0x8000004B  }
0xb3: {  	_ =	swait.ge [sflag:s29], $0x1  }
0xb4: {  	[sflag:s29] =	ssyncadd.s32 $0xFFFFFFFF  }
0xb5: {  	_ =	strace $0x9000004B  }
0xb6: {  	_ =	sfence  }
0xb7: {  	s30 =	sld [smem:$0x0];
	_ =	sdelay $0x2  }
0xb8: {  	s31 =	sshll.u32 s1, $0xD;
	s1 =	sshrl.u32 s1, $0x2  }
0xb9: {  	s3 =	sand.u32 $0x4000, s31;
	s1 =	sadd.s32 s1, s30  }
0xba: {  	s0 =	sor.u32 s3, s0;
	s1 =	sshll.u32 s1, $0x11  }
0xbb: {  	s0 =	sor.u32 s1, s0  }
0xbc: {  	s0 =	sadd.s32 $0x8F2B, s0  }
0xbd: {  	[sflag:s0] =	ssyncadd.remote.s32 $0x1  }
0xbe: {  	_ =	sfence.sel $0xFFFF  }
0xbf: {  	[dreg:$0x0] =	wrdreg $0xFFFFFFFF;
	(pc) =	sbr.abs _section_cstart, $3  }
0xc0: {  	[dreg:$0x1] =	wrdreg $0xFFFFFFFF  }
0xc1: {  	_ =	task.clear_ibuf [dreg:s6], $0x2FFFF;
	_ =	strace $0x9FFFFFFF  }
0xc2: {  	(tm) =	ssettm $0x7FFFFFFF  }
0xc3: {  	_ =	shalt  }
tec
execute0_lowered:
.L_overlay_start_1:
0x0: {  	(tag) =	ssettag $0x1  }
0x1: {  	s0 =	srdreg.scid  }
0x2: {  	s1 =	rddreg [dreg:$0x0];
	s12 =	stileid.u32  }
0x3: {  	s2 =	rddreg [dreg:$0x1];
	s30 =	simm.s32 $0x100;
	s29 =	simm.s32 $0x200  }
0x4: {  	s28 =	simm.s32 $0x1;
	s31 =	simm.s32 $0x8;
	s7 =	smul.u32 $0x2800, s12  }
0x5: {  	s0 =	sand.u32 $0x1, s0;
	s5 =	sadd.s32 $0x17C00, s1;
	s11 =	smul.u32 $0x50000, s12  }
0x6: {  	s13 =	sadd.s32 $0x3FC00, s1;
	s26 =	sshll.u32 s12, $0x6;
	s9 =	smul.u32 $0x28000, s0  }
0x7: {  	s3 =	sshll.u32 s0, $0x4;
	s23 =	ssub.s32 $0x2, s0;
	s0 =	smul.u32 $0x27100, s0  }
0x8: {  	s4 =	sor.u32 s12, s3;
	s3 =	simm.s32 $0x0;
	s12 =	smul.u32 $0x2710, s12  }
0x9: {  	s24 =	sshrl.u32 s23, $0x1;
	s25 =	sshrl.u32 s11, $0x2;
	s6 =	smul.u32 $0x2710, s4  }
0xa: {  	[smem:$0x7FF] =	sst s3;
	s4 =	sadd.s32 $0x4000, s1;
	s7 =	sadd.s32 s7, s9  }
0xb: {  	s9 =	ssub.s32 s23, s24;
	s14 =	sadd.s32 s25, s2;
	_ =	strace $0x8000004A  }
0xc: {  	[dreg:$0x3] =	wrdreg s13;
	s13 =	sor.u32 $0x1C0B, s26;
	s0 =	sadd.s32 s12, s0  }
0xd: {  	s20 =	smax.u32 s9, $0x1;
	s9 =	sshrl.u32 s14, $0x3;
	s8 =	sshrl.u32 s6, $0x3  }
0xe: {  	s11 =	sadd.s32 $0x28, s6;
	s6 =	sadd.s32 $0x78, s6;
	s18 =	sadd.s32 $0x168, s0  }
0xf: {  	[dreg:$0xc] =	wrdreg s20;
	s21 =	sadd.s32 $0x140, s0;
	s22 =	sadd.s32 $0x118, s0  }
0x10: {  	s23 =	sadd.s32 $0xF0, s0;
	s0 =	sadd.s32 $0xC8, s0;
	[dreg:$0x4] =	wrdreg s13  }
0x11: {  	[dreg:$0x12] =	wrdreg s9;
	s10 =	sadd.s32 s8, s1;
	s1 =	sadd.s32 s7, s1  }
0x12: {  	s15 =	sadd.s32 s4, s8;
	s16 =	sshrl.u32 s11, $0x3;
	[dreg:$0x11] =	wrdreg s0  }
0x13: {  	s6 =	sshrl.u32 s6, $0x3;
	s10 =	sadd.s32 $0xDE00, s10;
	[dreg:$0x6] =	wrdreg s15  }
0x14: {  	s19 =	sshrl.u32 s18, $0x3;
	s8 =	sadd.s32 s4, s16;
	[dreg:$0x5] =	wrdreg s10  }
0x15: {  	s24 =	sshrl.u32 s22, $0x3;
	s17 =	sadd.s32 $0xA, s15;
	[dreg:$0x7] =	wrdreg s8  }
0x16: {  	s25 =	sshrl.u32 s23, $0x3;
	s6 =	sadd.s32 s4, s6;
	[dreg:$0x8] =	wrdreg s17  }
0x17: {  	s22 =	simm.s32 $0xB;
	s7 =	sadd.s32 $0x14, s15;
	[dreg:$0x9] =	wrdreg s6  }
0x18: {  	s0 =	simm.s32 $0x5280;
	s1 =	sadd.s32 $0x42400, s1;
	[dreg:$0xa] =	wrdreg s7  }
0x19: {  	s11 =	simm.s32 $0x0;
	s26 =	sadd.s32 s25, s4;
	[dreg:$0xb] =	wrdreg s1  }
0x1a: {  	s25 =	simm.s32 $0x280;
	s1 =	sadd.s32 s19, s4;
	[dreg:$0x10] =	wrdreg s26  }
0x1b: {  	s26 =	simm.s32 $0x6;
	[dreg:$0xd] =	wrdreg s1;
	s1 =	sshrl.u32 s21, $0x3  }
0x1c: {  	s6 =	simm.s32 $0x3;
	s8 =	simm.s32 $0xA;
	s1 =	sadd.s32 s1, s4  }
0x1d: {  	s10 =	simm.s32 $0x5;
	[dreg:$0xe] =	wrdreg s1;
	s1 =	sadd.s32 s24, s4  }
0x1e: {  	s24 =	simm.s32 $0x28;
	[dreg:$0xf] =	wrdreg s1;
	s1 =	simm.s32 $0x2A80  }
.LBB2_1:
0x1f: {  	[dreg:$0x13] =	wrdreg s11  }
0x20: {  	s7 =	rddreg [dreg:$0x3]  }
0x21: {  	[spmem:s9], [sflag:s13] =	dma.local [hbm:s7], $0x2800  }
0x22: {  	_ =	swait.ge [sflag:s22], $0x2800  }
0x23: {  	[sflag:s22] =	ssyncset.done $0x0  }
0x24: {  	s21 =	simm.s32 $0x6680;
	s20 =	rddreg [dreg:$0x5];
	[sflag:s22] =	ssyncadd.s32 $0xFFFFD800  }
0x25: {  	[tilespmem:s21], [sflag:$0xB] =	stream.linear.gather [hbm4b:s20+s3], $0x2710, $0x38;
	[tilespmem:$0x1CE00] =	vst v63  }
0x26: {  	_ =	swait.ge [sflag:s22], $0x2710  }
0x27: {  	[sflag:s22] =	ssyncset.done $0x0  }
0x28: {  	[sflag:s22] =	ssyncadd.s32 $0xFFFFD8F0  }
0x29: {  	[bflag:$0x0] =	sbarrier.arrive $0xFFFF  }
0x2a: {  	s23 =	rddreg [dreg:$0x6]  }
0x2b: {  	[tilespmem:s3], [sflag:$0x6] =	stream.linear.gather [hbm4b:s23+s3], $0x28, $0x38;
	[tilespmem:$0x1CE00] =	vst v63  }
0x2c: {  	_ = 	snop  }
0x2d: {  	[tilespmem:s25], [sflag:$0x1] =	stream.indirect.gather [hbm4b:s5+s24], $0x80, s21, s24, $0xb8;
	[tilespmem:$0x1CE00] =	vst v63  }
0x2e: {  	s12 =	simm.s32 $0x80;
	s11 =	rddreg [dreg:$0x7]  }
0x2f: {  	[tilespmem:s12], [sflag:$0x7] =	stream.linear.gather [hbm4b:s11+s3], $0x28, $0x38;
	[tilespmem:$0x1CE00] =	vst v63  }
0x30: {  	s14 =	simm.s32 $0x1680;
	s13 =	simm.s32 $0x66A8;
	s15 =	rddreg [dreg:$0x8]  }
0x31: {  	[tilespmem:s14], [sflag:$0x2] =	stream.indirect.gather [hbm4b:s5+s24], $0x80, s13, s24, $0xb8;
	[tilespmem:$0x1CE00] =	vst v63  }
0x32: {  	s17 =	rddreg [dreg:$0x9]  }
0x33: {  	[tilespmem:s30], [sflag:$0x8] =	stream.linear.gather [hbm4b:s15+s3], $0x28, $0x38;
	[tilespmem:$0x1CE00] =	vst v63  }
0x34: {  	s16 =	simm.s32 $0x66D0;
	s21 =	rddreg [dreg:$0xa]  }
0x35: {  	[tilespmem:s1], [sflag:$0x3] =	stream.indirect.gather [hbm4b:s5+s24], $0x80, s16, s24, $0xb8;
	[tilespmem:$0x1CE00] =	vst v63  }
0x36: {  	s18 =	simm.s32 $0x180;
	s16 =	rddreg [dreg:$0xd]  }
0x37: {  	[tilespmem:s18], [sflag:$0x9] =	stream.linear.gather [hbm4b:s17+s3], $0x28, $0x38;
	[tilespmem:$0x1CE00] =	vst v63  }
0x38: {  	s18 =	rddreg [dreg:$0xf]  }
0x39: {  	s19 =	simm.s32 $0x66F8;
	s20 =	simm.s32 $0x3E80;
	s17 =	rddreg [dreg:$0xe]  }
0x3a: {  	[tilespmem:s20], [sflag:$0x4] =	stream.indirect.gather [hbm4b:s5+s24], $0x80, s19, s24, $0xb8;
	[tilespmem:$0x1CE00] =	vst v63  }
0x3b: {  	s20 =	rddreg [dreg:$0x11]  }
0x3c: {  	[tilespmem:s29], [sflag:$0xA] =	stream.linear.gather [hbm4b:s21+s3], $0x28, $0x38;
	[tilespmem:$0x1CE00] =	vst v63  }
0x3d: {  	s9 =	simm.s32 $0x0;
	s23 =	simm.s32 $0x6720;
	s19 =	rddreg [dreg:$0x10]  }
0x3e: {  	[tilespmem:s0], [sflag:$0x5] =	stream.indirect.gather [hbm4b:s5+s24], $0x80, s23, s24, $0xb8;
	[tilespmem:$0x1CE00] =	vst v63  }
.LBB2_2:
0x3f: {  	_ =	swait.ge [sflag:s26], $0x28  }
0x40: {  	[sflag:s26] =	ssyncset.done $0x0  }
0x41: {  	[sflag:s26] =	ssyncadd.s32 $0xFFFFFFD8  }
0x42: {  	_ =	swait.ge [sflag:s28], $0x1400  }
0x43: {  	[sflag:s28] =	ssyncset.done $0x0  }
0x44: {  	[sflag:s28] =	ssyncadd.s32 $0xFFFFEC00  }
0x45: {  	[spmem:s2] =	stream.indirect.scatter.add.f32 [tilespmem:s25], [sflag:$0xB], $0x80, s3, s24, $0xb8;
	[tilespmem:$0x1CE00] =	vst v63  }
0x46: {  	_ =	swait.ge [sflag:s22], $0x1400  }
0x47: {  	p0 =	seq.s32 s9, $0x9920;
	[sflag:s22] =	ssyncset.done $0x0  }
0x48: {  	s14 =	simm.s32 @p0 $0x7;
	[sflag:s22] =	ssyncadd.s32 $0xFFFFEC00  }
0x49: {  	_ =	swait.ge @p0 [sflag:s14], $0x28  }
0x4a: {  	[sflag:s14] =	ssyncset.done @p0 $0x0  }
0x4b: {  	[sflag:s14] =	ssyncadd.s32 @p0 $0xFFFFFFD8;
	s14 =	simm.s32 @p0 $0x2  }
0x4c: {  	_ =	swait.ge @p0 [sflag:s14], $0x1400  }
0x4d: {  	s13 =	simm.s32 @p0 $0x28;
	s15 =	simm.s32 @p0 $0x1680;
	[sflag:s14] =	ssyncset.done @p0 $0x0  }
0x4e: {  	s12 =	simm.s32 @p0 $0xB;
	[sflag:s14] =	ssyncadd.s32 @p0 $0xFFFFEC00;
	s14 =	simm.s32 @p0 $0x80  }
0x4f: {  	[spmem:s2] =	stream.indirect.scatter.add.f32 @p0 [tilespmem:s15], [sflag:$0xB], $0x80, s14, s13, $0xb8;
	[tilespmem:$0x1CE00] =	vst v63  }
0x50: {  	_ =	swait.ge @p0 [sflag:s12], $0x1400  }
0x51: {  	s23 =	sshra.s32 @!p0 s9, $0x2;
	s14 =	sshrl.u32 @!p0 s20, $0x3;
	[sflag:s12] =	ssyncset.done @p0 $0x0  }
0x52: {  	s15 =	simm.s32 @!p0 $0x0;
	s14 =	sadd.s32 @!p0 s4, s14;
	[sflag:s12] =	ssyncadd.s32 @p0 $0xFFFFEC00  }
0x53: {  	[tilespmem:s15], [sflag:$0x6] =	stream.linear.gather @!p0 [hbm4b:s14+s15], $0x28, $0x38;
	[tilespmem:$0x1CE00] =	vst v63  }
0x54: {  	s21 =	simm.s32 @!p0 $0x280;
	s7 =	sadd.s32 @!p0 $0x6748, s23;
	s14 =	simm.s32 @!p0 $0x28  }
0x55: {  	[tilespmem:s21], [sflag:$0x1] =	stream.indirect.gather @!p0 [hbm4b:s5+s14], $0x80, s7, s14, $0xb8;
	[tilespmem:$0x1CE00] =	vst v63  }
0x56: {  	s7 =	simm.s32 @!p0 $0x7  }
0x57: {  	_ =	swait.ge @!p0 [sflag:s7], $0x28  }
0x58: {  	[sflag:s7] =	ssyncset.done @!p0 $0x0  }
0x59: {  	[sflag:s7] =	ssyncadd.s32 @!p0 $0xFFFFFFD8;
	s7 =	simm.s32 @!p0 $0x2  }
0x5a: {  	_ =	swait.ge @!p0 [sflag:s7], $0x1400  }
0x5b: {  	s11 =	simm.s32 @!p0 $0xB;
	[sflag:s7] =	ssyncset.done @!p0 $0x0  }
0x5c: {  	s21 =	simm.s32 @!p0 $0x1680;
	[sflag:s7] =	ssyncadd.s32 @!p0 $0xFFFFEC00;
	s7 =	simm.s32 @!p0 $0x80  }
0x5d: {  	[spmem:s2] =	stream.indirect.scatter.add.f32 @!p0 [tilespmem:s21], [sflag:$0xB], $0x80, s7, s14, $0xb8;
	[tilespmem:$0x1CE00] =	vst v63  }
0x5e: {  	_ =	swait.ge @!p0 [sflag:s11], $0x1400  }
0x5f: {  	[sflag:s11] =	ssyncset.done @!p0 $0x0  }
0x60: {  	[sflag:s11] =	ssyncadd.s32 @!p0 $0xFFFFEC00  }
0x61: {  	[tilespmem:s7], [sflag:$0x7] =	stream.linear.gather @!p0 [hbm4b:s19+s15], $0x28, $0x38;
	[tilespmem:$0x1CE00] =	vst v63  }
0x62: {  	s7 =	sadd.s32 @!p0 $0x6770, s23  }
0x63: {  	[tilespmem:s21], [sflag:$0x2] =	stream.indirect.gather @!p0 [hbm4b:s5+s14], $0x80, s7, s14, $0xb8;
	[tilespmem:$0x1CE00] =	vst v63  }
0x64: {  	_ =	swait.ge [sflag:s31], $0x28  }
0x65: {  	[sflag:s31] =	ssyncset.done $0x0  }
0x66: {  	[sflag:s31] =	ssyncadd.s32 $0xFFFFFFD8  }
0x67: {  	_ =	swait.ge [sflag:s6], $0x1400  }
0x68: {  	[sflag:s6] =	ssyncset.done $0x0  }
0x69: {  	[sflag:s6] =	ssyncadd.s32 $0xFFFFEC00  }
0x6a: {  	[spmem:s2] =	stream.indirect.scatter.add.f32 [tilespmem:s1], [sflag:$0xB], $0x80, s30, s24, $0xb8;
	[tilespmem:$0x1CE00] =	vst v63  }
0x6b: {  	_ =	swait.ge [sflag:s22], $0x1400  }
0x6c: {  	[sflag:s22] =	ssyncset.done $0x0  }
0x6d: {  	s7 =	simm.s32 @p0 $0x9;
	[sflag:s22] =	ssyncadd.s32 $0xFFFFEC00  }
0x6e: {  	_ =	swait.ge @p0 [sflag:s7], $0x28  }
0x6f: {  	[sflag:s7] =	ssyncset.done @p0 $0x0  }
0x70: {  	[sflag:s7] =	ssyncadd.s32 @p0 $0xFFFFFFD8;
	s7 =	simm.s32 @p0 $0x4  }
0x71: {  	_ =	swait.ge @p0 [sflag:s7], $0x1400  }
0x72: {  	[sflag:s7] =	ssyncset.done @p0 $0x0  }
0x73: {  	s21 =	simm.s32 @p0 $0x3E80;
	[sflag:s7] =	ssyncadd.s32 @p0 $0xFFFFEC00;
	s7 =	simm.s32 @p0 $0x180  }
0x74: {  	[spmem:s2] =	stream.indirect.scatter.add.f32 @p0 [tilespmem:s21], [sflag:$0xB], $0x80, s7, s13, $0xb8;
	[tilespmem:$0x1CE00] =	vst v63  }
0x75: {  	_ =	swait.ge @p0 [sflag:s12], $0x1400  }
0x76: {  	[sflag:s12] =	ssyncset.done @p0 $0x0  }
0x77: {  	s7 =	simm.s32 @!p0 $0x100;
	[sflag:s12] =	ssyncadd.s32 @p0 $0xFFFFEC00  }
0x78: {  	[tilespmem:s7], [sflag:$0x8] =	stream.linear.gather @!p0 [hbm4b:s18+s15], $0x28, $0x38;
	[tilespmem:$0x1CE00] =	vst v63  }
0x79: {  	s12 =	simm.s32 @!p0 $0x2A80;
	s7 =	sadd.s32 @!p0 $0x6798, s23  }
0x7a: {  	[tilespmem:s12], [sflag:$0x3] =	stream.indirect.gather @!p0 [hbm4b:s5+s14], $0x80, s7, s14, $0xb8;
	[tilespmem:$0x1CE00] =	vst v63  }
0x7b: {  	s7 =	simm.s32 @!p0 $0x9  }
0x7c: {  	_ =	swait.ge @!p0 [sflag:s7], $0x28  }
0x7d: {  	[sflag:s7] =	ssyncset.done @!p0 $0x0  }
0x7e: {  	[sflag:s7] =	ssyncadd.s32 @!p0 $0xFFFFFFD8;
	s7 =	simm.s32 @!p0 $0x4  }
0x7f: {  	_ =	swait.ge @!p0 [sflag:s7], $0x1400  }
0x80: {  	[sflag:s7] =	ssyncset.done @!p0 $0x0  }
0x81: {  	s12 =	simm.s32 @!p0 $0x3E80;
	[sflag:s7] =	ssyncadd.s32 @!p0 $0xFFFFEC00;
	s7 =	simm.s32 @!p0 $0x180  }
0x82: {  	[spmem:s2] =	stream.indirect.scatter.add.f32 @!p0 [tilespmem:s12], [sflag:$0xB], $0x80, s7, s14, $0xb8;
	[tilespmem:$0x1CE00] =	vst v63  }
0x83: {  	_ =	swait.ge @!p0 [sflag:s11], $0x1400  }
0x84: {  	[sflag:s11] =	ssyncset.done @!p0 $0x0  }
0x85: {  	[sflag:s11] =	ssyncadd.s32 @!p0 $0xFFFFEC00  }
0x86: {  	[tilespmem:s7], [sflag:$0x9] =	stream.linear.gather @!p0 [hbm4b:s17+s15], $0x28, $0x38;
	[tilespmem:$0x1CE00] =	vst v63  }
0x87: {  	s7 =	sadd.s32 @!p0 $0x67C0, s23  }
0x88: {  	[tilespmem:s12], [sflag:$0x4] =	stream.indirect.gather @!p0 [hbm4b:s5+s14], $0x80, s7, s14, $0xb8;
	[tilespmem:$0x1CE00] =	vst v63  }
0x89: {  	_ =	swait.ge [sflag:s8], $0x28  }
0x8a: {  	[sflag:s8] =	ssyncset.done $0x0  }
0x8b: {  	[sflag:s8] =	ssyncadd.s32 $0xFFFFFFD8  }
0x8c: {  	s9 =	sadd.s32 @!p0 $0x320, s9;
	_ =	swait.ge [sflag:s10], $0x1400  }
0x8d: {  	p1 =	sne.s32 @!p0 s9, $0x9C40;
	[sflag:s10] =	ssyncset.done $0x0  }
0x8e: {  	p1 =	por p0, !p1;
	[sflag:s10] =	ssyncadd.s32 $0xFFFFEC00  }
0x8f: {  	[spmem:s2] =	stream.indirect.scatter.add.f32 [tilespmem:s0], [sflag:$0xB], $0x80, s29, s24, $0xb8;
	[tilespmem:$0x1CE00] =	vst v63  }
0x90: {  	s20 =	sadd.s32 @!p0 $0xC8, s20;
	s19 =	sadd.s32 @!p0 $0x19, s19;
	_ =	swait.ge [sflag:s22], $0x1400  }
.Ltmp0:
0x91: {  	s18 =	sadd.s32 @!p0 $0x19, s18;
	[sflag:s22] =	ssyncset.done $0x0;
	(pc) =	sbr.rel @!p1 .LBB2_2-.Ltmp0, $4  }
0x92: {  	s11 =	simm.s32 @!p0 $0x5280;
	s7 =	simm.s32 @!p0 $0x200;
	[sflag:s22] =	ssyncadd.s32 $0xFFFFEC00  }
0x93: {  	[tilespmem:s7], [sflag:$0xA] =	stream.linear.gather @!p0 [hbm4b:s16+s15], $0x28, $0x38;
	[tilespmem:$0x1CE00] =	vst v63  }
0x94: {  	s17 =	sadd.s32 @!p0 $0x19, s17;
	s7 =	sadd.s32 @!p0 $0x67E8, s23;
	s16 =	sadd.s32 @!p0 $0x19, s16  }
0x95: {  	[tilespmem:s11], [sflag:$0x5] =	stream.indirect.gather @!p0 [hbm4b:s5+s14], $0x80, s7, s14, $0xb8;
	[tilespmem:$0x1CE00] =	vst v63  }
0x96: {  	[bflag:$0x0] =	sbarrier.arrive $0xFFFF  }
0x97: {  	s13 =	rddreg [dreg:$0x4]  }
0x98: {  	s7 =	rddreg [dreg:$0xb]  }
0x99: {  	s9 =	rddreg [dreg:$0x12]  }
0x9a: {  	[hbm:s7], [sflag:s13] =	dma.local [spmem:s9], $0x2800  }
0x9b: {  	_ =	swait.ge [sflag:s22], $0x2800  }
0x9c: {  	s11 =	rddreg [dreg:$0x13]  }
0x9d: {  	s23 =	rddreg [dreg:$0xc];
	s11 =	sadd.s32 $0x1, s11  }
0x9e: {  	p0 =	sne.s32 s11, s23  }
.Ltmp1:
0x9f: {  	_ = 	snop;
	(pc) =	sbr.rel @p0 .LBB2_1-.Ltmp1, $3  }
0xa0: {  	_ =	sdelay $0x1  }
0xa1: {  	[sflag:s22] =	ssyncset.done $0x0  }
0xa2: {  	[sflag:s22] =	ssyncadd.s32 $0xFFFFD800  }
0xa3: {  	_ =	sfence.sel $0x180000  }
0xa4: {  	[bflag:$0x0] =	sbarrier.arrive $0xFFFF  }
0xa5: {  	_ =	strace $0x9000004A  }
0xa6: {  	s0 =	stileid.u32;
	[bflag:$0x2] =	sbarrier.arrive $0xFFFF  }
0xa7: {  	p0 =	sne.s32 s0, $0x0;
	s0 =	rddreg [dreg:$0x2]  }
0xa8: {  	s0 =	sadd.s32 @!p0 $0x100000, s0  }
0xa9: {  	[sflag:s0] =	ssyncadd.tile.s32 @!p0 $0x1;
	_ =	shalt  }
.Lfunc_end2:
_tile_overlayer_lowered:
.L_overlay_start_2:
0xaa: {  	(tag) =	ssettag $0x2  }
0xab: {  	s0 =	rddreg [dreg:$0x0];
	s2 =	stileid.u32  }
0xac: {  	s1 =	rddreg [dreg:$0x1];
	p0 =	sne.s32 s2, $0x0  }
0xad: {  	s3 =	rddreg [dreg:$0x2];
	[bflag:$0x3] =	sbarrier.arrive $0xFFFF;
	s2 =	simm.s32 @!p0 $0x1C0B  }
0xae: {  	[timem:s3], [sflag:s2] =	dma.local @!p0 [hbm:s0], s1  }
0xaf: {  	s0 =	simm.s32 @!p0 $0xB  }
0xb0: {  	_ =	swait.ge @!p0 [sflag:s0], s1  }
0xb1: {  	s1 =	ssub.s32 @!p0 $0x0, s1;
	[sflag:s0] =	ssyncset.done @!p0 $0x0  }
0xb2: {  	[sflag:s0] =	ssyncadd.s32 @!p0 s1  }
0xb3: {  	[bflag:$0x3] =	sbarrier.arrive $0xFFFF  }
0xb4: {  	_ =	shalt  }

// kernel: kernel.20.cloned.1.call-start
scs
__scs_entry_jumppad:
0x0: {  	(pc) =	sbr.rel $0x88, $3  }
0x1: {  	(tag) =	ssettag $0x0;
	lr =	simm.s32 $0x1  }
0x2: {  	[smem:$0x3F96] =	sst lr;
	_ =	strace $0xD0000000  }
0x3: {  	_ = 	snop  }
0x4: {  	_ = 	snop  }
0x5: {  	_ = 	snop  }
0x6: {  	_ = 	snop  }
0x7: {  	_ = 	snop  }
__scs_overlays_trampoline_lowered:
0x8: {  	[smem:$0x3FA5] =	sst s0  }
0x9: {  	[smem:$0x3FA6] =	sst s1  }
0xa: {  	[smem:$0x3FA7] =	sst s2  }
0xb: {  	[smem:$0x3FA8] =	sst s3  }
0xc: {  	[smem:$0x3FA9] =	sst s4  }
0xd: {  	[smem:$0x3FAA] =	sst s5  }
0xe: {  	[smem:$0x3FAB] =	sst s6  }
0xf: {  	[smem:$0x3FAC] =	sst s7  }
0x10: {  	[smem:$0x3FAD] =	sst s8  }
0x11: {  	[smem:$0x3FAE] =	sst s9;
	s0 =	simm.s32 @!p0 $0x0  }
0x12: {  	s1 =	sld [smem:$0x3F94];
	s0 =	simm.s32 @p0 $0x1  }
0x13: {  	[smem:$0x3FAF] =	sst s0;
	s0 =	simm.s32 @!p1 $0x0  }
0x14: {  	s2 =	sld [smem:$0x3F93];
	s0 =	simm.s32 @p1 $0x1  }
0x15: {  	[smem:$0x3FB0] =	sst s0;
	s0 =	simm.s32 @!p2 $0x0  }
0x16: {  	s3 =	sld [smem:$0x3FDB];
	s0 =	simm.s32 @p2 $0x1  }
0x17: {  	s4 =	simm.s32 $0x1BF5;
	[smem:$0x3FB2] =	sst s0  }
0x18: {  	s0 =	sld [smem:$0x3F95];
	_ =	swait.ge [sflag:s4], $0x0  }
0x19: {  	s7 =	sld [smem:$0x3F96]  }
0x1a: {  	s8 =	sadd.s32 $0xFFFFE003, lr  }
0x1b: {  	s9 =	sadd.s32 $0xFFFFFEF7, lr;
	s5 =	simm.s32 $0xFFFFFFFF;
	p2 =	slt.u32 s8, $0xFFFFF086  }
0x1c: {  	p1 =	slt.u32 s9, $0xF7A;
	s5 =	simm.s32 @!p2 $0x0  }
0x1d: {  	s5 =	simm.s32 @p1 $0x1;
	p0 =	seq.s32 s7, s2  }
0x1e: {  	s7 =	smul.u32 @!p0 $0xF7A, s2;
	p2 =	seq.s32 @!p0 s5, $0x0  }
0x1f: {  	s9 =	smul.u32 $0xF7A, s1;
	s8 =	simm.s32 @!p0 $0x1BF5;
	p2 =	por !p2, p0  }
0x20: {  	[sflag:s8] =	ssyncset.s32 @!p0 $0xFFFFF086;
	s6 =	sadd.s32 @!p0 s3, s7;
	s7 =	simm.s32 @!p0 $0x108  }
0x21: {  	s3 =	sadd.s32 s3, s9;
	s6 =	sadd.s32 @!p0 $0x88, s6;
	s7 =	simm.s32 @p2 $0x1082  }
0x22: {  	[simem:s7], [sflag:s8] =	dma.local @!p0 [hbm:s6], $0xF7A  }
0x23: {  	s9 =	sor.u32 $0xD0000000, s2;
	s6 =	simm.s32 $0x108;
	_ =	swait.ge @!p0 [sflag:s8], $0x0  }
0x24: {  	s3 =	sadd.s32 $0x88, s3;
	s6 =	simm.s32 @!p1 $0x1082;
	[sflag:s4] =	ssyncset.s32 $0xFFFFF086  }
0x25: {  	[simem:s6], [sflag:s4] =	dma.local [hbm:s3], $0xF7A  }
0x26: {  	[smem:$0x3F96] =	sst s1;
	(tag) =	ssettag s2;
	_ =	strace s9  }
0x27: {  	s1 =	sld [smem:$0x3FA6]  }
0x28: {  	s2 =	sld [smem:$0x3FA7]  }
0x29: {  	s4 =	sld [smem:$0x3FA9]  }
0x2a: {  	p0 =	seq.s32 s5, $0x0;
	s5 =	sld [smem:$0x3FAA]  }
0x2b: {  	s6 =	sld [smem:$0x3FAB]  }
0x2c: {  	s7 =	sld [smem:$0x3FAC]  }
0x2d: {  	s3 =	simm.s32 $0x108;
	s8 =	sld [smem:$0x3FAD]  }
0x2e: {  	s3 =	simm.s32 @!p0 $0x1082;
	s9 =	sld [smem:$0x3FAE]  }
0x2f: {  	lr =	sadd.s32 s0, s3;
	s0 =	sld [smem:$0x3FA5]  }
0x30: {  	s3 =	sld [smem:$0x3FA8]  }
0x31: {  	[smem:$0x3FB1] =	sst s10  }
0x32: {  	s10 =	sld [smem:$0x3FAF];
	_ =	sdelay $0x3  }
0x33: {  	p0 =	seq.s32 s10, $0x1;
	s10 =	sld [smem:$0x3FB1];
	_ =	sdelay $0x3  }
0x34: {  	[smem:$0x3FB1] =	sst s10  }
0x35: {  	s10 =	sld [smem:$0x3FB0];
	_ =	sdelay $0x3  }
0x36: {  	p1 =	seq.s32 s10, $0x1;
	s10 =	sld [smem:$0x3FB1];
	_ =	sdelay $0x3  }
0x37: {  	[smem:$0x3FB1] =	sst s10  }
0x38: {  	s10 =	sld [smem:$0x3FB2]  }
0x39: {  	_ = 	snop;
	(pc) =	sbr.ind lr, $3  }
0x3a: {  	_ = 	snop  }
0x3b: {  	_ = 	snop  }
0x3c: {  	p2 =	seq.s32 s10, $0x1;
	s10 =	sld [smem:$0x3FB1]  }
0x3d: {  	_ =	shalt  }
0x3e: {  	_ =	shalt  }
0x3f: {  	_ =	shalt  }
0x40: {  	_ =	shalt  }
0x41: {  	_ =	shalt  }
0x42: {  	_ =	shalt  }
0x43: {  	_ =	shalt  }
0x44: {  	_ =	shalt  }
0x45: {  	_ =	shalt  }
0x46: {  	_ =	shalt  }
0x47: {  	_ =	shalt  }
0x48: {  	_ =	shalt  }
0x49: {  	_ =	shalt  }
0x4a: {  	_ =	shalt  }
0x4b: {  	_ =	shalt  }
0x4c: {  	_ =	shalt  }
0x4d: {  	_ =	shalt  }
0x4e: {  	_ =	shalt  }
0x4f: {  	_ =	shalt  }
0x50: {  	_ =	shalt  }
0x51: {  	_ =	shalt  }
0x52: {  	_ =	shalt  }
0x53: {  	_ =	shalt  }
0x54: {  	_ =	shalt  }
0x55: {  	_ =	shalt  }
0x56: {  	_ =	shalt  }
0x57: {  	_ =	shalt  }
0x58: {  	_ =	shalt  }
0x59: {  	_ =	shalt  }
0x5a: {  	_ =	shalt  }
0x5b: {  	_ =	shalt  }
0x5c: {  	_ =	shalt  }
0x5d: {  	_ =	shalt  }
0x5e: {  	_ =	shalt  }
0x5f: {  	_ =	shalt  }
0x60: {  	_ =	shalt  }
0x61: {  	_ =	shalt  }
0x62: {  	_ =	shalt  }
0x63: {  	_ =	shalt  }
0x64: {  	_ =	shalt  }
0x65: {  	_ =	shalt  }
0x66: {  	_ =	shalt  }
0x67: {  	_ =	shalt  }
0x68: {  	_ =	shalt  }
0x69: {  	_ =	shalt  }
0x6a: {  	_ =	shalt  }
0x6b: {  	_ =	shalt  }
0x6c: {  	_ =	shalt  }
0x6d: {  	_ =	shalt  }
0x6e: {  	_ =	shalt  }
0x6f: {  	_ =	shalt  }
0x70: {  	_ =	shalt  }
0x71: {  	_ =	shalt  }
0x72: {  	_ =	shalt  }
0x73: {  	_ =	shalt  }
0x74: {  	_ =	shalt  }
0x75: {  	_ =	shalt  }
0x76: {  	_ =	shalt  }
0x77: {  	_ =	shalt  }
0x78: {  	_ =	shalt  }
0x79: {  	_ =	shalt  }
0x7a: {  	_ =	shalt  }
0x7b: {  	_ =	shalt  }
0x7c: {  	_ =	shalt  }
0x7d: {  	_ =	shalt  }
0x7e: {  	_ =	shalt  }
0x7f: {  	_ =	shalt  }
0x80: {  	_ =	shalt  }
0x81: {  	_ =	shalt  }
0x82: {  	_ =	shalt  }
0x83: {  	_ =	shalt  }
0x84: {  	_ =	shalt  }
0x85: {  	_ =	shalt  }
0x86: {  	_ =	shalt  }
0x87: {  	_ =	shalt  }
.Lfunc_end0:
.L_simem_size_0:
called_computation.2_lowered:
.L_overlay_start_0:
0x88: {  	s2 =	sld [smem:$0x3FD9]  }
0x89: {  	s3 =	sld [smem:$0x3FFE];
	_ =	sdelay $0x1  }
0x8a: {  	s1 =	srdreg.scid  }
0x8b: {  	s0 =	sand.u32 $0x1, s1  }
0x8c: {  	s16 =	sshll.u32 s0, $0xA;
	s2 =	sadd.s32 s3, s2  }
0x8d: {  	s2 =	sadd.s32 s2, s16  }
0x8e: {  	[smem:$0x3FBD] =	sst s2  }
0x8f: {  	_ = 	snop  }
0x90: {  	(tm) =	ssettm $0x1  }
0x91: {  	s17 =	sld [smem:$0x3FFB];
	_ =	sdelay $0x3  }
0x92: {  	_ =	strace s17  }
0x93: {  	s2 =	sld [smem:$0x3FFC];
	_ =	sdelay $0x3  }
0x94: {  	_ =	strace s2  }
0x95: {  	s2 =	sld [smem:$0x3FFD];
	_ =	sdelay $0x3  }
0x96: {  	_ =	strace s2  }
0x97: {  	_ =	strace $0x8FFFFFFF  }
0x98: {  	s18 =	sld [smem:$0x3FDB];
	_ =	sdelay $0x1  }
0x99: {  	s19 =	simm.s32 $_scs_section_size  }
0x9a: {  	s4 =	simm.s32 $_size__tile_overlayer_lowered;
	s5 =	simm.s32 $_tile_overlayer_lowered  }
0x9b: {  	s22 =	simm.s32 $0x1BFF;
	s21 =	sshll.u32 s5, $0x1;
	s2 =	sadd.s32 s19, s18  }
0x9c: {  	s6 =	simm.s32 $0x0;
	s20 =	sshll.u32 s4, $0x1;
	s4 =	sadd.s32 s21, s2  }
0x9d: {  	[timem:s6], [sflag:s22] =	dma.local [hbm:s4], s20  }
0x9e: {  	_ =	swait.ge [sflag:s22], s20  }
0x9f: {  	s3 =	ssub.s32 $0x0, s20;
	[sflag:s22] =	ssyncset.done $0x0  }
0xa0: {  	[sflag:s22] =	ssyncadd.s32 s3;
	_ =	sdelay $0x1  }
0xa1: {  	s23 =	simm.s32 $0x1B8B  }
0xa2: {  	_ =	swait.ge [sflag:s23], $0x1  }
0xa3: {  	[sflag:s23] =	ssyncset.done $0x0  }
0xa4: {  	s25 =	simm.s32 $0x1B8E;
	s24 =	sld [smem:$0x3FFE];
	[sflag:s23] =	ssyncadd.s32 $0xFFFFFFFF  }
0xa5: {  	s26 =	simm.s32 $execute0_lowered;
	[smem:$0x3FD2] =	sst s25  }
0xa6: {  	s4 =	sshll.u32 s26, $0x1;
	_ =	strace $0x8000004C;
	[dreg:$0x1] =	wrdreg $0xFFFFFFFF  }
0xa7: {  	s28 =	simm.s32 $_size_execute0_lowered;
	s2 =	sadd.s32 s2, s4;
	[dreg:$0x0] =	wrdreg $0x0  }
0xa8: {  	s4 =	sshll.u32 s28, $0x1;
	[dreg:$0x2] =	wrdreg s2  }
0xa9: {  	[dreg:$0x3] =	wrdreg s4  }
0xaa: {  	[dreg:$0x4] =	wrdreg $0xC0  }
0xab: {  	_ =	task [dreg:s6], $0x5FFFF  }
0xac: {  	[dreg:$0x1] =	wrdreg $0xFFFFFFFF  }
0xad: {  	[dreg:$0x0] =	wrdreg $0x60  }
0xae: {  	[dreg:$0x2] =	wrdreg s24  }
0xaf: {  	[dreg:$0x3] =	wrdreg $0x8E000  }
0xb0: {  	[dreg:$0x4] =	wrdreg $0x9  }
0xb1: {  	_ =	task.clear_ibuf [dreg:s6], $0x5FFFF;
	_ =	strace $0x9000004C  }
0xb2: {  	s29 =	simm.s32 $0x9;
	_ =	strace $0x8000004E  }
0xb3: {  	_ =	swait.ge [sflag:s29], $0x1  }
0xb4: {  	[sflag:s29] =	ssyncadd.s32 $0xFFFFFFFF  }
0xb5: {  	_ =	strace $0x9000004E  }
0xb6: {  	_ =	sfence  }
0xb7: {  	s30 =	sld [smem:$0x0];
	_ =	sdelay $0x2  }
0xb8: {  	s31 =	sshll.u32 s1, $0xD;
	s1 =	sshrl.u32 s1, $0x2  }
0xb9: {  	s3 =	sand.u32 $0x4000, s31;
	s1 =	sadd.s32 s1, s30  }
0xba: {  	s0 =	sor.u32 s3, s0;
	s1 =	sshll.u32 s1, $0x11  }
0xbb: {  	s0 =	sor.u32 s1, s0  }
0xbc: {  	s0 =	sadd.s32 $0x8F2B, s0  }
0xbd: {  	[sflag:s0] =	ssyncadd.remote.s32 $0x1  }
0xbe: {  	_ =	sfence.sel $0xFFFF  }
0xbf: {  	[dreg:$0x0] =	wrdreg $0xFFFFFFFF;
	(pc) =	sbr.abs _section_cstart, $3  }
0xc0: {  	[dreg:$0x1] =	wrdreg $0xFFFFFFFF  }
0xc1: {  	_ =	task.clear_ibuf [dreg:s6], $0x2FFFF;
	_ =	strace $0x9FFFFFFF  }
0xc2: {  	(tm) =	ssettm $0x7FFFFFFF  }
0xc3: {  	_ =	shalt  }
tec
execute0_lowered:
.L_overlay_start_1:
0x0: {  	(tag) =	ssettag $0x1  }
0x1: {  	s0 =	srdreg.scid  }
0x2: {  	s1 =	rddreg [dreg:$0x0];
	s12 =	stileid.u32  }
0x3: {  	s2 =	rddreg [dreg:$0x1];
	s30 =	simm.s32 $0x100;
	s29 =	simm.s32 $0x200  }
0x4: {  	s28 =	simm.s32 $0x1;
	s31 =	simm.s32 $0x8;
	s7 =	smul.u32 $0x2800, s12  }
0x5: {  	s0 =	sand.u32 $0x1, s0;
	s5 =	sadd.s32 $0x17C00, s1;
	s11 =	smul.u32 $0x50000, s12  }
0x6: {  	s13 =	sadd.s32 $0x3FC00, s1;
	s26 =	sshll.u32 s12, $0x6;
	s9 =	smul.u32 $0x28000, s0  }
0x7: {  	s3 =	sshll.u32 s0, $0x4;
	s23 =	ssub.s32 $0x2, s0;
	s0 =	smul.u32 $0x27100, s0  }
0x8: {  	s4 =	sor.u32 s12, s3;
	s3 =	simm.s32 $0x0;
	s12 =	smul.u32 $0x2710, s12  }
0x9: {  	s24 =	sshrl.u32 s23, $0x1;
	s25 =	sshrl.u32 s11, $0x2;
	s6 =	smul.u32 $0x2710, s4  }
0xa: {  	[smem:$0x7FF] =	sst s3;
	s4 =	sadd.s32 $0x4000, s1;
	s7 =	sadd.s32 s7, s9  }
0xb: {  	s9 =	ssub.s32 s23, s24;
	s14 =	sadd.s32 s25, s2;
	_ =	strace $0x8000004D  }
0xc: {  	[dreg:$0x3] =	wrdreg s13;
	s13 =	sor.u32 $0x1C0B, s26;
	s0 =	sadd.s32 s12, s0  }
0xd: {  	s20 =	smax.u32 s9, $0x1;
	s9 =	sshrl.u32 s14, $0x3;
	s8 =	sshrl.u32 s6, $0x3  }
0xe: {  	s11 =	sadd.s32 $0x28, s6;
	s6 =	sadd.s32 $0x78, s6;
	s18 =	sadd.s32 $0x168, s0  }
0xf: {  	[dreg:$0xc] =	wrdreg s20;
	s21 =	sadd.s32 $0x140, s0;
	s22 =	sadd.s32 $0x118, s0  }
0x10: {  	s23 =	sadd.s32 $0xF0, s0;
	s0 =	sadd.s32 $0xC8, s0;
	[dreg:$0x4] =	wrdreg s13  }
0x11: {  	[dreg:$0x12] =	wrdreg s9;
	s10 =	sadd.s32 s8, s1;
	s1 =	sadd.s32 s7, s1  }
0x12: {  	s15 =	sadd.s32 s4, s8;
	s16 =	sshrl.u32 s11, $0x3;
	[dreg:$0x11] =	wrdreg s0  }
0x13: {  	s6 =	sshrl.u32 s6, $0x3;
	s10 =	sadd.s32 $0xDE00, s10;
	[dreg:$0x6] =	wrdreg s15  }
0x14: {  	s19 =	sshrl.u32 s18, $0x3;
	s8 =	sadd.s32 s4, s16;
	[dreg:$0x5] =	wrdreg s10  }
0x15: {  	s24 =	sshrl.u32 s22, $0x3;
	s17 =	sadd.s32 $0xA, s15;
	[dreg:$0x7] =	wrdreg s8  }
0x16: {  	s25 =	sshrl.u32 s23, $0x3;
	s6 =	sadd.s32 s4, s6;
	[dreg:$0x8] =	wrdreg s17  }
0x17: {  	s22 =	simm.s32 $0xB;
	s7 =	sadd.s32 $0x14, s15;
	[dreg:$0x9] =	wrdreg s6  }
0x18: {  	s0 =	simm.s32 $0x5280;
	s1 =	sadd.s32 $0x92400, s1;
	[dreg:$0xa] =	wrdreg s7  }
0x19: {  	s11 =	simm.s32 $0x0;
	s26 =	sadd.s32 s25, s4;
	[dreg:$0xb] =	wrdreg s1  }
0x1a: {  	s25 =	simm.s32 $0x280;
	s1 =	sadd.s32 s19, s4;
	[dreg:$0x10] =	wrdreg s26  }
0x1b: {  	s26 =	simm.s32 $0x6;
	[dreg:$0xd] =	wrdreg s1;
	s1 =	sshrl.u32 s21, $0x3  }
0x1c: {  	s6 =	simm.s32 $0x3;
	s8 =	simm.s32 $0xA;
	s1 =	sadd.s32 s1, s4  }
0x1d: {  	s10 =	simm.s32 $0x5;
	[dreg:$0xe] =	wrdreg s1;
	s1 =	sadd.s32 s24, s4  }
0x1e: {  	s24 =	simm.s32 $0x28;
	[dreg:$0xf] =	wrdreg s1;
	s1 =	simm.s32 $0x2A80  }
.LBB2_1:
0x1f: {  	[dreg:$0x13] =	wrdreg s11  }
0x20: {  	s7 =	rddreg [dreg:$0x3]  }
0x21: {  	[spmem:s9], [sflag:s13] =	dma.local [hbm:s7], $0x2800  }
0x22: {  	_ =	swait.ge [sflag:s22], $0x2800  }
0x23: {  	[sflag:s22] =	ssyncset.done $0x0  }
0x24: {  	s21 =	simm.s32 $0x6680;
	s20 =	rddreg [dreg:$0x5];
	[sflag:s22] =	ssyncadd.s32 $0xFFFFD800  }
0x25: {  	[tilespmem:s21], [sflag:$0xB] =	stream.linear.gather [hbm4b:s20+s3], $0x2710, $0x38;
	[tilespmem:$0x1CE00] =	vst v63  }
0x26: {  	_ =	swait.ge [sflag:s22], $0x2710  }
0x27: {  	[sflag:s22] =	ssyncset.done $0x0  }
0x28: {  	[sflag:s22] =	ssyncadd.s32 $0xFFFFD8F0  }
0x29: {  	[bflag:$0x0] =	sbarrier.arrive $0xFFFF  }
0x2a: {  	s23 =	rddreg [dreg:$0x6]  }
0x2b: {  	[tilespmem:s3], [sflag:$0x6] =	stream.linear.gather [hbm4b:s23+s3], $0x28, $0x38;
	[tilespmem:$0x1CE00] =	vst v63  }
0x2c: {  	_ = 	snop  }
0x2d: {  	[tilespmem:s25], [sflag:$0x1] =	stream.indirect.gather [hbm4b:s5+s24], $0x80, s21, s24, $0xb8;
	[tilespmem:$0x1CE00] =	vst v63  }
0x2e: {  	s12 =	simm.s32 $0x80;
	s11 =	rddreg [dreg:$0x7]  }
0x2f: {  	[tilespmem:s12], [sflag:$0x7] =	stream.linear.gather [hbm4b:s11+s3], $0x28, $0x38;
	[tilespmem:$0x1CE00] =	vst v63  }
0x30: {  	s14 =	simm.s32 $0x1680;
	s13 =	simm.s32 $0x66A8;
	s15 =	rddreg [dreg:$0x8]  }
0x31: {  	[tilespmem:s14], [sflag:$0x2] =	stream.indirect.gather [hbm4b:s5+s24], $0x80, s13, s24, $0xb8;
	[tilespmem:$0x1CE00] =	vst v63  }
0x32: {  	s17 =	rddreg [dreg:$0x9]  }
0x33: {  	[tilespmem:s30], [sflag:$0x8] =	stream.linear.gather [hbm4b:s15+s3], $0x28, $0x38;
	[tilespmem:$0x1CE00] =	vst v63  }
0x34: {  	s16 =	simm.s32 $0x66D0;
	s21 =	rddreg [dreg:$0xa]  }
0x35: {  	[tilespmem:s1], [sflag:$0x3] =	stream.indirect.gather [hbm4b:s5+s24], $0x80, s16, s24, $0xb8;
	[tilespmem:$0x1CE00] =	vst v63  }
0x36: {  	s18 =	simm.s32 $0x180;
	s16 =	rddreg [dreg:$0xd]  }
0x37: {  	[tilespmem:s18], [sflag:$0x9] =	stream.linear.gather [hbm4b:s17+s3], $0x28, $0x38;
	[tilespmem:$0x1CE00] =	vst v63  }
0x38: {  	s18 =	rddreg [dreg:$0xf]  }
0x39: {  	s19 =	simm.s32 $0x66F8;
	s20 =	simm.s32 $0x3E80;
	s17 =	rddreg [dreg:$0xe]  }
0x3a: {  	[tilespmem:s20], [sflag:$0x4] =	stream.indirect.gather [hbm4b:s5+s24], $0x80, s19, s24, $0xb8;
	[tilespmem:$0x1CE00] =	vst v63  }
0x3b: {  	s20 =	rddreg [dreg:$0x11]  }
0x3c: {  	[tilespmem:s29], [sflag:$0xA] =	stream.linear.gather [hbm4b:s21+s3], $0x28, $0x38;
	[tilespmem:$0x1CE00] =	vst v63  }
0x3d: {  	s9 =	simm.s32 $0x0;
	s23 =	simm.s32 $0x6720;
	s19 =	rddreg [dreg:$0x10]  }
0x3e: {  	[tilespmem:s0], [sflag:$0x5] =	stream.indirect.gather [hbm4b:s5+s24], $0x80, s23, s24, $0xb8;
	[tilespmem:$0x1CE00] =	vst v63  }
.LBB2_2:
0x3f: {  	_ =	swait.ge [sflag:s26], $0x28  }
0x40: {  	[sflag:s26] =	ssyncset.done $0x0  }
0x41: {  	[sflag:s26] =	ssyncadd.s32 $0xFFFFFFD8  }
0x42: {  	_ =	swait.ge [sflag:s28], $0x1400  }
0x43: {  	[sflag:s28] =	ssyncset.done $0x0  }
0x44: {  	[sflag:s28] =	ssyncadd.s32 $0xFFFFEC00  }
0x45: {  	[spmem:s2] =	stream.indirect.scatter.add.f32 [tilespmem:s25], [sflag:$0xB], $0x80, s3, s24, $0xb8;
	[tilespmem:$0x1CE00] =	vst v63  }
0x46: {  	_ =	swait.ge [sflag:s22], $0x1400  }
0x47: {  	p0 =	seq.s32 s9, $0x9920;
	[sflag:s22] =	ssyncset.done $0x0  }
0x48: {  	s14 =	simm.s32 @p0 $0x7;
	[sflag:s22] =	ssyncadd.s32 $0xFFFFEC00  }
0x49: {  	_ =	swait.ge @p0 [sflag:s14], $0x28  }
0x4a: {  	[sflag:s14] =	ssyncset.done @p0 $0x0  }
0x4b: {  	[sflag:s14] =	ssyncadd.s32 @p0 $0xFFFFFFD8;
	s14 =	simm.s32 @p0 $0x2  }
0x4c: {  	_ =	swait.ge @p0 [sflag:s14], $0x1400  }
0x4d: {  	s13 =	simm.s32 @p0 $0x28;
	s15 =	simm.s32 @p0 $0x1680;
	[sflag:s14] =	ssyncset.done @p0 $0x0  }
0x4e: {  	s12 =	simm.s32 @p0 $0xB;
	[sflag:s14] =	ssyncadd.s32 @p0 $0xFFFFEC00;
	s14 =	simm.s32 @p0 $0x80  }
0x4f: {  	[spmem:s2] =	stream.indirect.scatter.add.f32 @p0 [tilespmem:s15], [sflag:$0xB], $0x80, s14, s13, $0xb8;
	[tilespmem:$0x1CE00] =	vst v63  }
0x50: {  	_ =	swait.ge @p0 [sflag:s12], $0x1400  }
0x51: {  	s23 =	sshra.s32 @!p0 s9, $0x2;
	s14 =	sshrl.u32 @!p0 s20, $0x3;
	[sflag:s12] =	ssyncset.done @p0 $0x0  }
0x52: {  	s15 =	simm.s32 @!p0 $0x0;
	s14 =	sadd.s32 @!p0 s4, s14;
	[sflag:s12] =	ssyncadd.s32 @p0 $0xFFFFEC00  }
0x53: {  	[tilespmem:s15], [sflag:$0x6] =	stream.linear.gather @!p0 [hbm4b:s14+s15], $0x28, $0x38;
	[tilespmem:$0x1CE00] =	vst v63  }
0x54: {  	s21 =	simm.s32 @!p0 $0x280;
	s7 =	sadd.s32 @!p0 $0x6748, s23;
	s14 =	simm.s32 @!p0 $0x28  }
0x55: {  	[tilespmem:s21], [sflag:$0x1] =	stream.indirect.gather @!p0 [hbm4b:s5+s14], $0x80, s7, s14, $0xb8;
	[tilespmem:$0x1CE00] =	vst v63  }
0x56: {  	s7 =	simm.s32 @!p0 $0x7  }
0x57: {  	_ =	swait.ge @!p0 [sflag:s7], $0x28  }
0x58: {  	[sflag:s7] =	ssyncset.done @!p0 $0x0  }
0x59: {  	[sflag:s7] =	ssyncadd.s32 @!p0 $0xFFFFFFD8;
	s7 =	simm.s32 @!p0 $0x2  }
0x5a: {  	_ =	swait.ge @!p0 [sflag:s7], $0x1400  }
0x5b: {  	s11 =	simm.s32 @!p0 $0xB;
	[sflag:s7] =	ssyncset.done @!p0 $0x0  }
0x5c: {  	s21 =	simm.s32 @!p0 $0x1680;
	[sflag:s7] =	ssyncadd.s32 @!p0 $0xFFFFEC00;
	s7 =	simm.s32 @!p0 $0x80  }
0x5d: {  	[spmem:s2] =	stream.indirect.scatter.add.f32 @!p0 [tilespmem:s21], [sflag:$0xB], $0x80, s7, s14, $0xb8;
	[tilespmem:$0x1CE00] =	vst v63  }
0x5e: {  	_ =	swait.ge @!p0 [sflag:s11], $0x1400  }
0x5f: {  	[sflag:s11] =	ssyncset.done @!p0 $0x0  }
0x60: {  	[sflag:s11] =	ssyncadd.s32 @!p0 $0xFFFFEC00  }
0x61: {  	[tilespmem:s7], [sflag:$0x7] =	stream.linear.gather @!p0 [hbm4b:s19+s15], $0x28, $0x38;
	[tilespmem:$0x1CE00] =	vst v63  }
0x62: {  	s7 =	sadd.s32 @!p0 $0x6770, s23  }
0x63: {  	[tilespmem:s21], [sflag:$0x2] =	stream.indirect.gather @!p0 [hbm4b:s5+s14], $0x80, s7, s14, $0xb8;
	[tilespmem:$0x1CE00] =	vst v63  }
0x64: {  	_ =	swait.ge [sflag:s31], $0x28  }
0x65: {  	[sflag:s31] =	ssyncset.done $0x0  }
0x66: {  	[sflag:s31] =	ssyncadd.s32 $0xFFFFFFD8  }
0x67: {  	_ =	swait.ge [sflag:s6], $0x1400  }
0x68: {  	[sflag:s6] =	ssyncset.done $0x0  }
0x69: {  	[sflag:s6] =	ssyncadd.s32 $0xFFFFEC00  }
0x6a: {  	[spmem:s2] =	stream.indirect.scatter.add.f32 [tilespmem:s1], [sflag:$0xB], $0x80, s30, s24, $0xb8;
	[tilespmem:$0x1CE00] =	vst v63  }
0x6b: {  	_ =	swait.ge [sflag:s22], $0x1400  }
0x6c: {  	[sflag:s22] =	ssyncset.done $0x0  }
0x6d: {  	s7 =	simm.s32 @p0 $0x9;
	[sflag:s22] =	ssyncadd.s32 $0xFFFFEC00  }
0x6e: {  	_ =	swait.ge @p0 [sflag:s7], $0x28  }
0x6f: {  	[sflag:s7] =	ssyncset.done @p0 $0x0  }
0x70: {  	[sflag:s7] =	ssyncadd.s32 @p0 $0xFFFFFFD8;
	s7 =	simm.s32 @p0 $0x4  }
0x71: {  	_ =	swait.ge @p0 [sflag:s7], $0x1400  }
0x72: {  	[sflag:s7] =	ssyncset.done @p0 $0x0  }
0x73: {  	s21 =	simm.s32 @p0 $0x3E80;
	[sflag:s7] =	ssyncadd.s32 @p0 $0xFFFFEC00;
	s7 =	simm.s32 @p0 $0x180  }
0x74: {  	[spmem:s2] =	stream.indirect.scatter.add.f32 @p0 [tilespmem:s21], [sflag:$0xB], $0x80, s7, s13, $0xb8;
	[tilespmem:$0x1CE00] =	vst v63  }
0x75: {  	_ =	swait.ge @p0 [sflag:s12], $0x1400  }
0x76: {  	[sflag:s12] =	ssyncset.done @p0 $0x0  }
0x77: {  	s7 =	simm.s32 @!p0 $0x100;
	[sflag:s12] =	ssyncadd.s32 @p0 $0xFFFFEC00  }
0x78: {  	[tilespmem:s7], [sflag:$0x8] =	stream.linear.gather @!p0 [hbm4b:s18+s15], $0x28, $0x38;
	[tilespmem:$0x1CE00] =	vst v63  }
0x79: {  	s12 =	simm.s32 @!p0 $0x2A80;
	s7 =	sadd.s32 @!p0 $0x6798, s23  }
0x7a: {  	[tilespmem:s12], [sflag:$0x3] =	stream.indirect.gather @!p0 [hbm4b:s5+s14], $0x80, s7, s14, $0xb8;
	[tilespmem:$0x1CE00] =	vst v63  }
0x7b: {  	s7 =	simm.s32 @!p0 $0x9  }
0x7c: {  	_ =	swait.ge @!p0 [sflag:s7], $0x28  }
0x7d: {  	[sflag:s7] =	ssyncset.done @!p0 $0x0  }
0x7e: {  	[sflag:s7] =	ssyncadd.s32 @!p0 $0xFFFFFFD8;
	s7 =	simm.s32 @!p0 $0x4  }
0x7f: {  	_ =	swait.ge @!p0 [sflag:s7], $0x1400  }
0x80: {  	[sflag:s7] =	ssyncset.done @!p0 $0x0  }
0x81: {  	s12 =	simm.s32 @!p0 $0x3E80;
	[sflag:s7] =	ssyncadd.s32 @!p0 $0xFFFFEC00;
	s7 =	simm.s32 @!p0 $0x180  }
0x82: {  	[spmem:s2] =	stream.indirect.scatter.add.f32 @!p0 [tilespmem:s12], [sflag:$0xB], $0x80, s7, s14, $0xb8;
	[tilespmem:$0x1CE00] =	vst v63  }
0x83: {  	_ =	swait.ge @!p0 [sflag:s11], $0x1400  }
0x84: {  	[sflag:s11] =	ssyncset.done @!p0 $0x0  }
0x85: {  	[sflag:s11] =	ssyncadd.s32 @!p0 $0xFFFFEC00  }
0x86: {  	[tilespmem:s7], [sflag:$0x9] =	stream.linear.gather @!p0 [hbm4b:s17+s15], $0x28, $0x38;
	[tilespmem:$0x1CE00] =	vst v63  }
0x87: {  	s7 =	sadd.s32 @!p0 $0x67C0, s23  }
0x88: {  	[tilespmem:s12], [sflag:$0x4] =	stream.indirect.gather @!p0 [hbm4b:s5+s14], $0x80, s7, s14, $0xb8;
	[tilespmem:$0x1CE00] =	vst v63  }
0x89: {  	_ =	swait.ge [sflag:s8], $0x28  }
0x8a: {  	[sflag:s8] =	ssyncset.done $0x0  }
0x8b: {  	[sflag:s8] =	ssyncadd.s32 $0xFFFFFFD8  }
0x8c: {  	s9 =	sadd.s32 @!p0 $0x320, s9;
	_ =	swait.ge [sflag:s10], $0x1400  }
0x8d: {  	p1 =	sne.s32 @!p0 s9, $0x9C40;
	[sflag:s10] =	ssyncset.done $0x0  }
0x8e: {  	p1 =	por p0, !p1;
	[sflag:s10] =	ssyncadd.s32 $0xFFFFEC00  }
0x8f: {  	[spmem:s2] =	stream.indirect.scatter.add.f32 [tilespmem:s0], [sflag:$0xB], $0x80, s29, s24, $0xb8;
	[tilespmem:$0x1CE00] =	vst v63  }
0x90: {  	s20 =	sadd.s32 @!p0 $0xC8, s20;
	s19 =	sadd.s32 @!p0 $0x19, s19;
	_ =	swait.ge [sflag:s22], $0x1400  }
.Ltmp0:
0x91: {  	s18 =	sadd.s32 @!p0 $0x19, s18;
	[sflag:s22] =	ssyncset.done $0x0;
	(pc) =	sbr.rel @!p1 .LBB2_2-.Ltmp0, $4  }
0x92: {  	s11 =	simm.s32 @!p0 $0x5280;
	s7 =	simm.s32 @!p0 $0x200;
	[sflag:s22] =	ssyncadd.s32 $0xFFFFEC00  }
0x93: {  	[tilespmem:s7], [sflag:$0xA] =	stream.linear.gather @!p0 [hbm4b:s16+s15], $0x28, $0x38;
	[tilespmem:$0x1CE00] =	vst v63  }
0x94: {  	s17 =	sadd.s32 @!p0 $0x19, s17;
	s7 =	sadd.s32 @!p0 $0x67E8, s23;
	s16 =	sadd.s32 @!p0 $0x19, s16  }
0x95: {  	[tilespmem:s11], [sflag:$0x5] =	stream.indirect.gather @!p0 [hbm4b:s5+s14], $0x80, s7, s14, $0xb8;
	[tilespmem:$0x1CE00] =	vst v63  }
0x96: {  	[bflag:$0x0] =	sbarrier.arrive $0xFFFF  }
0x97: {  	s13 =	rddreg [dreg:$0x4]  }
0x98: {  	s7 =	rddreg [dreg:$0xb]  }
0x99: {  	s9 =	rddreg [dreg:$0x12]  }
0x9a: {  	[hbm:s7], [sflag:s13] =	dma.local [spmem:s9], $0x2800  }
0x9b: {  	_ =	swait.ge [sflag:s22], $0x2800  }
0x9c: {  	s11 =	rddreg [dreg:$0x13]  }
0x9d: {  	s23 =	rddreg [dreg:$0xc];
	s11 =	sadd.s32 $0x1, s11  }
0x9e: {  	p0 =	sne.s32 s11, s23  }
.Ltmp1:
0x9f: {  	_ = 	snop;
	(pc) =	sbr.rel @p0 .LBB2_1-.Ltmp1, $3  }
0xa0: {  	_ =	sdelay $0x1  }
0xa1: {  	[sflag:s22] =	ssyncset.done $0x0  }
0xa2: {  	[sflag:s22] =	ssyncadd.s32 $0xFFFFD800  }
0xa3: {  	_ =	sfence.sel $0x180000  }
0xa4: {  	[bflag:$0x0] =	sbarrier.arrive $0xFFFF  }
0xa5: {  	_ =	strace $0x9000004D  }
0xa6: {  	s0 =	stileid.u32;
	[bflag:$0x2] =	sbarrier.arrive $0xFFFF  }
0xa7: {  	p0 =	sne.s32 s0, $0x0;
	s0 =	rddreg [dreg:$0x2]  }
0xa8: {  	s0 =	sadd.s32 @!p0 $0x100000, s0  }
0xa9: {  	[sflag:s0] =	ssyncadd.tile.s32 @!p0 $0x1;
	_ =	shalt  }
.Lfunc_end2:
_tile_overlayer_lowered:
.L_overlay_start_2:
0xaa: {  	(tag) =	ssettag $0x2  }
0xab: {  	s0 =	rddreg [dreg:$0x0];
	s2 =	stileid.u32  }
0xac: {  	s1 =	rddreg [dreg:$0x1];
	p0 =	sne.s32 s2, $0x0  }
0xad: {  	s3 =	rddreg [dreg:$0x2];
	[bflag:$0x3] =	sbarrier.arrive $0xFFFF;
	s2 =	simm.s32 @!p0 $0x1C0B  }
0xae: {  	[timem:s3], [sflag:s2] =	dma.local @!p0 [hbm:s0], s1  }
0xaf: {  	s0 =	simm.s32 @!p0 $0xB  }
0xb0: {  	_ =	swait.ge @!p0 [sflag:s0], s1  }
0xb1: {  	s1 =	ssub.s32 @!p0 $0x0, s1;
	[sflag:s0] =	ssyncset.done @!p0 $0x0  }
0xb2: {  	[sflag:s0] =	ssyncadd.s32 @!p0 s1  }
0xb3: {  	[bflag:$0x3] =	sbarrier.arrive $0xFFFF  }
0xb4: {  	_ =	shalt  }

// kernel: kernel.23.cloned.1.call-start
scs
__scs_entry_jumppad:
0x0: {  	(pc) =	sbr.rel $0x88, $3  }
0x1: {  	(tag) =	ssettag $0x0;
	lr =	simm.s32 $0x1  }
0x2: {  	[smem:$0x3F96] =	sst lr;
	_ =	strace $0xD0000000  }
0x3: {  	_ = 	snop  }
0x4: {  	_ = 	snop  }
0x5: {  	_ = 	snop  }
0x6: {  	_ = 	snop  }
0x7: {  	_ = 	snop  }
__scs_overlays_trampoline_lowered:
0x8: {  	[smem:$0x3FA5] =	sst s0  }
0x9: {  	[smem:$0x3FA6] =	sst s1  }
0xa: {  	[smem:$0x3FA7] =	sst s2  }
0xb: {  	[smem:$0x3FA8] =	sst s3  }
0xc: {  	[smem:$0x3FA9] =	sst s4  }
0xd: {  	[smem:$0x3FAA] =	sst s5  }
0xe: {  	[smem:$0x3FAB] =	sst s6  }
0xf: {  	[smem:$0x3FAC] =	sst s7  }
0x10: {  	[smem:$0x3FAD] =	sst s8  }
0x11: {  	[smem:$0x3FAE] =	sst s9;
	s0 =	simm.s32 @!p0 $0x0  }
0x12: {  	s1 =	sld [smem:$0x3F94];
	s0 =	simm.s32 @p0 $0x1  }
0x13: {  	[smem:$0x3FAF] =	sst s0;
	s0 =	simm.s32 @!p1 $0x0  }
0x14: {  	s2 =	sld [smem:$0x3F93];
	s0 =	simm.s32 @p1 $0x1  }
0x15: {  	[smem:$0x3FB0] =	sst s0;
	s0 =	simm.s32 @!p2 $0x0  }
0x16: {  	s3 =	sld [smem:$0x3FDB];
	s0 =	simm.s32 @p2 $0x1  }
0x17: {  	s4 =	simm.s32 $0x1BF5;
	[smem:$0x3FB2] =	sst s0  }
0x18: {  	s0 =	sld [smem:$0x3F95];
	_ =	swait.ge [sflag:s4], $0x0  }
0x19: {  	s7 =	sld [smem:$0x3F96]  }
0x1a: {  	s8 =	sadd.s32 $0xFFFFE003, lr  }
0x1b: {  	s9 =	sadd.s32 $0xFFFFFEF7, lr;
	s5 =	simm.s32 $0xFFFFFFFF;
	p2 =	slt.u32 s8, $0xFFFFF086  }
0x1c: {  	p1 =	slt.u32 s9, $0xF7A;
	s5 =	simm.s32 @!p2 $0x0  }
0x1d: {  	s5 =	simm.s32 @p1 $0x1;
	p0 =	seq.s32 s7, s2  }
0x1e: {  	s7 =	smul.u32 @!p0 $0xF7A, s2;
	p2 =	seq.s32 @!p0 s5, $0x0  }
0x1f: {  	s9 =	smul.u32 $0xF7A, s1;
	s8 =	simm.s32 @!p0 $0x1BF5;
	p2 =	por !p2, p0  }
0x20: {  	[sflag:s8] =	ssyncset.s32 @!p0 $0xFFFFF086;
	s6 =	sadd.s32 @!p0 s3, s7;
	s7 =	simm.s32 @!p0 $0x108  }
0x21: {  	s3 =	sadd.s32 s3, s9;
	s6 =	sadd.s32 @!p0 $0x88, s6;
	s7 =	simm.s32 @p2 $0x1082  }
0x22: {  	[simem:s7], [sflag:s8] =	dma.local @!p0 [hbm:s6], $0xF7A  }
0x23: {  	s9 =	sor.u32 $0xD0000000, s2;
	s6 =	simm.s32 $0x108;
	_ =	swait.ge @!p0 [sflag:s8], $0x0  }
0x24: {  	s3 =	sadd.s32 $0x88, s3;
	s6 =	simm.s32 @!p1 $0x1082;
	[sflag:s4] =	ssyncset.s32 $0xFFFFF086  }
0x25: {  	[simem:s6], [sflag:s4] =	dma.local [hbm:s3], $0xF7A  }
0x26: {  	[smem:$0x3F96] =	sst s1;
	(tag) =	ssettag s2;
	_ =	strace s9  }
0x27: {  	s1 =	sld [smem:$0x3FA6]  }
0x28: {  	s2 =	sld [smem:$0x3FA7]  }
0x29: {  	s4 =	sld [smem:$0x3FA9]  }
0x2a: {  	p0 =	seq.s32 s5, $0x0;
	s5 =	sld [smem:$0x3FAA]  }
0x2b: {  	s6 =	sld [smem:$0x3FAB]  }
0x2c: {  	s7 =	sld [smem:$0x3FAC]  }
0x2d: {  	s3 =	simm.s32 $0x108;
	s8 =	sld [smem:$0x3FAD]  }
0x2e: {  	s3 =	simm.s32 @!p0 $0x1082;
	s9 =	sld [smem:$0x3FAE]  }
0x2f: {  	lr =	sadd.s32 s0, s3;
	s0 =	sld [smem:$0x3FA5]  }
0x30: {  	s3 =	sld [smem:$0x3FA8]  }
0x31: {  	[smem:$0x3FB1] =	sst s10  }
0x32: {  	s10 =	sld [smem:$0x3FAF];
	_ =	sdelay $0x3  }
0x33: {  	p0 =	seq.s32 s10, $0x1;
	s10 =	sld [smem:$0x3FB1];
	_ =	sdelay $0x3  }
0x34: {  	[smem:$0x3FB1] =	sst s10  }
0x35: {  	s10 =	sld [smem:$0x3FB0];
	_ =	sdelay $0x3  }
0x36: {  	p1 =	seq.s32 s10, $0x1;
	s10 =	sld [smem:$0x3FB1];
	_ =	sdelay $0x3  }
0x37: {  	[smem:$0x3FB1] =	sst s10  }
0x38: {  	s10 =	sld [smem:$0x3FB2]  }
0x39: {  	_ = 	snop;
	(pc) =	sbr.ind lr, $3  }
0x3a: {  	_ = 	snop  }
0x3b: {  	_ = 	snop  }
0x3c: {  	p2 =	seq.s32 s10, $0x1;
	s10 =	sld [smem:$0x3FB1]  }
0x3d: {  	_ =	shalt  }
0x3e: {  	_ =	shalt  }
0x3f: {  	_ =	shalt  }
0x40: {  	_ =	shalt  }
0x41: {  	_ =	shalt  }
0x42: {  	_ =	shalt  }
0x43: {  	_ =	shalt  }
0x44: {  	_ =	shalt  }
0x45: {  	_ =	shalt  }
0x46: {  	_ =	shalt  }
0x47: {  	_ =	shalt  }
0x48: {  	_ =	shalt  }
0x49: {  	_ =	shalt  }
0x4a: {  	_ =	shalt  }
0x4b: {  	_ =	shalt  }
0x4c: {  	_ =	shalt  }
0x4d: {  	_ =	shalt  }
0x4e: {  	_ =	shalt  }
0x4f: {  	_ =	shalt  }
0x50: {  	_ =	shalt  }
0x51: {  	_ =	shalt  }
0x52: {  	_ =	shalt  }
0x53: {  	_ =	shalt  }
0x54: {  	_ =	shalt  }
0x55: {  	_ =	shalt  }
0x56: {  	_ =	shalt  }
0x57: {  	_ =	shalt  }
0x58: {  	_ =	shalt  }
0x59: {  	_ =	shalt  }
0x5a: {  	_ =	shalt  }
0x5b: {  	_ =	shalt  }
0x5c: {  	_ =	shalt  }
0x5d: {  	_ =	shalt  }
0x5e: {  	_ =	shalt  }
0x5f: {  	_ =	shalt  }
0x60: {  	_ =	shalt  }
0x61: {  	_ =	shalt  }
0x62: {  	_ =	shalt  }
0x63: {  	_ =	shalt  }
0x64: {  	_ =	shalt  }
0x65: {  	_ =	shalt  }
0x66: {  	_ =	shalt  }
0x67: {  	_ =	shalt  }
0x68: {  	_ =	shalt  }
0x69: {  	_ =	shalt  }
0x6a: {  	_ =	shalt  }
0x6b: {  	_ =	shalt  }
0x6c: {  	_ =	shalt  }
0x6d: {  	_ =	shalt  }
0x6e: {  	_ =	shalt  }
0x6f: {  	_ =	shalt  }
0x70: {  	_ =	shalt  }
0x71: {  	_ =	shalt  }
0x72: {  	_ =	shalt  }
0x73: {  	_ =	shalt  }
0x74: {  	_ =	shalt  }
0x75: {  	_ =	shalt  }
0x76: {  	_ =	shalt  }
0x77: {  	_ =	shalt  }
0x78: {  	_ =	shalt  }
0x79: {  	_ =	shalt  }
0x7a: {  	_ =	shalt  }
0x7b: {  	_ =	shalt  }
0x7c: {  	_ =	shalt  }
0x7d: {  	_ =	shalt  }
0x7e: {  	_ =	shalt  }
0x7f: {  	_ =	shalt  }
0x80: {  	_ =	shalt  }
0x81: {  	_ =	shalt  }
0x82: {  	_ =	shalt  }
0x83: {  	_ =	shalt  }
0x84: {  	_ =	shalt  }
0x85: {  	_ =	shalt  }
0x86: {  	_ =	shalt  }
0x87: {  	_ =	shalt  }
.Lfunc_end0:
.L_simem_size_0:
called_computation.3_lowered:
.L_overlay_start_0:
0x88: {  	s2 =	sld [smem:$0x3FD9]  }
0x89: {  	s3 =	sld [smem:$0x3FFE];
	_ =	sdelay $0x1  }
0x8a: {  	s1 =	srdreg.scid  }
0x8b: {  	s0 =	sand.u32 $0x1, s1  }
0x8c: {  	s16 =	sshll.u32 s0, $0xA;
	s2 =	sadd.s32 s3, s2  }
0x8d: {  	s2 =	sadd.s32 s2, s16  }
0x8e: {  	[smem:$0x3FBD] =	sst s2  }
0x8f: {  	_ = 	snop  }
0x90: {  	(tm) =	ssettm $0x1  }
0x91: {  	s17 =	sld [smem:$0x3FFB];
	_ =	sdelay $0x3  }
0x92: {  	_ =	strace s17  }
0x93: {  	s2 =	sld [smem:$0x3FFC];
	_ =	sdelay $0x3  }
0x94: {  	_ =	strace s2  }
0x95: {  	s2 =	sld [smem:$0x3FFD];
	_ =	sdelay $0x3  }
0x96: {  	_ =	strace s2  }
0x97: {  	_ =	strace $0x8FFFFFFF  }
0x98: {  	s18 =	sld [smem:$0x3FDB];
	_ =	sdelay $0x1  }
0x99: {  	s19 =	simm.s32 $_scs_section_size  }
0x9a: {  	s4 =	simm.s32 $_size__tile_overlayer_lowered;
	s5 =	simm.s32 $_tile_overlayer_lowered  }
0x9b: {  	s22 =	simm.s32 $0x1BFF;
	s21 =	sshll.u32 s5, $0x1;
	s2 =	sadd.s32 s19, s18  }
0x9c: {  	s6 =	simm.s32 $0x0;
	s20 =	sshll.u32 s4, $0x1;
	s4 =	sadd.s32 s21, s2  }
0x9d: {  	[timem:s6], [sflag:s22] =	dma.local [hbm:s4], s20  }
0x9e: {  	_ =	swait.ge [sflag:s22], s20  }
0x9f: {  	s3 =	ssub.s32 $0x0, s20;
	[sflag:s22] =	ssyncset.done $0x0  }
0xa0: {  	[sflag:s22] =	ssyncadd.s32 s3;
	_ =	sdelay $0x1  }
0xa1: {  	s23 =	simm.s32 $0x1B8B  }
0xa2: {  	_ =	swait.ge [sflag:s23], $0x1  }
0xa3: {  	[sflag:s23] =	ssyncset.done $0x0  }
0xa4: {  	s25 =	simm.s32 $0x1B8E;
	s24 =	sld [smem:$0x3FFE];
	[sflag:s23] =	ssyncadd.s32 $0xFFFFFFFF  }
0xa5: {  	s26 =	simm.s32 $execute0_lowered;
	[smem:$0x3FD2] =	sst s25  }
0xa6: {  	s4 =	sshll.u32 s26, $0x1;
	_ =	strace $0x8000004F;
	[dreg:$0x1] =	wrdreg $0xFFFFFFFF  }
0xa7: {  	s28 =	simm.s32 $_size_execute0_lowered;
	s2 =	sadd.s32 s2, s4;
	[dreg:$0x0] =	wrdreg $0x0  }
0xa8: {  	s4 =	sshll.u32 s28, $0x1;
	[dreg:$0x2] =	wrdreg s2  }
0xa9: {  	[dreg:$0x3] =	wrdreg s4  }
0xaa: {  	[dreg:$0x4] =	wrdreg $0xC0  }
0xab: {  	_ =	task [dreg:s6], $0x5FFFF  }
0xac: {  	[dreg:$0x1] =	wrdreg $0xFFFFFFFF  }
0xad: {  	[dreg:$0x0] =	wrdreg $0x60  }
0xae: {  	[dreg:$0x2] =	wrdreg s24  }
0xaf: {  	[dreg:$0x3] =	wrdreg $0x8E000  }
0xb0: {  	[dreg:$0x4] =	wrdreg $0x9  }
0xb1: {  	_ =	task.clear_ibuf [dreg:s6], $0x5FFFF;
	_ =	strace $0x9000004F  }
0xb2: {  	s29 =	simm.s32 $0x9;
	_ =	strace $0x80000051  }
0xb3: {  	_ =	swait.ge [sflag:s29], $0x1  }
0xb4: {  	[sflag:s29] =	ssyncadd.s32 $0xFFFFFFFF  }
0xb5: {  	_ =	strace $0x90000051  }
0xb6: {  	_ =	sfence  }
0xb7: {  	s30 =	sld [smem:$0x0];
	_ =	sdelay $0x2  }
0xb8: {  	s31 =	sshll.u32 s1, $0xD;
	s1 =	sshrl.u32 s1, $0x2  }
0xb9: {  	s3 =	sand.u32 $0x4000, s31;
	s1 =	sadd.s32 s1, s30  }
0xba: {  	s0 =	sor.u32 s3, s0;
	s1 =	sshll.u32 s1, $0x11  }
0xbb: {  	s0 =	sor.u32 s1, s0  }
0xbc: {  	s0 =	sadd.s32 $0x8F2B, s0  }
0xbd: {  	[sflag:s0] =	ssyncadd.remote.s32 $0x1  }
0xbe: {  	_ =	sfence.sel $0xFFFF  }
0xbf: {  	[dreg:$0x0] =	wrdreg $0xFFFFFFFF;
	(pc) =	sbr.abs _section_cstart, $3  }
0xc0: {  	[dreg:$0x1] =	wrdreg $0xFFFFFFFF  }
0xc1: {  	_ =	task.clear_ibuf [dreg:s6], $0x2FFFF;
	_ =	strace $0x9FFFFFFF  }
0xc2: {  	(tm) =	ssettm $0x7FFFFFFF  }
0xc3: {  	_ =	shalt  }
tec
execute0_lowered:
.L_overlay_start_1:
0x0: {  	(tag) =	ssettag $0x1  }
0x1: {  	s0 =	srdreg.scid  }
0x2: {  	s1 =	rddreg [dreg:$0x0];
	s12 =	stileid.u32  }
0x3: {  	s2 =	rddreg [dreg:$0x1];
	s30 =	simm.s32 $0x100;
	s29 =	simm.s32 $0x200  }
0x4: {  	s28 =	simm.s32 $0x1;
	s31 =	simm.s32 $0x8;
	s7 =	smul.u32 $0x2800, s12  }
0x5: {  	s0 =	sand.u32 $0x1, s0;
	s5 =	sadd.s32 $0x17C00, s1;
	s11 =	smul.u32 $0x50000, s12  }
0x6: {  	s13 =	sadd.s32 $0x3FC00, s1;
	s26 =	sshll.u32 s12, $0x6;
	s9 =	smul.u32 $0x28000, s0  }
0x7: {  	s3 =	sshll.u32 s0, $0x4;
	s23 =	ssub.s32 $0x2, s0;
	s0 =	smul.u32 $0x27100, s0  }
0x8: {  	s4 =	sor.u32 s12, s3;
	s3 =	simm.s32 $0x0;
	s12 =	smul.u32 $0x2710, s12  }
0x9: {  	s24 =	sshrl.u32 s23, $0x1;
	s25 =	sshrl.u32 s11, $0x2;
	s6 =	smul.u32 $0x2710, s4  }
0xa: {  	[smem:$0x7FF] =	sst s3;
	s4 =	sadd.s32 $0x4000, s1;
	s7 =	sadd.s32 s7, s9  }
0xb: {  	s9 =	ssub.s32 s23, s24;
	s14 =	sadd.s32 s25, s2;
	_ =	strace $0x80000050  }
0xc: {  	[dreg:$0x3] =	wrdreg s13;
	s13 =	sor.u32 $0x1C0B, s26;
	s0 =	sadd.s32 s12, s0  }
0xd: {  	s20 =	smax.u32 s9, $0x1;
	s9 =	sshrl.u32 s14, $0x3;
	s8 =	sshrl.u32 s6, $0x3  }
0xe: {  	s11 =	sadd.s32 $0x28, s6;
	s6 =	sadd.s32 $0x78, s6;
	s18 =	sadd.s32 $0x168, s0  }
0xf: {  	[dreg:$0xc] =	wrdreg s20;
	s21 =	sadd.s32 $0x140, s0;
	s22 =	sadd.s32 $0x118, s0  }
0x10: {  	s23 =	sadd.s32 $0xF0, s0;
	s0 =	sadd.s32 $0xC8, s0;
	[dreg:$0x4] =	wrdreg s13  }
0x11: {  	[dreg:$0x12] =	wrdreg s9;
	s10 =	sadd.s32 s8, s1;
	s1 =	sadd.s32 s7, s1  }
0x12: {  	s15 =	sadd.s32 s4, s8;
	s16 =	sshrl.u32 s11, $0x3;
	[dreg:$0x11] =	wrdreg s0  }
0x13: {  	s6 =	sshrl.u32 s6, $0x3;
	s10 =	sadd.s32 $0xDE00, s10;
	[dreg:$0x6] =	wrdreg s15  }
0x14: {  	s19 =	sshrl.u32 s18, $0x3;
	s8 =	sadd.s32 s4, s16;
	[dreg:$0x5] =	wrdreg s10  }
0x15: {  	s24 =	sshrl.u32 s22, $0x3;
	s17 =	sadd.s32 $0xA, s15;
	[dreg:$0x7] =	wrdreg s8  }
0x16: {  	s25 =	sshrl.u32 s23, $0x3;
	s6 =	sadd.s32 s4, s6;
	[dreg:$0x8] =	wrdreg s17  }
0x17: {  	s22 =	simm.s32 $0xB;
	s7 =	sadd.s32 $0x14, s15;
	[dreg:$0x9] =	wrdreg s6  }
0x18: {  	s0 =	simm.s32 $0x5280;
	s1 =	sadd.s32 $0xE2400, s1;
	[dreg:$0xa] =	wrdreg s7  }
0x19: {  	s11 =	simm.s32 $0x0;
	s26 =	sadd.s32 s25, s4;
	[dreg:$0xb] =	wrdreg s1  }
0x1a: {  	s25 =	simm.s32 $0x280;
	s1 =	sadd.s32 s19, s4;
	[dreg:$0x10] =	wrdreg s26  }
0x1b: {  	s26 =	simm.s32 $0x6;
	[dreg:$0xd] =	wrdreg s1;
	s1 =	sshrl.u32 s21, $0x3  }
0x1c: {  	s6 =	simm.s32 $0x3;
	s8 =	simm.s32 $0xA;
	s1 =	sadd.s32 s1, s4  }
0x1d: {  	s10 =	simm.s32 $0x5;
	[dreg:$0xe] =	wrdreg s1;
	s1 =	sadd.s32 s24, s4  }
0x1e: {  	s24 =	simm.s32 $0x28;
	[dreg:$0xf] =	wrdreg s1;
	s1 =	simm.s32 $0x2A80  }
.LBB2_1:
0x1f: {  	[dreg:$0x13] =	wrdreg s11  }
0x20: {  	s7 =	rddreg [dreg:$0x3]  }
0x21: {  	[spmem:s9], [sflag:s13] =	dma.local [hbm:s7], $0x2800  }
0x22: {  	_ =	swait.ge [sflag:s22], $0x2800  }
0x23: {  	[sflag:s22] =	ssyncset.done $0x0  }
0x24: {  	s21 =	simm.s32 $0x6680;
	s20 =	rddreg [dreg:$0x5];
	[sflag:s22] =	ssyncadd.s32 $0xFFFFD800  }
0x25: {  	[tilespmem:s21], [sflag:$0xB] =	stream.linear.gather [hbm4b:s20+s3], $0x2710, $0x38;
	[tilespmem:$0x1CE00] =	vst v63  }
0x26: {  	_ =	swait.ge [sflag:s22], $0x2710  }
0x27: {  	[sflag:s22] =	ssyncset.done $0x0  }
0x28: {  	[sflag:s22] =	ssyncadd.s32 $0xFFFFD8F0  }
0x29: {  	[bflag:$0x0] =	sbarrier.arrive $0xFFFF  }
0x2a: {  	s23 =	rddreg [dreg:$0x6]  }
0x2b: {  	[tilespmem:s3], [sflag:$0x6] =	stream.linear.gather [hbm4b:s23+s3], $0x28, $0x38;
	[tilespmem:$0x1CE00] =	vst v63  }
0x2c: {  	_ = 	snop  }
0x2d: {  	[tilespmem:s25], [sflag:$0x1] =	stream.indirect.gather [hbm4b:s5+s24], $0x80, s21, s24, $0xb8;
	[tilespmem:$0x1CE00] =	vst v63  }
0x2e: {  	s12 =	simm.s32 $0x80;
	s11 =	rddreg [dreg:$0x7]  }
0x2f: {  	[tilespmem:s12], [sflag:$0x7] =	stream.linear.gather [hbm4b:s11+s3], $0x28, $0x38;
	[tilespmem:$0x1CE00] =	vst v63  }
0x30: {  	s14 =	simm.s32 $0x1680;
	s13 =	simm.s32 $0x66A8;
	s15 =	rddreg [dreg:$0x8]  }
0x31: {  	[tilespmem:s14], [sflag:$0x2] =	stream.indirect.gather [hbm4b:s5+s24], $0x80, s13, s24, $0xb8;
	[tilespmem:$0x1CE00] =	vst v63  }
0x32: {  	s17 =	rddreg [dreg:$0x9]  }
0x33: {  	[tilespmem:s30], [sflag:$0x8] =	stream.linear.gather [hbm4b:s15+s3], $0x28, $0x38;
	[tilespmem:$0x1CE00] =	vst v63  }
0x34: {  	s16 =	simm.s32 $0x66D0;
	s21 =	rddreg [dreg:$0xa]  }
0x35: {  	[tilespmem:s1], [sflag:$0x3] =	stream.indirect.gather [hbm4b:s5+s24], $0x80, s16, s24, $0xb8;
	[tilespmem:$0x1CE00] =	vst v63  }
0x36: {  	s18 =	simm.s32 $0x180;
	s16 =	rddreg [dreg:$0xd]  }
0x37: {  	[tilespmem:s18], [sflag:$0x9] =	stream.linear.gather [hbm4b:s17+s3], $0x28, $0x38;
	[tilespmem:$0x1CE00] =	vst v63  }
0x38: {  	s18 =	rddreg [dreg:$0xf]  }
0x39: {  	s19 =	simm.s32 $0x66F8;
	s20 =	simm.s32 $0x3E80;
	s17 =	rddreg [dreg:$0xe]  }
0x3a: {  	[tilespmem:s20], [sflag:$0x4] =	stream.indirect.gather [hbm4b:s5+s24], $0x80, s19, s24, $0xb8;
	[tilespmem:$0x1CE00] =	vst v63  }
0x3b: {  	s20 =	rddreg [dreg:$0x11]  }
0x3c: {  	[tilespmem:s29], [sflag:$0xA] =	stream.linear.gather [hbm4b:s21+s3], $0x28, $0x38;
	[tilespmem:$0x1CE00] =	vst v63  }
0x3d: {  	s9 =	simm.s32 $0x0;
	s23 =	simm.s32 $0x6720;
	s19 =	rddreg [dreg:$0x10]  }
0x3e: {  	[tilespmem:s0], [sflag:$0x5] =	stream.indirect.gather [hbm4b:s5+s24], $0x80, s23, s24, $0xb8;
	[tilespmem:$0x1CE00] =	vst v63  }
.LBB2_2:
0x3f: {  	_ =	swait.ge [sflag:s26], $0x28  }
0x40: {  	[sflag:s26] =	ssyncset.done $0x0  }
0x41: {  	[sflag:s26] =	ssyncadd.s32 $0xFFFFFFD8  }
0x42: {  	_ =	swait.ge [sflag:s28], $0x1400  }
0x43: {  	[sflag:s28] =	ssyncset.done $0x0  }
0x44: {  	[sflag:s28] =	ssyncadd.s32 $0xFFFFEC00  }
0x45: {  	[spmem:s2] =	stream.indirect.scatter.add.f32 [tilespmem:s25], [sflag:$0xB], $0x80, s3, s24, $0xb8;
	[tilespmem:$0x1CE00] =	vst v63  }
0x46: {  	_ =	swait.ge [sflag:s22], $0x1400  }
0x47: {  	p0 =	seq.s32 s9, $0x9920;
	[sflag:s22] =	ssyncset.done $0x0  }
0x48: {  	s14 =	simm.s32 @p0 $0x7;
	[sflag:s22] =	ssyncadd.s32 $0xFFFFEC00  }
0x49: {  	_ =	swait.ge @p0 [sflag:s14], $0x28  }
0x4a: {  	[sflag:s14] =	ssyncset.done @p0 $0x0  }
0x4b: {  	[sflag:s14] =	ssyncadd.s32 @p0 $0xFFFFFFD8;
	s14 =	simm.s32 @p0 $0x2  }
0x4c: {  	_ =	swait.ge @p0 [sflag:s14], $0x1400  }
0x4d: {  	s13 =	simm.s32 @p0 $0x28;
	s15 =	simm.s32 @p0 $0x1680;
	[sflag:s14] =	ssyncset.done @p0 $0x0  }
0x4e: {  	s12 =	simm.s32 @p0 $0xB;
	[sflag:s14] =	ssyncadd.s32 @p0 $0xFFFFEC00;
	s14 =	simm.s32 @p0 $0x80  }
0x4f: {  	[spmem:s2] =	stream.indirect.scatter.add.f32 @p0 [tilespmem:s15], [sflag:$0xB], $0x80, s14, s13, $0xb8;
	[tilespmem:$0x1CE00] =	vst v63  }
0x50: {  	_ =	swait.ge @p0 [sflag:s12], $0x1400  }
0x51: {  	s23 =	sshra.s32 @!p0 s9, $0x2;
	s14 =	sshrl.u32 @!p0 s20, $0x3;
	[sflag:s12] =	ssyncset.done @p0 $0x0  }
0x52: {  	s15 =	simm.s32 @!p0 $0x0;
	s14 =	sadd.s32 @!p0 s4, s14;
	[sflag:s12] =	ssyncadd.s32 @p0 $0xFFFFEC00  }
0x53: {  	[tilespmem:s15], [sflag:$0x6] =	stream.linear.gather @!p0 [hbm4b:s14+s15], $0x28, $0x38;
	[tilespmem:$0x1CE00] =	vst v63  }
0x54: {  	s21 =	simm.s32 @!p0 $0x280;
	s7 =	sadd.s32 @!p0 $0x6748, s23;
	s14 =	simm.s32 @!p0 $0x28  }
0x55: {  	[tilespmem:s21], [sflag:$0x1] =	stream.indirect.gather @!p0 [hbm4b:s5+s14], $0x80, s7, s14, $0xb8;
	[tilespmem:$0x1CE00] =	vst v63  }
0x56: {  	s7 =	simm.s32 @!p0 $0x7  }
0x57: {  	_ =	swait.ge @!p0 [sflag:s7], $0x28  }
0x58: {  	[sflag:s7] =	ssyncset.done @!p0 $0x0  }
0x59: {  	[sflag:s7] =	ssyncadd.s32 @!p0 $0xFFFFFFD8;
	s7 =	simm.s32 @!p0 $0x2  }
0x5a: {  	_ =	swait.ge @!p0 [sflag:s7], $0x1400  }
0x5b: {  	s11 =	simm.s32 @!p0 $0xB;
	[sflag:s7] =	ssyncset.done @!p0 $0x0  }
0x5c: {  	s21 =	simm.s32 @!p0 $0x1680;
	[sflag:s7] =	ssyncadd.s32 @!p0 $0xFFFFEC00;
	s7 =	simm.s32 @!p0 $0x80  }
0x5d: {  	[spmem:s2] =	stream.indirect.scatter.add.f32 @!p0 [tilespmem:s21], [sflag:$0xB], $0x80, s7, s14, $0xb8;
	[tilespmem:$0x1CE00] =	vst v63  }
0x5e: {  	_ =	swait.ge @!p0 [sflag:s11], $0x1400  }
0x5f: {  	[sflag:s11] =	ssyncset.done @!p0 $0x0  }
0x60: {  	[sflag:s11] =	ssyncadd.s32 @!p0 $0xFFFFEC00  }
0x61: {  	[tilespmem:s7], [sflag:$0x7] =	stream.linear.gather @!p0 [hbm4b:s19+s15], $0x28, $0x38;
	[tilespmem:$0x1CE00] =	vst v63  }
0x62: {  	s7 =	sadd.s32 @!p0 $0x6770, s23  }
0x63: {  	[tilespmem:s21], [sflag:$0x2] =	stream.indirect.gather @!p0 [hbm4b:s5+s14], $0x80, s7, s14, $0xb8;
	[tilespmem:$0x1CE00] =	vst v63  }
0x64: {  	_ =	swait.ge [sflag:s31], $0x28  }
0x65: {  	[sflag:s31] =	ssyncset.done $0x0  }
0x66: {  	[sflag:s31] =	ssyncadd.s32 $0xFFFFFFD8  }
0x67: {  	_ =	swait.ge [sflag:s6], $0x1400  }
0x68: {  	[sflag:s6] =	ssyncset.done $0x0  }
0x69: {  	[sflag:s6] =	ssyncadd.s32 $0xFFFFEC00  }
0x6a: {  	[spmem:s2] =	stream.indirect.scatter.add.f32 [tilespmem:s1], [sflag:$0xB], $0x80, s30, s24, $0xb8;
	[tilespmem:$0x1CE00] =	vst v63  }
0x6b: {  	_ =	swait.ge [sflag:s22], $0x1400  }
0x6c: {  	[sflag:s22] =	ssyncset.done $0x0  }
0x6d: {  	s7 =	simm.s32 @p0 $0x9;
	[sflag:s22] =	ssyncadd.s32 $0xFFFFEC00  }
0x6e: {  	_ =	swait.ge @p0 [sflag:s7], $0x28  }
0x6f: {  	[sflag:s7] =	ssyncset.done @p0 $0x0  }
0x70: {  	[sflag:s7] =	ssyncadd.s32 @p0 $0xFFFFFFD8;
	s7 =	simm.s32 @p0 $0x4  }
0x71: {  	_ =	swait.ge @p0 [sflag:s7], $0x1400  }
0x72: {  	[sflag:s7] =	ssyncset.done @p0 $0x0  }
0x73: {  	s21 =	simm.s32 @p0 $0x3E80;
	[sflag:s7] =	ssyncadd.s32 @p0 $0xFFFFEC00;
	s7 =	simm.s32 @p0 $0x180  }
0x74: {  	[spmem:s2] =	stream.indirect.scatter.add.f32 @p0 [tilespmem:s21], [sflag:$0xB], $0x80, s7, s13, $0xb8;
	[tilespmem:$0x1CE00] =	vst v63  }
0x75: {  	_ =	swait.ge @p0 [sflag:s12], $0x1400  }
0x76: {  	[sflag:s12] =	ssyncset.done @p0 $0x0  }
0x77: {  	s7 =	simm.s32 @!p0 $0x100;
	[sflag:s12] =	ssyncadd.s32 @p0 $0xFFFFEC00  }
0x78: {  	[tilespmem:s7], [sflag:$0x8] =	stream.linear.gather @!p0 [hbm4b:s18+s15], $0x28, $0x38;
	[tilespmem:$0x1CE00] =	vst v63  }
0x79: {  	s12 =	simm.s32 @!p0 $0x2A80;
	s7 =	sadd.s32 @!p0 $0x6798, s23  }
0x7a: {  	[tilespmem:s12], [sflag:$0x3] =	stream.indirect.gather @!p0 [hbm4b:s5+s14], $0x80, s7, s14, $0xb8;
	[tilespmem:$0x1CE00] =	vst v63  }
0x7b: {  	s7 =	simm.s32 @!p0 $0x9  }
0x7c: {  	_ =	swait.ge @!p0 [sflag:s7], $0x28  }
0x7d: {  	[sflag:s7] =	ssyncset.done @!p0 $0x0  }
0x7e: {  	[sflag:s7] =	ssyncadd.s32 @!p0 $0xFFFFFFD8;
	s7 =	simm.s32 @!p0 $0x4  }
0x7f: {  	_ =	swait.ge @!p0 [sflag:s7], $0x1400  }
0x80: {  	[sflag:s7] =	ssyncset.done @!p0 $0x0  }
0x81: {  	s12 =	simm.s32 @!p0 $0x3E80;
	[sflag:s7] =	ssyncadd.s32 @!p0 $0xFFFFEC00;
	s7 =	simm.s32 @!p0 $0x180  }
0x82: {  	[spmem:s2] =	stream.indirect.scatter.add.f32 @!p0 [tilespmem:s12], [sflag:$0xB], $0x80, s7, s14, $0xb8;
	[tilespmem:$0x1CE00] =	vst v63  }
0x83: {  	_ =	swait.ge @!p0 [sflag:s11], $0x1400  }
0x84: {  	[sflag:s11] =	ssyncset.done @!p0 $0x0  }
0x85: {  	[sflag:s11] =	ssyncadd.s32 @!p0 $0xFFFFEC00  }
0x86: {  	[tilespmem:s7], [sflag:$0x9] =	stream.linear.gather @!p0 [hbm4b:s17+s15], $0x28, $0x38;
	[tilespmem:$0x1CE00] =	vst v63  }
0x87: {  	s7 =	sadd.s32 @!p0 $0x67C0, s23  }
0x88: {  	[tilespmem:s12], [sflag:$0x4] =	stream.indirect.gather @!p0 [hbm4b:s5+s14], $0x80, s7, s14, $0xb8;
	[tilespmem:$0x1CE00] =	vst v63  }
0x89: {  	_ =	swait.ge [sflag:s8], $0x28  }
0x8a: {  	[sflag:s8] =	ssyncset.done $0x0  }
0x8b: {  	[sflag:s8] =	ssyncadd.s32 $0xFFFFFFD8  }
0x8c: {  	s9 =	sadd.s32 @!p0 $0x320, s9;
	_ =	swait.ge [sflag:s10], $0x1400  }
0x8d: {  	p1 =	sne.s32 @!p0 s9, $0x9C40;
	[sflag:s10] =	ssyncset.done $0x0  }
0x8e: {  	p1 =	por p0, !p1;
	[sflag:s10] =	ssyncadd.s32 $0xFFFFEC00  }
0x8f: {  	[spmem:s2] =	stream.indirect.scatter.add.f32 [tilespmem:s0], [sflag:$0xB], $0x80, s29, s24, $0xb8;
	[tilespmem:$0x1CE00] =	vst v63  }
0x90: {  	s20 =	sadd.s32 @!p0 $0xC8, s20;
	s19 =	sadd.s32 @!p0 $0x19, s19;
	_ =	swait.ge [sflag:s22], $0x1400  }
.Ltmp0:
0x91: {  	s18 =	sadd.s32 @!p0 $0x19, s18;
	[sflag:s22] =	ssyncset.done $0x0;
	(pc) =	sbr.rel @!p1 .LBB2_2-.Ltmp0, $4  }
0x92: {  	s11 =	simm.s32 @!p0 $0x5280;
	s7 =	simm.s32 @!p0 $0x200;
	[sflag:s22] =	ssyncadd.s32 $0xFFFFEC00  }
0x93: {  	[tilespmem:s7], [sflag:$0xA] =	stream.linear.gather @!p0 [hbm4b:s16+s15], $0x28, $0x38;
	[tilespmem:$0x1CE00] =	vst v63  }
0x94: {  	s17 =	sadd.s32 @!p0 $0x19, s17;
	s7 =	sadd.s32 @!p0 $0x67E8, s23;
	s16 =	sadd.s32 @!p0 $0x19, s16  }
0x95: {  	[tilespmem:s11], [sflag:$0x5] =	stream.indirect.gather @!p0 [hbm4b:s5+s14], $0x80, s7, s14, $0xb8;
	[tilespmem:$0x1CE00] =	vst v63  }
0x96: {  	[bflag:$0x0] =	sbarrier.arrive $0xFFFF  }
0x97: {  	s13 =	rddreg [dreg:$0x4]  }
0x98: {  	s7 =	rddreg [dreg:$0xb]  }
0x99: {  	s9 =	rddreg [dreg:$0x12]  }
0x9a: {  	[hbm:s7], [sflag:s13] =	dma.local [spmem:s9], $0x2800  }
0x9b: {  	_ =	swait.ge [sflag:s22], $0x2800  }
0x9c: {  	s11 =	rddreg [dreg:$0x13]  }
0x9d: {  	s23 =	rddreg [dreg:$0xc];
	s11 =	sadd.s32 $0x1, s11  }
0x9e: {  	p0 =	sne.s32 s11, s23  }
.Ltmp1:
0x9f: {  	_ = 	snop;
	(pc) =	sbr.rel @p0 .LBB2_1-.Ltmp1, $3  }
0xa0: {  	_ =	sdelay $0x1  }
0xa1: {  	[sflag:s22] =	ssyncset.done $0x0  }
0xa2: {  	[sflag:s22] =	ssyncadd.s32 $0xFFFFD800  }
0xa3: {  	_ =	sfence.sel $0x180000  }
0xa4: {  	[bflag:$0x0] =	sbarrier.arrive $0xFFFF  }
0xa5: {  	_ =	strace $0x90000050  }
0xa6: {  	s0 =	stileid.u32;
	[bflag:$0x2] =	sbarrier.arrive $0xFFFF  }
0xa7: {  	p0 =	sne.s32 s0, $0x0;
	s0 =	rddreg [dreg:$0x2]  }
0xa8: {  	s0 =	sadd.s32 @!p0 $0x100000, s0  }
0xa9: {  	[sflag:s0] =	ssyncadd.tile.s32 @!p0 $0x1;
	_ =	shalt  }
.Lfunc_end2:
_tile_overlayer_lowered:
.L_overlay_start_2:
0xaa: {  	(tag) =	ssettag $0x2  }
0xab: {  	s0 =	rddreg [dreg:$0x0];
	s2 =	stileid.u32  }
0xac: {  	s1 =	rddreg [dreg:$0x1];
	p0 =	sne.s32 s2, $0x0  }
0xad: {  	s3 =	rddreg [dreg:$0x2];
	[bflag:$0x3] =	sbarrier.arrive $0xFFFF;
	s2 =	simm.s32 @!p0 $0x1C0B  }
0xae: {  	[timem:s3], [sflag:s2] =	dma.local @!p0 [hbm:s0], s1  }
0xaf: {  	s0 =	simm.s32 @!p0 $0xB  }
0xb0: {  	_ =	swait.ge @!p0 [sflag:s0], s1  }
0xb1: {  	s1 =	ssub.s32 @!p0 $0x0, s1;
	[sflag:s0] =	ssyncset.done @!p0 $0x0  }
0xb2: {  	[sflag:s0] =	ssyncadd.s32 @!p0 s1  }
0xb3: {  	[bflag:$0x3] =	sbarrier.arrive $0xFFFF  }
0xb4: {  	_ =	shalt  }

// kernel: kernel.26.cloned.1.call-start
scs
__scs_entry_jumppad:
0x0: {  	(pc) =	sbr.rel $0x88, $3  }
0x1: {  	(tag) =	ssettag $0x0;
	lr =	simm.s32 $0x1  }
0x2: {  	[smem:$0x3F96] =	sst lr;
	_ =	strace $0xD0000000  }
0x3: {  	_ = 	snop  }
0x4: {  	_ = 	snop  }
0x5: {  	_ = 	snop  }
0x6: {  	_ = 	snop  }
0x7: {  	_ = 	snop  }
__scs_overlays_trampoline_lowered:
0x8: {  	[smem:$0x3FA5] =	sst s0  }
0x9: {  	[smem:$0x3FA6] =	sst s1  }
0xa: {  	[smem:$0x3FA7] =	sst s2  }
0xb: {  	[smem:$0x3FA8] =	sst s3  }
0xc: {  	[smem:$0x3FA9] =	sst s4  }
0xd: {  	[smem:$0x3FAA] =	sst s5  }
0xe: {  	[smem:$0x3FAB] =	sst s6  }
0xf: {  	[smem:$0x3FAC] =	sst s7  }
0x10: {  	[smem:$0x3FAD] =	sst s8  }
0x11: {  	[smem:$0x3FAE] =	sst s9;
	s0 =	simm.s32 @!p0 $0x0  }
0x12: {  	s1 =	sld [smem:$0x3F94];
	s0 =	simm.s32 @p0 $0x1  }
0x13: {  	[smem:$0x3FAF] =	sst s0;
	s0 =	simm.s32 @!p1 $0x0  }
0x14: {  	s2 =	sld [smem:$0x3F93];
	s0 =	simm.s32 @p1 $0x1  }
0x15: {  	[smem:$0x3FB0] =	sst s0;
	s0 =	simm.s32 @!p2 $0x0  }
0x16: {  	s3 =	sld [smem:$0x3FDB];
	s0 =	simm.s32 @p2 $0x1  }
0x17: {  	s4 =	simm.s32 $0x1BF5;
	[smem:$0x3FB2] =	sst s0  }
0x18: {  	s0 =	sld [smem:$0x3F95];
	_ =	swait.ge [sflag:s4], $0x0  }
0x19: {  	s7 =	sld [smem:$0x3F96]  }
0x1a: {  	s8 =	sadd.s32 $0xFFFFE003, lr  }
0x1b: {  	s9 =	sadd.s32 $0xFFFFFEF7, lr;
	s5 =	simm.s32 $0xFFFFFFFF;
	p2 =	slt.u32 s8, $0xFFFFF086  }
0x1c: {  	p1 =	slt.u32 s9, $0xF7A;
	s5 =	simm.s32 @!p2 $0x0  }
0x1d: {  	s5 =	simm.s32 @p1 $0x1;
	p0 =	seq.s32 s7, s2  }
0x1e: {  	s7 =	smul.u32 @!p0 $0xF7A, s2;
	p2 =	seq.s32 @!p0 s5, $0x0  }
0x1f: {  	s9 =	smul.u32 $0xF7A, s1;
	s8 =	simm.s32 @!p0 $0x1BF5;
	p2 =	por !p2, p0  }
0x20: {  	[sflag:s8] =	ssyncset.s32 @!p0 $0xFFFFF086;
	s6 =	sadd.s32 @!p0 s3, s7;
	s7 =	simm.s32 @!p0 $0x108  }
0x21: {  	s3 =	sadd.s32 s3, s9;
	s6 =	sadd.s32 @!p0 $0x88, s6;
	s7 =	simm.s32 @p2 $0x1082  }
0x22: {  	[simem:s7], [sflag:s8] =	dma.local @!p0 [hbm:s6], $0xF7A  }
0x23: {  	s9 =	sor.u32 $0xD0000000, s2;
	s6 =	simm.s32 $0x108;
	_ =	swait.ge @!p0 [sflag:s8], $0x0  }
0x24: {  	s3 =	sadd.s32 $0x88, s3;
	s6 =	simm.s32 @!p1 $0x1082;
	[sflag:s4] =	ssyncset.s32 $0xFFFFF086  }
0x25: {  	[simem:s6], [sflag:s4] =	dma.local [hbm:s3], $0xF7A  }
0x26: {  	[smem:$0x3F96] =	sst s1;
	(tag) =	ssettag s2;
	_ =	strace s9  }
0x27: {  	s1 =	sld [smem:$0x3FA6]  }
0x28: {  	s2 =	sld [smem:$0x3FA7]  }
0x29: {  	s4 =	sld [smem:$0x3FA9]  }
0x2a: {  	p0 =	seq.s32 s5, $0x0;
	s5 =	sld [smem:$0x3FAA]  }
0x2b: {  	s6 =	sld [smem:$0x3FAB]  }
0x2c: {  	s7 =	sld [smem:$0x3FAC]  }
0x2d: {  	s3 =	simm.s32 $0x108;
	s8 =	sld [smem:$0x3FAD]  }
0x2e: {  	s3 =	simm.s32 @!p0 $0x1082;
	s9 =	sld [smem:$0x3FAE]  }
0x2f: {  	lr =	sadd.s32 s0, s3;
	s0 =	sld [smem:$0x3FA5]  }
0x30: {  	s3 =	sld [smem:$0x3FA8]  }
0x31: {  	[smem:$0x3FB1] =	sst s10  }
0x32: {  	s10 =	sld [smem:$0x3FAF];
	_ =	sdelay $0x3  }
0x33: {  	p0 =	seq.s32 s10, $0x1;
	s10 =	sld [smem:$0x3FB1];
	_ =	sdelay $0x3  }
0x34: {  	[smem:$0x3FB1] =	sst s10  }
0x35: {  	s10 =	sld [smem:$0x3FB0];
	_ =	sdelay $0x3  }
0x36: {  	p1 =	seq.s32 s10, $0x1;
	s10 =	sld [smem:$0x3FB1];
	_ =	sdelay $0x3  }
0x37: {  	[smem:$0x3FB1] =	sst s10  }
0x38: {  	s10 =	sld [smem:$0x3FB2]  }
0x39: {  	_ = 	snop;
	(pc) =	sbr.ind lr, $3  }
0x3a: {  	_ = 	snop  }
0x3b: {  	_ = 	snop  }
0x3c: {  	p2 =	seq.s32 s10, $0x1;
	s10 =	sld [smem:$0x3FB1]  }
0x3d: {  	_ =	shalt  }
0x3e: {  	_ =	shalt  }
0x3f: {  	_ =	shalt  }
0x40: {  	_ =	shalt  }
0x41: {  	_ =	shalt  }
0x42: {  	_ =	shalt  }
0x43: {  	_ =	shalt  }
0x44: {  	_ =	shalt  }
0x45: {  	_ =	shalt  }
0x46: {  	_ =	shalt  }
0x47: {  	_ =	shalt  }
0x48: {  	_ =	shalt  }
0x49: {  	_ =	shalt  }
0x4a: {  	_ =	shalt  }
0x4b: {  	_ =	shalt  }
0x4c: {  	_ =	shalt  }
0x4d: {  	_ =	shalt  }
0x4e: {  	_ =	shalt  }
0x4f: {  	_ =	shalt  }
0x50: {  	_ =	shalt  }
0x51: {  	_ =	shalt  }
0x52: {  	_ =	shalt  }
0x53: {  	_ =	shalt  }
0x54: {  	_ =	shalt  }
0x55: {  	_ =	shalt  }
0x56: {  	_ =	shalt  }
0x57: {  	_ =	shalt  }
0x58: {  	_ =	shalt  }
0x59: {  	_ =	shalt  }
0x5a: {  	_ =	shalt  }
0x5b: {  	_ =	shalt  }
0x5c: {  	_ =	shalt  }
0x5d: {  	_ =	shalt  }
0x5e: {  	_ =	shalt  }
0x5f: {  	_ =	shalt  }
0x60: {  	_ =	shalt  }
0x61: {  	_ =	shalt  }
0x62: {  	_ =	shalt  }
0x63: {  	_ =	shalt  }
0x64: {  	_ =	shalt  }
0x65: {  	_ =	shalt  }
0x66: {  	_ =	shalt  }
0x67: {  	_ =	shalt  }
0x68: {  	_ =	shalt  }
0x69: {  	_ =	shalt  }
0x6a: {  	_ =	shalt  }
0x6b: {  	_ =	shalt  }
0x6c: {  	_ =	shalt  }
0x6d: {  	_ =	shalt  }
0x6e: {  	_ =	shalt  }
0x6f: {  	_ =	shalt  }
0x70: {  	_ =	shalt  }
0x71: {  	_ =	shalt  }
0x72: {  	_ =	shalt  }
0x73: {  	_ =	shalt  }
0x74: {  	_ =	shalt  }
0x75: {  	_ =	shalt  }
0x76: {  	_ =	shalt  }
0x77: {  	_ =	shalt  }
0x78: {  	_ =	shalt  }
0x79: {  	_ =	shalt  }
0x7a: {  	_ =	shalt  }
0x7b: {  	_ =	shalt  }
0x7c: {  	_ =	shalt  }
0x7d: {  	_ =	shalt  }
0x7e: {  	_ =	shalt  }
0x7f: {  	_ =	shalt  }
0x80: {  	_ =	shalt  }
0x81: {  	_ =	shalt  }
0x82: {  	_ =	shalt  }
0x83: {  	_ =	shalt  }
0x84: {  	_ =	shalt  }
0x85: {  	_ =	shalt  }
0x86: {  	_ =	shalt  }
0x87: {  	_ =	shalt  }
.Lfunc_end0:
.L_simem_size_0:
called_computation.4_lowered:
.L_overlay_start_0:
0x88: {  	s2 =	sld [smem:$0x3FD9]  }
0x89: {  	s3 =	sld [smem:$0x3FFE];
	_ =	sdelay $0x1  }
0x8a: {  	s1 =	srdreg.scid  }
0x8b: {  	s0 =	sand.u32 $0x1, s1  }
0x8c: {  	s16 =	sshll.u32 s0, $0xA;
	s2 =	sadd.s32 s3, s2  }
0x8d: {  	s2 =	sadd.s32 s2, s16  }
0x8e: {  	[smem:$0x3FBD] =	sst s2  }
0x8f: {  	_ = 	snop  }
0x90: {  	(tm) =	ssettm $0x1  }
0x91: {  	s17 =	sld [smem:$0x3FFB];
	_ =	sdelay $0x3  }
0x92: {  	_ =	strace s17  }
0x93: {  	s2 =	sld [smem:$0x3FFC];
	_ =	sdelay $0x3  }
0x94: {  	_ =	strace s2  }
0x95: {  	s2 =	sld [smem:$0x3FFD];
	_ =	sdelay $0x3  }
0x96: {  	_ =	strace s2  }
0x97: {  	_ =	strace $0x8FFFFFFF  }
0x98: {  	s18 =	sld [smem:$0x3FDB];
	_ =	sdelay $0x1  }
0x99: {  	s19 =	simm.s32 $_scs_section_size  }
0x9a: {  	s4 =	simm.s32 $_size__tile_overlayer_lowered;
	s5 =	simm.s32 $_tile_overlayer_lowered  }
0x9b: {  	s22 =	simm.s32 $0x1BFF;
	s21 =	sshll.u32 s5, $0x1;
	s2 =	sadd.s32 s19, s18  }
0x9c: {  	s6 =	simm.s32 $0x0;
	s20 =	sshll.u32 s4, $0x1;
	s4 =	sadd.s32 s21, s2  }
0x9d: {  	[timem:s6], [sflag:s22] =	dma.local [hbm:s4], s20  }
0x9e: {  	_ =	swait.ge [sflag:s22], s20  }
0x9f: {  	s3 =	ssub.s32 $0x0, s20;
	[sflag:s22] =	ssyncset.done $0x0  }
0xa0: {  	[sflag:s22] =	ssyncadd.s32 s3;
	_ =	sdelay $0x1  }
0xa1: {  	s23 =	simm.s32 $0x1B8B  }
0xa2: {  	_ =	swait.ge [sflag:s23], $0x1  }
0xa3: {  	[sflag:s23] =	ssyncset.done $0x0  }
0xa4: {  	s25 =	simm.s32 $0x1B8E;
	s24 =	sld [smem:$0x3FFE];
	[sflag:s23] =	ssyncadd.s32 $0xFFFFFFFF  }
0xa5: {  	s26 =	simm.s32 $execute0_lowered;
	[smem:$0x3FD2] =	sst s25  }
0xa6: {  	s4 =	sshll.u32 s26, $0x1;
	_ =	strace $0x80000052;
	[dreg:$0x1] =	wrdreg $0xFFFFFFFF  }
0xa7: {  	s28 =	simm.s32 $_size_execute0_lowered;
	s2 =	sadd.s32 s2, s4;
	[dreg:$0x0] =	wrdreg $0x0  }
0xa8: {  	s4 =	sshll.u32 s28, $0x1;
	[dreg:$0x2] =	wrdreg s2  }
0xa9: {  	[dreg:$0x3] =	wrdreg s4  }
0xaa: {  	[dreg:$0x4] =	wrdreg $0xC0  }
0xab: {  	_ =	task [dreg:s6], $0x5FFFF  }
0xac: {  	[dreg:$0x1] =	wrdreg $0xFFFFFFFF  }
0xad: {  	[dreg:$0x0] =	wrdreg $0x60  }
0xae: {  	[dreg:$0x2] =	wrdreg s24  }
0xaf: {  	[dreg:$0x3] =	wrdreg $0x8E000  }
0xb0: {  	[dreg:$0x4] =	wrdreg $0x9  }
0xb1: {  	_ =	task.clear_ibuf [dreg:s6], $0x5FFFF;
	_ =	strace $0x90000052  }
0xb2: {  	s29 =	simm.s32 $0x9;
	_ =	strace $0x80000054  }
0xb3: {  	_ =	swait.ge [sflag:s29], $0x1  }
0xb4: {  	[sflag:s29] =	ssyncadd.s32 $0xFFFFFFFF  }
0xb5: {  	_ =	strace $0x90000054  }
0xb6: {  	_ =	sfence  }
0xb7: {  	s30 =	sld [smem:$0x0];
	_ =	sdelay $0x2  }
0xb8: {  	s31 =	sshll.u32 s1, $0xD;
	s1 =	sshrl.u32 s1, $0x2  }
0xb9: {  	s3 =	sand.u32 $0x4000, s31;
	s1 =	sadd.s32 s1, s30  }
0xba: {  	s0 =	sor.u32 s3, s0;
	s1 =	sshll.u32 s1, $0x11  }
0xbb: {  	s0 =	sor.u32 s1, s0  }
0xbc: {  	s0 =	sadd.s32 $0x8F2B, s0  }
0xbd: {  	[sflag:s0] =	ssyncadd.remote.s32 $0x1  }
0xbe: {  	_ =	sfence.sel $0xFFFF  }
0xbf: {  	[dreg:$0x0] =	wrdreg $0xFFFFFFFF;
	(pc) =	sbr.abs _section_cstart, $3  }
0xc0: {  	[dreg:$0x1] =	wrdreg $0xFFFFFFFF  }
0xc1: {  	_ =	task.clear_ibuf [dreg:s6], $0x2FFFF;
	_ =	strace $0x9FFFFFFF  }
0xc2: {  	(tm) =	ssettm $0x7FFFFFFF  }
0xc3: {  	_ =	shalt  }
tec
execute0_lowered:
.L_overlay_start_1:
0x0: {  	(tag) =	ssettag $0x1  }
0x1: {  	s0 =	srdreg.scid  }
0x2: {  	s1 =	rddreg [dreg:$0x0];
	s12 =	stileid.u32  }
0x3: {  	s2 =	rddreg [dreg:$0x1];
	s30 =	simm.s32 $0x100;
	s29 =	simm.s32 $0x200  }
0x4: {  	s28 =	simm.s32 $0x1;
	s31 =	simm.s32 $0x8;
	s7 =	smul.u32 $0x2800, s12  }
0x5: {  	s0 =	sand.u32 $0x1, s0;
	s5 =	sadd.s32 $0x17C00, s1;
	s11 =	smul.u32 $0x50000, s12  }
0x6: {  	s13 =	sadd.s32 $0x3FC00, s1;
	s26 =	sshll.u32 s12, $0x6;
	s9 =	smul.u32 $0x28000, s0  }
0x7: {  	s3 =	sshll.u32 s0, $0x4;
	s23 =	ssub.s32 $0x2, s0;
	s0 =	smul.u32 $0x27100, s0  }
0x8: {  	s4 =	sor.u32 s12, s3;
	s3 =	simm.s32 $0x0;
	s12 =	smul.u32 $0x2710, s12  }
0x9: {  	s24 =	sshrl.u32 s23, $0x1;
	s25 =	sshrl.u32 s11, $0x2;
	s6 =	smul.u32 $0x2710, s4  }
0xa: {  	[smem:$0x7FF] =	sst s3;
	s4 =	sadd.s32 $0x4000, s1;
	s7 =	sadd.s32 s7, s9  }
0xb: {  	s9 =	ssub.s32 s23, s24;
	s14 =	sadd.s32 s25, s2;
	_ =	strace $0x80000053  }
0xc: {  	[dreg:$0x3] =	wrdreg s13;
	s13 =	sor.u32 $0x1C0B, s26;
	s0 =	sadd.s32 s12, s0  }
0xd: {  	s20 =	smax.u32 s9, $0x1;
	s9 =	sshrl.u32 s14, $0x3;
	s8 =	sshrl.u32 s6, $0x3  }
0xe: {  	s11 =	sadd.s32 $0x28, s6;
	s6 =	sadd.s32 $0x78, s6;
	s18 =	sadd.s32 $0x168, s0  }
0xf: {  	[dreg:$0xc] =	wrdreg s20;
	s21 =	sadd.s32 $0x140, s0;
	s22 =	sadd.s32 $0x118, s0  }
0x10: {  	s23 =	sadd.s32 $0xF0, s0;
	s0 =	sadd.s32 $0xC8, s0;
	[dreg:$0x4] =	wrdreg s13  }
0x11: {  	[dreg:$0x12] =	wrdreg s9;
	s10 =	sadd.s32 s8, s1;
	s1 =	sadd.s32 s7, s1  }
0x12: {  	s15 =	sadd.s32 s4, s8;
	s16 =	sshrl.u32 s11, $0x3;
	[dreg:$0x11] =	wrdreg s0  }
0x13: {  	s6 =	sshrl.u32 s6, $0x3;
	s10 =	sadd.s32 $0xDE00, s10;
	[dreg:$0x6] =	wrdreg s15  }
0x14: {  	s19 =	sshrl.u32 s18, $0x3;
	s8 =	sadd.s32 s4, s16;
	[dreg:$0x5] =	wrdreg s10  }
0x15: {  	s24 =	sshrl.u32 s22, $0x3;
	s17 =	sadd.s32 $0xA, s15;
	[dreg:$0x7] =	wrdreg s8  }
0x16: {  	s25 =	sshrl.u32 s23, $0x3;
	s6 =	sadd.s32 s4, s6;
	[dreg:$0x8] =	wrdreg s17  }
0x17: {  	s22 =	simm.s32 $0xB;
	s7 =	sadd.s32 $0x14, s15;
	[dreg:$0x9] =	wrdreg s6  }
0x18: {  	s0 =	simm.s32 $0x5280;
	s1 =	sadd.s32 $0x42400, s1;
	[dreg:$0xa] =	wrdreg s7  }
0x19: {  	s11 =	simm.s32 $0x0;
	s26 =	sadd.s32 s25, s4;
	[dreg:$0xb] =	wrdreg s1  }
0x1a: {  	s25 =	simm.s32 $0x280;
	s1 =	sadd.s32 s19, s4;
	[dreg:$0x10] =	wrdreg s26  }
0x1b: {  	s26 =	simm.s32 $0x6;
	[dreg:$0xd] =	wrdreg s1;
	s1 =	sshrl.u32 s21, $0x3  }
0x1c: {  	s6 =	simm.s32 $0x3;
	s8 =	simm.s32 $0xA;
	s1 =	sadd.s32 s1, s4  }
0x1d: {  	s10 =	simm.s32 $0x5;
	[dreg:$0xe] =	wrdreg s1;
	s1 =	sadd.s32 s24, s4  }
0x1e: {  	s24 =	simm.s32 $0x28;
	[dreg:$0xf] =	wrdreg s1;
	s1 =	simm.s32 $0x2A80  }
.LBB2_1:
0x1f: {  	[dreg:$0x13] =	wrdreg s11  }
0x20: {  	s7 =	rddreg [dreg:$0x3]  }
0x21: {  	[spmem:s9], [sflag:s13] =	dma.local [hbm:s7], $0x2800  }
0x22: {  	_ =	swait.ge [sflag:s22], $0x2800  }
0x23: {  	[sflag:s22] =	ssyncset.done $0x0  }
0x24: {  	s21 =	simm.s32 $0x6680;
	s20 =	rddreg [dreg:$0x5];
	[sflag:s22] =	ssyncadd.s32 $0xFFFFD800  }
0x25: {  	[tilespmem:s21], [sflag:$0xB] =	stream.linear.gather [hbm4b:s20+s3], $0x2710, $0x38;
	[tilespmem:$0x1CE00] =	vst v63  }
0x26: {  	_ =	swait.ge [sflag:s22], $0x2710  }
0x27: {  	[sflag:s22] =	ssyncset.done $0x0  }
0x28: {  	[sflag:s22] =	ssyncadd.s32 $0xFFFFD8F0  }
0x29: {  	[bflag:$0x0] =	sbarrier.arrive $0xFFFF  }
0x2a: {  	s23 =	rddreg [dreg:$0x6]  }
0x2b: {  	[tilespmem:s3], [sflag:$0x6] =	stream.linear.gather [hbm4b:s23+s3], $0x28, $0x38;
	[tilespmem:$0x1CE00] =	vst v63  }
0x2c: {  	_ = 	snop  }
0x2d: {  	[tilespmem:s25], [sflag:$0x1] =	stream.indirect.gather [hbm4b:s5+s24], $0x80, s21, s24, $0xb8;
	[tilespmem:$0x1CE00] =	vst v63  }
0x2e: {  	s12 =	simm.s32 $0x80;
	s11 =	rddreg [dreg:$0x7]  }
0x2f: {  	[tilespmem:s12], [sflag:$0x7] =	stream.linear.gather [hbm4b:s11+s3], $0x28, $0x38;
	[tilespmem:$0x1CE00] =	vst v63  }
0x30: {  	s14 =	simm.s32 $0x1680;
	s13 =	simm.s32 $0x66A8;
	s15 =	rddreg [dreg:$0x8]  }
0x31: {  	[tilespmem:s14], [sflag:$0x2] =	stream.indirect.gather [hbm4b:s5+s24], $0x80, s13, s24, $0xb8;
	[tilespmem:$0x1CE00] =	vst v63  }
0x32: {  	s17 =	rddreg [dreg:$0x9]  }
0x33: {  	[tilespmem:s30], [sflag:$0x8] =	stream.linear.gather [hbm4b:s15+s3], $0x28, $0x38;
	[tilespmem:$0x1CE00] =	vst v63  }
0x34: {  	s16 =	simm.s32 $0x66D0;
	s21 =	rddreg [dreg:$0xa]  }
0x35: {  	[tilespmem:s1], [sflag:$0x3] =	stream.indirect.gather [hbm4b:s5+s24], $0x80, s16, s24, $0xb8;
	[tilespmem:$0x1CE00] =	vst v63  }
0x36: {  	s18 =	simm.s32 $0x180;
	s16 =	rddreg [dreg:$0xd]  }
0x37: {  	[tilespmem:s18], [sflag:$0x9] =	stream.linear.gather [hbm4b:s17+s3], $0x28, $0x38;
	[tilespmem:$0x1CE00] =	vst v63  }
0x38: {  	s18 =	rddreg [dreg:$0xf]  }
0x39: {  	s19 =	simm.s32 $0x66F8;
	s20 =	simm.s32 $0x3E80;
	s17 =	rddreg [dreg:$0xe]  }
0x3a: {  	[tilespmem:s20], [sflag:$0x4] =	stream.indirect.gather [hbm4b:s5+s24], $0x80, s19, s24, $0xb8;
	[tilespmem:$0x1CE00] =	vst v63  }
0x3b: {  	s20 =	rddreg [dreg:$0x11]  }
0x3c: {  	[tilespmem:s29], [sflag:$0xA] =	stream.linear.gather [hbm4b:s21+s3], $0x28, $0x38;
	[tilespmem:$0x1CE00] =	vst v63  }
0x3d: {  	s9 =	simm.s32 $0x0;
	s23 =	simm.s32 $0x6720;
	s19 =	rddreg [dreg:$0x10]  }
0x3e: {  	[tilespmem:s0], [sflag:$0x5] =	stream.indirect.gather [hbm4b:s5+s24], $0x80, s23, s24, $0xb8;
	[tilespmem:$0x1CE00] =	vst v63  }
.LBB2_2:
0x3f: {  	_ =	swait.ge [sflag:s26], $0x28  }
0x40: {  	[sflag:s26] =	ssyncset.done $0x0  }
0x41: {  	[sflag:s26] =	ssyncadd.s32 $0xFFFFFFD8  }
0x42: {  	_ =	swait.ge [sflag:s28], $0x1400  }
0x43: {  	[sflag:s28] =	ssyncset.done $0x0  }
0x44: {  	[sflag:s28] =	ssyncadd.s32 $0xFFFFEC00  }
0x45: {  	[spmem:s2] =	stream.indirect.scatter.add.f32 [tilespmem:s25], [sflag:$0xB], $0x80, s3, s24, $0xb8;
	[tilespmem:$0x1CE00] =	vst v63  }
0x46: {  	_ =	swait.ge [sflag:s22], $0x1400  }
0x47: {  	p0 =	seq.s32 s9, $0x9920;
	[sflag:s22] =	ssyncset.done $0x0  }
0x48: {  	s14 =	simm.s32 @p0 $0x7;
	[sflag:s22] =	ssyncadd.s32 $0xFFFFEC00  }
0x49: {  	_ =	swait.ge @p0 [sflag:s14], $0x28  }
0x4a: {  	[sflag:s14] =	ssyncset.done @p0 $0x0  }
0x4b: {  	[sflag:s14] =	ssyncadd.s32 @p0 $0xFFFFFFD8;
	s14 =	simm.s32 @p0 $0x2  }
0x4c: {  	_ =	swait.ge @p0 [sflag:s14], $0x1400  }
0x4d: {  	s13 =	simm.s32 @p0 $0x28;
	s15 =	simm.s32 @p0 $0x1680;
	[sflag:s14] =	ssyncset.done @p0 $0x0  }
0x4e: {  	s12 =	simm.s32 @p0 $0xB;
	[sflag:s14] =	ssyncadd.s32 @p0 $0xFFFFEC00;
	s14 =	simm.s32 @p0 $0x80  }
0x4f: {  	[spmem:s2] =	stream.indirect.scatter.add.f32 @p0 [tilespmem:s15], [sflag:$0xB], $0x80, s14, s13, $0xb8;
	[tilespmem:$0x1CE00] =	vst v63  }
0x50: {  	_ =	swait.ge @p0 [sflag:s12], $0x1400  }
0x51: {  	s23 =	sshra.s32 @!p0 s9, $0x2;
	s14 =	sshrl.u32 @!p0 s20, $0x3;
	[sflag:s12] =	ssyncset.done @p0 $0x0  }
0x52: {  	s15 =	simm.s32 @!p0 $0x0;
	s14 =	sadd.s32 @!p0 s4, s14;
	[sflag:s12] =	ssyncadd.s32 @p0 $0xFFFFEC00  }
0x53: {  	[tilespmem:s15], [sflag:$0x6] =	stream.linear.gather @!p0 [hbm4b:s14+s15], $0x28, $0x38;
	[tilespmem:$0x1CE00] =	vst v63  }
0x54: {  	s21 =	simm.s32 @!p0 $0x280;
	s7 =	sadd.s32 @!p0 $0x6748, s23;
	s14 =	simm.s32 @!p0 $0x28  }
0x55: {  	[tilespmem:s21], [sflag:$0x1] =	stream.indirect.gather @!p0 [hbm4b:s5+s14], $0x80, s7, s14, $0xb8;
	[tilespmem:$0x1CE00] =	vst v63  }
0x56: {  	s7 =	simm.s32 @!p0 $0x7  }
0x57: {  	_ =	swait.ge @!p0 [sflag:s7], $0x28  }
0x58: {  	[sflag:s7] =	ssyncset.done @!p0 $0x0  }
0x59: {  	[sflag:s7] =	ssyncadd.s32 @!p0 $0xFFFFFFD8;
	s7 =	simm.s32 @!p0 $0x2  }
0x5a: {  	_ =	swait.ge @!p0 [sflag:s7], $0x1400  }
0x5b: {  	s11 =	simm.s32 @!p0 $0xB;
	[sflag:s7] =	ssyncset.done @!p0 $0x0  }
0x5c: {  	s21 =	simm.s32 @!p0 $0x1680;
	[sflag:s7] =	ssyncadd.s32 @!p0 $0xFFFFEC00;
	s7 =	simm.s32 @!p0 $0x80  }
0x5d: {  	[spmem:s2] =	stream.indirect.scatter.add.f32 @!p0 [tilespmem:s21], [sflag:$0xB], $0x80, s7, s14, $0xb8;
	[tilespmem:$0x1CE00] =	vst v63  }
0x5e: {  	_ =	swait.ge @!p0 [sflag:s11], $0x1400  }
0x5f: {  	[sflag:s11] =	ssyncset.done @!p0 $0x0  }
0x60: {  	[sflag:s11] =	ssyncadd.s32 @!p0 $0xFFFFEC00  }
0x61: {  	[tilespmem:s7], [sflag:$0x7] =	stream.linear.gather @!p0 [hbm4b:s19+s15], $0x28, $0x38;
	[tilespmem:$0x1CE00] =	vst v63  }
0x62: {  	s7 =	sadd.s32 @!p0 $0x6770, s23  }
0x63: {  	[tilespmem:s21], [sflag:$0x2] =	stream.indirect.gather @!p0 [hbm4b:s5+s14], $0x80, s7, s14, $0xb8;
	[tilespmem:$0x1CE00] =	vst v63  }
0x64: {  	_ =	swait.ge [sflag:s31], $0x28  }
0x65: {  	[sflag:s31] =	ssyncset.done $0x0  }
0x66: {  	[sflag:s31] =	ssyncadd.s32 $0xFFFFFFD8  }
0x67: {  	_ =	swait.ge [sflag:s6], $0x1400  }
0x68: {  	[sflag:s6] =	ssyncset.done $0x0  }
0x69: {  	[sflag:s6] =	ssyncadd.s32 $0xFFFFEC00  }
0x6a: {  	[spmem:s2] =	stream.indirect.scatter.add.f32 [tilespmem:s1], [sflag:$0xB], $0x80, s30, s24, $0xb8;
	[tilespmem:$0x1CE00] =	vst v63  }
0x6b: {  	_ =	swait.ge [sflag:s22], $0x1400  }
0x6c: {  	[sflag:s22] =	ssyncset.done $0x0  }
0x6d: {  	s7 =	simm.s32 @p0 $0x9;
	[sflag:s22] =	ssyncadd.s32 $0xFFFFEC00  }
0x6e: {  	_ =	swait.ge @p0 [sflag:s7], $0x28  }
0x6f: {  	[sflag:s7] =	ssyncset.done @p0 $0x0  }
0x70: {  	[sflag:s7] =	ssyncadd.s32 @p0 $0xFFFFFFD8;
	s7 =	simm.s32 @p0 $0x4  }
0x71: {  	_ =	swait.ge @p0 [sflag:s7], $0x1400  }
0x72: {  	[sflag:s7] =	ssyncset.done @p0 $0x0  }
0x73: {  	s21 =	simm.s32 @p0 $0x3E80;
	[sflag:s7] =	ssyncadd.s32 @p0 $0xFFFFEC00;
	s7 =	simm.s32 @p0 $0x180  }
0x74: {  	[spmem:s2] =	stream.indirect.scatter.add.f32 @p0 [tilespmem:s21], [sflag:$0xB], $0x80, s7, s13, $0xb8;
	[tilespmem:$0x1CE00] =	vst v63  }
0x75: {  	_ =	swait.ge @p0 [sflag:s12], $0x1400  }
0x76: {  	[sflag:s12] =	ssyncset.done @p0 $0x0  }
0x77: {  	s7 =	simm.s32 @!p0 $0x100;
	[sflag:s12] =	ssyncadd.s32 @p0 $0xFFFFEC00  }
0x78: {  	[tilespmem:s7], [sflag:$0x8] =	stream.linear.gather @!p0 [hbm4b:s18+s15], $0x28, $0x38;
	[tilespmem:$0x1CE00] =	vst v63  }
0x79: {  	s12 =	simm.s32 @!p0 $0x2A80;
	s7 =	sadd.s32 @!p0 $0x6798, s23  }
0x7a: {  	[tilespmem:s12], [sflag:$0x3] =	stream.indirect.gather @!p0 [hbm4b:s5+s14], $0x80, s7, s14, $0xb8;
	[tilespmem:$0x1CE00] =	vst v63  }
0x7b: {  	s7 =	simm.s32 @!p0 $0x9  }
0x7c: {  	_ =	swait.ge @!p0 [sflag:s7], $0x28  }
0x7d: {  	[sflag:s7] =	ssyncset.done @!p0 $0x0  }
0x7e: {  	[sflag:s7] =	ssyncadd.s32 @!p0 $0xFFFFFFD8;
	s7 =	simm.s32 @!p0 $0x4  }
0x7f: {  	_ =	swait.ge @!p0 [sflag:s7], $0x1400  }
0x80: {  	[sflag:s7] =	ssyncset.done @!p0 $0x0  }
0x81: {  	s12 =	simm.s32 @!p0 $0x3E80;
	[sflag:s7] =	ssyncadd.s32 @!p0 $0xFFFFEC00;
	s7 =	simm.s32 @!p0 $0x180  }
0x82: {  	[spmem:s2] =	stream.indirect.scatter.add.f32 @!p0 [tilespmem:s12], [sflag:$0xB], $0x80, s7, s14, $0xb8;
	[tilespmem:$0x1CE00] =	vst v63  }
0x83: {  	_ =	swait.ge @!p0 [sflag:s11], $0x1400  }
0x84: {  	[sflag:s11] =	ssyncset.done @!p0 $0x0  }
0x85: {  	[sflag:s11] =	ssyncadd.s32 @!p0 $0xFFFFEC00  }
0x86: {  	[tilespmem:s7], [sflag:$0x9] =	stream.linear.gather @!p0 [hbm4b:s17+s15], $0x28, $0x38;
	[tilespmem:$0x1CE00] =	vst v63  }
0x87: {  	s7 =	sadd.s32 @!p0 $0x67C0, s23  }
0x88: {  	[tilespmem:s12], [sflag:$0x4] =	stream.indirect.gather @!p0 [hbm4b:s5+s14], $0x80, s7, s14, $0xb8;
	[tilespmem:$0x1CE00] =	vst v63  }
0x89: {  	_ =	swait.ge [sflag:s8], $0x28  }
0x8a: {  	[sflag:s8] =	ssyncset.done $0x0  }
0x8b: {  	[sflag:s8] =	ssyncadd.s32 $0xFFFFFFD8  }
0x8c: {  	s9 =	sadd.s32 @!p0 $0x320, s9;
	_ =	swait.ge [sflag:s10], $0x1400  }
0x8d: {  	p1 =	sne.s32 @!p0 s9, $0x9C40;
	[sflag:s10] =	ssyncset.done $0x0  }
0x8e: {  	p1 =	por p0, !p1;
	[sflag:s10] =	ssyncadd.s32 $0xFFFFEC00  }
0x8f: {  	[spmem:s2] =	stream.indirect.scatter.add.f32 [tilespmem:s0], [sflag:$0xB], $0x80, s29, s24, $0xb8;
	[tilespmem:$0x1CE00] =	vst v63  }
0x90: {  	s20 =	sadd.s32 @!p0 $0xC8, s20;
	s19 =	sadd.s32 @!p0 $0x19, s19;
	_ =	swait.ge [sflag:s22], $0x1400  }
.Ltmp0:
0x91: {  	s18 =	sadd.s32 @!p0 $0x19, s18;
	[sflag:s22] =	ssyncset.done $0x0;
	(pc) =	sbr.rel @!p1 .LBB2_2-.Ltmp0, $4  }
0x92: {  	s11 =	simm.s32 @!p0 $0x5280;
	s7 =	simm.s32 @!p0 $0x200;
	[sflag:s22] =	ssyncadd.s32 $0xFFFFEC00  }
0x93: {  	[tilespmem:s7], [sflag:$0xA] =	stream.linear.gather @!p0 [hbm4b:s16+s15], $0x28, $0x38;
	[tilespmem:$0x1CE00] =	vst v63  }
0x94: {  	s17 =	sadd.s32 @!p0 $0x19, s17;
	s7 =	sadd.s32 @!p0 $0x67E8, s23;
	s16 =	sadd.s32 @!p0 $0x19, s16  }
0x95: {  	[tilespmem:s11], [sflag:$0x5] =	stream.indirect.gather @!p0 [hbm4b:s5+s14], $0x80, s7, s14, $0xb8;
	[tilespmem:$0x1CE00] =	vst v63  }
0x96: {  	[bflag:$0x0] =	sbarrier.arrive $0xFFFF  }
0x97: {  	s13 =	rddreg [dreg:$0x4]  }
0x98: {  	s7 =	rddreg [dreg:$0xb]  }
0x99: {  	s9 =	rddreg [dreg:$0x12]  }
0x9a: {  	[hbm:s7], [sflag:s13] =	dma.local [spmem:s9], $0x2800  }
0x9b: {  	_ =	swait.ge [sflag:s22], $0x2800  }
0x9c: {  	s11 =	rddreg [dreg:$0x13]  }
0x9d: {  	s23 =	rddreg [dreg:$0xc];
	s11 =	sadd.s32 $0x1, s11  }
0x9e: {  	p0 =	sne.s32 s11, s23  }
.Ltmp1:
0x9f: {  	_ = 	snop;
	(pc) =	sbr.rel @p0 .LBB2_1-.Ltmp1, $3  }
0xa0: {  	_ =	sdelay $0x1  }
0xa1: {  	[sflag:s22] =	ssyncset.done $0x0  }
0xa2: {  	[sflag:s22] =	ssyncadd.s32 $0xFFFFD800  }
0xa3: {  	_ =	sfence.sel $0x180000  }
0xa4: {  	[bflag:$0x0] =	sbarrier.arrive $0xFFFF  }
0xa5: {  	_ =	strace $0x90000053  }
0xa6: {  	s0 =	stileid.u32;
	[bflag:$0x2] =	sbarrier.arrive $0xFFFF  }
0xa7: {  	p0 =	sne.s32 s0, $0x0;
	s0 =	rddreg [dreg:$0x2]  }
0xa8: {  	s0 =	sadd.s32 @!p0 $0x100000, s0  }
0xa9: {  	[sflag:s0] =	ssyncadd.tile.s32 @!p0 $0x1;
	_ =	shalt  }
.Lfunc_end2:
_tile_overlayer_lowered:
.L_overlay_start_2:
0xaa: {  	(tag) =	ssettag $0x2  }
0xab: {  	s0 =	rddreg [dreg:$0x0];
	s2 =	stileid.u32  }
0xac: {  	s1 =	rddreg [dreg:$0x1];
	p0 =	sne.s32 s2, $0x0  }
0xad: {  	s3 =	rddreg [dreg:$0x2];
	[bflag:$0x3] =	sbarrier.arrive $0xFFFF;
	s2 =	simm.s32 @!p0 $0x1C0B  }
0xae: {  	[timem:s3], [sflag:s2] =	dma.local @!p0 [hbm:s0], s1  }
0xaf: {  	s0 =	simm.s32 @!p0 $0xB  }
0xb0: {  	_ =	swait.ge @!p0 [sflag:s0], s1  }
0xb1: {  	s1 =	ssub.s32 @!p0 $0x0, s1;
	[sflag:s0] =	ssyncset.done @!p0 $0x0  }
0xb2: {  	[sflag:s0] =	ssyncadd.s32 @!p0 s1  }
0xb3: {  	[bflag:$0x3] =	sbarrier.arrive $0xFFFF  }
0xb4: {  	_ =	shalt  }

// kernel: kernel.29.cloned.1.call-start
scs
__scs_entry_jumppad:
0x0: {  	(pc) =	sbr.rel $0x88, $3  }
0x1: {  	(tag) =	ssettag $0x0;
	lr =	simm.s32 $0x1  }
0x2: {  	[smem:$0x3F96] =	sst lr;
	_ =	strace $0xD0000000  }
0x3: {  	_ = 	snop  }
0x4: {  	_ = 	snop  }
0x5: {  	_ = 	snop  }
0x6: {  	_ = 	snop  }
0x7: {  	_ = 	snop  }
__scs_overlays_trampoline_lowered:
0x8: {  	[smem:$0x3FA5] =	sst s0  }
0x9: {  	[smem:$0x3FA6] =	sst s1  }
0xa: {  	[smem:$0x3FA7] =	sst s2  }
0xb: {  	[smem:$0x3FA8] =	sst s3  }
0xc: {  	[smem:$0x3FA9] =	sst s4  }
0xd: {  	[smem:$0x3FAA] =	sst s5  }
0xe: {  	[smem:$0x3FAB] =	sst s6  }
0xf: {  	[smem:$0x3FAC] =	sst s7  }
0x10: {  	[smem:$0x3FAD] =	sst s8  }
0x11: {  	[smem:$0x3FAE] =	sst s9;
	s0 =	simm.s32 @!p0 $0x0  }
0x12: {  	s1 =	sld [smem:$0x3F94];
	s0 =	simm.s32 @p0 $0x1  }
0x13: {  	[smem:$0x3FAF] =	sst s0;
	s0 =	simm.s32 @!p1 $0x0  }
0x14: {  	s2 =	sld [smem:$0x3F93];
	s0 =	simm.s32 @p1 $0x1  }
0x15: {  	[smem:$0x3FB0] =	sst s0;
	s0 =	simm.s32 @!p2 $0x0  }
0x16: {  	s3 =	sld [smem:$0x3FDB];
	s0 =	simm.s32 @p2 $0x1  }
0x17: {  	s4 =	simm.s32 $0x1BF5;
	[smem:$0x3FB2] =	sst s0  }
0x18: {  	s0 =	sld [smem:$0x3F95];
	_ =	swait.ge [sflag:s4], $0x0  }
0x19: {  	s7 =	sld [smem:$0x3F96]  }
0x1a: {  	s8 =	sadd.s32 $0xFFFFE003, lr  }
0x1b: {  	s9 =	sadd.s32 $0xFFFFFEF7, lr;
	s5 =	simm.s32 $0xFFFFFFFF;
	p2 =	slt.u32 s8, $0xFFFFF086  }
0x1c: {  	p1 =	slt.u32 s9, $0xF7A;
	s5 =	simm.s32 @!p2 $0x0  }
0x1d: {  	s5 =	simm.s32 @p1 $0x1;
	p0 =	seq.s32 s7, s2  }
0x1e: {  	s7 =	smul.u32 @!p0 $0xF7A, s2;
	p2 =	seq.s32 @!p0 s5, $0x0  }
0x1f: {  	s9 =	smul.u32 $0xF7A, s1;
	s8 =	simm.s32 @!p0 $0x1BF5;
	p2 =	por !p2, p0  }
0x20: {  	[sflag:s8] =	ssyncset.s32 @!p0 $0xFFFFF086;
	s6 =	sadd.s32 @!p0 s3, s7;
	s7 =	simm.s32 @!p0 $0x108  }
0x21: {  	s3 =	sadd.s32 s3, s9;
	s6 =	sadd.s32 @!p0 $0x88, s6;
	s7 =	simm.s32 @p2 $0x1082  }
0x22: {  	[simem:s7], [sflag:s8] =	dma.local @!p0 [hbm:s6], $0xF7A  }
0x23: {  	s9 =	sor.u32 $0xD0000000, s2;
	s6 =	simm.s32 $0x108;
	_ =	swait.ge @!p0 [sflag:s8], $0x0  }
0x24: {  	s3 =	sadd.s32 $0x88, s3;
	s6 =	simm.s32 @!p1 $0x1082;
	[sflag:s4] =	ssyncset.s32 $0xFFFFF086  }
0x25: {  	[simem:s6], [sflag:s4] =	dma.local [hbm:s3], $0xF7A  }
0x26: {  	[smem:$0x3F96] =	sst s1;
	(tag) =	ssettag s2;
	_ =	strace s9  }
0x27: {  	s1 =	sld [smem:$0x3FA6]  }
0x28: {  	s2 =	sld [smem:$0x3FA7]  }
0x29: {  	s4 =	sld [smem:$0x3FA9]  }
0x2a: {  	p0 =	seq.s32 s5, $0x0;
	s5 =	sld [smem:$0x3FAA]  }
0x2b: {  	s6 =	sld [smem:$0x3FAB]  }
0x2c: {  	s7 =	sld [smem:$0x3FAC]  }
0x2d: {  	s3 =	simm.s32 $0x108;
	s8 =	sld [smem:$0x3FAD]  }
0x2e: {  	s3 =	simm.s32 @!p0 $0x1082;
	s9 =	sld [smem:$0x3FAE]  }
0x2f: {  	lr =	sadd.s32 s0, s3;
	s0 =	sld [smem:$0x3FA5]  }
0x30: {  	s3 =	sld [smem:$0x3FA8]  }
0x31: {  	[smem:$0x3FB1] =	sst s10  }
0x32: {  	s10 =	sld [smem:$0x3FAF];
	_ =	sdelay $0x3  }
0x33: {  	p0 =	seq.s32 s10, $0x1;
	s10 =	sld [smem:$0x3FB1];
	_ =	sdelay $0x3  }
0x34: {  	[smem:$0x3FB1] =	sst s10  }
0x35: {  	s10 =	sld [smem:$0x3FB0];
	_ =	sdelay $0x3  }
0x36: {  	p1 =	seq.s32 s10, $0x1;
	s10 =	sld [smem:$0x3FB1];
	_ =	sdelay $0x3  }
0x37: {  	[smem:$0x3FB1] =	sst s10  }
0x38: {  	s10 =	sld [smem:$0x3FB2]  }
0x39: {  	_ = 	snop;
	(pc) =	sbr.ind lr, $3  }
0x3a: {  	_ = 	snop  }
0x3b: {  	_ = 	snop  }
0x3c: {  	p2 =	seq.s32 s10, $0x1;
	s10 =	sld [smem:$0x3FB1]  }
0x3d: {  	_ =	shalt  }
0x3e: {  	_ =	shalt  }
0x3f: {  	_ =	shalt  }
0x40: {  	_ =	shalt  }
0x41: {  	_ =	shalt  }
0x42: {  	_ =	shalt  }
0x43: {  	_ =	shalt  }
0x44: {  	_ =	shalt  }
0x45: {  	_ =	shalt  }
0x46: {  	_ =	shalt  }
0x47: {  	_ =	shalt  }
0x48: {  	_ =	shalt  }
0x49: {  	_ =	shalt  }
0x4a: {  	_ =	shalt  }
0x4b: {  	_ =	shalt  }
0x4c: {  	_ =	shalt  }
0x4d: {  	_ =	shalt  }
0x4e: {  	_ =	shalt  }
0x4f: {  	_ =	shalt  }
0x50: {  	_ =	shalt  }
0x51: {  	_ =	shalt  }
0x52: {  	_ =	shalt  }
0x53: {  	_ =	shalt  }
0x54: {  	_ =	shalt  }
0x55: {  	_ =	shalt  }
0x56: {  	_ =	shalt  }
0x57: {  	_ =	shalt  }
0x58: {  	_ =	shalt  }
0x59: {  	_ =	shalt  }
0x5a: {  	_ =	shalt  }
0x5b: {  	_ =	shalt  }
0x5c: {  	_ =	shalt  }
0x5d: {  	_ =	shalt  }
0x5e: {  	_ =	shalt  }
0x5f: {  	_ =	shalt  }
0x60: {  	_ =	shalt  }
0x61: {  	_ =	shalt  }
0x62: {  	_ =	shalt  }
0x63: {  	_ =	shalt  }
0x64: {  	_ =	shalt  }
0x65: {  	_ =	shalt  }
0x66: {  	_ =	shalt  }
0x67: {  	_ =	shalt  }
0x68: {  	_ =	shalt  }
0x69: {  	_ =	shalt  }
0x6a: {  	_ =	shalt  }
0x6b: {  	_ =	shalt  }
0x6c: {  	_ =	shalt  }
0x6d: {  	_ =	shalt  }
0x6e: {  	_ =	shalt  }
0x6f: {  	_ =	shalt  }
0x70: {  	_ =	shalt  }
0x71: {  	_ =	shalt  }
0x72: {  	_ =	shalt  }
0x73: {  	_ =	shalt  }
0x74: {  	_ =	shalt  }
0x75: {  	_ =	shalt  }
0x76: {  	_ =	shalt  }
0x77: {  	_ =	shalt  }
0x78: {  	_ =	shalt  }
0x79: {  	_ =	shalt  }
0x7a: {  	_ =	shalt  }
0x7b: {  	_ =	shalt  }
0x7c: {  	_ =	shalt  }
0x7d: {  	_ =	shalt  }
0x7e: {  	_ =	shalt  }
0x7f: {  	_ =	shalt  }
0x80: {  	_ =	shalt  }
0x81: {  	_ =	shalt  }
0x82: {  	_ =	shalt  }
0x83: {  	_ =	shalt  }
0x84: {  	_ =	shalt  }
0x85: {  	_ =	shalt  }
0x86: {  	_ =	shalt  }
0x87: {  	_ =	shalt  }
.Lfunc_end0:
.L_simem_size_0:
called_computation.5_lowered:
.L_overlay_start_0:
0x88: {  	s2 =	sld [smem:$0x3FD9]  }
0x89: {  	s3 =	sld [smem:$0x3FFE];
	_ =	sdelay $0x1  }
0x8a: {  	s1 =	srdreg.scid  }
0x8b: {  	s0 =	sand.u32 $0x1, s1  }
0x8c: {  	s16 =	sshll.u32 s0, $0xA;
	s2 =	sadd.s32 s3, s2  }
0x8d: {  	s2 =	sadd.s32 s2, s16  }
0x8e: {  	[smem:$0x3FBD] =	sst s2  }
0x8f: {  	_ = 	snop  }
0x90: {  	(tm) =	ssettm $0x1  }
0x91: {  	s17 =	sld [smem:$0x3FFB];
	_ =	sdelay $0x3  }
0x92: {  	_ =	strace s17  }
0x93: {  	s2 =	sld [smem:$0x3FFC];
	_ =	sdelay $0x3  }
0x94: {  	_ =	strace s2  }
0x95: {  	s2 =	sld [smem:$0x3FFD];
	_ =	sdelay $0x3  }
0x96: {  	_ =	strace s2  }
0x97: {  	_ =	strace $0x8FFFFFFF  }
0x98: {  	s18 =	sld [smem:$0x3FDB];
	_ =	sdelay $0x1  }
0x99: {  	s19 =	simm.s32 $_scs_section_size  }
0x9a: {  	s4 =	simm.s32 $_size__tile_overlayer_lowered;
	s5 =	simm.s32 $_tile_overlayer_lowered  }
0x9b: {  	s22 =	simm.s32 $0x1BFF;
	s21 =	sshll.u32 s5, $0x1;
	s2 =	sadd.s32 s19, s18  }
0x9c: {  	s6 =	simm.s32 $0x0;
	s20 =	sshll.u32 s4, $0x1;
	s4 =	sadd.s32 s21, s2  }
0x9d: {  	[timem:s6], [sflag:s22] =	dma.local [hbm:s4], s20  }
0x9e: {  	_ =	swait.ge [sflag:s22], s20  }
0x9f: {  	s3 =	ssub.s32 $0x0, s20;
	[sflag:s22] =	ssyncset.done $0x0  }
0xa0: {  	[sflag:s22] =	ssyncadd.s32 s3;
	_ =	sdelay $0x1  }
0xa1: {  	s23 =	simm.s32 $0x1B8B  }
0xa2: {  	_ =	swait.ge [sflag:s23], $0x1  }
0xa3: {  	[sflag:s23] =	ssyncset.done $0x0  }
0xa4: {  	s25 =	simm.s32 $0x1B8E;
	s24 =	sld [smem:$0x3FFE];
	[sflag:s23] =	ssyncadd.s32 $0xFFFFFFFF  }
0xa5: {  	s26 =	simm.s32 $execute0_lowered;
	[smem:$0x3FD2] =	sst s25  }
0xa6: {  	s4 =	sshll.u32 s26, $0x1;
	_ =	strace $0x80000055;
	[dreg:$0x1] =	wrdreg $0xFFFFFFFF  }
0xa7: {  	s28 =	simm.s32 $_size_execute0_lowered;
	s2 =	sadd.s32 s2, s4;
	[dreg:$0x0] =	wrdreg $0x0  }
0xa8: {  	s4 =	sshll.u32 s28, $0x1;
	[dreg:$0x2] =	wrdreg s2  }
0xa9: {  	[dreg:$0x3] =	wrdreg s4  }
0xaa: {  	[dreg:$0x4] =	wrdreg $0xC0  }
0xab: {  	_ =	task [dreg:s6], $0x5FFFF  }
0xac: {  	[dreg:$0x1] =	wrdreg $0xFFFFFFFF  }
0xad: {  	[dreg:$0x0] =	wrdreg $0x60  }
0xae: {  	[dreg:$0x2] =	wrdreg s24  }
0xaf: {  	[dreg:$0x3] =	wrdreg $0x8E000  }
0xb0: {  	[dreg:$0x4] =	wrdreg $0x9  }
0xb1: {  	_ =	task.clear_ibuf [dreg:s6], $0x5FFFF;
	_ =	strace $0x90000055  }
0xb2: {  	s29 =	simm.s32 $0x9;
	_ =	strace $0x80000057  }
0xb3: {  	_ =	swait.ge [sflag:s29], $0x1  }
0xb4: {  	[sflag:s29] =	ssyncadd.s32 $0xFFFFFFFF  }
0xb5: {  	_ =	strace $0x90000057  }
0xb6: {  	_ =	sfence  }
0xb7: {  	s30 =	sld [smem:$0x0];
	_ =	sdelay $0x2  }
0xb8: {  	s31 =	sshll.u32 s1, $0xD;
	s1 =	sshrl.u32 s1, $0x2  }
0xb9: {  	s3 =	sand.u32 $0x4000, s31;
	s1 =	sadd.s32 s1, s30  }
0xba: {  	s0 =	sor.u32 s3, s0;
	s1 =	sshll.u32 s1, $0x11  }
0xbb: {  	s0 =	sor.u32 s1, s0  }
0xbc: {  	s0 =	sadd.s32 $0x8F2B, s0  }
0xbd: {  	[sflag:s0] =	ssyncadd.remote.s32 $0x1  }
0xbe: {  	_ =	sfence.sel $0xFFFF  }
0xbf: {  	[dreg:$0x0] =	wrdreg $0xFFFFFFFF;
	(pc) =	sbr.abs _section_cstart, $3  }
0xc0: {  	[dreg:$0x1] =	wrdreg $0xFFFFFFFF  }
0xc1: {  	_ =	task.clear_ibuf [dreg:s6], $0x2FFFF;
	_ =	strace $0x9FFFFFFF  }
0xc2: {  	(tm) =	ssettm $0x7FFFFFFF  }
0xc3: {  	_ =	shalt  }
tec
execute0_lowered:
.L_overlay_start_1:
0x0: {  	(tag) =	ssettag $0x1  }
0x1: {  	s0 =	srdreg.scid  }
0x2: {  	s1 =	rddreg [dreg:$0x0];
	s12 =	stileid.u32  }
0x3: {  	s2 =	rddreg [dreg:$0x1];
	s30 =	simm.s32 $0x100;
	s29 =	simm.s32 $0x200  }
0x4: {  	s28 =	simm.s32 $0x1;
	s31 =	simm.s32 $0x8;
	s7 =	smul.u32 $0x2800, s12  }
0x5: {  	s0 =	sand.u32 $0x1, s0;
	s5 =	sadd.s32 $0x17C00, s1;
	s11 =	smul.u32 $0x50000, s12  }
0x6: {  	s13 =	sadd.s32 $0x3FC00, s1;
	s26 =	sshll.u32 s12, $0x6;
	s9 =	smul.u32 $0x28000, s0  }
0x7: {  	s3 =	sshll.u32 s0, $0x4;
	s23 =	ssub.s32 $0x2, s0;
	s0 =	smul.u32 $0x27100, s0  }
0x8: {  	s4 =	sor.u32 s12, s3;
	s3 =	simm.s32 $0x0;
	s12 =	smul.u32 $0x2710, s12  }
0x9: {  	s24 =	sshrl.u32 s23, $0x1;
	s25 =	sshrl.u32 s11, $0x2;
	s6 =	smul.u32 $0x2710, s4  }
0xa: {  	[smem:$0x7FF] =	sst s3;
	s4 =	sadd.s32 $0x4000, s1;
	s7 =	sadd.s32 s7, s9  }
0xb: {  	s9 =	ssub.s32 s23, s24;
	s14 =	sadd.s32 s25, s2;
	_ =	strace $0x80000056  }
0xc: {  	[dreg:$0x3] =	wrdreg s13;
	s13 =	sor.u32 $0x1C0B, s26;
	s0 =	sadd.s32 s12, s0  }
0xd: {  	s20 =	smax.u32 s9, $0x1;
	s9 =	sshrl.u32 s14, $0x3;
	s8 =	sshrl.u32 s6, $0x3  }
0xe: {  	s11 =	sadd.s32 $0x28, s6;
	s6 =	sadd.s32 $0x78, s6;
	s18 =	sadd.s32 $0x168, s0  }
0xf: {  	[dreg:$0xc] =	wrdreg s20;
	s21 =	sadd.s32 $0x140, s0;
	s22 =	sadd.s32 $0x118, s0  }
0x10: {  	s23 =	sadd.s32 $0xF0, s0;
	s0 =	sadd.s32 $0xC8, s0;
	[dreg:$0x4] =	wrdreg s13  }
0x11: {  	[dreg:$0x12] =	wrdreg s9;
	s10 =	sadd.s32 s8, s1;
	s1 =	sadd.s32 s7, s1  }
0x12: {  	s15 =	sadd.s32 s4, s8;
	s16 =	sshrl.u32 s11, $0x3;
	[dreg:$0x11] =	wrdreg s0  }
0x13: {  	s6 =	sshrl.u32 s6, $0x3;
	s10 =	sadd.s32 $0xDE00, s10;
	[dreg:$0x6] =	wrdreg s15  }
0x14: {  	s19 =	sshrl.u32 s18, $0x3;
	s8 =	sadd.s32 s4, s16;
	[dreg:$0x5] =	wrdreg s10  }
0x15: {  	s24 =	sshrl.u32 s22, $0x3;
	s17 =	sadd.s32 $0xA, s15;
	[dreg:$0x7] =	wrdreg s8  }
0x16: {  	s25 =	sshrl.u32 s23, $0x3;
	s6 =	sadd.s32 s4, s6;
	[dreg:$0x8] =	wrdreg s17  }
0x17: {  	s22 =	simm.s32 $0xB;
	s7 =	sadd.s32 $0x14, s15;
	[dreg:$0x9] =	wrdreg s6  }
0x18: {  	s0 =	simm.s32 $0x5280;
	s1 =	sadd.s32 $0x92400, s1;
	[dreg:$0xa] =	wrdreg s7  }
0x19: {  	s11 =	simm.s32 $0x0;
	s26 =	sadd.s32 s25, s4;
	[dreg:$0xb] =	wrdreg s1  }
0x1a: {  	s25 =	simm.s32 $0x280;
	s1 =	sadd.s32 s19, s4;
	[dreg:$0x10] =	wrdreg s26  }
0x1b: {  	s26 =	simm.s32 $0x6;
	[dreg:$0xd] =	wrdreg s1;
	s1 =	sshrl.u32 s21, $0x3  }
0x1c: {  	s6 =	simm.s32 $0x3;
	s8 =	simm.s32 $0xA;
	s1 =	sadd.s32 s1, s4  }
0x1d: {  	s10 =	simm.s32 $0x5;
	[dreg:$0xe] =	wrdreg s1;
	s1 =	sadd.s32 s24, s4  }
0x1e: {  	s24 =	simm.s32 $0x28;
	[dreg:$0xf] =	wrdreg s1;
	s1 =	simm.s32 $0x2A80  }
.LBB2_1:
0x1f: {  	[dreg:$0x13] =	wrdreg s11  }
0x20: {  	s7 =	rddreg [dreg:$0x3]  }
0x21: {  	[spmem:s9], [sflag:s13] =	dma.local [hbm:s7], $0x2800  }
0x22: {  	_ =	swait.ge [sflag:s22], $0x2800  }
0x23: {  	[sflag:s22] =	ssyncset.done $0x0  }
0x24: {  	s21 =	simm.s32 $0x6680;
	s20 =	rddreg [dreg:$0x5];
	[sflag:s22] =	ssyncadd.s32 $0xFFFFD800  }
0x25: {  	[tilespmem:s21], [sflag:$0xB] =	stream.linear.gather [hbm4b:s20+s3], $0x2710, $0x38;
	[tilespmem:$0x1CE00] =	vst v63  }
0x26: {  	_ =	swait.ge [sflag:s22], $0x2710  }
0x27: {  	[sflag:s22] =	ssyncset.done $0x0  }
0x28: {  	[sflag:s22] =	ssyncadd.s32 $0xFFFFD8F0  }
0x29: {  	[bflag:$0x0] =	sbarrier.arrive $0xFFFF  }
0x2a: {  	s23 =	rddreg [dreg:$0x6]  }
0x2b: {  	[tilespmem:s3], [sflag:$0x6] =	stream.linear.gather [hbm4b:s23+s3], $0x28, $0x38;
	[tilespmem:$0x1CE00] =	vst v63  }
0x2c: {  	_ = 	snop  }
0x2d: {  	[tilespmem:s25], [sflag:$0x1] =	stream.indirect.gather [hbm4b:s5+s24], $0x80, s21, s24, $0xb8;
	[tilespmem:$0x1CE00] =	vst v63  }
0x2e: {  	s12 =	simm.s32 $0x80;
	s11 =	rddreg [dreg:$0x7]  }
0x2f: {  	[tilespmem:s12], [sflag:$0x7] =	stream.linear.gather [hbm4b:s11+s3], $0x28, $0x38;
	[tilespmem:$0x1CE00] =	vst v63  }
0x30: {  	s14 =	simm.s32 $0x1680;
	s13 =	simm.s32 $0x66A8;
	s15 =	rddreg [dreg:$0x8]  }
0x31: {  	[tilespmem:s14], [sflag:$0x2] =	stream.indirect.gather [hbm4b:s5+s24], $0x80, s13, s24, $0xb8;
	[tilespmem:$0x1CE00] =	vst v63  }
0x32: {  	s17 =	rddreg [dreg:$0x9]  }
0x33: {  	[tilespmem:s30], [sflag:$0x8] =	stream.linear.gather [hbm4b:s15+s3], $0x28, $0x38;
	[tilespmem:$0x1CE00] =	vst v63  }
0x34: {  	s16 =	simm.s32 $0x66D0;
	s21 =	rddreg [dreg:$0xa]  }
0x35: {  	[tilespmem:s1], [sflag:$0x3] =	stream.indirect.gather [hbm4b:s5+s24], $0x80, s16, s24, $0xb8;
	[tilespmem:$0x1CE00] =	vst v63  }
0x36: {  	s18 =	simm.s32 $0x180;
	s16 =	rddreg [dreg:$0xd]  }
0x37: {  	[tilespmem:s18], [sflag:$0x9] =	stream.linear.gather [hbm4b:s17+s3], $0x28, $0x38;
	[tilespmem:$0x1CE00] =	vst v63  }
0x38: {  	s18 =	rddreg [dreg:$0xf]  }
0x39: {  	s19 =	simm.s32 $0x66F8;
	s20 =	simm.s32 $0x3E80;
	s17 =	rddreg [dreg:$0xe]  }
0x3a: {  	[tilespmem:s20], [sflag:$0x4] =	stream.indirect.gather [hbm4b:s5+s24], $0x80, s19, s24, $0xb8;
	[tilespmem:$0x1CE00] =	vst v63  }
0x3b: {  	s20 =	rddreg [dreg:$0x11]  }
0x3c: {  	[tilespmem:s29], [sflag:$0xA] =	stream.linear.gather [hbm4b:s21+s3], $0x28, $0x38;
	[tilespmem:$0x1CE00] =	vst v63  }
0x3d: {  	s9 =	simm.s32 $0x0;
	s23 =	simm.s32 $0x6720;
	s19 =	rddreg [dreg:$0x10]  }
0x3e: {  	[tilespmem:s0], [sflag:$0x5] =	stream.indirect.gather [hbm4b:s5+s24], $0x80, s23, s24, $0xb8;
	[tilespmem:$0x1CE00] =	vst v63  }
.LBB2_2:
0x3f: {  	_ =	swait.ge [sflag:s26], $0x28  }
0x40: {  	[sflag:s26] =	ssyncset.done $0x0  }
0x41: {  	[sflag:s26] =	ssyncadd.s32 $0xFFFFFFD8  }
0x42: {  	_ =	swait.ge [sflag:s28], $0x1400  }
0x43: {  	[sflag:s28] =	ssyncset.done $0x0  }
0x44: {  	[sflag:s28] =	ssyncadd.s32 $0xFFFFEC00  }
0x45: {  	[spmem:s2] =	stream.indirect.scatter.add.f32 [tilespmem:s25], [sflag:$0xB], $0x80, s3, s24, $0xb8;
	[tilespmem:$0x1CE00] =	vst v63  }
0x46: {  	_ =	swait.ge [sflag:s22], $0x1400  }
0x47: {  	p0 =	seq.s32 s9, $0x9920;
	[sflag:s22] =	ssyncset.done $0x0  }
0x48: {  	s14 =	simm.s32 @p0 $0x7;
	[sflag:s22] =	ssyncadd.s32 $0xFFFFEC00  }
0x49: {  	_ =	swait.ge @p0 [sflag:s14], $0x28  }
0x4a: {  	[sflag:s14] =	ssyncset.done @p0 $0x0  }
0x4b: {  	[sflag:s14] =	ssyncadd.s32 @p0 $0xFFFFFFD8;
	s14 =	simm.s32 @p0 $0x2  }
0x4c: {  	_ =	swait.ge @p0 [sflag:s14], $0x1400  }
0x4d: {  	s13 =	simm.s32 @p0 $0x28;
	s15 =	simm.s32 @p0 $0x1680;
	[sflag:s14] =	ssyncset.done @p0 $0x0  }
0x4e: {  	s12 =	simm.s32 @p0 $0xB;
	[sflag:s14] =	ssyncadd.s32 @p0 $0xFFFFEC00;
	s14 =	simm.s32 @p0 $0x80  }
0x4f: {  	[spmem:s2] =	stream.indirect.scatter.add.f32 @p0 [tilespmem:s15], [sflag:$0xB], $0x80, s14, s13, $0xb8;
	[tilespmem:$0x1CE00] =	vst v63  }
0x50: {  	_ =	swait.ge @p0 [sflag:s12], $0x1400  }
0x51: {  	s23 =	sshra.s32 @!p0 s9, $0x2;
	s14 =	sshrl.u32 @!p0 s20, $0x3;
	[sflag:s12] =	ssyncset.done @p0 $0x0  }
0x52: {  	s15 =	simm.s32 @!p0 $0x0;
	s14 =	sadd.s32 @!p0 s4, s14;
	[sflag:s12] =	ssyncadd.s32 @p0 $0xFFFFEC00  }
0x53: {  	[tilespmem:s15], [sflag:$0x6] =	stream.linear.gather @!p0 [hbm4b:s14+s15], $0x28, $0x38;
	[tilespmem:$0x1CE00] =	vst v63  }
0x54: {  	s21 =	simm.s32 @!p0 $0x280;
	s7 =	sadd.s32 @!p0 $0x6748, s23;
	s14 =	simm.s32 @!p0 $0x28  }
0x55: {  	[tilespmem:s21], [sflag:$0x1] =	stream.indirect.gather @!p0 [hbm4b:s5+s14], $0x80, s7, s14, $0xb8;
	[tilespmem:$0x1CE00] =	vst v63  }
0x56: {  	s7 =	simm.s32 @!p0 $0x7  }
0x57: {  	_ =	swait.ge @!p0 [sflag:s7], $0x28  }
0x58: {  	[sflag:s7] =	ssyncset.done @!p0 $0x0  }
0x59: {  	[sflag:s7] =	ssyncadd.s32 @!p0 $0xFFFFFFD8;
	s7 =	simm.s32 @!p0 $0x2  }
0x5a: {  	_ =	swait.ge @!p0 [sflag:s7], $0x1400  }
0x5b: {  	s11 =	simm.s32 @!p0 $0xB;
	[sflag:s7] =	ssyncset.done @!p0 $0x0  }
0x5c: {  	s21 =	simm.s32 @!p0 $0x1680;
	[sflag:s7] =	ssyncadd.s32 @!p0 $0xFFFFEC00;
	s7 =	simm.s32 @!p0 $0x80  }
0x5d: {  	[spmem:s2] =	stream.indirect.scatter.add.f32 @!p0 [tilespmem:s21], [sflag:$0xB], $0x80, s7, s14, $0xb8;
	[tilespmem:$0x1CE00] =	vst v63  }
0x5e: {  	_ =	swait.ge @!p0 [sflag:s11], $0x1400  }
0x5f: {  	[sflag:s11] =	ssyncset.done @!p0 $0x0  }
0x60: {  	[sflag:s11] =	ssyncadd.s32 @!p0 $0xFFFFEC00  }
0x61: {  	[tilespmem:s7], [sflag:$0x7] =	stream.linear.gather @!p0 [hbm4b:s19+s15], $0x28, $0x38;
	[tilespmem:$0x1CE00] =	vst v63  }
0x62: {  	s7 =	sadd.s32 @!p0 $0x6770, s23  }
0x63: {  	[tilespmem:s21], [sflag:$0x2] =	stream.indirect.gather @!p0 [hbm4b:s5+s14], $0x80, s7, s14, $0xb8;
	[tilespmem:$0x1CE00] =	vst v63  }
0x64: {  	_ =	swait.ge [sflag:s31], $0x28  }
0x65: {  	[sflag:s31] =	ssyncset.done $0x0  }
0x66: {  	[sflag:s31] =	ssyncadd.s32 $0xFFFFFFD8  }
0x67: {  	_ =	swait.ge [sflag:s6], $0x1400  }
0x68: {  	[sflag:s6] =	ssyncset.done $0x0  }
0x69: {  	[sflag:s6] =	ssyncadd.s32 $0xFFFFEC00  }
0x6a: {  	[spmem:s2] =	stream.indirect.scatter.add.f32 [tilespmem:s1], [sflag:$0xB], $0x80, s30, s24, $0xb8;
	[tilespmem:$0x1CE00] =	vst v63  }
0x6b: {  	_ =	swait.ge [sflag:s22], $0x1400  }
0x6c: {  	[sflag:s22] =	ssyncset.done $0x0  }
0x6d: {  	s7 =	simm.s32 @p0 $0x9;
	[sflag:s22] =	ssyncadd.s32 $0xFFFFEC00  }
0x6e: {  	_ =	swait.ge @p0 [sflag:s7], $0x28  }
0x6f: {  	[sflag:s7] =	ssyncset.done @p0 $0x0  }
0x70: {  	[sflag:s7] =	ssyncadd.s32 @p0 $0xFFFFFFD8;
	s7 =	simm.s32 @p0 $0x4  }
0x71: {  	_ =	swait.ge @p0 [sflag:s7], $0x1400  }
0x72: {  	[sflag:s7] =	ssyncset.done @p0 $0x0  }
0x73: {  	s21 =	simm.s32 @p0 $0x3E80;
	[sflag:s7] =	ssyncadd.s32 @p0 $0xFFFFEC00;
	s7 =	simm.s32 @p0 $0x180  }
0x74: {  	[spmem:s2] =	stream.indirect.scatter.add.f32 @p0 [tilespmem:s21], [sflag:$0xB], $0x80, s7, s13, $0xb8;
	[tilespmem:$0x1CE00] =	vst v63  }
0x75: {  	_ =	swait.ge @p0 [sflag:s12], $0x1400  }
0x76: {  	[sflag:s12] =	ssyncset.done @p0 $0x0  }
0x77: {  	s7 =	simm.s32 @!p0 $0x100;
	[sflag:s12] =	ssyncadd.s32 @p0 $0xFFFFEC00  }
0x78: {  	[tilespmem:s7], [sflag:$0x8] =	stream.linear.gather @!p0 [hbm4b:s18+s15], $0x28, $0x38;
	[tilespmem:$0x1CE00] =	vst v63  }
0x79: {  	s12 =	simm.s32 @!p0 $0x2A80;
	s7 =	sadd.s32 @!p0 $0x6798, s23  }
0x7a: {  	[tilespmem:s12], [sflag:$0x3] =	stream.indirect.gather @!p0 [hbm4b:s5+s14], $0x80, s7, s14, $0xb8;
	[tilespmem:$0x1CE00] =	vst v63  }
0x7b: {  	s7 =	simm.s32 @!p0 $0x9  }
0x7c: {  	_ =	swait.ge @!p0 [sflag:s7], $0x28  }
0x7d: {  	[sflag:s7] =	ssyncset.done @!p0 $0x0  }
0x7e: {  	[sflag:s7] =	ssyncadd.s32 @!p0 $0xFFFFFFD8;
	s7 =	simm.s32 @!p0 $0x4  }
0x7f: {  	_ =	swait.ge @!p0 [sflag:s7], $0x1400  }
0x80: {  	[sflag:s7] =	ssyncset.done @!p0 $0x0  }
0x81: {  	s12 =	simm.s32 @!p0 $0x3E80;
	[sflag:s7] =	ssyncadd.s32 @!p0 $0xFFFFEC00;
	s7 =	simm.s32 @!p0 $0x180  }
0x82: {  	[spmem:s2] =	stream.indirect.scatter.add.f32 @!p0 [tilespmem:s12], [sflag:$0xB], $0x80, s7, s14, $0xb8;
	[tilespmem:$0x1CE00] =	vst v63  }
0x83: {  	_ =	swait.ge @!p0 [sflag:s11], $0x1400  }
0x84: {  	[sflag:s11] =	ssyncset.done @!p0 $0x0  }
0x85: {  	[sflag:s11] =	ssyncadd.s32 @!p0 $0xFFFFEC00  }
0x86: {  	[tilespmem:s7], [sflag:$0x9] =	stream.linear.gather @!p0 [hbm4b:s17+s15], $0x28, $0x38;
	[tilespmem:$0x1CE00] =	vst v63  }
0x87: {  	s7 =	sadd.s32 @!p0 $0x67C0, s23  }
0x88: {  	[tilespmem:s12], [sflag:$0x4] =	stream.indirect.gather @!p0 [hbm4b:s5+s14], $0x80, s7, s14, $0xb8;
	[tilespmem:$0x1CE00] =	vst v63  }
0x89: {  	_ =	swait.ge [sflag:s8], $0x28  }
0x8a: {  	[sflag:s8] =	ssyncset.done $0x0  }
0x8b: {  	[sflag:s8] =	ssyncadd.s32 $0xFFFFFFD8  }
0x8c: {  	s9 =	sadd.s32 @!p0 $0x320, s9;
	_ =	swait.ge [sflag:s10], $0x1400  }
0x8d: {  	p1 =	sne.s32 @!p0 s9, $0x9C40;
	[sflag:s10] =	ssyncset.done $0x0  }
0x8e: {  	p1 =	por p0, !p1;
	[sflag:s10] =	ssyncadd.s32 $0xFFFFEC00  }
0x8f: {  	[spmem:s2] =	stream.indirect.scatter.add.f32 [tilespmem:s0], [sflag:$0xB], $0x80, s29, s24, $0xb8;
	[tilespmem:$0x1CE00] =	vst v63  }
0x90: {  	s20 =	sadd.s32 @!p0 $0xC8, s20;
	s19 =	sadd.s32 @!p0 $0x19, s19;
	_ =	swait.ge [sflag:s22], $0x1400  }
.Ltmp0:
0x91: {  	s18 =	sadd.s32 @!p0 $0x19, s18;
	[sflag:s22] =	ssyncset.done $0x0;
	(pc) =	sbr.rel @!p1 .LBB2_2-.Ltmp0, $4  }
0x92: {  	s11 =	simm.s32 @!p0 $0x5280;
	s7 =	simm.s32 @!p0 $0x200;
	[sflag:s22] =	ssyncadd.s32 $0xFFFFEC00  }
0x93: {  	[tilespmem:s7], [sflag:$0xA] =	stream.linear.gather @!p0 [hbm4b:s16+s15], $0x28, $0x38;
	[tilespmem:$0x1CE00] =	vst v63  }
0x94: {  	s17 =	sadd.s32 @!p0 $0x19, s17;
	s7 =	sadd.s32 @!p0 $0x67E8, s23;
	s16 =	sadd.s32 @!p0 $0x19, s16  }
0x95: {  	[tilespmem:s11], [sflag:$0x5] =	stream.indirect.gather @!p0 [hbm4b:s5+s14], $0x80, s7, s14, $0xb8;
	[tilespmem:$0x1CE00] =	vst v63  }
0x96: {  	[bflag:$0x0] =	sbarrier.arrive $0xFFFF  }
0x97: {  	s13 =	rddreg [dreg:$0x4]  }
0x98: {  	s7 =	rddreg [dreg:$0xb]  }
0x99: {  	s9 =	rddreg [dreg:$0x12]  }
0x9a: {  	[hbm:s7], [sflag:s13] =	dma.local [spmem:s9], $0x2800  }
0x9b: {  	_ =	swait.ge [sflag:s22], $0x2800  }
0x9c: {  	s11 =	rddreg [dreg:$0x13]  }
0x9d: {  	s23 =	rddreg [dreg:$0xc];
	s11 =	sadd.s32 $0x1, s11  }
0x9e: {  	p0 =	sne.s32 s11, s23  }
.Ltmp1:
0x9f: {  	_ = 	snop;
	(pc) =	sbr.rel @p0 .LBB2_1-.Ltmp1, $3  }
0xa0: {  	_ =	sdelay $0x1  }
0xa1: {  	[sflag:s22] =	ssyncset.done $0x0  }
0xa2: {  	[sflag:s22] =	ssyncadd.s32 $0xFFFFD800  }
0xa3: {  	_ =	sfence.sel $0x180000  }
0xa4: {  	[bflag:$0x0] =	sbarrier.arrive $0xFFFF  }
0xa5: {  	_ =	strace $0x90000056  }
0xa6: {  	s0 =	stileid.u32;
	[bflag:$0x2] =	sbarrier.arrive $0xFFFF  }
0xa7: {  	p0 =	sne.s32 s0, $0x0;
	s0 =	rddreg [dreg:$0x2]  }
0xa8: {  	s0 =	sadd.s32 @!p0 $0x100000, s0  }
0xa9: {  	[sflag:s0] =	ssyncadd.tile.s32 @!p0 $0x1;
	_ =	shalt  }
.Lfunc_end2:
_tile_overlayer_lowered:
.L_overlay_start_2:
0xaa: {  	(tag) =	ssettag $0x2  }
0xab: {  	s0 =	rddreg [dreg:$0x0];
	s2 =	stileid.u32  }
0xac: {  	s1 =	rddreg [dreg:$0x1];
	p0 =	sne.s32 s2, $0x0  }
0xad: {  	s3 =	rddreg [dreg:$0x2];
	[bflag:$0x3] =	sbarrier.arrive $0xFFFF;
	s2 =	simm.s32 @!p0 $0x1C0B  }
0xae: {  	[timem:s3], [sflag:s2] =	dma.local @!p0 [hbm:s0], s1  }
0xaf: {  	s0 =	simm.s32 @!p0 $0xB  }
0xb0: {  	_ =	swait.ge @!p0 [sflag:s0], s1  }
0xb1: {  	s1 =	ssub.s32 @!p0 $0x0, s1;
	[sflag:s0] =	ssyncset.done @!p0 $0x0  }
0xb2: {  	[sflag:s0] =	ssyncadd.s32 @!p0 s1  }
0xb3: {  	[bflag:$0x3] =	sbarrier.arrive $0xFFFF  }
0xb4: {  	_ =	shalt  }

</sc_bundles>
